<compile_context>
chip_gen: v7x
topology: tpu7x:2x2x1
jax: 0.10.2.dev20260603
libtpu: 0.0.44.dev20260713+nightly
codegen_flags: <defaults>
</compile_context>

<pallas_src>
import functools

import jax
import jax.numpy as jnp
import numpy as np
from jax import lax
from jax.experimental import pallas as pl
from jax.experimental.pallas import tpu as pltpu
from jax.experimental.pallas import tpu_sc as plsc

_MASKING_RATE = 0.4
_MSK_SCALAR = -1.0

_NC, _NS = 2, 16
_NW = _NC * _NS
_C = 40


def _rotl32(x, r):
    return (x << np.uint32(r)) | (x >> np.uint32(32 - r))


def _threefry2x32(kp, x0, x1):
    ks = [np.uint32(kp[0]), np.uint32(kp[1]),
          np.uint32(kp[0]) ^ np.uint32(kp[1]) ^ np.uint32(0x1BD11BDA)]
    rot = ((13, 15, 26, 6), (17, 29, 16, 24))
    with np.errstate(over="ignore"):
        x0 = x0 + ks[0]
        x1 = x1 + ks[1]
        for i in range(5):
            for r in rot[i % 2]:
                x0 = x0 + x1
                x1 = _rotl32(x1, r)
                x1 = x1 ^ x0
            x0 = x0 + ks[(i + 1) % 3]
            x1 = x1 + ks[(i + 2) % 3] + np.uint32(i + 1)
    return x0, x1


@functools.lru_cache(maxsize=None)
def _mask_bool(num_patches: int) -> np.ndarray:
    k = int(_MASKING_RATE * num_patches)
    f0, f1 = _threefry2x32((np.uint32(0), np.uint32(0)),
                           np.zeros(1, np.uint32), np.ones(1, np.uint32))
    y0, y1 = _threefry2x32((f0[0], f1[0]),
                           np.zeros(num_patches, np.uint32),
                           np.arange(num_patches, dtype=np.uint32))
    bits = y0 ^ y1
    u = ((bits >> np.uint32(9)) | np.uint32(0x3F800000)).view(np.float32) \
        - np.float32(1.0)
    u = np.maximum(np.float32(0.0), u)
    idx = np.argsort(u, kind="stable")[:k]
    masked = np.zeros(num_patches, dtype=bool)
    masked[idx] = True
    return masked


def _pad_split(rows: np.ndarray, nw: int, c: int) -> np.ndarray:
    per_w = -(-len(rows) // nw)
    per_w = -(-per_w // c) * c
    total = per_w * nw
    pad = np.full(total - len(rows), rows[-1], dtype=np.int32)
    return np.concatenate([rows.astype(np.int32), pad]).reshape(nw, per_w // c, c)


@functools.lru_cache(maxsize=None)
def _row_lists(batch: int, num_patches: int):
    masked = _mask_bool(num_patches)
    midx = np.nonzero(masked)[0]
    uidx = np.nonzero(~masked)[0]
    offs = np.arange(batch)[:, None] * num_patches
    fill_rows = (offs + midx[None, :]).ravel()
    copy_rows = (offs + uidx[None, :]).ravel()
    return _pad_split(fill_rows, _NW, _C), _pad_split(copy_rows, _NW, _C)


def kernel(x):
    B, P, D = x.shape
    R = B * P
    fidx_np, cidx_np = _row_lists(B, P)
    NFC = fidx_np.shape[1]
    NCC = cidx_np.shape[1]
    fidx = jnp.asarray(fidx_np)
    cidx = jnp.asarray(cidx_np)
    neg = jnp.full((_C, D), _MSK_SCALAR, dtype=x.dtype)
    x2 = x.reshape(R, D)

    mesh = plsc.VectorSubcoreMesh(core_axis_name="c", subcore_axis_name="s")

    @functools.partial(
        pl.kernel,
        out_type=jax.ShapeDtypeStruct((R, D), x.dtype),
        mesh=mesh,
        scratch_types=[
            pltpu.VMEM((NFC, _C), jnp.int32),
            pltpu.VMEM((NCC, _C), jnp.int32),
            pltpu.VMEM((_C, D), jnp.float32),
            pltpu.VMEM((_C, D), jnp.float32),
            pltpu.VMEM((_C, D), jnp.float32),
            pltpu.SemaphoreType.DMA,
            pltpu.SemaphoreType.DMA,
            pltpu.SemaphoreType.DMA,
        ],
    )
    def sc_fill_copy(x_hbm, fidx_hbm, cidx_hbm, neg_hbm, out_hbm,
                     fidx_v, cidx_v, neg_v, buf_a, buf_b,
                     sem_f, sem_g, sem_s):
        w = lax.axis_index("s") * _NC + lax.axis_index("c")
        pltpu.sync_copy(fidx_hbm.at[w], fidx_v)
        pltpu.sync_copy(cidx_hbm.at[w], cidx_v)
        pltpu.sync_copy(neg_hbm, neg_v)

        fills = []
        bufs = (buf_a, buf_b)
        ga = pltpu.async_copy(x_hbm.at[cidx_v.at[0]], bufs[0], sem_g)
        prev_sc = None
        for i in range(NCC):
            cur = bufs[i % 2]
            nxt = bufs[(i + 1) % 2]
            if i < NFC:
                fills.append(
                    pltpu.async_copy(neg_v, out_hbm.at[fidx_v.at[i]], sem_f))
            if prev_sc is not None:
                prev_sc.wait()
            ga_next = None
            if i + 1 < NCC:
                ga_next = pltpu.async_copy(x_hbm.at[cidx_v.at[i + 1]], nxt, sem_g)
            ga.wait()
            prev_sc = pltpu.async_copy(cur, out_hbm.at[cidx_v.at[i]], sem_s)
            ga = ga_next
        prev_sc.wait()
        for f in fills:
            f.wait()

    out = sc_fill_copy(x2, fidx, cidx, neg)
    return out.reshape(B, P, D)

# --- scband reference (transcript-rebuilt; emitter-appended) ---
"""Pipeline reference for scband-patch-masker-26577257627890 (READ-ONLY COPY).

The authoritative reference and input builder live on the scoring server;
editing this copy changes nothing except your own understanding.
"""

import jax, jax.numpy as jnp
import numpy as np

F_MASKING_RATE = 0.4
F_MSK_SCALAR = -1.0


def setup_inputs(seed: int = 0) -> dict:
    key = jax.random.key(seed)
    x = jax.random.normal(key, (4, 8192, 1024), dtype=jnp.float32)
    return {"x": x}


def reference(x):
    # Faithful translation of PatchMasker.call:
    #   - draw uniform noise per patch
    #   - argsort, take the first iNrOfPatchesToMsk indices, sort them
    #   - patches whose index is in that set are overwritten with fMskScalar
    iNrOfPatches = x.shape[1]
    iNrOfPatchesToMsk = int(F_MASKING_RATE * iNrOfPatches)
    mask_key = jax.random.fold_in(jax.random.key(0), 1)
    aPatchesToMask = jax.random.uniform(mask_key, (iNrOfPatches,))
    aPatchesToMask = jnp.argsort(aPatchesToMask)[:iNrOfPatchesToMsk]
    aPatchesToMask = jnp.sort(aPatchesToMask)
    # membership test 'i in aPatchesToMask' -> boolean patch mask via scatter-set
    patch_mask = jnp.zeros((iNrOfPatches,), dtype=bool).at[aPatchesToMask].set(True)
    y = jnp.zeros_like(x) + F_MSK_SCALAR
    z = jnp.where(patch_mask[None, :, None], y, x)
    return z

if __name__ == "__main__":
    import jax
    _d = setup_inputs()
    print(jax.jit(kernel)(*tuple(_d.values())))

</pallas_src>

<mosaic_0001>
#map = affine_map<(d0, d1) -> (0, 0)>
#map1 = affine_map<(d0, d1) -> (0, 0, 0)>
module attributes {stable_mosaic.version = 14 : i64} {
  func.func @sc_fill_copy(%arg0: i32, %arg1: i32, %arg2: memref<32768x1024xf32, #tpu.memory_space<hbm>>, %arg3: memref<32x11x40xi32, #tpu.memory_space<hbm>>, %arg4: memref<32x16x40xi32, #tpu.memory_space<hbm>>, %arg5: memref<40x1024xf32, #tpu.memory_space<hbm>>, %arg6: memref<32768x1024xf32, #tpu.memory_space<hbm>>, %arg7: memref<11x40xi32, #tpu.memory_space<vmem>>, %arg8: memref<16x40xi32, #tpu.memory_space<vmem>>, %arg9: memref<40x1024xf32, #tpu.memory_space<vmem>>, %arg10: memref<40x1024xf32, #tpu.memory_space<vmem>>, %arg11: memref<40x1024xf32, #tpu.memory_space<vmem>>, %arg12: memref<!tpu.dma_semaphore, #tpu.memory_space<semaphore_mem>>, %arg13: memref<!tpu.dma_semaphore, #tpu.memory_space<semaphore_mem>>, %arg14: memref<!tpu.dma_semaphore, #tpu.memory_space<semaphore_mem>>) attributes {dimension_semantics = [#tpu.dimension_semantics<core_parallel>, #tpu.dimension_semantics<subcore_parallel>], iteration_bounds = array<i64: 2, 16>, scalar_prefetch = 0 : i64, scratch_operands = 8 : i64, tpu.core_type = #tpu.core_type<sc_vector_subcore>, window_params = [{transform_indices = #map}, {transform_indices = #map1}, {transform_indices = #map1}, {transform_indices = #map}, {transform_indices = #map}]} {
    %mul3A = arith.constant 2 : i32
    %mul3A_0 = arith.muli %arg1, %mul3A : i32
    %add3A = arith.addi %mul3A_0, %arg0 : i32
    "tpu.region"() ({
      %run_scoped3A = tpu.sem_alloc : memref<!tpu.dma_semaphore, #tpu.memory_space<semaphore_mem>>
      %dma_start3A_601 = arith.constant 0 : i32
      %dma_start3A_602 = arith.constant 0 : i32
      %dma_start3A_603 = tpu.memref_slice %arg3[%add3A, %dma_start3A_601, %dma_start3A_602] : memref<32x11x40xi32, #tpu.memory_space<hbm>> -> memref<1x11x40xi32, #tpu.memory_space<hbm>>
      %dma_start3A_604 = tpu.memref_squeeze %dma_start3A_603 : memref<1x11x40xi32, #tpu.memory_space<hbm>> -> memref<11x40xi32, #tpu.memory_space<hbm>>
      %dma_start3A_605 = arith.constant 0 : i32
      %dma_start3A_606 = arith.constant 0 : i32
      %dma_start3A_607 = tpu.memref_slice %arg3[%add3A, %dma_start3A_605, %dma_start3A_606] : memref<32x11x40xi32, #tpu.memory_space<hbm>> -> memref<1x11x40xi32, #tpu.memory_space<hbm>>
      %dma_start3A_608 = tpu.memref_squeeze %dma_start3A_607 : memref<1x11x40xi32, #tpu.memory_space<hbm>> -> memref<11x40xi32, #tpu.memory_space<hbm>>
      tpu.enqueue_dma source(%dma_start3A_608 : memref<11x40xi32, #tpu.memory_space<hbm>>) target(%arg7 : memref<11x40xi32, #tpu.memory_space<vmem>>) target_semaphore(%run_scoped3A : memref<!tpu.dma_semaphore, #tpu.memory_space<semaphore_mem>>)
      %dma_wait3A_609 = arith.constant 0 : i32
      %dma_wait3A_610 = arith.constant 0 : i32
      %dma_wait3A_611 = tpu.memref_slice %arg3[%add3A, %dma_wait3A_609, %dma_wait3A_610] : memref<32x11x40xi32, #tpu.memory_space<hbm>> -> memref<1x11x40xi32, #tpu.memory_space<hbm>>
      %dma_wait3A_612 = tpu.memref_squeeze %dma_wait3A_611 : memref<1x11x40xi32, #tpu.memory_space<hbm>> -> memref<11x40xi32, #tpu.memory_space<hbm>>
      %dma_wait3A_613 = arith.constant 0 : i32
      %dma_wait3A_614 = arith.constant 0 : i32
      %dma_wait3A_615 = tpu.memref_slice %arg3[%add3A, %dma_wait3A_613, %dma_wait3A_614] : memref<32x11x40xi32, #tpu.memory_space<hbm>> -> memref<1x11x40xi32, #tpu.memory_space<hbm>>
      %dma_wait3A_616 = tpu.memref_squeeze %dma_wait3A_615 : memref<1x11x40xi32, #tpu.memory_space<hbm>> -> memref<11x40xi32, #tpu.memory_space<hbm>>
      tpu.wait_dma2 semaphore(%run_scoped3A : memref<!tpu.dma_semaphore, #tpu.memory_space<semaphore_mem>>) src(%dma_wait3A_616 : memref<11x40xi32, #tpu.memory_space<hbm>>) dst(%arg7 : memref<11x40xi32, #tpu.memory_space<vmem>>)
      tpu.yield
    }) : () -> ()
    "tpu.region"() ({
      %run_scoped3A = tpu.sem_alloc : memref<!tpu.dma_semaphore, #tpu.memory_space<semaphore_mem>>
      %dma_start3A_601 = arith.constant 0 : i32
      %dma_start3A_602 = arith.constant 0 : i32
      %dma_start3A_603 = tpu.memref_slice %arg4[%add3A, %dma_start3A_601, %dma_start3A_602] : memref<32x16x40xi32, #tpu.memory_space<hbm>> -> memref<1x16x40xi32, #tpu.memory_space<hbm>>
      %dma_start3A_604 = tpu.memref_squeeze %dma_start3A_603 : memref<1x16x40xi32, #tpu.memory_space<hbm>> -> memref<16x40xi32, #tpu.memory_space<hbm>>
      %dma_start3A_605 = arith.constant 0 : i32
      %dma_start3A_606 = arith.constant 0 : i32
      %dma_start3A_607 = tpu.memref_slice %arg4[%add3A, %dma_start3A_605, %dma_start3A_606] : memref<32x16x40xi32, #tpu.memory_space<hbm>> -> memref<1x16x40xi32, #tpu.memory_space<hbm>>
      %dma_start3A_608 = tpu.memref_squeeze %dma_start3A_607 : memref<1x16x40xi32, #tpu.memory_space<hbm>> -> memref<16x40xi32, #tpu.memory_space<hbm>>
      tpu.enqueue_dma source(%dma_start3A_608 : memref<16x40xi32, #tpu.memory_space<hbm>>) target(%arg8 : memref<16x40xi32, #tpu.memory_space<vmem>>) target_semaphore(%run_scoped3A : memref<!tpu.dma_semaphore, #tpu.memory_space<semaphore_mem>>)
      %dma_wait3A_609 = arith.constant 0 : i32
      %dma_wait3A_610 = arith.constant 0 : i32
      %dma_wait3A_611 = tpu.memref_slice %arg4[%add3A, %dma_wait3A_609, %dma_wait3A_610] : memref<32x16x40xi32, #tpu.memory_space<hbm>> -> memref<1x16x40xi32, #tpu.memory_space<hbm>>
      %dma_wait3A_612 = tpu.memref_squeeze %dma_wait3A_611 : memref<1x16x40xi32, #tpu.memory_space<hbm>> -> memref<16x40xi32, #tpu.memory_space<hbm>>
      %dma_wait3A_613 = arith.constant 0 : i32
      %dma_wait3A_614 = arith.constant 0 : i32
      %dma_wait3A_615 = tpu.memref_slice %arg4[%add3A, %dma_wait3A_613, %dma_wait3A_614] : memref<32x16x40xi32, #tpu.memory_space<hbm>> -> memref<1x16x40xi32, #tpu.memory_space<hbm>>
      %dma_wait3A_616 = tpu.memref_squeeze %dma_wait3A_615 : memref<1x16x40xi32, #tpu.memory_space<hbm>> -> memref<16x40xi32, #tpu.memory_space<hbm>>
      tpu.wait_dma2 semaphore(%run_scoped3A : memref<!tpu.dma_semaphore, #tpu.memory_space<semaphore_mem>>) src(%dma_wait3A_616 : memref<16x40xi32, #tpu.memory_space<hbm>>) dst(%arg8 : memref<16x40xi32, #tpu.memory_space<vmem>>)
      tpu.yield
    }) : () -> ()
    "tpu.region"() ({
      %run_scoped3A = tpu.sem_alloc : memref<!tpu.dma_semaphore, #tpu.memory_space<semaphore_mem>>
      tpu.enqueue_dma source(%arg5 : memref<40x1024xf32, #tpu.memory_space<hbm>>) target(%arg9 : memref<40x1024xf32, #tpu.memory_space<vmem>>) target_semaphore(%run_scoped3A : memref<!tpu.dma_semaphore, #tpu.memory_space<semaphore_mem>>)
      tpu.wait_dma2 semaphore(%run_scoped3A : memref<!tpu.dma_semaphore, #tpu.memory_space<semaphore_mem>>) src(%arg5 : memref<40x1024xf32, #tpu.memory_space<hbm>>) dst(%arg9 : memref<40x1024xf32, #tpu.memory_space<vmem>>)
      tpu.yield
    }) : () -> ()
    %dma_start3A = arith.constant 0 : i32
    %dma_start3A_1 = arith.constant 0 : i32
    %dma_start3A_2 = tpu.memref_slice %arg8[%dma_start3A, %dma_start3A_1] : memref<16x40xi32, #tpu.memory_space<vmem>> -> memref<1x40xi32, #tpu.memory_space<vmem>>
    %dma_start3A_3 = tpu.memref_squeeze %dma_start3A_2 : memref<1x40xi32, #tpu.memory_space<vmem>> -> memref<40xi32, #tpu.memory_space<vmem>>
    %dma_start3A_4 = arith.constant 0 : i32
    %dma_start3A_5 = arith.constant 0 : i32
    %dma_start3A_6 = tpu.memref_slice %arg2[%dma_start3A_4, %dma_start3A_5] : memref<32768x1024xf32, #tpu.memory_space<hbm>> -> memref<32768x1024xf32, #tpu.memory_space<hbm>>
    tpu.enqueue_indirect_dma source(%dma_start3A_6 : memref<32768x1024xf32, #tpu.memory_space<hbm>>) target(%arg10 : memref<40x1024xf32, #tpu.memory_space<vmem>>) offsets(%dma_start3A_3 : memref<40xi32, #tpu.memory_space<vmem>>) semaphore(%arg13 : memref<!tpu.dma_semaphore, #tpu.memory_space<semaphore_mem>>)
    %dma_start3A_7 = arith.constant 0 : i32
    %dma_start3A_8 = arith.constant 0 : i32
    %dma_start3A_9 = tpu.memref_slice %arg7[%dma_start3A_7, %dma_start3A_8] : memref<11x40xi32, #tpu.memory_space<vmem>> -> memref<1x40xi32, #tpu.memory_space<vmem>>
    %dma_start3A_10 = tpu.memref_squeeze %dma_start3A_9 : memref<1x40xi32, #tpu.memory_space<vmem>> -> memref<40xi32, #tpu.memory_space<vmem>>
    %dma_start3A_11 = arith.constant 0 : i32
    %dma_start3A_12 = arith.constant 0 : i32
    %dma_start3A_13 = tpu.memref_slice %arg6[%dma_start3A_11, %dma_start3A_12] : memref<32768x1024xf32, #tpu.memory_space<hbm>> -> memref<32768x1024xf32, #tpu.memory_space<hbm>>
    tpu.enqueue_indirect_dma source(%arg9 : memref<40x1024xf32, #tpu.memory_space<vmem>>) target(%dma_start3A_13 : memref<32768x1024xf32, #tpu.memory_space<hbm>>) offsets(%dma_start3A_10 : memref<40xi32, #tpu.memory_space<vmem>>) semaphore(%arg12 : memref<!tpu.dma_semaphore, #tpu.memory_space<semaphore_mem>>)
    %dma_start3A_14 = arith.constant 1 : i32
    %dma_start3A_15 = arith.constant 0 : i32
    %dma_start3A_16 = tpu.memref_slice %arg8[%dma_start3A_14, %dma_start3A_15] : memref<16x40xi32, #tpu.memory_space<vmem>> -> memref<1x40xi32, #tpu.memory_space<vmem>>
    %dma_start3A_17 = tpu.memref_squeeze %dma_start3A_16 : memref<1x40xi32, #tpu.memory_space<vmem>> -> memref<40xi32, #tpu.memory_space<vmem>>
    %dma_start3A_18 = arith.constant 0 : i32
    %dma_start3A_19 = arith.constant 0 : i32
    %dma_start3A_20 = tpu.memref_slice %arg2[%dma_start3A_18, %dma_start3A_19] : memref<32768x1024xf32, #tpu.memory_space<hbm>> -> memref<32768x1024xf32, #tpu.memory_space<hbm>>
    tpu.enqueue_indirect_dma source(%dma_start3A_20 : memref<32768x1024xf32, #tpu.memory_space<hbm>>) target(%arg11 : memref<40x1024xf32, #tpu.memory_space<vmem>>) offsets(%dma_start3A_17 : memref<40xi32, #tpu.memory_space<vmem>>) semaphore(%arg13 : memref<!tpu.dma_semaphore, #tpu.memory_space<semaphore_mem>>)
    %dma_wait3A = arith.constant 0 : i32
    %dma_wait3A_21 = arith.constant 0 : i32
    %dma_wait3A_22 = tpu.memref_slice %arg8[%dma_wait3A, %dma_wait3A_21] : memref<16x40xi32, #tpu.memory_space<vmem>> -> memref<1x40xi32, #tpu.memory_space<vmem>>
    %dma_wait3A_23 = tpu.memref_squeeze %dma_wait3A_22 : memref<1x40xi32, #tpu.memory_space<vmem>> -> memref<40xi32, #tpu.memory_space<vmem>>
    %dma_wait3A_24 = arith.constant 0 : i32
    %dma_wait3A_25 = arith.constant 0 : i32
    %dma_wait3A_26 = tpu.memref_slice %arg2[%dma_wait3A_24, %dma_wait3A_25] : memref<32768x1024xf32, #tpu.memory_space<hbm>> -> memref<32768x1024xf32, #tpu.memory_space<hbm>>
    tpu.wait_indirect_dma semaphore(%arg13 : memref<!tpu.dma_semaphore, #tpu.memory_space<semaphore_mem>>) src(%dma_wait3A_26 : memref<32768x1024xf32, #tpu.memory_space<hbm>>) dst(%arg10 : memref<40x1024xf32, #tpu.memory_space<vmem>>)
    %dma_start3A_27 = arith.constant 0 : i32
    %dma_start3A_28 = arith.constant 0 : i32
    %dma_start3A_29 = tpu.memref_slice %arg8[%dma_start3A_27, %dma_start3A_28] : memref<16x40xi32, #tpu.memory_space<vmem>> -> memref<1x40xi32, #tpu.memory_space<vmem>>
    %dma_start3A_30 = tpu.memref_squeeze %dma_start3A_29 : memref<1x40xi32, #tpu.memory_space<vmem>> -> memref<40xi32, #tpu.memory_space<vmem>>
    %dma_start3A_31 = arith.constant 0 : i32
    %dma_start3A_32 = arith.constant 0 : i32
    %dma_start3A_33 = tpu.memref_slice %arg6[%dma_start3A_31, %dma_start3A_32] : memref<32768x1024xf32, #tpu.memory_space<hbm>> -> memref<32768x1024xf32, #tpu.memory_space<hbm>>
    tpu.enqueue_indirect_dma source(%arg10 : memref<40x1024xf32, #tpu.memory_space<vmem>>) target(%dma_start3A_33 : memref<32768x1024xf32, #tpu.memory_space<hbm>>) offsets(%dma_start3A_30 : memref<40xi32, #tpu.memory_space<vmem>>) semaphore(%arg14 : memref<!tpu.dma_semaphore, #tpu.memory_space<semaphore_mem>>)
    %dma_start3A_34 = arith.constant 1 : i32
    %dma_start3A_35 = arith.constant 0 : i32
    %dma_start3A_36 = tpu.memref_slice %arg7[%dma_start3A_34, %dma_start3A_35] : memref<11x40xi32, #tpu.memory_space<vmem>> -> memref<1x40xi32, #tpu.memory_space<vmem>>
    %dma_start3A_37 = tpu.memref_squeeze %dma_start3A_36 : memref<1x40xi32, #tpu.memory_space<vmem>> -> memref<40xi32, #tpu.memory_space<vmem>>
    %dma_start3A_38 = arith.constant 0 : i32
    %dma_start3A_39 = arith.constant 0 : i32
    %dma_start3A_40 = tpu.memref_slice %arg6[%dma_start3A_38, %dma_start3A_39] : memref<32768x1024xf32, #tpu.memory_space<hbm>> -> memref<32768x1024xf32, #tpu.memory_space<hbm>>
    tpu.enqueue_indirect_dma source(%arg9 : memref<40x1024xf32, #tpu.memory_space<vmem>>) target(%dma_start3A_40 : memref<32768x1024xf32, #tpu.memory_space<hbm>>) offsets(%dma_start3A_37 : memref<40xi32, #tpu.memory_space<vmem>>) semaphore(%arg12 : memref<!tpu.dma_semaphore, #tpu.memory_space<semaphore_mem>>)
    %dma_wait3A_41 = arith.constant 0 : i32
    %dma_wait3A_42 = arith.constant 0 : i32
    %dma_wait3A_43 = tpu.memref_slice %arg8[%dma_wait3A_41, %dma_wait3A_42] : memref<16x40xi32, #tpu.memory_space<vmem>> -> memref<1x40xi32, #tpu.memory_space<vmem>>
    %dma_wait3A_44 = tpu.memref_squeeze %dma_wait3A_43 : memref<1x40xi32, #tpu.memory_space<vmem>> -> memref<40xi32, #tpu.memory_space<vmem>>
    %dma_wait3A_45 = arith.constant 0 : i32
    %dma_wait3A_46 = arith.constant 0 : i32
    %dma_wait3A_47 = tpu.memref_slice %arg6[%dma_wait3A_45, %dma_wait3A_46] : memref<32768x1024xf32, #tpu.memory_space<hbm>> -> memref<32768x1024xf32, #tpu.memory_space<hbm>>
    tpu.wait_indirect_dma semaphore(%arg14 : memref<!tpu.dma_semaphore, #tpu.memory_space<semaphore_mem>>) src(%arg10 : memref<40x1024xf32, #tpu.memory_space<vmem>>) dst(%dma_wait3A_47 : memref<32768x1024xf32, #tpu.memory_space<hbm>>)
    %dma_start3A_48 = arith.constant 2 : i32
    %dma_start3A_49 = arith.constant 0 : i32
    %dma_start3A_50 = tpu.memref_slice %arg8[%dma_start3A_48, %dma_start3A_49] : memref<16x40xi32, #tpu.memory_space<vmem>> -> memref<1x40xi32, #tpu.memory_space<vmem>>
    %dma_start3A_51 = tpu.memref_squeeze %dma_start3A_50 : memref<1x40xi32, #tpu.memory_space<vmem>> -> memref<40xi32, #tpu.memory_space<vmem>>
    %dma_start3A_52 = arith.constant 0 : i32
    %dma_start3A_53 = arith.constant 0 : i32
    %dma_start3A_54 = tpu.memref_slice %arg2[%dma_start3A_52, %dma_start3A_53] : memref<32768x1024xf32, #tpu.memory_space<hbm>> -> memref<32768x1024xf32, #tpu.memory_space<hbm>>
    tpu.enqueue_indirect_dma source(%dma_start3A_54 : memref<32768x1024xf32, #tpu.memory_space<hbm>>) target(%arg10 : memref<40x1024xf32, #tpu.memory_space<vmem>>) offsets(%dma_start3A_51 : memref<40xi32, #tpu.memory_space<vmem>>) semaphore(%arg13 : memref<!tpu.dma_semaphore, #tpu.memory_space<semaphore_mem>>)
    %dma_wait3A_55 = arith.constant 1 : i32
    %dma_wait3A_56 = arith.constant 0 : i32
    %dma_wait3A_57 = tpu.memref_slice %arg8[%dma_wait3A_55, %dma_wait3A_56] : memref<16x40xi32, #tpu.memory_space<vmem>> -> memref<1x40xi32, #tpu.memory_space<vmem>>
    %dma_wait3A_58 = tpu.memref_squeeze %dma_wait3A_57 : memref<1x40xi32, #tpu.memory_space<vmem>> -> memref<40xi32, #tpu.memory_space<vmem>>
    %dma_wait3A_59 = arith.constant 0 : i32
    %dma_wait3A_60 = arith.constant 0 : i32
    %dma_wait3A_61 = tpu.memref_slice %arg2[%dma_wait3A_59, %dma_wait3A_60] : memref<32768x1024xf32, #tpu.memory_space<hbm>> -> memref<32768x1024xf32, #tpu.memory_space<hbm>>
    tpu.wait_indirect_dma semaphore(%arg13 : memref<!tpu.dma_semaphore, #tpu.memory_space<semaphore_mem>>) src(%dma_wait3A_61 : memref<32768x1024xf32, #tpu.memory_space<hbm>>) dst(%arg11 : memref<40x1024xf32, #tpu.memory_space<vmem>>)
    %dma_start3A_62 = arith.constant 1 : i32
    %dma_start3A_63 = arith.constant 0 : i32
    %dma_start3A_64 = tpu.memref_slice %arg8[%dma_start3A_62, %dma_start3A_63] : memref<16x40xi32, #tpu.memory_space<vmem>> -> memref<1x40xi32, #tpu.memory_space<vmem>>
    %dma_start3A_65 = tpu.memref_squeeze %dma_start3A_64 : memref<1x40xi32, #tpu.memory_space<vmem>> -> memref<40xi32, #tpu.memory_space<vmem>>
    %dma_start3A_66 = arith.constant 0 : i32
    %dma_start3A_67 = arith.constant 0 : i32
    %dma_start3A_68 = tpu.memref_slice %arg6[%dma_start3A_66, %dma_start3A_67] : memref<32768x1024xf32, #tpu.memory_space<hbm>> -> memref<32768x1024xf32, #tpu.memory_space<hbm>>
    tpu.enqueue_indirect_dma source(%arg11 : memref<40x1024xf32, #tpu.memory_space<vmem>>) target(%dma_start3A_68 : memref<32768x1024xf32, #tpu.memory_space<hbm>>) offsets(%dma_start3A_65 : memref<40xi32, #tpu.memory_space<vmem>>) semaphore(%arg14 : memref<!tpu.dma_semaphore, #tpu.memory_space<semaphore_mem>>)
    %dma_start3A_69 = arith.constant 2 : i32
    %dma_start3A_70 = arith.constant 0 : i32
    %dma_start3A_71 = tpu.memref_slice %arg7[%dma_start3A_69, %dma_start3A_70] : memref<11x40xi32, #tpu.memory_space<vmem>> -> memref<1x40xi32, #tpu.memory_space<vmem>>
    %dma_start3A_72 = tpu.memref_squeeze %dma_start3A_71 : memref<1x40xi32, #tpu.memory_space<vmem>> -> memref<40xi32, #tpu.memory_space<vmem>>
    %dma_start3A_73 = arith.constant 0 : i32
    %dma_start3A_74 = arith.constant 0 : i32
    %dma_start3A_75 = tpu.memref_slice %arg6[%dma_start3A_73, %dma_start3A_74] : memref<32768x1024xf32, #tpu.memory_space<hbm>> -> memref<32768x1024xf32, #tpu.memory_space<hbm>>
    tpu.enqueue_indirect_dma source(%arg9 : memref<40x1024xf32, #tpu.memory_space<vmem>>) target(%dma_start3A_75 : memref<32768x1024xf32, #tpu.memory_space<hbm>>) offsets(%dma_start3A_72 : memref<40xi32, #tpu.memory_space<vmem>>) semaphore(%arg12 : memref<!tpu.dma_semaphore, #tpu.memory_space<semaphore_mem>>)
    %dma_wait3A_76 = arith.constant 1 : i32
    %dma_wait3A_77 = arith.constant 0 : i32
    %dma_wait3A_78 = tpu.memref_slice %arg8[%dma_wait3A_76, %dma_wait3A_77] : memref<16x40xi32, #tpu.memory_space<vmem>> -> memref<1x40xi32, #tpu.memory_space<vmem>>
    %dma_wait3A_79 = tpu.memref_squeeze %dma_wait3A_78 : memref<1x40xi32, #tpu.memory_space<vmem>> -> memref<40xi32, #tpu.memory_space<vmem>>
    %dma_wait3A_80 = arith.constant 0 : i32
    %dma_wait3A_81 = arith.constant 0 : i32
    %dma_wait3A_82 = tpu.memref_slice %arg6[%dma_wait3A_80, %dma_wait3A_81] : memref<32768x1024xf32, #tpu.memory_space<hbm>> -> memref<32768x1024xf32, #tpu.memory_space<hbm>>
    tpu.wait_indirect_dma semaphore(%arg14 : memref<!tpu.dma_semaphore, #tpu.memory_space<semaphore_mem>>) src(%arg11 : memref<40x1024xf32, #tpu.memory_space<vmem>>) dst(%dma_wait3A_82 : memref<32768x1024xf32, #tpu.memory_space<hbm>>)
    %dma_start3A_83 = arith.constant 3 : i32
    %dma_start3A_84 = arith.constant 0 : i32
    %dma_start3A_85 = tpu.memref_slice %arg8[%dma_start3A_83, %dma_start3A_84] : memref<16x40xi32, #tpu.memory_space<vmem>> -> memref<1x40xi32, #tpu.memory_space<vmem>>
    %dma_start3A_86 = tpu.memref_squeeze %dma_start3A_85 : memref<1x40xi32, #tpu.memory_space<vmem>> -> memref<40xi32, #tpu.memory_space<vmem>>
    %dma_start3A_87 = arith.constant 0 : i32
    %dma_start3A_88 = arith.constant 0 : i32
    %dma_start3A_89 = tpu.memref_slice %arg2[%dma_start3A_87, %dma_start3A_88] : memref<32768x1024xf32, #tpu.memory_space<hbm>> -> memref<32768x1024xf32, #tpu.memory_space<hbm>>
    tpu.enqueue_indirect_dma source(%dma_start3A_89 : memref<32768x1024xf32, #tpu.memory_space<hbm>>) target(%arg11 : memref<40x1024xf32, #tpu.memory_space<vmem>>) offsets(%dma_start3A_86 : memref<40xi32, #tpu.memory_space<vmem>>) semaphore(%arg13 : memref<!tpu.dma_semaphore, #tpu.memory_space<semaphore_mem>>)
    %dma_wait3A_90 = arith.constant 2 : i32
    %dma_wait3A_91 = arith.constant 0 : i32
    %dma_wait3A_92 = tpu.memref_slice %arg8[%dma_wait3A_90, %dma_wait3A_91] : memref<16x40xi32, #tpu.memory_space<vmem>> -> memref<1x40xi32, #tpu.memory_space<vmem>>
    %dma_wait3A_93 = tpu.memref_squeeze %dma_wait3A_92 : memref<1x40xi32, #tpu.memory_space<vmem>> -> memref<40xi32, #tpu.memory_space<vmem>>
    %dma_wait3A_94 = arith.constant 0 : i32
    %dma_wait3A_95 = arith.constant 0 : i32
    %dma_wait3A_96 = tpu.memref_slice %arg2[%dma_wait3A_94, %dma_wait3A_95] : memref<32768x1024xf32, #tpu.memory_space<hbm>> -> memref<32768x1024xf32, #tpu.memory_space<hbm>>
    tpu.wait_indirect_dma semaphore(%arg13 : memref<!tpu.dma_semaphore, #tpu.memory_space<semaphore_mem>>) src(%dma_wait3A_96 : memref<32768x1024xf32, #tpu.memory_space<hbm>>) dst(%arg10 : memref<40x1024xf32, #tpu.memory_space<vmem>>)
    %dma_start3A_97 = arith.constant 2 : i32
    %dma_start3A_98 = arith.constant 0 : i32
    %dma_start3A_99 = tpu.memref_slice %arg8[%dma_start3A_97, %dma_start3A_98] : memref<16x40xi32, #tpu.memory_space<vmem>> -> memref<1x40xi32, #tpu.memory_space<vmem>>
    %dma_start3A_100 = tpu.memref_squeeze %dma_start3A_99 : memref<1x40xi32, #tpu.memory_space<vmem>> -> memref<40xi32, #tpu.memory_space<vmem>>
    %dma_start3A_101 = arith.constant 0 : i32
    %dma_start3A_102 = arith.constant 0 : i32
    %dma_start3A_103 = tpu.memref_slice %arg6[%dma_start3A_101, %dma_start3A_102] : memref<32768x1024xf32, #tpu.memory_space<hbm>> -> memref<32768x1024xf32, #tpu.memory_space<hbm>>
    tpu.enqueue_indirect_dma source(%arg10 : memref<40x1024xf32, #tpu.memory_space<vmem>>) target(%dma_start3A_103 : memref<32768x1024xf32, #tpu.memory_space<hbm>>) offsets(%dma_start3A_100 : memref<40xi32, #tpu.memory_space<vmem>>) semaphore(%arg14 : memref<!tpu.dma_semaphore, #tpu.memory_space<semaphore_mem>>)
    %dma_start3A_104 = arith.constant 3 : i32
    %dma_start3A_105 = arith.constant 0 : i32
    %dma_start3A_106 = tpu.memref_slice %arg7[%dma_start3A_104, %dma_start3A_105] : memref<11x40xi32, #tpu.memory_space<vmem>> -> memref<1x40xi32, #tpu.memory_space<vmem>>
    %dma_start3A_107 = tpu.memref_squeeze %dma_start3A_106 : memref<1x40xi32, #tpu.memory_space<vmem>> -> memref<40xi32, #tpu.memory_space<vmem>>
    %dma_start3A_108 = arith.constant 0 : i32
    %dma_start3A_109 = arith.constant 0 : i32
    %dma_start3A_110 = tpu.memref_slice %arg6[%dma_start3A_108, %dma_start3A_109] : memref<32768x1024xf32, #tpu.memory_space<hbm>> -> memref<32768x1024xf32, #tpu.memory_space<hbm>>
    tpu.enqueue_indirect_dma source(%arg9 : memref<40x1024xf32, #tpu.memory_space<vmem>>) target(%dma_start3A_110 : memref<32768x1024xf32, #tpu.memory_space<hbm>>) offsets(%dma_start3A_107 : memref<40xi32, #tpu.memory_space<vmem>>) semaphore(%arg12 : memref<!tpu.dma_semaphore, #tpu.memory_space<semaphore_mem>>)
    %dma_wait3A_111 = arith.constant 2 : i32
    %dma_wait3A_112 = arith.constant 0 : i32
    %dma_wait3A_113 = tpu.memref_slice %arg8[%dma_wait3A_111, %dma_wait3A_112] : memref<16x40xi32, #tpu.memory_space<vmem>> -> memref<1x40xi32, #tpu.memory_space<vmem>>
    %dma_wait3A_114 = tpu.memref_squeeze %dma_wait3A_113 : memref<1x40xi32, #tpu.memory_space<vmem>> -> memref<40xi32, #tpu.memory_space<vmem>>
    %dma_wait3A_115 = arith.constant 0 : i32
    %dma_wait3A_116 = arith.constant 0 : i32
    %dma_wait3A_117 = tpu.memref_slice %arg6[%dma_wait3A_115, %dma_wait3A_116] : memref<32768x1024xf32, #tpu.memory_space<hbm>> -> memref<32768x1024xf32, #tpu.memory_space<hbm>>
    tpu.wait_indirect_dma semaphore(%arg14 : memref<!tpu.dma_semaphore, #tpu.memory_space<semaphore_mem>>) src(%arg10 : memref<40x1024xf32, #tpu.memory_space<vmem>>) dst(%dma_wait3A_117 : memref<32768x1024xf32, #tpu.memory_space<hbm>>)
    %dma_start3A_118 = arith.constant 4 : i32
    %dma_start3A_119 = arith.constant 0 : i32
    %dma_start3A_120 = tpu.memref_slice %arg8[%dma_start3A_118, %dma_start3A_119] : memref<16x40xi32, #tpu.memory_space<vmem>> -> memref<1x40xi32, #tpu.memory_space<vmem>>
    %dma_start3A_121 = tpu.memref_squeeze %dma_start3A_120 : memref<1x40xi32, #tpu.memory_space<vmem>> -> memref<40xi32, #tpu.memory_space<vmem>>
    %dma_start3A_122 = arith.constant 0 : i32
    %dma_start3A_123 = arith.constant 0 : i32
    %dma_start3A_124 = tpu.memref_slice %arg2[%dma_start3A_122, %dma_start3A_123] : memref<32768x1024xf32, #tpu.memory_space<hbm>> -> memref<32768x1024xf32, #tpu.memory_space<hbm>>
    tpu.enqueue_indirect_dma source(%dma_start3A_124 : memref<32768x1024xf32, #tpu.memory_space<hbm>>) target(%arg10 : memref<40x1024xf32, #tpu.memory_space<vmem>>) offsets(%dma_start3A_121 : memref<40xi32, #tpu.memory_space<vmem>>) semaphore(%arg13 : memref<!tpu.dma_semaphore, #tpu.memory_space<semaphore_mem>>)
    %dma_wait3A_125 = arith.constant 3 : i32
    %dma_wait3A_126 = arith.constant 0 : i32
    %dma_wait3A_127 = tpu.memref_slice %arg8[%dma_wait3A_125, %dma_wait3A_126] : memref<16x40xi32, #tpu.memory_space<vmem>> -> memref<1x40xi32, #tpu.memory_space<vmem>>
    %dma_wait3A_128 = tpu.memref_squeeze %dma_wait3A_127 : memref<1x40xi32, #tpu.memory_space<vmem>> -> memref<40xi32, #tpu.memory_space<vmem>>
    %dma_wait3A_129 = arith.constant 0 : i32
    %dma_wait3A_130 = arith.constant 0 : i32
    %dma_wait3A_131 = tpu.memref_slice %arg2[%dma_wait3A_129, %dma_wait3A_130] : memref<32768x1024xf32, #tpu.memory_space<hbm>> -> memref<32768x1024xf32, #tpu.memory_space<hbm>>
    tpu.wait_indirect_dma semaphore(%arg13 : memref<!tpu.dma_semaphore, #tpu.memory_space<semaphore_mem>>) src(%dma_wait3A_131 : memref<32768x1024xf32, #tpu.memory_space<hbm>>) dst(%arg11 : memref<40x1024xf32, #tpu.memory_space<vmem>>)
    %dma_start3A_132 = arith.constant 3 : i32
    %dma_start3A_133 = arith.constant 0 : i32
    %dma_start3A_134 = tpu.memref_slice %arg8[%dma_start3A_132, %dma_start3A_133] : memref<16x40xi32, #tpu.memory_space<vmem>> -> memref<1x40xi32, #tpu.memory_space<vmem>>
    %dma_start3A_135 = tpu.memref_squeeze %dma_start3A_134 : memref<1x40xi32, #tpu.memory_space<vmem>> -> memref<40xi32, #tpu.memory_space<vmem>>
    %dma_start3A_136 = arith.constant 0 : i32
    %dma_start3A_137 = arith.constant 0 : i32
    %dma_start3A_138 = tpu.memref_slice %arg6[%dma_start3A_136, %dma_start3A_137] : memref<32768x1024xf32, #tpu.memory_space<hbm>> -> memref<32768x1024xf32, #tpu.memory_space<hbm>>
    tpu.enqueue_indirect_dma source(%arg11 : memref<40x1024xf32, #tpu.memory_space<vmem>>) target(%dma_start3A_138 : memref<32768x1024xf32, #tpu.memory_space<hbm>>) offsets(%dma_start3A_135 : memref<40xi32, #tpu.memory_space<vmem>>) semaphore(%arg14 : memref<!tpu.dma_semaphore, #tpu.memory_space<semaphore_mem>>)
    %dma_start3A_139 = arith.constant 4 : i32
    %dma_start3A_140 = arith.constant 0 : i32
    %dma_start3A_141 = tpu.memref_slice %arg7[%dma_start3A_139, %dma_start3A_140] : memref<11x40xi32, #tpu.memory_space<vmem>> -> memref<1x40xi32, #tpu.memory_space<vmem>>
    %dma_start3A_142 = tpu.memref_squeeze %dma_start3A_141 : memref<1x40xi32, #tpu.memory_space<vmem>> -> memref<40xi32, #tpu.memory_space<vmem>>
    %dma_start3A_143 = arith.constant 0 : i32
    %dma_start3A_144 = arith.constant 0 : i32
    %dma_start3A_145 = tpu.memref_slice %arg6[%dma_start3A_143, %dma_start3A_144] : memref<32768x1024xf32, #tpu.memory_space<hbm>> -> memref<32768x1024xf32, #tpu.memory_space<hbm>>
    tpu.enqueue_indirect_dma source(%arg9 : memref<40x1024xf32, #tpu.memory_space<vmem>>) target(%dma_start3A_145 : memref<32768x1024xf32, #tpu.memory_space<hbm>>) offsets(%dma_start3A_142 : memref<40xi32, #tpu.memory_space<vmem>>) semaphore(%arg12 : memref<!tpu.dma_semaphore, #tpu.memory_space<semaphore_mem>>)
    %dma_wait3A_146 = arith.constant 3 : i32
    %dma_wait3A_147 = arith.constant 0 : i32
    %dma_wait3A_148 = tpu.memref_slice %arg8[%dma_wait3A_146, %dma_wait3A_147] : memref<16x40xi32, #tpu.memory_space<vmem>> -> memref<1x40xi32, #tpu.memory_space<vmem>>
    %dma_wait3A_149 = tpu.memref_squeeze %dma_wait3A_148 : memref<1x40xi32, #tpu.memory_space<vmem>> -> memref<40xi32, #tpu.memory_space<vmem>>
    %dma_wait3A_150 = arith.constant 0 : i32
    %dma_wait3A_151 = arith.constant 0 : i32
    %dma_wait3A_152 = tpu.memref_slice %arg6[%dma_wait3A_150, %dma_wait3A_151] : memref<32768x1024xf32, #tpu.memory_space<hbm>> -> memref<32768x1024xf32, #tpu.memory_space<hbm>>
    tpu.wait_indirect_dma semaphore(%arg14 : memref<!tpu.dma_semaphore, #tpu.memory_space<semaphore_mem>>) src(%arg11 : memref<40x1024xf32, #tpu.memory_space<vmem>>) dst(%dma_wait3A_152 : memref<32768x1024xf32, #tpu.memory_space<hbm>>)
    %dma_start3A_153 = arith.constant 5 : i32
    %dma_start3A_154 = arith.constant 0 : i32
    %dma_start3A_155 = tpu.memref_slice %arg8[%dma_start3A_153, %dma_start3A_154] : memref<16x40xi32, #tpu.memory_space<vmem>> -> memref<1x40xi32, #tpu.memory_space<vmem>>
    %dma_start3A_156 = tpu.memref_squeeze %dma_start3A_155 : memref<1x40xi32, #tpu.memory_space<vmem>> -> memref<40xi32, #tpu.memory_space<vmem>>
    %dma_start3A_157 = arith.constant 0 : i32
    %dma_start3A_158 = arith.constant 0 : i32
    %dma_start3A_159 = tpu.memref_slice %arg2[%dma_start3A_157, %dma_start3A_158] : memref<32768x1024xf32, #tpu.memory_space<hbm>> -> memref<32768x1024xf32, #tpu.memory_space<hbm>>
    tpu.enqueue_indirect_dma source(%dma_start3A_159 : memref<32768x1024xf32, #tpu.memory_space<hbm>>) target(%arg11 : memref<40x1024xf32, #tpu.memory_space<vmem>>) offsets(%dma_start3A_156 : memref<40xi32, #tpu.memory_space<vmem>>) semaphore(%arg13 : memref<!tpu.dma_semaphore, #tpu.memory_space<semaphore_mem>>)
    %dma_wait3A_160 = arith.constant 4 : i32
    %dma_wait3A_161 = arith.constant 0 : i32
    %dma_wait3A_162 = tpu.memref_slice %arg8[%dma_wait3A_160, %dma_wait3A_161] : memref<16x40xi32, #tpu.memory_space<vmem>> -> memref<1x40xi32, #tpu.memory_space<vmem>>
    %dma_wait3A_163 = tpu.memref_squeeze %dma_wait3A_162 : memref<1x40xi32, #tpu.memory_space<vmem>> -> memref<40xi32, #tpu.memory_space<vmem>>
    %dma_wait3A_164 = arith.constant 0 : i32
    %dma_wait3A_165 = arith.constant 0 : i32
    %dma_wait3A_166 = tpu.memref_slice %arg2[%dma_wait3A_164, %dma_wait3A_165] : memref<32768x1024xf32, #tpu.memory_space<hbm>> -> memref<32768x1024xf32, #tpu.memory_space<hbm>>
    tpu.wait_indirect_dma semaphore(%arg13 : memref<!tpu.dma_semaphore, #tpu.memory_space<semaphore_mem>>) src(%dma_wait3A_166 : memref<32768x1024xf32, #tpu.memory_space<hbm>>) dst(%arg10 : memref<40x1024xf32, #tpu.memory_space<vmem>>)
    %dma_start3A_167 = arith.constant 4 : i32
    %dma_start3A_168 = arith.constant 0 : i32
    %dma_start3A_169 = tpu.memref_slice %arg8[%dma_start3A_167, %dma_start3A_168] : memref<16x40xi32, #tpu.memory_space<vmem>> -> memref<1x40xi32, #tpu.memory_space<vmem>>
    %dma_start3A_170 = tpu.memref_squeeze %dma_start3A_169 : memref<1x40xi32, #tpu.memory_space<vmem>> -> memref<40xi32, #tpu.memory_space<vmem>>
    %dma_start3A_171 = arith.constant 0 : i32
    %dma_start3A_172 = arith.constant 0 : i32
    %dma_start3A_173 = tpu.memref_slice %arg6[%dma_start3A_171, %dma_start3A_172] : memref<32768x1024xf32, #tpu.memory_space<hbm>> -> memref<32768x1024xf32, #tpu.memory_space<hbm>>
    tpu.enqueue_indirect_dma source(%arg10 : memref<40x1024xf32, #tpu.memory_space<vmem>>) target(%dma_start3A_173 : memref<32768x1024xf32, #tpu.memory_space<hbm>>) offsets(%dma_start3A_170 : memref<40xi32, #tpu.memory_space<vmem>>) semaphore(%arg14 : memref<!tpu.dma_semaphore, #tpu.memory_space<semaphore_mem>>)
    %dma_start3A_174 = arith.constant 5 : i32
    %dma_start3A_175 = arith.constant 0 : i32
    %dma_start3A_176 = tpu.memref_slice %arg7[%dma_start3A_174, %dma_start3A_175] : memref<11x40xi32, #tpu.memory_space<vmem>> -> memref<1x40xi32, #tpu.memory_space<vmem>>
    %dma_start3A_177 = tpu.memref_squeeze %dma_start3A_176 : memref<1x40xi32, #tpu.memory_space<vmem>> -> memref<40xi32, #tpu.memory_space<vmem>>
    %dma_start3A_178 = arith.constant 0 : i32
    %dma_start3A_179 = arith.constant 0 : i32
    %dma_start3A_180 = tpu.memref_slice %arg6[%dma_start3A_178, %dma_start3A_179] : memref<32768x1024xf32, #tpu.memory_space<hbm>> -> memref<32768x1024xf32, #tpu.memory_space<hbm>>
    tpu.enqueue_indirect_dma source(%arg9 : memref<40x1024xf32, #tpu.memory_space<vmem>>) target(%dma_start3A_180 : memref<32768x1024xf32, #tpu.memory_space<hbm>>) offsets(%dma_start3A_177 : memref<40xi32, #tpu.memory_space<vmem>>) semaphore(%arg12 : memref<!tpu.dma_semaphore, #tpu.memory_space<semaphore_mem>>)
    %dma_wait3A_181 = arith.constant 4 : i32
    %dma_wait3A_182 = arith.constant 0 : i32
    %dma_wait3A_183 = tpu.memref_slice %arg8[%dma_wait3A_181, %dma_wait3A_182] : memref<16x40xi32, #tpu.memory_space<vmem>> -> memref<1x40xi32, #tpu.memory_space<vmem>>
    %dma_wait3A_184 = tpu.memref_squeeze %dma_wait3A_183 : memref<1x40xi32, #tpu.memory_space<vmem>> -> memref<40xi32, #tpu.memory_space<vmem>>
    %dma_wait3A_185 = arith.constant 0 : i32
    %dma_wait3A_186 = arith.constant 0 : i32
    %dma_wait3A_187 = tpu.memref_slice %arg6[%dma_wait3A_185, %dma_wait3A_186] : memref<32768x1024xf32, #tpu.memory_space<hbm>> -> memref<32768x1024xf32, #tpu.memory_space<hbm>>
    tpu.wait_indirect_dma semaphore(%arg14 : memref<!tpu.dma_semaphore, #tpu.memory_space<semaphore_mem>>) src(%arg10 : memref<40x1024xf32, #tpu.memory_space<vmem>>) dst(%dma_wait3A_187 : memref<32768x1024xf32, #tpu.memory_space<hbm>>)
    %dma_start3A_188 = arith.constant 6 : i32
    %dma_start3A_189 = arith.constant 0 : i32
    %dma_start3A_190 = tpu.memref_slice %arg8[%dma_start3A_188, %dma_start3A_189] : memref<16x40xi32, #tpu.memory_space<vmem>> -> memref<1x40xi32, #tpu.memory_space<vmem>>
    %dma_start3A_191 = tpu.memref_squeeze %dma_start3A_190 : memref<1x40xi32, #tpu.memory_space<vmem>> -> memref<40xi32, #tpu.memory_space<vmem>>
    %dma_start3A_192 = arith.constant 0 : i32
    %dma_start3A_193 = arith.constant 0 : i32
    %dma_start3A_194 = tpu.memref_slice %arg2[%dma_start3A_192, %dma_start3A_193] : memref<32768x1024xf32, #tpu.memory_space<hbm>> -> memref<32768x1024xf32, #tpu.memory_space<hbm>>
    tpu.enqueue_indirect_dma source(%dma_start3A_194 : memref<32768x1024xf32, #tpu.memory_space<hbm>>) target(%arg10 : memref<40x1024xf32, #tpu.memory_space<vmem>>) offsets(%dma_start3A_191 : memref<40xi32, #tpu.memory_space<vmem>>) semaphore(%arg13 : memref<!tpu.dma_semaphore, #tpu.memory_space<semaphore_mem>>)
    %dma_wait3A_195 = arith.constant 5 : i32
    %dma_wait3A_196 = arith.constant 0 : i32
    %dma_wait3A_197 = tpu.memref_slice %arg8[%dma_wait3A_195, %dma_wait3A_196] : memref<16x40xi32, #tpu.memory_space<vmem>> -> memref<1x40xi32, #tpu.memory_space<vmem>>
    %dma_wait3A_198 = tpu.memref_squeeze %dma_wait3A_197 : memref<1x40xi32, #tpu.memory_space<vmem>> -> memref<40xi32, #tpu.memory_space<vmem>>
    %dma_wait3A_199 = arith.constant 0 : i32
    %dma_wait3A_200 = arith.constant 0 : i32
    %dma_wait3A_201 = tpu.memref_slice %arg2[%dma_wait3A_199, %dma_wait3A_200] : memref<32768x1024xf32, #tpu.memory_space<hbm>> -> memref<32768x1024xf32, #tpu.memory_space<hbm>>
    tpu.wait_indirect_dma semaphore(%arg13 : memref<!tpu.dma_semaphore, #tpu.memory_space<semaphore_mem>>) src(%dma_wait3A_201 : memref<32768x1024xf32, #tpu.memory_space<hbm>>) dst(%arg11 : memref<40x1024xf32, #tpu.memory_space<vmem>>)
    %dma_start3A_202 = arith.constant 5 : i32
    %dma_start3A_203 = arith.constant 0 : i32
    %dma_start3A_204 = tpu.memref_slice %arg8[%dma_start3A_202, %dma_start3A_203] : memref<16x40xi32, #tpu.memory_space<vmem>> -> memref<1x40xi32, #tpu.memory_space<vmem>>
    %dma_start3A_205 = tpu.memref_squeeze %dma_start3A_204 : memref<1x40xi32, #tpu.memory_space<vmem>> -> memref<40xi32, #tpu.memory_space<vmem>>
    %dma_start3A_206 = arith.constant 0 : i32
    %dma_start3A_207 = arith.constant 0 : i32
    %dma_start3A_208 = tpu.memref_slice %arg6[%dma_start3A_206, %dma_start3A_207] : memref<32768x1024xf32, #tpu.memory_space<hbm>> -> memref<32768x1024xf32, #tpu.memory_space<hbm>>
    tpu.enqueue_indirect_dma source(%arg11 : memref<40x1024xf32, #tpu.memory_space<vmem>>) target(%dma_start3A_208 : memref<32768x1024xf32, #tpu.memory_space<hbm>>) offsets(%dma_start3A_205 : memref<40xi32, #tpu.memory_space<vmem>>) semaphore(%arg14 : memref<!tpu.dma_semaphore, #tpu.memory_space<semaphore_mem>>)
    %dma_start3A_209 = arith.constant 6 : i32
    %dma_start3A_210 = arith.constant 0 : i32
    %dma_start3A_211 = tpu.memref_slice %arg7[%dma_start3A_209, %dma_start3A_210] : memref<11x40xi32, #tpu.memory_space<vmem>> -> memref<1x40xi32, #tpu.memory_space<vmem>>
    %dma_start3A_212 = tpu.memref_squeeze %dma_start3A_211 : memref<1x40xi32, #tpu.memory_space<vmem>> -> memref<40xi32, #tpu.memory_space<vmem>>
    %dma_start3A_213 = arith.constant 0 : i32
    %dma_start3A_214 = arith.constant 0 : i32
    %dma_start3A_215 = tpu.memref_slice %arg6[%dma_start3A_213, %dma_start3A_214] : memref<32768x1024xf32, #tpu.memory_space<hbm>> -> memref<32768x1024xf32, #tpu.memory_space<hbm>>
    tpu.enqueue_indirect_dma source(%arg9 : memref<40x1024xf32, #tpu.memory_space<vmem>>) target(%dma_start3A_215 : memref<32768x1024xf32, #tpu.memory_space<hbm>>) offsets(%dma_start3A_212 : memref<40xi32, #tpu.memory_space<vmem>>) semaphore(%arg12 : memref<!tpu.dma_semaphore, #tpu.memory_space<semaphore_mem>>)
    %dma_wait3A_216 = arith.constant 5 : i32
    %dma_wait3A_217 = arith.constant 0 : i32
    %dma_wait3A_218 = tpu.memref_slice %arg8[%dma_wait3A_216, %dma_wait3A_217] : memref<16x40xi32, #tpu.memory_space<vmem>> -> memref<1x40xi32, #tpu.memory_space<vmem>>
    %dma_wait3A_219 = tpu.memref_squeeze %dma_wait3A_218 : memref<1x40xi32, #tpu.memory_space<vmem>> -> memref<40xi32, #tpu.memory_space<vmem>>
    %dma_wait3A_220 = arith.constant 0 : i32
    %dma_wait3A_221 = arith.constant 0 : i32
    %dma_wait3A_222 = tpu.memref_slice %arg6[%dma_wait3A_220, %dma_wait3A_221] : memref<32768x1024xf32, #tpu.memory_space<hbm>> -> memref<32768x1024xf32, #tpu.memory_space<hbm>>
    tpu.wait_indirect_dma semaphore(%arg14 : memref<!tpu.dma_semaphore, #tpu.memory_space<semaphore_mem>>) src(%arg11 : memref<40x1024xf32, #tpu.memory_space<vmem>>) dst(%dma_wait3A_222 : memref<32768x1024xf32, #tpu.memory_space<hbm>>)
    %dma_start3A_223 = arith.constant 7 : i32
    %dma_start3A_224 = arith.constant 0 : i32
    %dma_start3A_225 = tpu.memref_slice %arg8[%dma_start3A_223, %dma_start3A_224] : memref<16x40xi32, #tpu.memory_space<vmem>> -> memref<1x40xi32, #tpu.memory_space<vmem>>
    %dma_start3A_226 = tpu.memref_squeeze %dma_start3A_225 : memref<1x40xi32, #tpu.memory_space<vmem>> -> memref<40xi32, #tpu.memory_space<vmem>>
    %dma_start3A_227 = arith.constant 0 : i32
    %dma_start3A_228 = arith.constant 0 : i32
    %dma_start3A_229 = tpu.memref_slice %arg2[%dma_start3A_227, %dma_start3A_228] : memref<32768x1024xf32, #tpu.memory_space<hbm>> -> memref<32768x1024xf32, #tpu.memory_space<hbm>>
    tpu.enqueue_indirect_dma source(%dma_start3A_229 : memref<32768x1024xf32, #tpu.memory_space<hbm>>) target(%arg11 : memref<40x1024xf32, #tpu.memory_space<vmem>>) offsets(%dma_start3A_226 : memref<40xi32, #tpu.memory_space<vmem>>) semaphore(%arg13 : memref<!tpu.dma_semaphore, #tpu.memory_space<semaphore_mem>>)
    %dma_wait3A_230 = arith.constant 6 : i32
    %dma_wait3A_231 = arith.constant 0 : i32
    %dma_wait3A_232 = tpu.memref_slice %arg8[%dma_wait3A_230, %dma_wait3A_231] : memref<16x40xi32, #tpu.memory_space<vmem>> -> memref<1x40xi32, #tpu.memory_space<vmem>>
    %dma_wait3A_233 = tpu.memref_squeeze %dma_wait3A_232 : memref<1x40xi32, #tpu.memory_space<vmem>> -> memref<40xi32, #tpu.memory_space<vmem>>
    %dma_wait3A_234 = arith.constant 0 : i32
    %dma_wait3A_235 = arith.constant 0 : i32
    %dma_wait3A_236 = tpu.memref_slice %arg2[%dma_wait3A_234, %dma_wait3A_235] : memref<32768x1024xf32, #tpu.memory_space<hbm>> -> memref<32768x1024xf32, #tpu.memory_space<hbm>>
    tpu.wait_indirect_dma semaphore(%arg13 : memref<!tpu.dma_semaphore, #tpu.memory_space<semaphore_mem>>) src(%dma_wait3A_236 : memref<32768x1024xf32, #tpu.memory_space<hbm>>) dst(%arg10 : memref<40x1024xf32, #tpu.memory_space<vmem>>)
    %dma_start3A_237 = arith.constant 6 : i32
    %dma_start3A_238 = arith.constant 0 : i32
    %dma_start3A_239 = tpu.memref_slice %arg8[%dma_start3A_237, %dma_start3A_238] : memref<16x40xi32, #tpu.memory_space<vmem>> -> memref<1x40xi32, #tpu.memory_space<vmem>>
    %dma_start3A_240 = tpu.memref_squeeze %dma_start3A_239 : memref<1x40xi32, #tpu.memory_space<vmem>> -> memref<40xi32, #tpu.memory_space<vmem>>
    %dma_start3A_241 = arith.constant 0 : i32
    %dma_start3A_242 = arith.constant 0 : i32
    %dma_start3A_243 = tpu.memref_slice %arg6[%dma_start3A_241, %dma_start3A_242] : memref<32768x1024xf32, #tpu.memory_space<hbm>> -> memref<32768x1024xf32, #tpu.memory_space<hbm>>
    tpu.enqueue_indirect_dma source(%arg10 : memref<40x1024xf32, #tpu.memory_space<vmem>>) target(%dma_start3A_243 : memref<32768x1024xf32, #tpu.memory_space<hbm>>) offsets(%dma_start3A_240 : memref<40xi32, #tpu.memory_space<vmem>>) semaphore(%arg14 : memref<!tpu.dma_semaphore, #tpu.memory_space<semaphore_mem>>)
    %dma_start3A_244 = arith.constant 7 : i32
    %dma_start3A_245 = arith.constant 0 : i32
    %dma_start3A_246 = tpu.memref_slice %arg7[%dma_start3A_244, %dma_start3A_245] : memref<11x40xi32, #tpu.memory_space<vmem>> -> memref<1x40xi32, #tpu.memory_space<vmem>>
    %dma_start3A_247 = tpu.memref_squeeze %dma_start3A_246 : memref<1x40xi32, #tpu.memory_space<vmem>> -> memref<40xi32, #tpu.memory_space<vmem>>
    %dma_start3A_248 = arith.constant 0 : i32
    %dma_start3A_249 = arith.constant 0 : i32
    %dma_start3A_250 = tpu.memref_slice %arg6[%dma_start3A_248, %dma_start3A_249] : memref<32768x1024xf32, #tpu.memory_space<hbm>> -> memref<32768x1024xf32, #tpu.memory_space<hbm>>
    tpu.enqueue_indirect_dma source(%arg9 : memref<40x1024xf32, #tpu.memory_space<vmem>>) target(%dma_start3A_250 : memref<32768x1024xf32, #tpu.memory_space<hbm>>) offsets(%dma_start3A_247 : memref<40xi32, #tpu.memory_space<vmem>>) semaphore(%arg12 : memref<!tpu.dma_semaphore, #tpu.memory_space<semaphore_mem>>)
    %dma_wait3A_251 = arith.constant 6 : i32
    %dma_wait3A_252 = arith.constant 0 : i32
    %dma_wait3A_253 = tpu.memref_slice %arg8[%dma_wait3A_251, %dma_wait3A_252] : memref<16x40xi32, #tpu.memory_space<vmem>> -> memref<1x40xi32, #tpu.memory_space<vmem>>
    %dma_wait3A_254 = tpu.memref_squeeze %dma_wait3A_253 : memref<1x40xi32, #tpu.memory_space<vmem>> -> memref<40xi32, #tpu.memory_space<vmem>>
    %dma_wait3A_255 = arith.constant 0 : i32
    %dma_wait3A_256 = arith.constant 0 : i32
    %dma_wait3A_257 = tpu.memref_slice %arg6[%dma_wait3A_255, %dma_wait3A_256] : memref<32768x1024xf32, #tpu.memory_space<hbm>> -> memref<32768x1024xf32, #tpu.memory_space<hbm>>
    tpu.wait_indirect_dma semaphore(%arg14 : memref<!tpu.dma_semaphore, #tpu.memory_space<semaphore_mem>>) src(%arg10 : memref<40x1024xf32, #tpu.memory_space<vmem>>) dst(%dma_wait3A_257 : memref<32768x1024xf32, #tpu.memory_space<hbm>>)
    %dma_start3A_258 = arith.constant 8 : i32
    %dma_start3A_259 = arith.constant 0 : i32
    %dma_start3A_260 = tpu.memref_slice %arg8[%dma_start3A_258, %dma_start3A_259] : memref<16x40xi32, #tpu.memory_space<vmem>> -> memref<1x40xi32, #tpu.memory_space<vmem>>
    %dma_start3A_261 = tpu.memref_squeeze %dma_start3A_260 : memref<1x40xi32, #tpu.memory_space<vmem>> -> memref<40xi32, #tpu.memory_space<vmem>>
    %dma_start3A_262 = arith.constant 0 : i32
    %dma_start3A_263 = arith.constant 0 : i32
    %dma_start3A_264 = tpu.memref_slice %arg2[%dma_start3A_262, %dma_start3A_263] : memref<32768x1024xf32, #tpu.memory_space<hbm>> -> memref<32768x1024xf32, #tpu.memory_space<hbm>>
    tpu.enqueue_indirect_dma source(%dma_start3A_264 : memref<32768x1024xf32, #tpu.memory_space<hbm>>) target(%arg10 : memref<40x1024xf32, #tpu.memory_space<vmem>>) offsets(%dma_start3A_261 : memref<40xi32, #tpu.memory_space<vmem>>) semaphore(%arg13 : memref<!tpu.dma_semaphore, #tpu.memory_space<semaphore_mem>>)
    %dma_wait3A_265 = arith.constant 7 : i32
    %dma_wait3A_266 = arith.constant 0 : i32
    %dma_wait3A_267 = tpu.memref_slice %arg8[%dma_wait3A_265, %dma_wait3A_266] : memref<16x40xi32, #tpu.memory_space<vmem>> -> memref<1x40xi32, #tpu.memory_space<vmem>>
    %dma_wait3A_268 = tpu.memref_squeeze %dma_wait3A_267 : memref<1x40xi32, #tpu.memory_space<vmem>> -> memref<40xi32, #tpu.memory_space<vmem>>
    %dma_wait3A_269 = arith.constant 0 : i32
    %dma_wait3A_270 = arith.constant 0 : i32
    %dma_wait3A_271 = tpu.memref_slice %arg2[%dma_wait3A_269, %dma_wait3A_270] : memref<32768x1024xf32, #tpu.memory_space<hbm>> -> memref<32768x1024xf32, #tpu.memory_space<hbm>>
    tpu.wait_indirect_dma semaphore(%arg13 : memref<!tpu.dma_semaphore, #tpu.memory_space<semaphore_mem>>) src(%dma_wait3A_271 : memref<32768x1024xf32, #tpu.memory_space<hbm>>) dst(%arg11 : memref<40x1024xf32, #tpu.memory_space<vmem>>)
    %dma_start3A_272 = arith.constant 7 : i32
    %dma_start3A_273 = arith.constant 0 : i32
    %dma_start3A_274 = tpu.memref_slice %arg8[%dma_start3A_272, %dma_start3A_273] : memref<16x40xi32, #tpu.memory_space<vmem>> -> memref<1x40xi32, #tpu.memory_space<vmem>>
    %dma_start3A_275 = tpu.memref_squeeze %dma_start3A_274 : memref<1x40xi32, #tpu.memory_space<vmem>> -> memref<40xi32, #tpu.memory_space<vmem>>
    %dma_start3A_276 = arith.constant 0 : i32
    %dma_start3A_277 = arith.constant 0 : i32
    %dma_start3A_278 = tpu.memref_slice %arg6[%dma_start3A_276, %dma_start3A_277] : memref<32768x1024xf32, #tpu.memory_space<hbm>> -> memref<32768x1024xf32, #tpu.memory_space<hbm>>
    tpu.enqueue_indirect_dma source(%arg11 : memref<40x1024xf32, #tpu.memory_space<vmem>>) target(%dma_start3A_278 : memref<32768x1024xf32, #tpu.memory_space<hbm>>) offsets(%dma_start3A_275 : memref<40xi32, #tpu.memory_space<vmem>>) semaphore(%arg14 : memref<!tpu.dma_semaphore, #tpu.memory_space<semaphore_mem>>)
    %dma_start3A_279 = arith.constant 8 : i32
    %dma_start3A_280 = arith.constant 0 : i32
    %dma_start3A_281 = tpu.memref_slice %arg7[%dma_start3A_279, %dma_start3A_280] : memref<11x40xi32, #tpu.memory_space<vmem>> -> memref<1x40xi32, #tpu.memory_space<vmem>>
    %dma_start3A_282 = tpu.memref_squeeze %dma_start3A_281 : memref<1x40xi32, #tpu.memory_space<vmem>> -> memref<40xi32, #tpu.memory_space<vmem>>
    %dma_start3A_283 = arith.constant 0 : i32
    %dma_start3A_284 = arith.constant 0 : i32
    %dma_start3A_285 = tpu.memref_slice %arg6[%dma_start3A_283, %dma_start3A_284] : memref<32768x1024xf32, #tpu.memory_space<hbm>> -> memref<32768x1024xf32, #tpu.memory_space<hbm>>
    tpu.enqueue_indirect_dma source(%arg9 : memref<40x1024xf32, #tpu.memory_space<vmem>>) target(%dma_start3A_285 : memref<32768x1024xf32, #tpu.memory_space<hbm>>) offsets(%dma_start3A_282 : memref<40xi32, #tpu.memory_space<vmem>>) semaphore(%arg12 : memref<!tpu.dma_semaphore, #tpu.memory_space<semaphore_mem>>)
    %dma_wait3A_286 = arith.constant 7 : i32
    %dma_wait3A_287 = arith.constant 0 : i32
    %dma_wait3A_288 = tpu.memref_slice %arg8[%dma_wait3A_286, %dma_wait3A_287] : memref<16x40xi32, #tpu.memory_space<vmem>> -> memref<1x40xi32, #tpu.memory_space<vmem>>
    %dma_wait3A_289 = tpu.memref_squeeze %dma_wait3A_288 : memref<1x40xi32, #tpu.memory_space<vmem>> -> memref<40xi32, #tpu.memory_space<vmem>>
    %dma_wait3A_290 = arith.constant 0 : i32
    %dma_wait3A_291 = arith.constant 0 : i32
    %dma_wait3A_292 = tpu.memref_slice %arg6[%dma_wait3A_290, %dma_wait3A_291] : memref<32768x1024xf32, #tpu.memory_space<hbm>> -> memref<32768x1024xf32, #tpu.memory_space<hbm>>
    tpu.wait_indirect_dma semaphore(%arg14 : memref<!tpu.dma_semaphore, #tpu.memory_space<semaphore_mem>>) src(%arg11 : memref<40x1024xf32, #tpu.memory_space<vmem>>) dst(%dma_wait3A_292 : memref<32768x1024xf32, #tpu.memory_space<hbm>>)
    %dma_start3A_293 = arith.constant 9 : i32
    %dma_start3A_294 = arith.constant 0 : i32
    %dma_start3A_295 = tpu.memref_slice %arg8[%dma_start3A_293, %dma_start3A_294] : memref<16x40xi32, #tpu.memory_space<vmem>> -> memref<1x40xi32, #tpu.memory_space<vmem>>
    %dma_start3A_296 = tpu.memref_squeeze %dma_start3A_295 : memref<1x40xi32, #tpu.memory_space<vmem>> -> memref<40xi32, #tpu.memory_space<vmem>>
    %dma_start3A_297 = arith.constant 0 : i32
    %dma_start3A_298 = arith.constant 0 : i32
    %dma_start3A_299 = tpu.memref_slice %arg2[%dma_start3A_297, %dma_start3A_298] : memref<32768x1024xf32, #tpu.memory_space<hbm>> -> memref<32768x1024xf32, #tpu.memory_space<hbm>>
    tpu.enqueue_indirect_dma source(%dma_start3A_299 : memref<32768x1024xf32, #tpu.memory_space<hbm>>) target(%arg11 : memref<40x1024xf32, #tpu.memory_space<vmem>>) offsets(%dma_start3A_296 : memref<40xi32, #tpu.memory_space<vmem>>) semaphore(%arg13 : memref<!tpu.dma_semaphore, #tpu.memory_space<semaphore_mem>>)
    %dma_wait3A_300 = arith.constant 8 : i32
    %dma_wait3A_301 = arith.constant 0 : i32
    %dma_wait3A_302 = tpu.memref_slice %arg8[%dma_wait3A_300, %dma_wait3A_301] : memref<16x40xi32, #tpu.memory_space<vmem>> -> memref<1x40xi32, #tpu.memory_space<vmem>>
    %dma_wait3A_303 = tpu.memref_squeeze %dma_wait3A_302 : memref<1x40xi32, #tpu.memory_space<vmem>> -> memref<40xi32, #tpu.memory_space<vmem>>
    %dma_wait3A_304 = arith.constant 0 : i32
    %dma_wait3A_305 = arith.constant 0 : i32
    %dma_wait3A_306 = tpu.memref_slice %arg2[%dma_wait3A_304, %dma_wait3A_305] : memref<32768x1024xf32, #tpu.memory_space<hbm>> -> memref<32768x1024xf32, #tpu.memory_space<hbm>>
    tpu.wait_indirect_dma semaphore(%arg13 : memref<!tpu.dma_semaphore, #tpu.memory_space<semaphore_mem>>) src(%dma_wait3A_306 : memref<32768x1024xf32, #tpu.memory_space<hbm>>) dst(%arg10 : memref<40x1024xf32, #tpu.memory_space<vmem>>)
    %dma_start3A_307 = arith.constant 8 : i32
    %dma_start3A_308 = arith.constant 0 : i32
    %dma_start3A_309 = tpu.memref_slice %arg8[%dma_start3A_307, %dma_start3A_308] : memref<16x40xi32, #tpu.memory_space<vmem>> -> memref<1x40xi32, #tpu.memory_space<vmem>>
    %dma_start3A_310 = tpu.memref_squeeze %dma_start3A_309 : memref<1x40xi32, #tpu.memory_space<vmem>> -> memref<40xi32, #tpu.memory_space<vmem>>
    %dma_start3A_311 = arith.constant 0 : i32
    %dma_start3A_312 = arith.constant 0 : i32
    %dma_start3A_313 = tpu.memref_slice %arg6[%dma_start3A_311, %dma_start3A_312] : memref<32768x1024xf32, #tpu.memory_space<hbm>> -> memref<32768x1024xf32, #tpu.memory_space<hbm>>
    tpu.enqueue_indirect_dma source(%arg10 : memref<40x1024xf32, #tpu.memory_space<vmem>>) target(%dma_start3A_313 : memref<32768x1024xf32, #tpu.memory_space<hbm>>) offsets(%dma_start3A_310 : memref<40xi32, #tpu.memory_space<vmem>>) semaphore(%arg14 : memref<!tpu.dma_semaphore, #tpu.memory_space<semaphore_mem>>)
    %dma_start3A_314 = arith.constant 9 : i32
    %dma_start3A_315 = arith.constant 0 : i32
    %dma_start3A_316 = tpu.memref_slice %arg7[%dma_start3A_314, %dma_start3A_315] : memref<11x40xi32, #tpu.memory_space<vmem>> -> memref<1x40xi32, #tpu.memory_space<vmem>>
    %dma_start3A_317 = tpu.memref_squeeze %dma_start3A_316 : memref<1x40xi32, #tpu.memory_space<vmem>> -> memref<40xi32, #tpu.memory_space<vmem>>
    %dma_start3A_318 = arith.constant 0 : i32
    %dma_start3A_319 = arith.constant 0 : i32
    %dma_start3A_320 = tpu.memref_slice %arg6[%dma_start3A_318, %dma_start3A_319] : memref<32768x1024xf32, #tpu.memory_space<hbm>> -> memref<32768x1024xf32, #tpu.memory_space<hbm>>
    tpu.enqueue_indirect_dma source(%arg9 : memref<40x1024xf32, #tpu.memory_space<vmem>>) target(%dma_start3A_320 : memref<32768x1024xf32, #tpu.memory_space<hbm>>) offsets(%dma_start3A_317 : memref<40xi32, #tpu.memory_space<vmem>>) semaphore(%arg12 : memref<!tpu.dma_semaphore, #tpu.memory_space<semaphore_mem>>)
    %dma_wait3A_321 = arith.constant 8 : i32
    %dma_wait3A_322 = arith.constant 0 : i32
    %dma_wait3A_323 = tpu.memref_slice %arg8[%dma_wait3A_321, %dma_wait3A_322] : memref<16x40xi32, #tpu.memory_space<vmem>> -> memref<1x40xi32, #tpu.memory_space<vmem>>
    %dma_wait3A_324 = tpu.memref_squeeze %dma_wait3A_323 : memref<1x40xi32, #tpu.memory_space<vmem>> -> memref<40xi32, #tpu.memory_space<vmem>>
    %dma_wait3A_325 = arith.constant 0 : i32
    %dma_wait3A_326 = arith.constant 0 : i32
    %dma_wait3A_327 = tpu.memref_slice %arg6[%dma_wait3A_325, %dma_wait3A_326] : memref<32768x1024xf32, #tpu.memory_space<hbm>> -> memref<32768x1024xf32, #tpu.memory_space<hbm>>
    tpu.wait_indirect_dma semaphore(%arg14 : memref<!tpu.dma_semaphore, #tpu.memory_space<semaphore_mem>>) src(%arg10 : memref<40x1024xf32, #tpu.memory_space<vmem>>) dst(%dma_wait3A_327 : memref<32768x1024xf32, #tpu.memory_space<hbm>>)
    %dma_start3A_328 = arith.constant 10 : i32
    %dma_start3A_329 = arith.constant 0 : i32
    %dma_start3A_330 = tpu.memref_slice %arg8[%dma_start3A_328, %dma_start3A_329] : memref<16x40xi32, #tpu.memory_space<vmem>> -> memref<1x40xi32, #tpu.memory_space<vmem>>
    %dma_start3A_331 = tpu.memref_squeeze %dma_start3A_330 : memref<1x40xi32, #tpu.memory_space<vmem>> -> memref<40xi32, #tpu.memory_space<vmem>>
    %dma_start3A_332 = arith.constant 0 : i32
    %dma_start3A_333 = arith.constant 0 : i32
    %dma_start3A_334 = tpu.memref_slice %arg2[%dma_start3A_332, %dma_start3A_333] : memref<32768x1024xf32, #tpu.memory_space<hbm>> -> memref<32768x1024xf32, #tpu.memory_space<hbm>>
    tpu.enqueue_indirect_dma source(%dma_start3A_334 : memref<32768x1024xf32, #tpu.memory_space<hbm>>) target(%arg10 : memref<40x1024xf32, #tpu.memory_space<vmem>>) offsets(%dma_start3A_331 : memref<40xi32, #tpu.memory_space<vmem>>) semaphore(%arg13 : memref<!tpu.dma_semaphore, #tpu.memory_space<semaphore_mem>>)
    %dma_wait3A_335 = arith.constant 9 : i32
    %dma_wait3A_336 = arith.constant 0 : i32
    %dma_wait3A_337 = tpu.memref_slice %arg8[%dma_wait3A_335, %dma_wait3A_336] : memref<16x40xi32, #tpu.memory_space<vmem>> -> memref<1x40xi32, #tpu.memory_space<vmem>>
    %dma_wait3A_338 = tpu.memref_squeeze %dma_wait3A_337 : memref<1x40xi32, #tpu.memory_space<vmem>> -> memref<40xi32, #tpu.memory_space<vmem>>
    %dma_wait3A_339 = arith.constant 0 : i32
    %dma_wait3A_340 = arith.constant 0 : i32
    %dma_wait3A_341 = tpu.memref_slice %arg2[%dma_wait3A_339, %dma_wait3A_340] : memref<32768x1024xf32, #tpu.memory_space<hbm>> -> memref<32768x1024xf32, #tpu.memory_space<hbm>>
    tpu.wait_indirect_dma semaphore(%arg13 : memref<!tpu.dma_semaphore, #tpu.memory_space<semaphore_mem>>) src(%dma_wait3A_341 : memref<32768x1024xf32, #tpu.memory_space<hbm>>) dst(%arg11 : memref<40x1024xf32, #tpu.memory_space<vmem>>)
    %dma_start3A_342 = arith.constant 9 : i32
    %dma_start3A_343 = arith.constant 0 : i32
    %dma_start3A_344 = tpu.memref_slice %arg8[%dma_start3A_342, %dma_start3A_343] : memref<16x40xi32, #tpu.memory_space<vmem>> -> memref<1x40xi32, #tpu.memory_space<vmem>>
    %dma_start3A_345 = tpu.memref_squeeze %dma_start3A_344 : memref<1x40xi32, #tpu.memory_space<vmem>> -> memref<40xi32, #tpu.memory_space<vmem>>
    %dma_start3A_346 = arith.constant 0 : i32
    %dma_start3A_347 = arith.constant 0 : i32
    %dma_start3A_348 = tpu.memref_slice %arg6[%dma_start3A_346, %dma_start3A_347] : memref<32768x1024xf32, #tpu.memory_space<hbm>> -> memref<32768x1024xf32, #tpu.memory_space<hbm>>
    tpu.enqueue_indirect_dma source(%arg11 : memref<40x1024xf32, #tpu.memory_space<vmem>>) target(%dma_start3A_348 : memref<32768x1024xf32, #tpu.memory_space<hbm>>) offsets(%dma_start3A_345 : memref<40xi32, #tpu.memory_space<vmem>>) semaphore(%arg14 : memref<!tpu.dma_semaphore, #tpu.memory_space<semaphore_mem>>)
    %dma_start3A_349 = arith.constant 10 : i32
    %dma_start3A_350 = arith.constant 0 : i32
    %dma_start3A_351 = tpu.memref_slice %arg7[%dma_start3A_349, %dma_start3A_350] : memref<11x40xi32, #tpu.memory_space<vmem>> -> memref<1x40xi32, #tpu.memory_space<vmem>>
    %dma_start3A_352 = tpu.memref_squeeze %dma_start3A_351 : memref<1x40xi32, #tpu.memory_space<vmem>> -> memref<40xi32, #tpu.memory_space<vmem>>
    %dma_start3A_353 = arith.constant 0 : i32
    %dma_start3A_354 = arith.constant 0 : i32
    %dma_start3A_355 = tpu.memref_slice %arg6[%dma_start3A_353, %dma_start3A_354] : memref<32768x1024xf32, #tpu.memory_space<hbm>> -> memref<32768x1024xf32, #tpu.memory_space<hbm>>
    tpu.enqueue_indirect_dma source(%arg9 : memref<40x1024xf32, #tpu.memory_space<vmem>>) target(%dma_start3A_355 : memref<32768x1024xf32, #tpu.memory_space<hbm>>) offsets(%dma_start3A_352 : memref<40xi32, #tpu.memory_space<vmem>>) semaphore(%arg12 : memref<!tpu.dma_semaphore, #tpu.memory_space<semaphore_mem>>)
    %dma_wait3A_356 = arith.constant 9 : i32
    %dma_wait3A_357 = arith.constant 0 : i32
    %dma_wait3A_358 = tpu.memref_slice %arg8[%dma_wait3A_356, %dma_wait3A_357] : memref<16x40xi32, #tpu.memory_space<vmem>> -> memref<1x40xi32, #tpu.memory_space<vmem>>
    %dma_wait3A_359 = tpu.memref_squeeze %dma_wait3A_358 : memref<1x40xi32, #tpu.memory_space<vmem>> -> memref<40xi32, #tpu.memory_space<vmem>>
    %dma_wait3A_360 = arith.constant 0 : i32
    %dma_wait3A_361 = arith.constant 0 : i32
    %dma_wait3A_362 = tpu.memref_slice %arg6[%dma_wait3A_360, %dma_wait3A_361] : memref<32768x1024xf32, #tpu.memory_space<hbm>> -> memref<32768x1024xf32, #tpu.memory_space<hbm>>
    tpu.wait_indirect_dma semaphore(%arg14 : memref<!tpu.dma_semaphore, #tpu.memory_space<semaphore_mem>>) src(%arg11 : memref<40x1024xf32, #tpu.memory_space<vmem>>) dst(%dma_wait3A_362 : memref<32768x1024xf32, #tpu.memory_space<hbm>>)
    %dma_start3A_363 = arith.constant 11 : i32
    %dma_start3A_364 = arith.constant 0 : i32
    %dma_start3A_365 = tpu.memref_slice %arg8[%dma_start3A_363, %dma_start3A_364] : memref<16x40xi32, #tpu.memory_space<vmem>> -> memref<1x40xi32, #tpu.memory_space<vmem>>
    %dma_start3A_366 = tpu.memref_squeeze %dma_start3A_365 : memref<1x40xi32, #tpu.memory_space<vmem>> -> memref<40xi32, #tpu.memory_space<vmem>>
    %dma_start3A_367 = arith.constant 0 : i32
    %dma_start3A_368 = arith.constant 0 : i32
    %dma_start3A_369 = tpu.memref_slice %arg2[%dma_start3A_367, %dma_start3A_368] : memref<32768x1024xf32, #tpu.memory_space<hbm>> -> memref<32768x1024xf32, #tpu.memory_space<hbm>>
    tpu.enqueue_indirect_dma source(%dma_start3A_369 : memref<32768x1024xf32, #tpu.memory_space<hbm>>) target(%arg11 : memref<40x1024xf32, #tpu.memory_space<vmem>>) offsets(%dma_start3A_366 : memref<40xi32, #tpu.memory_space<vmem>>) semaphore(%arg13 : memref<!tpu.dma_semaphore, #tpu.memory_space<semaphore_mem>>)
    %dma_wait3A_370 = arith.constant 10 : i32
    %dma_wait3A_371 = arith.constant 0 : i32
    %dma_wait3A_372 = tpu.memref_slice %arg8[%dma_wait3A_370, %dma_wait3A_371] : memref<16x40xi32, #tpu.memory_space<vmem>> -> memref<1x40xi32, #tpu.memory_space<vmem>>
    %dma_wait3A_373 = tpu.memref_squeeze %dma_wait3A_372 : memref<1x40xi32, #tpu.memory_space<vmem>> -> memref<40xi32, #tpu.memory_space<vmem>>
    %dma_wait3A_374 = arith.constant 0 : i32
    %dma_wait3A_375 = arith.constant 0 : i32
    %dma_wait3A_376 = tpu.memref_slice %arg2[%dma_wait3A_374, %dma_wait3A_375] : memref<32768x1024xf32, #tpu.memory_space<hbm>> -> memref<32768x1024xf32, #tpu.memory_space<hbm>>
    tpu.wait_indirect_dma semaphore(%arg13 : memref<!tpu.dma_semaphore, #tpu.memory_space<semaphore_mem>>) src(%dma_wait3A_376 : memref<32768x1024xf32, #tpu.memory_space<hbm>>) dst(%arg10 : memref<40x1024xf32, #tpu.memory_space<vmem>>)
    %dma_start3A_377 = arith.constant 10 : i32
    %dma_start3A_378 = arith.constant 0 : i32
    %dma_start3A_379 = tpu.memref_slice %arg8[%dma_start3A_377, %dma_start3A_378] : memref<16x40xi32, #tpu.memory_space<vmem>> -> memref<1x40xi32, #tpu.memory_space<vmem>>
    %dma_start3A_380 = tpu.memref_squeeze %dma_start3A_379 : memref<1x40xi32, #tpu.memory_space<vmem>> -> memref<40xi32, #tpu.memory_space<vmem>>
    %dma_start3A_381 = arith.constant 0 : i32
    %dma_start3A_382 = arith.constant 0 : i32
    %dma_start3A_383 = tpu.memref_slice %arg6[%dma_start3A_381, %dma_start3A_382] : memref<32768x1024xf32, #tpu.memory_space<hbm>> -> memref<32768x1024xf32, #tpu.memory_space<hbm>>
    tpu.enqueue_indirect_dma source(%arg10 : memref<40x1024xf32, #tpu.memory_space<vmem>>) target(%dma_start3A_383 : memref<32768x1024xf32, #tpu.memory_space<hbm>>) offsets(%dma_start3A_380 : memref<40xi32, #tpu.memory_space<vmem>>) semaphore(%arg14 : memref<!tpu.dma_semaphore, #tpu.memory_space<semaphore_mem>>)
    %dma_wait3A_384 = arith.constant 10 : i32
    %dma_wait3A_385 = arith.constant 0 : i32
    %dma_wait3A_386 = tpu.memref_slice %arg8[%dma_wait3A_384, %dma_wait3A_385] : memref<16x40xi32, #tpu.memory_space<vmem>> -> memref<1x40xi32, #tpu.memory_space<vmem>>
    %dma_wait3A_387 = tpu.memref_squeeze %dma_wait3A_386 : memref<1x40xi32, #tpu.memory_space<vmem>> -> memref<40xi32, #tpu.memory_space<vmem>>
    %dma_wait3A_388 = arith.constant 0 : i32
    %dma_wait3A_389 = arith.constant 0 : i32
    %dma_wait3A_390 = tpu.memref_slice %arg6[%dma_wait3A_388, %dma_wait3A_389] : memref<32768x1024xf32, #tpu.memory_space<hbm>> -> memref<32768x1024xf32, #tpu.memory_space<hbm>>
    tpu.wait_indirect_dma semaphore(%arg14 : memref<!tpu.dma_semaphore, #tpu.memory_space<semaphore_mem>>) src(%arg10 : memref<40x1024xf32, #tpu.memory_space<vmem>>) dst(%dma_wait3A_390 : memref<32768x1024xf32, #tpu.memory_space<hbm>>)
    %dma_start3A_391 = arith.constant 12 : i32
    %dma_start3A_392 = arith.constant 0 : i32
    %dma_start3A_393 = tpu.memref_slice %arg8[%dma_start3A_391, %dma_start3A_392] : memref<16x40xi32, #tpu.memory_space<vmem>> -> memref<1x40xi32, #tpu.memory_space<vmem>>
    %dma_start3A_394 = tpu.memref_squeeze %dma_start3A_393 : memref<1x40xi32, #tpu.memory_space<vmem>> -> memref<40xi32, #tpu.memory_space<vmem>>
    %dma_start3A_395 = arith.constant 0 : i32
    %dma_start3A_396 = arith.constant 0 : i32
    %dma_start3A_397 = tpu.memref_slice %arg2[%dma_start3A_395, %dma_start3A_396] : memref<32768x1024xf32, #tpu.memory_space<hbm>> -> memref<32768x1024xf32, #tpu.memory_space<hbm>>
    tpu.enqueue_indirect_dma source(%dma_start3A_397 : memref<32768x1024xf32, #tpu.memory_space<hbm>>) target(%arg10 : memref<40x1024xf32, #tpu.memory_space<vmem>>) offsets(%dma_start3A_394 : memref<40xi32, #tpu.memory_space<vmem>>) semaphore(%arg13 : memref<!tpu.dma_semaphore, #tpu.memory_space<semaphore_mem>>)
    %dma_wait3A_398 = arith.constant 11 : i32
    %dma_wait3A_399 = arith.constant 0 : i32
    %dma_wait3A_400 = tpu.memref_slice %arg8[%dma_wait3A_398, %dma_wait3A_399] : memref<16x40xi32, #tpu.memory_space<vmem>> -> memref<1x40xi32, #tpu.memory_space<vmem>>
    %dma_wait3A_401 = tpu.memref_squeeze %dma_wait3A_400 : memref<1x40xi32, #tpu.memory_space<vmem>> -> memref<40xi32, #tpu.memory_space<vmem>>
    %dma_wait3A_402 = arith.constant 0 : i32
    %dma_wait3A_403 = arith.constant 0 : i32
    %dma_wait3A_404 = tpu.memref_slice %arg2[%dma_wait3A_402, %dma_wait3A_403] : memref<32768x1024xf32, #tpu.memory_space<hbm>> -> memref<32768x1024xf32, #tpu.memory_space<hbm>>
    tpu.wait_indirect_dma semaphore(%arg13 : memref<!tpu.dma_semaphore, #tpu.memory_space<semaphore_mem>>) src(%dma_wait3A_404 : memref<32768x1024xf32, #tpu.memory_space<hbm>>) dst(%arg11 : memref<40x1024xf32, #tpu.memory_space<vmem>>)
    %dma_start3A_405 = arith.constant 11 : i32
    %dma_start3A_406 = arith.constant 0 : i32
    %dma_start3A_407 = tpu.memref_slice %arg8[%dma_start3A_405, %dma_start3A_406] : memref<16x40xi32, #tpu.memory_space<vmem>> -> memref<1x40xi32, #tpu.memory_space<vmem>>
    %dma_start3A_408 = tpu.memref_squeeze %dma_start3A_407 : memref<1x40xi32, #tpu.memory_space<vmem>> -> memref<40xi32, #tpu.memory_space<vmem>>
    %dma_start3A_409 = arith.constant 0 : i32
    %dma_start3A_410 = arith.constant 0 : i32
    %dma_start3A_411 = tpu.memref_slice %arg6[%dma_start3A_409, %dma_start3A_410] : memref<32768x1024xf32, #tpu.memory_space<hbm>> -> memref<32768x1024xf32, #tpu.memory_space<hbm>>
    tpu.enqueue_indirect_dma source(%arg11 : memref<40x1024xf32, #tpu.memory_space<vmem>>) target(%dma_start3A_411 : memref<32768x1024xf32, #tpu.memory_space<hbm>>) offsets(%dma_start3A_408 : memref<40xi32, #tpu.memory_space<vmem>>) semaphore(%arg14 : memref<!tpu.dma_semaphore, #tpu.memory_space<semaphore_mem>>)
    %dma_wait3A_412 = arith.constant 11 : i32
    %dma_wait3A_413 = arith.constant 0 : i32
    %dma_wait3A_414 = tpu.memref_slice %arg8[%dma_wait3A_412, %dma_wait3A_413] : memref<16x40xi32, #tpu.memory_space<vmem>> -> memref<1x40xi32, #tpu.memory_space<vmem>>
    %dma_wait3A_415 = tpu.memref_squeeze %dma_wait3A_414 : memref<1x40xi32, #tpu.memory_space<vmem>> -> memref<40xi32, #tpu.memory_space<vmem>>
    %dma_wait3A_416 = arith.constant 0 : i32
    %dma_wait3A_417 = arith.constant 0 : i32
    %dma_wait3A_418 = tpu.memref_slice %arg6[%dma_wait3A_416, %dma_wait3A_417] : memref<32768x1024xf32, #tpu.memory_space<hbm>> -> memref<32768x1024xf32, #tpu.memory_space<hbm>>
    tpu.wait_indirect_dma semaphore(%arg14 : memref<!tpu.dma_semaphore, #tpu.memory_space<semaphore_mem>>) src(%arg11 : memref<40x1024xf32, #tpu.memory_space<vmem>>) dst(%dma_wait3A_418 : memref<32768x1024xf32, #tpu.memory_space<hbm>>)
    %dma_start3A_419 = arith.constant 13 : i32
    %dma_start3A_420 = arith.constant 0 : i32
    %dma_start3A_421 = tpu.memref_slice %arg8[%dma_start3A_419, %dma_start3A_420] : memref<16x40xi32, #tpu.memory_space<vmem>> -> memref<1x40xi32, #tpu.memory_space<vmem>>
    %dma_start3A_422 = tpu.memref_squeeze %dma_start3A_421 : memref<1x40xi32, #tpu.memory_space<vmem>> -> memref<40xi32, #tpu.memory_space<vmem>>
    %dma_start3A_423 = arith.constant 0 : i32
    %dma_start3A_424 = arith.constant 0 : i32
    %dma_start3A_425 = tpu.memref_slice %arg2[%dma_start3A_423, %dma_start3A_424] : memref<32768x1024xf32, #tpu.memory_space<hbm>> -> memref<32768x1024xf32, #tpu.memory_space<hbm>>
    tpu.enqueue_indirect_dma source(%dma_start3A_425 : memref<32768x1024xf32, #tpu.memory_space<hbm>>) target(%arg11 : memref<40x1024xf32, #tpu.memory_space<vmem>>) offsets(%dma_start3A_422 : memref<40xi32, #tpu.memory_space<vmem>>) semaphore(%arg13 : memref<!tpu.dma_semaphore, #tpu.memory_space<semaphore_mem>>)
    %dma_wait3A_426 = arith.constant 12 : i32
    %dma_wait3A_427 = arith.constant 0 : i32
    %dma_wait3A_428 = tpu.memref_slice %arg8[%dma_wait3A_426, %dma_wait3A_427] : memref<16x40xi32, #tpu.memory_space<vmem>> -> memref<1x40xi32, #tpu.memory_space<vmem>>
    %dma_wait3A_429 = tpu.memref_squeeze %dma_wait3A_428 : memref<1x40xi32, #tpu.memory_space<vmem>> -> memref<40xi32, #tpu.memory_space<vmem>>
    %dma_wait3A_430 = arith.constant 0 : i32
    %dma_wait3A_431 = arith.constant 0 : i32
    %dma_wait3A_432 = tpu.memref_slice %arg2[%dma_wait3A_430, %dma_wait3A_431] : memref<32768x1024xf32, #tpu.memory_space<hbm>> -> memref<32768x1024xf32, #tpu.memory_space<hbm>>
    tpu.wait_indirect_dma semaphore(%arg13 : memref<!tpu.dma_semaphore, #tpu.memory_space<semaphore_mem>>) src(%dma_wait3A_432 : memref<32768x1024xf32, #tpu.memory_space<hbm>>) dst(%arg10 : memref<40x1024xf32, #tpu.memory_space<vmem>>)
    %dma_start3A_433 = arith.constant 12 : i32
    %dma_start3A_434 = arith.constant 0 : i32
    %dma_start3A_435 = tpu.memref_slice %arg8[%dma_start3A_433, %dma_start3A_434] : memref<16x40xi32, #tpu.memory_space<vmem>> -> memref<1x40xi32, #tpu.memory_space<vmem>>
    %dma_start3A_436 = tpu.memref_squeeze %dma_start3A_435 : memref<1x40xi32, #tpu.memory_space<vmem>> -> memref<40xi32, #tpu.memory_space<vmem>>
    %dma_start3A_437 = arith.constant 0 : i32
    %dma_start3A_438 = arith.constant 0 : i32
    %dma_start3A_439 = tpu.memref_slice %arg6[%dma_start3A_437, %dma_start3A_438] : memref<32768x1024xf32, #tpu.memory_space<hbm>> -> memref<32768x1024xf32, #tpu.memory_space<hbm>>
    tpu.enqueue_indirect_dma source(%arg10 : memref<40x1024xf32, #tpu.memory_space<vmem>>) target(%dma_start3A_439 : memref<32768x1024xf32, #tpu.memory_space<hbm>>) offsets(%dma_start3A_436 : memref<40xi32, #tpu.memory_space<vmem>>) semaphore(%arg14 : memref<!tpu.dma_semaphore, #tpu.memory_space<semaphore_mem>>)
    %dma_wait3A_440 = arith.constant 12 : i32
    %dma_wait3A_441 = arith.constant 0 : i32
    %dma_wait3A_442 = tpu.memref_slice %arg8[%dma_wait3A_440, %dma_wait3A_441] : memref<16x40xi32, #tpu.memory_space<vmem>> -> memref<1x40xi32, #tpu.memory_space<vmem>>
    %dma_wait3A_443 = tpu.memref_squeeze %dma_wait3A_442 : memref<1x40xi32, #tpu.memory_space<vmem>> -> memref<40xi32, #tpu.memory_space<vmem>>
    %dma_wait3A_444 = arith.constant 0 : i32
    %dma_wait3A_445 = arith.constant 0 : i32
    %dma_wait3A_446 = tpu.memref_slice %arg6[%dma_wait3A_444, %dma_wait3A_445] : memref<32768x1024xf32, #tpu.memory_space<hbm>> -> memref<32768x1024xf32, #tpu.memory_space<hbm>>
    tpu.wait_indirect_dma semaphore(%arg14 : memref<!tpu.dma_semaphore, #tpu.memory_space<semaphore_mem>>) src(%arg10 : memref<40x1024xf32, #tpu.memory_space<vmem>>) dst(%dma_wait3A_446 : memref<32768x1024xf32, #tpu.memory_space<hbm>>)
    %dma_start3A_447 = arith.constant 14 : i32
    %dma_start3A_448 = arith.constant 0 : i32
    %dma_start3A_449 = tpu.memref_slice %arg8[%dma_start3A_447, %dma_start3A_448] : memref<16x40xi32, #tpu.memory_space<vmem>> -> memref<1x40xi32, #tpu.memory_space<vmem>>
    %dma_start3A_450 = tpu.memref_squeeze %dma_start3A_449 : memref<1x40xi32, #tpu.memory_space<vmem>> -> memref<40xi32, #tpu.memory_space<vmem>>
    %dma_start3A_451 = arith.constant 0 : i32
    %dma_start3A_452 = arith.constant 0 : i32
    %dma_start3A_453 = tpu.memref_slice %arg2[%dma_start3A_451, %dma_start3A_452] : memref<32768x1024xf32, #tpu.memory_space<hbm>> -> memref<32768x1024xf32, #tpu.memory_space<hbm>>
    tpu.enqueue_indirect_dma source(%dma_start3A_453 : memref<32768x1024xf32, #tpu.memory_space<hbm>>) target(%arg10 : memref<40x1024xf32, #tpu.memory_space<vmem>>) offsets(%dma_start3A_450 : memref<40xi32, #tpu.memory_space<vmem>>) semaphore(%arg13 : memref<!tpu.dma_semaphore, #tpu.memory_space<semaphore_mem>>)
    %dma_wait3A_454 = arith.constant 13 : i32
    %dma_wait3A_455 = arith.constant 0 : i32
    %dma_wait3A_456 = tpu.memref_slice %arg8[%dma_wait3A_454, %dma_wait3A_455] : memref<16x40xi32, #tpu.memory_space<vmem>> -> memref<1x40xi32, #tpu.memory_space<vmem>>
    %dma_wait3A_457 = tpu.memref_squeeze %dma_wait3A_456 : memref<1x40xi32, #tpu.memory_space<vmem>> -> memref<40xi32, #tpu.memory_space<vmem>>
    %dma_wait3A_458 = arith.constant 0 : i32
    %dma_wait3A_459 = arith.constant 0 : i32
    %dma_wait3A_460 = tpu.memref_slice %arg2[%dma_wait3A_458, %dma_wait3A_459] : memref<32768x1024xf32, #tpu.memory_space<hbm>> -> memref<32768x1024xf32, #tpu.memory_space<hbm>>
    tpu.wait_indirect_dma semaphore(%arg13 : memref<!tpu.dma_semaphore, #tpu.memory_space<semaphore_mem>>) src(%dma_wait3A_460 : memref<32768x1024xf32, #tpu.memory_space<hbm>>) dst(%arg11 : memref<40x1024xf32, #tpu.memory_space<vmem>>)
    %dma_start3A_461 = arith.constant 13 : i32
    %dma_start3A_462 = arith.constant 0 : i32
    %dma_start3A_463 = tpu.memref_slice %arg8[%dma_start3A_461, %dma_start3A_462] : memref<16x40xi32, #tpu.memory_space<vmem>> -> memref<1x40xi32, #tpu.memory_space<vmem>>
    %dma_start3A_464 = tpu.memref_squeeze %dma_start3A_463 : memref<1x40xi32, #tpu.memory_space<vmem>> -> memref<40xi32, #tpu.memory_space<vmem>>
    %dma_start3A_465 = arith.constant 0 : i32
    %dma_start3A_466 = arith.constant 0 : i32
    %dma_start3A_467 = tpu.memref_slice %arg6[%dma_start3A_465, %dma_start3A_466] : memref<32768x1024xf32, #tpu.memory_space<hbm>> -> memref<32768x1024xf32, #tpu.memory_space<hbm>>
    tpu.enqueue_indirect_dma source(%arg11 : memref<40x1024xf32, #tpu.memory_space<vmem>>) target(%dma_start3A_467 : memref<32768x1024xf32, #tpu.memory_space<hbm>>) offsets(%dma_start3A_464 : memref<40xi32, #tpu.memory_space<vmem>>) semaphore(%arg14 : memref<!tpu.dma_semaphore, #tpu.memory_space<semaphore_mem>>)
    %dma_wait3A_468 = arith.constant 13 : i32
    %dma_wait3A_469 = arith.constant 0 : i32
    %dma_wait3A_470 = tpu.memref_slice %arg8[%dma_wait3A_468, %dma_wait3A_469] : memref<16x40xi32, #tpu.memory_space<vmem>> -> memref<1x40xi32, #tpu.memory_space<vmem>>
    %dma_wait3A_471 = tpu.memref_squeeze %dma_wait3A_470 : memref<1x40xi32, #tpu.memory_space<vmem>> -> memref<40xi32, #tpu.memory_space<vmem>>
    %dma_wait3A_472 = arith.constant 0 : i32
    %dma_wait3A_473 = arith.constant 0 : i32
    %dma_wait3A_474 = tpu.memref_slice %arg6[%dma_wait3A_472, %dma_wait3A_473] : memref<32768x1024xf32, #tpu.memory_space<hbm>> -> memref<32768x1024xf32, #tpu.memory_space<hbm>>
    tpu.wait_indirect_dma semaphore(%arg14 : memref<!tpu.dma_semaphore, #tpu.memory_space<semaphore_mem>>) src(%arg11 : memref<40x1024xf32, #tpu.memory_space<vmem>>) dst(%dma_wait3A_474 : memref<32768x1024xf32, #tpu.memory_space<hbm>>)
    %dma_start3A_475 = arith.constant 15 : i32
    %dma_start3A_476 = arith.constant 0 : i32
    %dma_start3A_477 = tpu.memref_slice %arg8[%dma_start3A_475, %dma_start3A_476] : memref<16x40xi32, #tpu.memory_space<vmem>> -> memref<1x40xi32, #tpu.memory_space<vmem>>
    %dma_start3A_478 = tpu.memref_squeeze %dma_start3A_477 : memref<1x40xi32, #tpu.memory_space<vmem>> -> memref<40xi32, #tpu.memory_space<vmem>>
    %dma_start3A_479 = arith.constant 0 : i32
    %dma_start3A_480 = arith.constant 0 : i32
    %dma_start3A_481 = tpu.memref_slice %arg2[%dma_start3A_479, %dma_start3A_480] : memref<32768x1024xf32, #tpu.memory_space<hbm>> -> memref<32768x1024xf32, #tpu.memory_space<hbm>>
    tpu.enqueue_indirect_dma source(%dma_start3A_481 : memref<32768x1024xf32, #tpu.memory_space<hbm>>) target(%arg11 : memref<40x1024xf32, #tpu.memory_space<vmem>>) offsets(%dma_start3A_478 : memref<40xi32, #tpu.memory_space<vmem>>) semaphore(%arg13 : memref<!tpu.dma_semaphore, #tpu.memory_space<semaphore_mem>>)
    %dma_wait3A_482 = arith.constant 14 : i32
    %dma_wait3A_483 = arith.constant 0 : i32
    %dma_wait3A_484 = tpu.memref_slice %arg8[%dma_wait3A_482, %dma_wait3A_483] : memref<16x40xi32, #tpu.memory_space<vmem>> -> memref<1x40xi32, #tpu.memory_space<vmem>>
    %dma_wait3A_485 = tpu.memref_squeeze %dma_wait3A_484 : memref<1x40xi32, #tpu.memory_space<vmem>> -> memref<40xi32, #tpu.memory_space<vmem>>
    %dma_wait3A_486 = arith.constant 0 : i32
    %dma_wait3A_487 = arith.constant 0 : i32
    %dma_wait3A_488 = tpu.memref_slice %arg2[%dma_wait3A_486, %dma_wait3A_487] : memref<32768x1024xf32, #tpu.memory_space<hbm>> -> memref<32768x1024xf32, #tpu.memory_space<hbm>>
    tpu.wait_indirect_dma semaphore(%arg13 : memref<!tpu.dma_semaphore, #tpu.memory_space<semaphore_mem>>) src(%dma_wait3A_488 : memref<32768x1024xf32, #tpu.memory_space<hbm>>) dst(%arg10 : memref<40x1024xf32, #tpu.memory_space<vmem>>)
    %dma_start3A_489 = arith.constant 14 : i32
    %dma_start3A_490 = arith.constant 0 : i32
    %dma_start3A_491 = tpu.memref_slice %arg8[%dma_start3A_489, %dma_start3A_490] : memref<16x40xi32, #tpu.memory_space<vmem>> -> memref<1x40xi32, #tpu.memory_space<vmem>>
    %dma_start3A_492 = tpu.memref_squeeze %dma_start3A_491 : memref<1x40xi32, #tpu.memory_space<vmem>> -> memref<40xi32, #tpu.memory_space<vmem>>
    %dma_start3A_493 = arith.constant 0 : i32
    %dma_start3A_494 = arith.constant 0 : i32
    %dma_start3A_495 = tpu.memref_slice %arg6[%dma_start3A_493, %dma_start3A_494] : memref<32768x1024xf32, #tpu.memory_space<hbm>> -> memref<32768x1024xf32, #tpu.memory_space<hbm>>
    tpu.enqueue_indirect_dma source(%arg10 : memref<40x1024xf32, #tpu.memory_space<vmem>>) target(%dma_start3A_495 : memref<32768x1024xf32, #tpu.memory_space<hbm>>) offsets(%dma_start3A_492 : memref<40xi32, #tpu.memory_space<vmem>>) semaphore(%arg14 : memref<!tpu.dma_semaphore, #tpu.memory_space<semaphore_mem>>)
    %dma_wait3A_496 = arith.constant 14 : i32
    %dma_wait3A_497 = arith.constant 0 : i32
    %dma_wait3A_498 = tpu.memref_slice %arg8[%dma_wait3A_496, %dma_wait3A_497] : memref<16x40xi32, #tpu.memory_space<vmem>> -> memref<1x40xi32, #tpu.memory_space<vmem>>
    %dma_wait3A_499 = tpu.memref_squeeze %dma_wait3A_498 : memref<1x40xi32, #tpu.memory_space<vmem>> -> memref<40xi32, #tpu.memory_space<vmem>>
    %dma_wait3A_500 = arith.constant 0 : i32
    %dma_wait3A_501 = arith.constant 0 : i32
    %dma_wait3A_502 = tpu.memref_slice %arg6[%dma_wait3A_500, %dma_wait3A_501] : memref<32768x1024xf32, #tpu.memory_space<hbm>> -> memref<32768x1024xf32, #tpu.memory_space<hbm>>
    tpu.wait_indirect_dma semaphore(%arg14 : memref<!tpu.dma_semaphore, #tpu.memory_space<semaphore_mem>>) src(%arg10 : memref<40x1024xf32, #tpu.memory_space<vmem>>) dst(%dma_wait3A_502 : memref<32768x1024xf32, #tpu.memory_space<hbm>>)
    %dma_wait3A_503 = arith.constant 15 : i32
    %dma_wait3A_504 = arith.constant 0 : i32
    %dma_wait3A_505 = tpu.memref_slice %arg8[%dma_wait3A_503, %dma_wait3A_504] : memref<16x40xi32, #tpu.memory_space<vmem>> -> memref<1x40xi32, #tpu.memory_space<vmem>>
    %dma_wait3A_506 = tpu.memref_squeeze %dma_wait3A_505 : memref<1x40xi32, #tpu.memory_space<vmem>> -> memref<40xi32, #tpu.memory_space<vmem>>
    %dma_wait3A_507 = arith.constant 0 : i32
    %dma_wait3A_508 = arith.constant 0 : i32
    %dma_wait3A_509 = tpu.memref_slice %arg2[%dma_wait3A_507, %dma_wait3A_508] : memref<32768x1024xf32, #tpu.memory_space<hbm>> -> memref<32768x1024xf32, #tpu.memory_space<hbm>>
    tpu.wait_indirect_dma semaphore(%arg13 : memref<!tpu.dma_semaphore, #tpu.memory_space<semaphore_mem>>) src(%dma_wait3A_509 : memref<32768x1024xf32, #tpu.memory_space<hbm>>) dst(%arg11 : memref<40x1024xf32, #tpu.memory_space<vmem>>)
    %dma_start3A_510 = arith.constant 15 : i32
    %dma_start3A_511 = arith.constant 0 : i32
    %dma_start3A_512 = tpu.memref_slice %arg8[%dma_start3A_510, %dma_start3A_511] : memref<16x40xi32, #tpu.memory_space<vmem>> -> memref<1x40xi32, #tpu.memory_space<vmem>>
    %dma_start3A_513 = tpu.memref_squeeze %dma_start3A_512 : memref<1x40xi32, #tpu.memory_space<vmem>> -> memref<40xi32, #tpu.memory_space<vmem>>
    %dma_start3A_514 = arith.constant 0 : i32
    %dma_start3A_515 = arith.constant 0 : i32
    %dma_start3A_516 = tpu.memref_slice %arg6[%dma_start3A_514, %dma_start3A_515] : memref<32768x1024xf32, #tpu.memory_space<hbm>> -> memref<32768x1024xf32, #tpu.memory_space<hbm>>
    tpu.enqueue_indirect_dma source(%arg11 : memref<40x1024xf32, #tpu.memory_space<vmem>>) target(%dma_start3A_516 : memref<32768x1024xf32, #tpu.memory_space<hbm>>) offsets(%dma_start3A_513 : memref<40xi32, #tpu.memory_space<vmem>>) semaphore(%arg14 : memref<!tpu.dma_semaphore, #tpu.memory_space<semaphore_mem>>)
    %dma_wait3A_517 = arith.constant 15 : i32
    %dma_wait3A_518 = arith.constant 0 : i32
    %dma_wait3A_519 = tpu.memref_slice %arg8[%dma_wait3A_517, %dma_wait3A_518] : memref<16x40xi32, #tpu.memory_space<vmem>> -> memref<1x40xi32, #tpu.memory_space<vmem>>
    %dma_wait3A_520 = tpu.memref_squeeze %dma_wait3A_519 : memref<1x40xi32, #tpu.memory_space<vmem>> -> memref<40xi32, #tpu.memory_space<vmem>>
    %dma_wait3A_521 = arith.constant 0 : i32
    %dma_wait3A_522 = arith.constant 0 : i32
    %dma_wait3A_523 = tpu.memref_slice %arg6[%dma_wait3A_521, %dma_wait3A_522] : memref<32768x1024xf32, #tpu.memory_space<hbm>> -> memref<32768x1024xf32, #tpu.memory_space<hbm>>
    tpu.wait_indirect_dma semaphore(%arg14 : memref<!tpu.dma_semaphore, #tpu.memory_space<semaphore_mem>>) src(%arg11 : memref<40x1024xf32, #tpu.memory_space<vmem>>) dst(%dma_wait3A_523 : memref<32768x1024xf32, #tpu.memory_space<hbm>>)
    %dma_wait3A_524 = arith.constant 0 : i32
    %dma_wait3A_525 = arith.constant 0 : i32
    %dma_wait3A_526 = tpu.memref_slice %arg7[%dma_wait3A_524, %dma_wait3A_525] : memref<11x40xi32, #tpu.memory_space<vmem>> -> memref<1x40xi32, #tpu.memory_space<vmem>>
    %dma_wait3A_527 = tpu.memref_squeeze %dma_wait3A_526 : memref<1x40xi32, #tpu.memory_space<vmem>> -> memref<40xi32, #tpu.memory_space<vmem>>
    %dma_wait3A_528 = arith.constant 0 : i32
    %dma_wait3A_529 = arith.constant 0 : i32
    %dma_wait3A_530 = tpu.memref_slice %arg6[%dma_wait3A_528, %dma_wait3A_529] : memref<32768x1024xf32, #tpu.memory_space<hbm>> -> memref<32768x1024xf32, #tpu.memory_space<hbm>>
    tpu.wait_indirect_dma semaphore(%arg12 : memref<!tpu.dma_semaphore, #tpu.memory_space<semaphore_mem>>) src(%arg9 : memref<40x1024xf32, #tpu.memory_space<vmem>>) dst(%dma_wait3A_530 : memref<32768x1024xf32, #tpu.memory_space<hbm>>)
    %dma_wait3A_531 = arith.constant 1 : i32
    %dma_wait3A_532 = arith.constant 0 : i32
    %dma_wait3A_533 = tpu.memref_slice %arg7[%dma_wait3A_531, %dma_wait3A_532] : memref<11x40xi32, #tpu.memory_space<vmem>> -> memref<1x40xi32, #tpu.memory_space<vmem>>
    %dma_wait3A_534 = tpu.memref_squeeze %dma_wait3A_533 : memref<1x40xi32, #tpu.memory_space<vmem>> -> memref<40xi32, #tpu.memory_space<vmem>>
    %dma_wait3A_535 = arith.constant 0 : i32
    %dma_wait3A_536 = arith.constant 0 : i32
    %dma_wait3A_537 = tpu.memref_slice %arg6[%dma_wait3A_535, %dma_wait3A_536] : memref<32768x1024xf32, #tpu.memory_space<hbm>> -> memref<32768x1024xf32, #tpu.memory_space<hbm>>
    tpu.wait_indirect_dma semaphore(%arg12 : memref<!tpu.dma_semaphore, #tpu.memory_space<semaphore_mem>>) src(%arg9 : memref<40x1024xf32, #tpu.memory_space<vmem>>) dst(%dma_wait3A_537 : memref<32768x1024xf32, #tpu.memory_space<hbm>>)
    %dma_wait3A_538 = arith.constant 2 : i32
    %dma_wait3A_539 = arith.constant 0 : i32
    %dma_wait3A_540 = tpu.memref_slice %arg7[%dma_wait3A_538, %dma_wait3A_539] : memref<11x40xi32, #tpu.memory_space<vmem>> -> memref<1x40xi32, #tpu.memory_space<vmem>>
    %dma_wait3A_541 = tpu.memref_squeeze %dma_wait3A_540 : memref<1x40xi32, #tpu.memory_space<vmem>> -> memref<40xi32, #tpu.memory_space<vmem>>
    %dma_wait3A_542 = arith.constant 0 : i32
    %dma_wait3A_543 = arith.constant 0 : i32
    %dma_wait3A_544 = tpu.memref_slice %arg6[%dma_wait3A_542, %dma_wait3A_543] : memref<32768x1024xf32, #tpu.memory_space<hbm>> -> memref<32768x1024xf32, #tpu.memory_space<hbm>>
    tpu.wait_indirect_dma semaphore(%arg12 : memref<!tpu.dma_semaphore, #tpu.memory_space<semaphore_mem>>) src(%arg9 : memref<40x1024xf32, #tpu.memory_space<vmem>>) dst(%dma_wait3A_544 : memref<32768x1024xf32, #tpu.memory_space<hbm>>)
    %dma_wait3A_545 = arith.constant 3 : i32
    %dma_wait3A_546 = arith.constant 0 : i32
    %dma_wait3A_547 = tpu.memref_slice %arg7[%dma_wait3A_545, %dma_wait3A_546] : memref<11x40xi32, #tpu.memory_space<vmem>> -> memref<1x40xi32, #tpu.memory_space<vmem>>
    %dma_wait3A_548 = tpu.memref_squeeze %dma_wait3A_547 : memref<1x40xi32, #tpu.memory_space<vmem>> -> memref<40xi32, #tpu.memory_space<vmem>>
    %dma_wait3A_549 = arith.constant 0 : i32
    %dma_wait3A_550 = arith.constant 0 : i32
    %dma_wait3A_551 = tpu.memref_slice %arg6[%dma_wait3A_549, %dma_wait3A_550] : memref<32768x1024xf32, #tpu.memory_space<hbm>> -> memref<32768x1024xf32, #tpu.memory_space<hbm>>
    tpu.wait_indirect_dma semaphore(%arg12 : memref<!tpu.dma_semaphore, #tpu.memory_space<semaphore_mem>>) src(%arg9 : memref<40x1024xf32, #tpu.memory_space<vmem>>) dst(%dma_wait3A_551 : memref<32768x1024xf32, #tpu.memory_space<hbm>>)
    %dma_wait3A_552 = arith.constant 4 : i32
    %dma_wait3A_553 = arith.constant 0 : i32
    %dma_wait3A_554 = tpu.memref_slice %arg7[%dma_wait3A_552, %dma_wait3A_553] : memref<11x40xi32, #tpu.memory_space<vmem>> -> memref<1x40xi32, #tpu.memory_space<vmem>>
    %dma_wait3A_555 = tpu.memref_squeeze %dma_wait3A_554 : memref<1x40xi32, #tpu.memory_space<vmem>> -> memref<40xi32, #tpu.memory_space<vmem>>
    %dma_wait3A_556 = arith.constant 0 : i32
    %dma_wait3A_557 = arith.constant 0 : i32
    %dma_wait3A_558 = tpu.memref_slice %arg6[%dma_wait3A_556, %dma_wait3A_557] : memref<32768x1024xf32, #tpu.memory_space<hbm>> -> memref<32768x1024xf32, #tpu.memory_space<hbm>>
    tpu.wait_indirect_dma semaphore(%arg12 : memref<!tpu.dma_semaphore, #tpu.memory_space<semaphore_mem>>) src(%arg9 : memref<40x1024xf32, #tpu.memory_space<vmem>>) dst(%dma_wait3A_558 : memref<32768x1024xf32, #tpu.memory_space<hbm>>)
    %dma_wait3A_559 = arith.constant 5 : i32
    %dma_wait3A_560 = arith.constant 0 : i32
    %dma_wait3A_561 = tpu.memref_slice %arg7[%dma_wait3A_559, %dma_wait3A_560] : memref<11x40xi32, #tpu.memory_space<vmem>> -> memref<1x40xi32, #tpu.memory_space<vmem>>
    %dma_wait3A_562 = tpu.memref_squeeze %dma_wait3A_561 : memref<1x40xi32, #tpu.memory_space<vmem>> -> memref<40xi32, #tpu.memory_space<vmem>>
    %dma_wait3A_563 = arith.constant 0 : i32
    %dma_wait3A_564 = arith.constant 0 : i32
    %dma_wait3A_565 = tpu.memref_slice %arg6[%dma_wait3A_563, %dma_wait3A_564] : memref<32768x1024xf32, #tpu.memory_space<hbm>> -> memref<32768x1024xf32, #tpu.memory_space<hbm>>
    tpu.wait_indirect_dma semaphore(%arg12 : memref<!tpu.dma_semaphore, #tpu.memory_space<semaphore_mem>>) src(%arg9 : memref<40x1024xf32, #tpu.memory_space<vmem>>) dst(%dma_wait3A_565 : memref<32768x1024xf32, #tpu.memory_space<hbm>>)
    %dma_wait3A_566 = arith.constant 6 : i32
    %dma_wait3A_567 = arith.constant 0 : i32
    %dma_wait3A_568 = tpu.memref_slice %arg7[%dma_wait3A_566, %dma_wait3A_567] : memref<11x40xi32, #tpu.memory_space<vmem>> -> memref<1x40xi32, #tpu.memory_space<vmem>>
    %dma_wait3A_569 = tpu.memref_squeeze %dma_wait3A_568 : memref<1x40xi32, #tpu.memory_space<vmem>> -> memref<40xi32, #tpu.memory_space<vmem>>
    %dma_wait3A_570 = arith.constant 0 : i32
    %dma_wait3A_571 = arith.constant 0 : i32
    %dma_wait3A_572 = tpu.memref_slice %arg6[%dma_wait3A_570, %dma_wait3A_571] : memref<32768x1024xf32, #tpu.memory_space<hbm>> -> memref<32768x1024xf32, #tpu.memory_space<hbm>>
    tpu.wait_indirect_dma semaphore(%arg12 : memref<!tpu.dma_semaphore, #tpu.memory_space<semaphore_mem>>) src(%arg9 : memref<40x1024xf32, #tpu.memory_space<vmem>>) dst(%dma_wait3A_572 : memref<32768x1024xf32, #tpu.memory_space<hbm>>)
    %dma_wait3A_573 = arith.constant 7 : i32
    %dma_wait3A_574 = arith.constant 0 : i32
    %dma_wait3A_575 = tpu.memref_slice %arg7[%dma_wait3A_573, %dma_wait3A_574] : memref<11x40xi32, #tpu.memory_space<vmem>> -> memref<1x40xi32, #tpu.memory_space<vmem>>
    %dma_wait3A_576 = tpu.memref_squeeze %dma_wait3A_575 : memref<1x40xi32, #tpu.memory_space<vmem>> -> memref<40xi32, #tpu.memory_space<vmem>>
    %dma_wait3A_577 = arith.constant 0 : i32
    %dma_wait3A_578 = arith.constant 0 : i32
    %dma_wait3A_579 = tpu.memref_slice %arg6[%dma_wait3A_577, %dma_wait3A_578] : memref<32768x1024xf32, #tpu.memory_space<hbm>> -> memref<32768x1024xf32, #tpu.memory_space<hbm>>
    tpu.wait_indirect_dma semaphore(%arg12 : memref<!tpu.dma_semaphore, #tpu.memory_space<semaphore_mem>>) src(%arg9 : memref<40x1024xf32, #tpu.memory_space<vmem>>) dst(%dma_wait3A_579 : memref<32768x1024xf32, #tpu.memory_space<hbm>>)
    %dma_wait3A_580 = arith.constant 8 : i32
    %dma_wait3A_581 = arith.constant 0 : i32
    %dma_wait3A_582 = tpu.memref_slice %arg7[%dma_wait3A_580, %dma_wait3A_581] : memref<11x40xi32, #tpu.memory_space<vmem>> -> memref<1x40xi32, #tpu.memory_space<vmem>>
    %dma_wait3A_583 = tpu.memref_squeeze %dma_wait3A_582 : memref<1x40xi32, #tpu.memory_space<vmem>> -> memref<40xi32, #tpu.memory_space<vmem>>
    %dma_wait3A_584 = arith.constant 0 : i32
    %dma_wait3A_585 = arith.constant 0 : i32
    %dma_wait3A_586 = tpu.memref_slice %arg6[%dma_wait3A_584, %dma_wait3A_585] : memref<32768x1024xf32, #tpu.memory_space<hbm>> -> memref<32768x1024xf32, #tpu.memory_space<hbm>>
    tpu.wait_indirect_dma semaphore(%arg12 : memref<!tpu.dma_semaphore, #tpu.memory_space<semaphore_mem>>) src(%arg9 : memref<40x1024xf32, #tpu.memory_space<vmem>>) dst(%dma_wait3A_586 : memref<32768x1024xf32, #tpu.memory_space<hbm>>)
    %dma_wait3A_587 = arith.constant 9 : i32
    %dma_wait3A_588 = arith.constant 0 : i32
    %dma_wait3A_589 = tpu.memref_slice %arg7[%dma_wait3A_587, %dma_wait3A_588] : memref<11x40xi32, #tpu.memory_space<vmem>> -> memref<1x40xi32, #tpu.memory_space<vmem>>
    %dma_wait3A_590 = tpu.memref_squeeze %dma_wait3A_589 : memref<1x40xi32, #tpu.memory_space<vmem>> -> memref<40xi32, #tpu.memory_space<vmem>>
    %dma_wait3A_591 = arith.constant 0 : i32
    %dma_wait3A_592 = arith.constant 0 : i32
    %dma_wait3A_593 = tpu.memref_slice %arg6[%dma_wait3A_591, %dma_wait3A_592] : memref<32768x1024xf32, #tpu.memory_space<hbm>> -> memref<32768x1024xf32, #tpu.memory_space<hbm>>
    tpu.wait_indirect_dma semaphore(%arg12 : memref<!tpu.dma_semaphore, #tpu.memory_space<semaphore_mem>>) src(%arg9 : memref<40x1024xf32, #tpu.memory_space<vmem>>) dst(%dma_wait3A_593 : memref<32768x1024xf32, #tpu.memory_space<hbm>>)
    %dma_wait3A_594 = arith.constant 10 : i32
    %dma_wait3A_595 = arith.constant 0 : i32
    %dma_wait3A_596 = tpu.memref_slice %arg7[%dma_wait3A_594, %dma_wait3A_595] : memref<11x40xi32, #tpu.memory_space<vmem>> -> memref<1x40xi32, #tpu.memory_space<vmem>>
    %dma_wait3A_597 = tpu.memref_squeeze %dma_wait3A_596 : memref<1x40xi32, #tpu.memory_space<vmem>> -> memref<40xi32, #tpu.memory_space<vmem>>
    %dma_wait3A_598 = arith.constant 0 : i32
    %dma_wait3A_599 = arith.constant 0 : i32
    %dma_wait3A_600 = tpu.memref_slice %arg6[%dma_wait3A_598, %dma_wait3A_599] : memref<32768x1024xf32, #tpu.memory_space<hbm>> -> memref<32768x1024xf32, #tpu.memory_space<hbm>>
    tpu.wait_indirect_dma semaphore(%arg12 : memref<!tpu.dma_semaphore, #tpu.memory_space<semaphore_mem>>) src(%arg9 : memref<40x1024xf32, #tpu.memory_space<vmem>>) dst(%dma_wait3A_600 : memref<32768x1024xf32, #tpu.memory_space<hbm>>)
    return
  }
}

</mosaic_0001>

<sc_bundles>
// kernel: kernel.3.cloned.1.call-start
scs
__scs_entry_jumppad:
0x0: {  	(pc) =	sbr.rel $0x88, $3  }
0x1: {  	(tag) =	ssettag $0x0;
	lr =	simm.s32 $0x1  }
0x2: {  	[smem:$0x3FA0] =	sst lr;
	_ =	strace $0xD0000000  }
0x3: {  	_ = 	snop  }
0x4: {  	_ = 	snop  }
0x5: {  	_ = 	snop  }
0x6: {  	_ = 	snop  }
0x7: {  	_ = 	snop  }
__scs_overlays_trampoline_lowered:
0x8: {  	[smem:$0x3FAF] =	sst s0  }
0x9: {  	[smem:$0x3FB0] =	sst s1  }
0xa: {  	[smem:$0x3FB1] =	sst s2  }
0xb: {  	[smem:$0x3FB2] =	sst s3  }
0xc: {  	[smem:$0x3FB3] =	sst s4  }
0xd: {  	[smem:$0x3FB4] =	sst s5  }
0xe: {  	[smem:$0x3FB5] =	sst s6  }
0xf: {  	[smem:$0x3FB6] =	sst s7  }
0x10: {  	[smem:$0x3FB7] =	sst s8  }
0x11: {  	[smem:$0x3FB8] =	sst s9;
	s0 =	simm.s32 @!p0 $0x0  }
0x12: {  	s1 =	sld [smem:$0x3F9E];
	s0 =	simm.s32 @p0 $0x1  }
0x13: {  	[smem:$0x3FB9] =	sst s0;
	s0 =	simm.s32 @!p1 $0x0  }
0x14: {  	s2 =	sld [smem:$0x3F9D];
	s0 =	simm.s32 @p1 $0x1  }
0x15: {  	[smem:$0x3FBA] =	sst s0;
	s0 =	simm.s32 @!p2 $0x0  }
0x16: {  	s3 =	sld [smem:$0x3FDB];
	s0 =	simm.s32 @p2 $0x1  }
0x17: {  	s4 =	simm.s32 $0x1BF5;
	[smem:$0x3FBC] =	sst s0  }
0x18: {  	s0 =	sld [smem:$0x3F9F];
	_ =	swait.ge [sflag:s4], $0x0  }
0x19: {  	s7 =	sld [smem:$0x3FA0]  }
0x1a: {  	s8 =	sadd.s32 $0xFFFFE003, lr  }
0x1b: {  	s9 =	sadd.s32 $0xFFFFFEF7, lr;
	s5 =	simm.s32 $0xFFFFFFFF;
	p2 =	slt.u32 s8, $0xFFFFF086  }
0x1c: {  	p1 =	slt.u32 s9, $0xF7A;
	s5 =	simm.s32 @!p2 $0x0  }
0x1d: {  	s5 =	simm.s32 @p1 $0x1;
	p0 =	seq.s32 s7, s2  }
0x1e: {  	s7 =	smul.u32 @!p0 $0xF7A, s2;
	p2 =	seq.s32 @!p0 s5, $0x0  }
0x1f: {  	s9 =	smul.u32 $0xF7A, s1;
	s8 =	simm.s32 @!p0 $0x1BF5;
	p2 =	por !p2, p0  }
0x20: {  	[sflag:s8] =	ssyncset.s32 @!p0 $0xFFFFF086;
	s6 =	sadd.s32 @!p0 s3, s7;
	s7 =	simm.s32 @!p0 $0x108  }
0x21: {  	s3 =	sadd.s32 s3, s9;
	s6 =	sadd.s32 @!p0 $0x88, s6;
	s7 =	simm.s32 @p2 $0x1082  }
0x22: {  	[simem:s7], [sflag:s8] =	dma.local @!p0 [hbm:s6], $0xF7A  }
0x23: {  	s9 =	sor.u32 $0xD0000000, s2;
	s6 =	simm.s32 $0x108;
	_ =	swait.ge @!p0 [sflag:s8], $0x0  }
0x24: {  	s3 =	sadd.s32 $0x88, s3;
	s6 =	simm.s32 @!p1 $0x1082;
	[sflag:s4] =	ssyncset.s32 $0xFFFFF086  }
0x25: {  	[simem:s6], [sflag:s4] =	dma.local [hbm:s3], $0xF7A  }
0x26: {  	[smem:$0x3FA0] =	sst s1;
	(tag) =	ssettag s2;
	_ =	strace s9  }
0x27: {  	s1 =	sld [smem:$0x3FB0]  }
0x28: {  	s2 =	sld [smem:$0x3FB1]  }
0x29: {  	s4 =	sld [smem:$0x3FB3]  }
0x2a: {  	p0 =	seq.s32 s5, $0x0;
	s5 =	sld [smem:$0x3FB4]  }
0x2b: {  	s6 =	sld [smem:$0x3FB5]  }
0x2c: {  	s7 =	sld [smem:$0x3FB6]  }
0x2d: {  	s3 =	simm.s32 $0x108;
	s8 =	sld [smem:$0x3FB7]  }
0x2e: {  	s3 =	simm.s32 @!p0 $0x1082;
	s9 =	sld [smem:$0x3FB8]  }
0x2f: {  	lr =	sadd.s32 s0, s3;
	s0 =	sld [smem:$0x3FAF]  }
0x30: {  	s3 =	sld [smem:$0x3FB2]  }
0x31: {  	[smem:$0x3FBB] =	sst s10  }
0x32: {  	s10 =	sld [smem:$0x3FB9];
	_ =	sdelay $0x3  }
0x33: {  	p0 =	seq.s32 s10, $0x1;
	s10 =	sld [smem:$0x3FBB];
	_ =	sdelay $0x3  }
0x34: {  	[smem:$0x3FBB] =	sst s10  }
0x35: {  	s10 =	sld [smem:$0x3FBA];
	_ =	sdelay $0x3  }
0x36: {  	p1 =	seq.s32 s10, $0x1;
	s10 =	sld [smem:$0x3FBB];
	_ =	sdelay $0x3  }
0x37: {  	[smem:$0x3FBB] =	sst s10  }
0x38: {  	s10 =	sld [smem:$0x3FBC]  }
0x39: {  	_ = 	snop;
	(pc) =	sbr.ind lr, $3  }
0x3a: {  	_ = 	snop  }
0x3b: {  	_ = 	snop  }
0x3c: {  	p2 =	seq.s32 s10, $0x1;
	s10 =	sld [smem:$0x3FBB]  }
0x3d: {  	_ =	shalt  }
0x3e: {  	_ =	shalt  }
0x3f: {  	_ =	shalt  }
0x40: {  	_ =	shalt  }
0x41: {  	_ =	shalt  }
0x42: {  	_ =	shalt  }
0x43: {  	_ =	shalt  }
0x44: {  	_ =	shalt  }
0x45: {  	_ =	shalt  }
0x46: {  	_ =	shalt  }
0x47: {  	_ =	shalt  }
0x48: {  	_ =	shalt  }
0x49: {  	_ =	shalt  }
0x4a: {  	_ =	shalt  }
0x4b: {  	_ =	shalt  }
0x4c: {  	_ =	shalt  }
0x4d: {  	_ =	shalt  }
0x4e: {  	_ =	shalt  }
0x4f: {  	_ =	shalt  }
0x50: {  	_ =	shalt  }
0x51: {  	_ =	shalt  }
0x52: {  	_ =	shalt  }
0x53: {  	_ =	shalt  }
0x54: {  	_ =	shalt  }
0x55: {  	_ =	shalt  }
0x56: {  	_ =	shalt  }
0x57: {  	_ =	shalt  }
0x58: {  	_ =	shalt  }
0x59: {  	_ =	shalt  }
0x5a: {  	_ =	shalt  }
0x5b: {  	_ =	shalt  }
0x5c: {  	_ =	shalt  }
0x5d: {  	_ =	shalt  }
0x5e: {  	_ =	shalt  }
0x5f: {  	_ =	shalt  }
0x60: {  	_ =	shalt  }
0x61: {  	_ =	shalt  }
0x62: {  	_ =	shalt  }
0x63: {  	_ =	shalt  }
0x64: {  	_ =	shalt  }
0x65: {  	_ =	shalt  }
0x66: {  	_ =	shalt  }
0x67: {  	_ =	shalt  }
0x68: {  	_ =	shalt  }
0x69: {  	_ =	shalt  }
0x6a: {  	_ =	shalt  }
0x6b: {  	_ =	shalt  }
0x6c: {  	_ =	shalt  }
0x6d: {  	_ =	shalt  }
0x6e: {  	_ =	shalt  }
0x6f: {  	_ =	shalt  }
0x70: {  	_ =	shalt  }
0x71: {  	_ =	shalt  }
0x72: {  	_ =	shalt  }
0x73: {  	_ =	shalt  }
0x74: {  	_ =	shalt  }
0x75: {  	_ =	shalt  }
0x76: {  	_ =	shalt  }
0x77: {  	_ =	shalt  }
0x78: {  	_ =	shalt  }
0x79: {  	_ =	shalt  }
0x7a: {  	_ =	shalt  }
0x7b: {  	_ =	shalt  }
0x7c: {  	_ =	shalt  }
0x7d: {  	_ =	shalt  }
0x7e: {  	_ =	shalt  }
0x7f: {  	_ =	shalt  }
0x80: {  	_ =	shalt  }
0x81: {  	_ =	shalt  }
0x82: {  	_ =	shalt  }
0x83: {  	_ =	shalt  }
0x84: {  	_ =	shalt  }
0x85: {  	_ =	shalt  }
0x86: {  	_ =	shalt  }
0x87: {  	_ =	shalt  }
.Lfunc_end0:
.L_simem_size_0:
called_computation_lowered:
.L_overlay_start_0:
0x88: {  	s2 =	sld [smem:$0x3FD9]  }
0x89: {  	s3 =	sld [smem:$0x3FFE];
	_ =	sdelay $0x1  }
0x8a: {  	s1 =	srdreg.scid  }
0x8b: {  	s0 =	sand.u32 $0x1, s1  }
0x8c: {  	s17 =	sshll.u32 s0, $0xA;
	s2 =	sadd.s32 s3, s2  }
0x8d: {  	s2 =	sadd.s32 s2, s17  }
0x8e: {  	[smem:$0x3FC7] =	sst s2  }
0x8f: {  	_ = 	snop  }
0x90: {  	s2 =	sld [smem:$0x3FC9]  }
0x91: {  	s18 =	sld [smem:$0x3FD0];
	(tm) =	ssettm $0x1  }
0x92: {  	s4 =	sld [smem:$0x3FFB];
	_ =	sdelay $0x3  }
0x93: {  	_ =	strace s4  }
0x94: {  	s4 =	sld [smem:$0x3FFC];
	_ =	sdelay $0x3  }
0x95: {  	_ =	strace s4  }
0x96: {  	s4 =	sld [smem:$0x3FFD];
	_ =	sdelay $0x3  }
0x97: {  	_ =	strace s4  }
0x98: {  	_ =	strace $0x8FFFFFFF  }
0x99: {  	s19 =	sld [smem:$0x3FDB];
	_ =	sdelay $0x1  }
0x9a: {  	s5 =	simm.s32 $_scs_section_size  }
0x9b: {  	s6 =	simm.s32 $_size__tile_overlayer_lowered;
	s7 =	simm.s32 $_tile_overlayer_lowered  }
0x9c: {  	s22 =	simm.s32 $0x1BFF;
	s21 =	sshll.u32 s7, $0x1;
	s4 =	sadd.s32 s5, s19  }
0x9d: {  	s8 =	simm.s32 $0x0;
	s20 =	sshll.u32 s6, $0x1;
	s6 =	sadd.s32 s21, s4  }
0x9e: {  	[timem:s8], [sflag:s22] =	dma.local [hbm:s6], s20  }
0x9f: {  	_ =	swait.ge [sflag:s22], s20  }
0xa0: {  	s5 =	ssub.s32 $0x0, s20;
	[sflag:s22] =	ssyncset.done $0x0  }
0xa1: {  	[sflag:s22] =	ssyncadd.s32 s5;
	_ =	sdelay $0x1  }
0xa2: {  	s23 =	simm.s32 $0x1B8B  }
0xa3: {  	_ =	swait.ge [sflag:s23], $0x1  }
0xa4: {  	[sflag:s23] =	ssyncset.done $0x0  }
0xa5: {  	s25 =	simm.s32 $0x1B8E;
	s24 =	sld [smem:$0x3FFE];
	[sflag:s23] =	ssyncadd.s32 $0xFFFFFFFF  }
0xa6: {  	s26 =	simm.s32 $execute0_lowered;
	[smem:$0x3FD2] =	sst s25  }
0xa7: {  	s6 =	sshll.u32 s26, $0x1;
	_ =	strace $0x80000046;
	[dreg:$0x1] =	wrdreg $0xFFFFFFFF  }
0xa8: {  	s28 =	simm.s32 $_size_execute0_lowered;
	s4 =	sadd.s32 s4, s6;
	[dreg:$0x0] =	wrdreg $0x0  }
0xa9: {  	s6 =	sshll.u32 s28, $0x1;
	[dreg:$0x2] =	wrdreg s4  }
0xaa: {  	[dreg:$0x3] =	wrdreg s6  }
0xab: {  	[dreg:$0x4] =	wrdreg $0xC0  }
0xac: {  	_ =	task [dreg:s8], $0x5FFFF  }
0xad: {  	[dreg:$0x1] =	wrdreg $0xFFFFFFFF  }
0xae: {  	[dreg:$0x0] =	wrdreg $0x60  }
0xaf: {  	[dreg:$0x2] =	wrdreg s2  }
0xb0: {  	[dreg:$0x3] =	wrdreg s24  }
0xb1: {  	[dreg:$0x4] =	wrdreg s18  }
0xb2: {  	[dreg:$0x5] =	wrdreg $0x9  }
0xb3: {  	_ =	task.clear_ibuf [dreg:s8], $0x6FFFF;
	_ =	strace $0x90000046  }
0xb4: {  	s29 =	simm.s32 $0x9;
	_ =	strace $0x80000048  }
0xb5: {  	_ =	swait.ge [sflag:s29], $0x1  }
0xb6: {  	[sflag:s29] =	ssyncadd.s32 $0xFFFFFFFF  }
0xb7: {  	_ =	strace $0x90000048  }
0xb8: {  	_ =	sfence  }
0xb9: {  	s30 =	sld [smem:$0x0];
	_ =	sdelay $0x2  }
0xba: {  	s31 =	sshll.u32 s1, $0xD;
	s1 =	sshrl.u32 s1, $0x2  }
0xbb: {  	s3 =	sand.u32 $0x4000, s31;
	s1 =	sadd.s32 s1, s30  }
0xbc: {  	s0 =	sor.u32 s3, s0;
	s1 =	sshll.u32 s1, $0x11  }
0xbd: {  	s0 =	sor.u32 s1, s0  }
0xbe: {  	s0 =	sadd.s32 $0x8F2B, s0  }
0xbf: {  	[sflag:s0] =	ssyncadd.remote.s32 $0x1  }
0xc0: {  	_ =	sfence.sel $0xFFFF  }
0xc1: {  	[dreg:$0x0] =	wrdreg $0xFFFFFFFF;
	(pc) =	sbr.abs _section_cstart, $3  }
0xc2: {  	[dreg:$0x1] =	wrdreg $0xFFFFFFFF  }
0xc3: {  	_ =	task.clear_ibuf [dreg:s8], $0x2FFFF;
	_ =	strace $0x9FFFFFFF  }
0xc4: {  	(tm) =	ssettm $0x7FFFFFFF  }
0xc5: {  	_ =	shalt  }
tec
execute0_lowered:
.L_overlay_start_1:
0x0: {  	(tag) =	ssettag $0x1  }
0x1: {  	s1 =	rddreg [dreg:$0x0]  }
0x2: {  	s0 =	rddreg [dreg:$0x1]  }
0x3: {  	s3 =	rddreg [dreg:$0x2];
	s2 =	srdreg.scid  }
0x4: {  	s5 =	stileid.u32;
	s4 =	simm.s32 $0x0;
	s31 =	simm.s32 $0x800  }
0x5: {  	s2 =	sand.u32 $0x1, s2;
	s5 =	sshll.u32 s5, $0x9;
	[smem:$0x7FF] =	sst s4  }
0x6: {  	s7 =	sadd.s32 $0x300, s1;
	s8 =	sadd.s32 $0x100, s3;
	s9 =	sadd.s32 $0x200, s3  }
0x7: {  	s10 =	sadd.s32 $0x300, s3;
	s6 =	sshll.u32 s2, $0x8;
	_ =	strace $0x80000047  }
0x8: {  	s26 =	ssub.s32 $0x2, s2;
	[dreg:$0x7] =	wrdreg s31;
	s5 =	sor.u32 s6, s5  }
0x9: {  	s29 =	sshrl.u32 s26, $0x1;
	s5 =	sadd.s32 s5, s0;
	s0 =	sadd.s32 $0x4400, s0  }
0xa: {  	v2 =	vlaneseq.u32;
	s6 =	sadd.s32 $0x200, s1;
	[dreg:$0x4] =	wrdreg s0;
	s28 =	sadd.s32 $0x2400, s5  }
0xb: {  	vm0 =	vmmov $0xffff;
	v1 =	vshrl.u32 v2, $0x3;
	s30 =	sadd.s32 $0x400, s5;
	s0 =	ssub.s32 s26, s29;
	[dreg:$0x5] =	wrdreg s28  }
0xc: {  	v0 =	vand.u32 $0x7, v2;
	v2 =	vor.u32 $0x8, v2;
	v1 =	vmul.u32 $0x8, v1;
	s5 =	sadd.s32 $0x100, s1;
	[dreg:$0x6] =	wrdreg s30;
	s0 =	smax.u32 s0, $0x1  }
.LBB2_1:
0xd: {  	[dreg:$0x8] =	wrdreg s0  }
0xe: {  	s11 =	rddreg [dreg:$0x5];
	s16 =	simm.s32 $0x4  }
0xf: {  	[tilespmem:s4], [sflag:$0x4] =	stream.linear.gather [hbm4b:s11+s4], $0x580, $0x38;
	[tilespmem:$0x1F000] =	vst v63  }
0x10: {  	_ =	swait.ge [sflag:s16], $0x580  }
0x11: {  	s22 =	rddreg [dreg:$0x6];
	[sflag:s16] =	ssyncset.done $0x0  }
0x12: {  	s14 =	rddreg [dreg:$0x7];
	[sflag:s16] =	ssyncadd.s32 $0xFFFFFA80  }
0x13: {  	[tilespmem:s14], [sflag:$0x4] =	stream.linear.gather [hbm4b:s22+s4], $0x800, $0x38;
	[tilespmem:$0x1F000] =	vst v63  }
0x14: {  	_ =	swait.ge [sflag:s16], $0x800  }
0x15: {  	[sflag:s16] =	ssyncset.done $0x0  }
0x16: {  	s24 =	simm.s32 $0x1000;
	s23 =	rddreg [dreg:$0x4];
	[sflag:s16] =	ssyncadd.s32 $0xFFFFF800  }
0x17: {  	[tilespmem:s24], [sflag:$0x4] =	stream.linear.gather [hbm4b:s23+s4], $0xA000, $0x38;
	[tilespmem:$0x1F000] =	vst v63  }
0x18: {  	_ =	swait.ge [sflag:s16], $0xA000  }
0x19: {  	[sflag:s16] =	ssyncset.done $0x0  }
0x1a: {  	[sflag:s16] =	ssyncadd.s32 $0xFFFF6000  }
0x1b: {  	v3 =	vld [tilespmem:$0x800];
	_ =	sdelay $0x4  }
0x1c: {  	v4 =	vshll.u32 v3, $0x3  }
0x1d: {  	v3 =	vand.u32 $0x7, v3;
	v4 =	vand.u32 $0xFFFFFFC0, v4  }
0x1e: {  	v3 =	vor.u32 v3, v4  }
0x1f: {  	v4 =	vperm.xlane v3, v0;
	_ =	sdelay $0x1  }
0x20: {  	v4 =	vadd.s32 v1, v4;
	_ =	sdelay $0x3  }
0x21: {  	s25 =	simm.s32 $0xB000  }
0x22: {  	[tilespmem:s25], [sflag:$0x2] =	stream.indirect_vreg.gather [hbm4b:s1+s4], $0x80, v4, vm0, $0xb8;
	[tilespmem:$0x1F000] =	vst v63  }
0x23: {  	s26 =	simm.s32 $0xB800;
	v3 =	vperm.xlane v3, v2  }
0x24: {  	[tilespmem:s26], [sflag:$0x2] =	stream.indirect_vreg.gather [hbm4b:s5+s4], $0x80, v4, vm0, $0xb8;
	[tilespmem:$0x1F000] =	vst v63  }
0x25: {  	s28 =	simm.s32 $0xC000;
	v3 =	vadd.s32 v1, v3  }
0x26: {  	[tilespmem:s28], [sflag:$0x2] =	stream.indirect_vreg.gather [hbm4b:s6+s4], $0x80, v4, vm0, $0xb8;
	[tilespmem:$0x1F000] =	vst v63  }
0x27: {  	s29 =	simm.s32 $0xC800  }
0x28: {  	[tilespmem:s29], [sflag:$0x2] =	stream.indirect_vreg.gather [hbm4b:s7+s4], $0x80, v4, vm0, $0xb8;
	[tilespmem:$0x1F000] =	vst v63  }
0x29: {  	s30 =	simm.s32 $0xD000  }
0x2a: {  	[tilespmem:s30], [sflag:$0x2] =	stream.indirect_vreg.gather [hbm4b:s1+s4], $0x80, v3, vm0, $0xb8;
	[tilespmem:$0x1F000] =	vst v63  }
0x2b: {  	s31 =	simm.s32 $0xD800  }
0x2c: {  	[tilespmem:s31], [sflag:$0x2] =	stream.indirect_vreg.gather [hbm4b:s5+s4], $0x80, v3, vm0, $0xb8;
	[tilespmem:$0x1F000] =	vst v63  }
0x2d: {  	s11 =	simm.s32 $0xE000  }
0x2e: {  	[tilespmem:s11], [sflag:$0x2] =	stream.indirect_vreg.gather [hbm4b:s6+s4], $0x80, v3, vm0, $0xb8;
	[tilespmem:$0x1F000] =	vst v63  }
0x2f: {  	s12 =	simm.s32 $0xE800  }
0x30: {  	[tilespmem:s12], [sflag:$0x2] =	stream.indirect_vreg.gather [hbm4b:s7+s4], $0x80, v3, vm0, $0xb8;
	[tilespmem:$0x1F000] =	vst v63  }
0x31: {  	v3 =	vld [tilespmem:$0x810];
	_ =	sdelay $0x4  }
0x32: {  	v48 =	vshll.u32 v3, $0x3  }
0x33: {  	v3 =	vand.u32 $0x7, v3;
	v4 =	vand.u32 $0xFFFFFFC0, v48  }
0x34: {  	v3 =	vor.u32 v3, v4  }
0x35: {  	v4 =	vperm.xlane v3, v0;
	_ =	sdelay $0x1  }
0x36: {  	v4 =	vadd.s32 v1, v4;
	_ =	sdelay $0x3  }
0x37: {  	s13 =	simm.s32 $0xF000  }
0x38: {  	[tilespmem:s13], [sflag:$0x2] =	stream.indirect_vreg.gather [hbm4b:s1+s4], $0x80, v4, vm0, $0xb8;
	[tilespmem:$0x1F000] =	vst v63  }
0x39: {  	s15 =	simm.s32 $0xF800;
	v3 =	vperm.xlane v3, v2  }
0x3a: {  	[tilespmem:s15], [sflag:$0x2] =	stream.indirect_vreg.gather [hbm4b:s5+s4], $0x80, v4, vm0, $0xb8;
	[tilespmem:$0x1F000] =	vst v63  }
0x3b: {  	s16 =	simm.s32 $0x10000;
	v3 =	vadd.s32 v1, v3  }
0x3c: {  	[tilespmem:s16], [sflag:$0x2] =	stream.indirect_vreg.gather [hbm4b:s6+s4], $0x80, v4, vm0, $0xb8;
	[tilespmem:$0x1F000] =	vst v63  }
0x3d: {  	s17 =	simm.s32 $0x10800  }
0x3e: {  	[tilespmem:s17], [sflag:$0x2] =	stream.indirect_vreg.gather [hbm4b:s7+s4], $0x80, v4, vm0, $0xb8;
	[tilespmem:$0x1F000] =	vst v63  }
0x3f: {  	s18 =	simm.s32 $0x11000  }
0x40: {  	[tilespmem:s18], [sflag:$0x2] =	stream.indirect_vreg.gather [hbm4b:s1+s4], $0x80, v3, vm0, $0xb8;
	[tilespmem:$0x1F000] =	vst v63  }
0x41: {  	s19 =	simm.s32 $0x11800  }
0x42: {  	[tilespmem:s19], [sflag:$0x2] =	stream.indirect_vreg.gather [hbm4b:s5+s4], $0x80, v3, vm0, $0xb8;
	[tilespmem:$0x1F000] =	vst v63  }
0x43: {  	s20 =	simm.s32 $0x12000  }
0x44: {  	[tilespmem:s20], [sflag:$0x2] =	stream.indirect_vreg.gather [hbm4b:s6+s4], $0x80, v3, vm0, $0xb8;
	[tilespmem:$0x1F000] =	vst v63  }
0x45: {  	s21 =	simm.s32 $0x12800  }
0x46: {  	[tilespmem:s21], [sflag:$0x2] =	stream.indirect_vreg.gather [hbm4b:s7+s4], $0x80, v3, vm0, $0xb8;
	[tilespmem:$0x1F000] =	vst v63  }
0x47: {  	v3 =	vld.msk [tilespmem:$0x820], $0xff;
	_ =	sdelay $0x4  }
0x48: {  	v49 =	vshll.u32 v3, $0x3  }
0x49: {  	v3 =	vand.u32 $0x7, v3;
	v4 =	vand.u32 $0xFFFFFFC0, v49  }
0x4a: {  	v3 =	vor.u32 v3, v4  }
0x4b: {  	v3 =	vperm.xlane v3, v0;
	_ =	sdelay $0x1  }
0x4c: {  	v3 =	vadd.s32 v1, v3;
	_ =	sdelay $0x3  }
0x4d: {  	s22 =	simm.s32 $0x13000  }
0x4e: {  	[tilespmem:s22], [sflag:$0x2] =	stream.indirect_vreg.gather [hbm4b:s1+s4], $0x80, v3, vm0, $0xb8;
	[tilespmem:$0x1F000] =	vst v63  }
0x4f: {  	s23 =	simm.s32 $0x13800  }
0x50: {  	[tilespmem:s23], [sflag:$0x2] =	stream.indirect_vreg.gather [hbm4b:s5+s4], $0x80, v3, vm0, $0xb8;
	[tilespmem:$0x1F000] =	vst v63  }
0x51: {  	s24 =	simm.s32 $0x14000  }
0x52: {  	[tilespmem:s24], [sflag:$0x2] =	stream.indirect_vreg.gather [hbm4b:s6+s4], $0x80, v3, vm0, $0xb8;
	[tilespmem:$0x1F000] =	vst v63  }
0x53: {  	s25 =	simm.s32 $0x14800  }
0x54: {  	[tilespmem:s25], [sflag:$0x2] =	stream.indirect_vreg.gather [hbm4b:s7+s4], $0x80, v3, vm0, $0xb8;
	[tilespmem:$0x1F000] =	vst v63  }
0x55: {  	v3 =	vld [tilespmem:$0x0];
	_ =	sdelay $0x4  }
0x56: {  	v50 =	vshll.u32 v3, $0x3  }
0x57: {  	v3 =	vand.u32 $0x7, v3;
	v4 =	vand.u32 $0xFFFFFFC0, v50  }
0x58: {  	v3 =	vor.u32 v3, v4  }
0x59: {  	v4 =	vperm.xlane v3, v0;
	_ =	sdelay $0x1  }
0x5a: {  	v4 =	vadd.s32 v1, v4;
	_ =	sdelay $0x3  }
0x5b: {  	s2 =	simm.s32 $0x1000  }
0x5c: {  	[hbm4b:s3+s4] =	stream.indirect_vreg.scatter [tilespmem:s2], [sflag:$0x1], $0x80, v4, vm0, $0xb8;
	[tilespmem:$0x1F000] =	vst v63  }
0x5d: {  	s26 =	simm.s32 $0x1800;
	v3 =	vperm.xlane v3, v2  }
0x5e: {  	[hbm4b:s8+s4] =	stream.indirect_vreg.scatter [tilespmem:s26], [sflag:$0x1], $0x80, v4, vm0, $0xb8;
	[tilespmem:$0x1F000] =	vst v63  }
0x5f: {  	s28 =	simm.s32 $0x2000;
	v3 =	vadd.s32 v1, v3  }
0x60: {  	[hbm4b:s9+s4] =	stream.indirect_vreg.scatter [tilespmem:s28], [sflag:$0x1], $0x80, v4, vm0, $0xb8;
	[tilespmem:$0x1F000] =	vst v63  }
0x61: {  	s29 =	simm.s32 $0x2800  }
0x62: {  	[hbm4b:s10+s4] =	stream.indirect_vreg.scatter [tilespmem:s29], [sflag:$0x1], $0x80, v4, vm0, $0xb8;
	[tilespmem:$0x1F000] =	vst v63  }
0x63: {  	s30 =	simm.s32 $0x3000  }
0x64: {  	[hbm4b:s3+s4] =	stream.indirect_vreg.scatter [tilespmem:s30], [sflag:$0x1], $0x80, v3, vm0, $0xb8;
	[tilespmem:$0x1F000] =	vst v63  }
0x65: {  	s31 =	simm.s32 $0x3800  }
0x66: {  	[hbm4b:s8+s4] =	stream.indirect_vreg.scatter [tilespmem:s31], [sflag:$0x1], $0x80, v3, vm0, $0xb8;
	[tilespmem:$0x1F000] =	vst v63  }
0x67: {  	s2 =	simm.s32 $0x4000  }
0x68: {  	[hbm4b:s9+s4] =	stream.indirect_vreg.scatter [tilespmem:s2], [sflag:$0x1], $0x80, v3, vm0, $0xb8;
	[tilespmem:$0x1F000] =	vst v63  }
0x69: {  	s11 =	simm.s32 $0x4800  }
0x6a: {  	[hbm4b:s10+s4] =	stream.indirect_vreg.scatter [tilespmem:s11], [sflag:$0x1], $0x80, v3, vm0, $0xb8;
	[tilespmem:$0x1F000] =	vst v63  }
0x6b: {  	v3 =	vld [tilespmem:$0x10];
	_ =	sdelay $0x4  }
0x6c: {  	v51 =	vshll.u32 v3, $0x3  }
0x6d: {  	v3 =	vand.u32 $0x7, v3;
	v4 =	vand.u32 $0xFFFFFFC0, v51  }
0x6e: {  	v3 =	vor.u32 v3, v4  }
0x6f: {  	v4 =	vperm.xlane v3, v0;
	_ =	sdelay $0x1  }
0x70: {  	v4 =	vadd.s32 v1, v4;
	_ =	sdelay $0x3  }
0x71: {  	s13 =	simm.s32 $0x5000  }
0x72: {  	[hbm4b:s3+s4] =	stream.indirect_vreg.scatter [tilespmem:s13], [sflag:$0x1], $0x80, v4, vm0, $0xb8;
	[tilespmem:$0x1F000] =	vst v63  }
0x73: {  	s15 =	simm.s32 $0x5800;
	v3 =	vperm.xlane v3, v2  }
0x74: {  	[hbm4b:s8+s4] =	stream.indirect_vreg.scatter [tilespmem:s15], [sflag:$0x1], $0x80, v4, vm0, $0xb8;
	[tilespmem:$0x1F000] =	vst v63  }
0x75: {  	s16 =	simm.s32 $0x6000;
	v3 =	vadd.s32 v1, v3  }
0x76: {  	[hbm4b:s9+s4] =	stream.indirect_vreg.scatter [tilespmem:s16], [sflag:$0x1], $0x80, v4, vm0, $0xb8;
	[tilespmem:$0x1F000] =	vst v63  }
0x77: {  	s17 =	simm.s32 $0x6800  }
0x78: {  	[hbm4b:s10+s4] =	stream.indirect_vreg.scatter [tilespmem:s17], [sflag:$0x1], $0x80, v4, vm0, $0xb8;
	[tilespmem:$0x1F000] =	vst v63  }
0x79: {  	s18 =	simm.s32 $0x7000  }
0x7a: {  	[hbm4b:s3+s4] =	stream.indirect_vreg.scatter [tilespmem:s18], [sflag:$0x1], $0x80, v3, vm0, $0xb8;
	[tilespmem:$0x1F000] =	vst v63  }
0x7b: {  	s19 =	simm.s32 $0x7800  }
0x7c: {  	[hbm4b:s8+s4] =	stream.indirect_vreg.scatter [tilespmem:s19], [sflag:$0x1], $0x80, v3, vm0, $0xb8;
	[tilespmem:$0x1F000] =	vst v63  }
0x7d: {  	s20 =	simm.s32 $0x8000  }
0x7e: {  	[hbm4b:s9+s4] =	stream.indirect_vreg.scatter [tilespmem:s20], [sflag:$0x1], $0x80, v3, vm0, $0xb8;
	[tilespmem:$0x1F000] =	vst v63  }
0x7f: {  	s21 =	simm.s32 $0x8800  }
0x80: {  	[hbm4b:s10+s4] =	stream.indirect_vreg.scatter [tilespmem:s21], [sflag:$0x1], $0x80, v3, vm0, $0xb8;
	[tilespmem:$0x1F000] =	vst v63  }
0x81: {  	v3 =	vld.msk [tilespmem:$0x20], $0xff;
	_ =	sdelay $0x4  }
0x82: {  	v52 =	vshll.u32 v3, $0x3  }
0x83: {  	v3 =	vand.u32 $0x7, v3;
	v4 =	vand.u32 $0xFFFFFFC0, v52  }
0x84: {  	v3 =	vor.u32 v3, v4  }
0x85: {  	v3 =	vperm.xlane v3, v0;
	_ =	sdelay $0x1  }
0x86: {  	v3 =	vadd.s32 v1, v3;
	_ =	sdelay $0x3  }
0x87: {  	s22 =	simm.s32 $0x9000  }
0x88: {  	[hbm4b:s3+s4] =	stream.indirect_vreg.scatter [tilespmem:s22], [sflag:$0x1], $0x80, v3, vm0, $0xb8;
	[tilespmem:$0x1F000] =	vst v63  }
0x89: {  	s23 =	simm.s32 $0x9800  }
0x8a: {  	[hbm4b:s8+s4] =	stream.indirect_vreg.scatter [tilespmem:s23], [sflag:$0x1], $0x80, v3, vm0, $0xb8;
	[tilespmem:$0x1F000] =	vst v63  }
0x8b: {  	s24 =	simm.s32 $0xA000  }
0x8c: {  	[hbm4b:s9+s4] =	stream.indirect_vreg.scatter [tilespmem:s24], [sflag:$0x1], $0x80, v3, vm0, $0xb8;
	[tilespmem:$0x1F000] =	vst v63  }
0x8d: {  	s25 =	simm.s32 $0xA800  }
0x8e: {  	[hbm4b:s10+s4] =	stream.indirect_vreg.scatter [tilespmem:s25], [sflag:$0x1], $0x80, v3, vm0, $0xb8;
	[tilespmem:$0x1F000] =	vst v63  }
0x8f: {  	v3 =	vld [tilespmem:$0x880];
	_ =	sdelay $0x4  }
0x90: {  	v53 =	vshll.u32 v3, $0x3  }
0x91: {  	v3 =	vand.u32 $0x7, v3;
	v4 =	vand.u32 $0xFFFFFFC0, v53  }
0x92: {  	v3 =	vor.u32 v3, v4  }
0x93: {  	v4 =	vperm.xlane v3, v0;
	_ =	sdelay $0x1  }
0x94: {  	v4 =	vadd.s32 v1, v4;
	_ =	sdelay $0x3  }
0x95: {  	s26 =	simm.s32 $0x15000  }
0x96: {  	[tilespmem:s26], [sflag:$0x2] =	stream.indirect_vreg.gather [hbm4b:s1+s4], $0x80, v4, vm0, $0xb8;
	[tilespmem:$0x1F000] =	vst v63  }
0x97: {  	s28 =	simm.s32 $0x15800;
	v3 =	vperm.xlane v3, v2  }
0x98: {  	[tilespmem:s28], [sflag:$0x2] =	stream.indirect_vreg.gather [hbm4b:s5+s4], $0x80, v4, vm0, $0xb8;
	[tilespmem:$0x1F000] =	vst v63  }
0x99: {  	s29 =	simm.s32 $0x16000;
	v3 =	vadd.s32 v1, v3  }
0x9a: {  	[tilespmem:s29], [sflag:$0x2] =	stream.indirect_vreg.gather [hbm4b:s6+s4], $0x80, v4, vm0, $0xb8;
	[tilespmem:$0x1F000] =	vst v63  }
0x9b: {  	s31 =	simm.s32 $0x16800  }
0x9c: {  	[tilespmem:s31], [sflag:$0x2] =	stream.indirect_vreg.gather [hbm4b:s7+s4], $0x80, v4, vm0, $0xb8;
	[tilespmem:$0x1F000] =	vst v63  }
0x9d: {  	s2 =	simm.s32 $0x17000  }
0x9e: {  	[tilespmem:s2], [sflag:$0x2] =	stream.indirect_vreg.gather [hbm4b:s1+s4], $0x80, v3, vm0, $0xb8;
	[tilespmem:$0x1F000] =	vst v63  }
0x9f: {  	s11 =	simm.s32 $0x17800  }
0xa0: {  	[tilespmem:s11], [sflag:$0x2] =	stream.indirect_vreg.gather [hbm4b:s5+s4], $0x80, v3, vm0, $0xb8;
	[tilespmem:$0x1F000] =	vst v63  }
0xa1: {  	s13 =	simm.s32 $0x18000  }
0xa2: {  	[tilespmem:s13], [sflag:$0x2] =	stream.indirect_vreg.gather [hbm4b:s6+s4], $0x80, v3, vm0, $0xb8;
	[tilespmem:$0x1F000] =	vst v63  }
0xa3: {  	s15 =	simm.s32 $0x18800  }
0xa4: {  	[tilespmem:s15], [sflag:$0x2] =	stream.indirect_vreg.gather [hbm4b:s7+s4], $0x80, v3, vm0, $0xb8;
	[tilespmem:$0x1F000] =	vst v63  }
0xa5: {  	v3 =	vld [tilespmem:$0x890];
	_ =	sdelay $0x4  }
0xa6: {  	v54 =	vshll.u32 v3, $0x3  }
0xa7: {  	v3 =	vand.u32 $0x7, v3;
	v4 =	vand.u32 $0xFFFFFFC0, v54  }
0xa8: {  	v3 =	vor.u32 v3, v4  }
0xa9: {  	v4 =	vperm.xlane v3, v0;
	_ =	sdelay $0x1  }
0xaa: {  	v4 =	vadd.s32 v1, v4;
	_ =	sdelay $0x3  }
0xab: {  	s16 =	simm.s32 $0x19000  }
0xac: {  	[tilespmem:s16], [sflag:$0x2] =	stream.indirect_vreg.gather [hbm4b:s1+s4], $0x80, v4, vm0, $0xb8;
	[tilespmem:$0x1F000] =	vst v63  }
0xad: {  	s17 =	simm.s32 $0x19800;
	v3 =	vperm.xlane v3, v2  }
0xae: {  	[tilespmem:s17], [sflag:$0x2] =	stream.indirect_vreg.gather [hbm4b:s5+s4], $0x80, v4, vm0, $0xb8;
	[tilespmem:$0x1F000] =	vst v63  }
0xaf: {  	s18 =	simm.s32 $0x1A000;
	v3 =	vadd.s32 v1, v3  }
0xb0: {  	[tilespmem:s18], [sflag:$0x2] =	stream.indirect_vreg.gather [hbm4b:s6+s4], $0x80, v4, vm0, $0xb8;
	[tilespmem:$0x1F000] =	vst v63  }
0xb1: {  	s19 =	simm.s32 $0x1A800  }
0xb2: {  	[tilespmem:s19], [sflag:$0x2] =	stream.indirect_vreg.gather [hbm4b:s7+s4], $0x80, v4, vm0, $0xb8;
	[tilespmem:$0x1F000] =	vst v63  }
0xb3: {  	s20 =	simm.s32 $0x1B000  }
0xb4: {  	[tilespmem:s20], [sflag:$0x2] =	stream.indirect_vreg.gather [hbm4b:s1+s4], $0x80, v3, vm0, $0xb8;
	[tilespmem:$0x1F000] =	vst v63  }
0xb5: {  	s21 =	simm.s32 $0x1B800  }
0xb6: {  	[tilespmem:s21], [sflag:$0x2] =	stream.indirect_vreg.gather [hbm4b:s5+s4], $0x80, v3, vm0, $0xb8;
	[tilespmem:$0x1F000] =	vst v63  }
0xb7: {  	s22 =	simm.s32 $0x1C000  }
0xb8: {  	[tilespmem:s22], [sflag:$0x2] =	stream.indirect_vreg.gather [hbm4b:s6+s4], $0x80, v3, vm0, $0xb8;
	[tilespmem:$0x1F000] =	vst v63  }
0xb9: {  	s23 =	simm.s32 $0x1C800  }
0xba: {  	[tilespmem:s23], [sflag:$0x2] =	stream.indirect_vreg.gather [hbm4b:s7+s4], $0x80, v3, vm0, $0xb8;
	[tilespmem:$0x1F000] =	vst v63  }
0xbb: {  	v3 =	vld.msk [tilespmem:$0x8A0], $0xff;
	_ =	sdelay $0x4  }
0xbc: {  	v55 =	vshll.u32 v3, $0x3  }
0xbd: {  	v3 =	vand.u32 $0x7, v3;
	v4 =	vand.u32 $0xFFFFFFC0, v55  }
0xbe: {  	v3 =	vor.u32 v3, v4  }
0xbf: {  	v3 =	vperm.xlane v3, v0;
	_ =	sdelay $0x1  }
0xc0: {  	v3 =	vadd.s32 v1, v3;
	_ =	sdelay $0x3  }
0xc1: {  	s24 =	simm.s32 $0x1D000  }
0xc2: {  	[tilespmem:s24], [sflag:$0x2] =	stream.indirect_vreg.gather [hbm4b:s1+s4], $0x80, v3, vm0, $0xb8;
	[tilespmem:$0x1F000] =	vst v63  }
0xc3: {  	s25 =	simm.s32 $0x1D800  }
0xc4: {  	[tilespmem:s25], [sflag:$0x2] =	stream.indirect_vreg.gather [hbm4b:s5+s4], $0x80, v3, vm0, $0xb8;
	[tilespmem:$0x1F000] =	vst v63  }
0xc5: {  	s26 =	simm.s32 $0x1E000  }
0xc6: {  	[tilespmem:s26], [sflag:$0x2] =	stream.indirect_vreg.gather [hbm4b:s6+s4], $0x80, v3, vm0, $0xb8;
	[tilespmem:$0x1F000] =	vst v63  }
0xc7: {  	s28 =	simm.s32 $0x1E800;
	s29 =	simm.s32 $0x2  }
0xc8: {  	[tilespmem:s28], [sflag:$0x2] =	stream.indirect_vreg.gather [hbm4b:s7+s4], $0x80, v3, vm0, $0xb8;
	[tilespmem:$0x1F000] =	vst v63  }
0xc9: {  	_ =	swait.ge [sflag:s29], $0xA000  }
0xca: {  	[sflag:s29] =	ssyncset.done $0x0  }
0xcb: {  	[sflag:s29] =	ssyncadd.s32 $0xFFFF6000  }
0xcc: {  	v3 =	vld [tilespmem:$0x800];
	_ =	sdelay $0x4  }
0xcd: {  	v56 =	vshll.u32 v3, $0x3  }
0xce: {  	v3 =	vand.u32 $0x7, v3;
	v4 =	vand.u32 $0xFFFFFFC0, v56  }
0xcf: {  	v3 =	vor.u32 v3, v4  }
0xd0: {  	v4 =	vperm.xlane v3, v0;
	_ =	sdelay $0x1  }
0xd1: {  	v4 =	vadd.s32 v1, v4;
	_ =	sdelay $0x3  }
0xd2: {  	s22 =	simm.s32 $0xB000  }
0xd3: {  	[hbm4b:s3+s4] =	stream.indirect_vreg.scatter [tilespmem:s22], [sflag:$0x3], $0x80, v4, vm0, $0xb8;
	[tilespmem:$0x1F000] =	vst v63  }
0xd4: {  	s23 =	simm.s32 $0xB800;
	v3 =	vperm.xlane v3, v2  }
0xd5: {  	[hbm4b:s8+s4] =	stream.indirect_vreg.scatter [tilespmem:s23], [sflag:$0x3], $0x80, v4, vm0, $0xb8;
	[tilespmem:$0x1F000] =	vst v63  }
0xd6: {  	s0 =	simm.s32 $0xC000;
	v3 =	vadd.s32 v1, v3  }
0xd7: {  	[hbm4b:s9+s4] =	stream.indirect_vreg.scatter [tilespmem:s0], [sflag:$0x3], $0x80, v4, vm0, $0xb8;
	[tilespmem:$0x1F000] =	vst v63  }
0xd8: {  	s11 =	simm.s32 $0xC800  }
0xd9: {  	[hbm4b:s10+s4] =	stream.indirect_vreg.scatter [tilespmem:s11], [sflag:$0x3], $0x80, v4, vm0, $0xb8;
	[tilespmem:$0x1F000] =	vst v63  }
0xda: {  	s13 =	simm.s32 $0xD000  }
0xdb: {  	[hbm4b:s3+s4] =	stream.indirect_vreg.scatter [tilespmem:s13], [sflag:$0x3], $0x80, v3, vm0, $0xb8;
	[tilespmem:$0x1F000] =	vst v63  }
0xdc: {  	s14 =	simm.s32 $0xD800  }
0xdd: {  	[hbm4b:s8+s4] =	stream.indirect_vreg.scatter [tilespmem:s14], [sflag:$0x3], $0x80, v3, vm0, $0xb8;
	[tilespmem:$0x1F000] =	vst v63  }
0xde: {  	s2 =	simm.s32 $0xE000  }
0xdf: {  	[hbm4b:s9+s4] =	stream.indirect_vreg.scatter [tilespmem:s2], [sflag:$0x3], $0x80, v3, vm0, $0xb8;
	[tilespmem:$0x1F000] =	vst v63  }
0xe0: {  	s24 =	simm.s32 $0xE800  }
0xe1: {  	[hbm4b:s10+s4] =	stream.indirect_vreg.scatter [tilespmem:s24], [sflag:$0x3], $0x80, v3, vm0, $0xb8;
	[tilespmem:$0x1F000] =	vst v63  }
0xe2: {  	v3 =	vld [tilespmem:$0x810];
	_ =	sdelay $0x4  }
0xe3: {  	v57 =	vshll.u32 v3, $0x3  }
0xe4: {  	v3 =	vand.u32 $0x7, v3;
	v4 =	vand.u32 $0xFFFFFFC0, v57  }
0xe5: {  	v3 =	vor.u32 v3, v4  }
0xe6: {  	v4 =	vperm.xlane v3, v0;
	_ =	sdelay $0x1  }
0xe7: {  	v4 =	vadd.s32 v1, v4;
	_ =	sdelay $0x3  }
0xe8: {  	s25 =	simm.s32 $0xF000  }
0xe9: {  	[hbm4b:s3+s4] =	stream.indirect_vreg.scatter [tilespmem:s25], [sflag:$0x3], $0x80, v4, vm0, $0xb8;
	[tilespmem:$0x1F000] =	vst v63  }
0xea: {  	s26 =	simm.s32 $0xF800;
	v3 =	vperm.xlane v3, v2  }
0xeb: {  	[hbm4b:s8+s4] =	stream.indirect_vreg.scatter [tilespmem:s26], [sflag:$0x3], $0x80, v4, vm0, $0xb8;
	[tilespmem:$0x1F000] =	vst v63  }
0xec: {  	s14 =	simm.s32 $0x10000;
	v3 =	vadd.s32 v1, v3  }
0xed: {  	[hbm4b:s9+s4] =	stream.indirect_vreg.scatter [tilespmem:s14], [sflag:$0x3], $0x80, v4, vm0, $0xb8;
	[tilespmem:$0x1F000] =	vst v63  }
0xee: {  	s16 =	simm.s32 $0x10800  }
0xef: {  	[hbm4b:s10+s4] =	stream.indirect_vreg.scatter [tilespmem:s16], [sflag:$0x3], $0x80, v4, vm0, $0xb8;
	[tilespmem:$0x1F000] =	vst v63  }
0xf0: {  	s15 =	simm.s32 $0x11000  }
0xf1: {  	[hbm4b:s3+s4] =	stream.indirect_vreg.scatter [tilespmem:s15], [sflag:$0x3], $0x80, v3, vm0, $0xb8;
	[tilespmem:$0x1F000] =	vst v63  }
0xf2: {  	s17 =	simm.s32 $0x11800  }
0xf3: {  	[hbm4b:s8+s4] =	stream.indirect_vreg.scatter [tilespmem:s17], [sflag:$0x3], $0x80, v3, vm0, $0xb8;
	[tilespmem:$0x1F000] =	vst v63  }
0xf4: {  	s18 =	simm.s32 $0x12000  }
0xf5: {  	[hbm4b:s9+s4] =	stream.indirect_vreg.scatter [tilespmem:s18], [sflag:$0x3], $0x80, v3, vm0, $0xb8;
	[tilespmem:$0x1F000] =	vst v63  }
0xf6: {  	s28 =	simm.s32 $0x12800  }
0xf7: {  	[hbm4b:s10+s4] =	stream.indirect_vreg.scatter [tilespmem:s28], [sflag:$0x3], $0x80, v3, vm0, $0xb8;
	[tilespmem:$0x1F000] =	vst v63  }
0xf8: {  	v3 =	vld.msk [tilespmem:$0x820], $0xff;
	_ =	sdelay $0x4  }
0xf9: {  	v58 =	vshll.u32 v3, $0x3  }
0xfa: {  	v3 =	vand.u32 $0x7, v3;
	v4 =	vand.u32 $0xFFFFFFC0, v58  }
0xfb: {  	v3 =	vor.u32 v3, v4  }
0xfc: {  	v3 =	vperm.xlane v3, v0;
	_ =	sdelay $0x1  }
0xfd: {  	v3 =	vadd.s32 v1, v3;
	_ =	sdelay $0x3  }
0xfe: {  	s19 =	simm.s32 $0x13000  }
0xff: {  	[hbm4b:s3+s4] =	stream.indirect_vreg.scatter [tilespmem:s19], [sflag:$0x3], $0x80, v3, vm0, $0xb8;
	[tilespmem:$0x1F000] =	vst v63  }
0x100: {  	s20 =	simm.s32 $0x13800  }
0x101: {  	[hbm4b:s8+s4] =	stream.indirect_vreg.scatter [tilespmem:s20], [sflag:$0x3], $0x80, v3, vm0, $0xb8;
	[tilespmem:$0x1F000] =	vst v63  }
0x102: {  	s21 =	simm.s32 $0x14000  }
0x103: {  	[hbm4b:s9+s4] =	stream.indirect_vreg.scatter [tilespmem:s21], [sflag:$0x3], $0x80, v3, vm0, $0xb8;
	[tilespmem:$0x1F000] =	vst v63  }
0x104: {  	s29 =	simm.s32 $0x14800  }
0x105: {  	[hbm4b:s10+s4] =	stream.indirect_vreg.scatter [tilespmem:s29], [sflag:$0x3], $0x80, v3, vm0, $0xb8;
	[tilespmem:$0x1F000] =	vst v63  }
0x106: {  	v3 =	vld [tilespmem:$0x80];
	_ =	sdelay $0x4  }
0x107: {  	v59 =	vshll.u32 v3, $0x3  }
0x108: {  	v3 =	vand.u32 $0x7, v3;
	v4 =	vand.u32 $0xFFFFFFC0, v59  }
0x109: {  	v3 =	vor.u32 v3, v4  }
0x10a: {  	v4 =	vperm.xlane v3, v0;
	_ =	sdelay $0x1  }
0x10b: {  	v4 =	vadd.s32 v1, v4;
	_ =	sdelay $0x3  }
0x10c: {  	s12 =	simm.s32 $0x1000  }
0x10d: {  	[hbm4b:s3+s4] =	stream.indirect_vreg.scatter [tilespmem:s12], [sflag:$0x1], $0x80, v4, vm0, $0xb8;
	[tilespmem:$0x1F000] =	vst v63  }
0x10e: {  	v3 =	vperm.xlane v3, v2;
	s12 =	simm.s32 $0x1800  }
0x10f: {  	[hbm4b:s8+s4] =	stream.indirect_vreg.scatter [tilespmem:s12], [sflag:$0x1], $0x80, v4, vm0, $0xb8;
	[tilespmem:$0x1F000] =	vst v63  }
0x110: {  	v3 =	vadd.s32 v1, v3;
	s12 =	simm.s32 $0x2000  }
0x111: {  	[hbm4b:s9+s4] =	stream.indirect_vreg.scatter [tilespmem:s12], [sflag:$0x1], $0x80, v4, vm0, $0xb8;
	[tilespmem:$0x1F000] =	vst v63  }
0x112: {  	s12 =	simm.s32 $0x2800  }
0x113: {  	[hbm4b:s10+s4] =	stream.indirect_vreg.scatter [tilespmem:s12], [sflag:$0x1], $0x80, v4, vm0, $0xb8;
	[tilespmem:$0x1F000] =	vst v63  }
0x114: {  	s12 =	simm.s32 $0x3000  }
0x115: {  	[hbm4b:s3+s4] =	stream.indirect_vreg.scatter [tilespmem:s12], [sflag:$0x1], $0x80, v3, vm0, $0xb8;
	[tilespmem:$0x1F000] =	vst v63  }
0x116: {  	s12 =	simm.s32 $0x3800  }
0x117: {  	[hbm4b:s8+s4] =	stream.indirect_vreg.scatter [tilespmem:s12], [sflag:$0x1], $0x80, v3, vm0, $0xb8;
	[tilespmem:$0x1F000] =	vst v63  }
0x118: {  	s12 =	simm.s32 $0x4000  }
0x119: {  	[hbm4b:s9+s4] =	stream.indirect_vreg.scatter [tilespmem:s12], [sflag:$0x1], $0x80, v3, vm0, $0xb8;
	[tilespmem:$0x1F000] =	vst v63  }
0x11a: {  	s12 =	simm.s32 $0x4800  }
0x11b: {  	[hbm4b:s10+s4] =	stream.indirect_vreg.scatter [tilespmem:s12], [sflag:$0x1], $0x80, v3, vm0, $0xb8;
	[tilespmem:$0x1F000] =	vst v63  }
0x11c: {  	v3 =	vld [tilespmem:$0x90];
	_ =	sdelay $0x4  }
0x11d: {  	v60 =	vshll.u32 v3, $0x3  }
0x11e: {  	v3 =	vand.u32 $0x7, v3;
	v4 =	vand.u32 $0xFFFFFFC0, v60  }
0x11f: {  	v3 =	vor.u32 v3, v4  }
0x120: {  	v4 =	vperm.xlane v3, v0;
	_ =	sdelay $0x1  }
0x121: {  	v4 =	vadd.s32 v1, v4;
	_ =	sdelay $0x3  }
0x122: {  	s12 =	simm.s32 $0x5000  }
0x123: {  	[hbm4b:s3+s4] =	stream.indirect_vreg.scatter [tilespmem:s12], [sflag:$0x1], $0x80, v4, vm0, $0xb8;
	[tilespmem:$0x1F000] =	vst v63  }
0x124: {  	s30 =	simm.s32 $0x5800;
	v3 =	vperm.xlane v3, v2  }
0x125: {  	[hbm4b:s8+s4] =	stream.indirect_vreg.scatter [tilespmem:s30], [sflag:$0x1], $0x80, v4, vm0, $0xb8;
	[tilespmem:$0x1F000] =	vst v63  }
0x126: {  	v3 =	vadd.s32 v1, v3;
	s30 =	simm.s32 $0x6000  }
0x127: {  	[hbm4b:s9+s4] =	stream.indirect_vreg.scatter [tilespmem:s30], [sflag:$0x1], $0x80, v4, vm0, $0xb8;
	[tilespmem:$0x1F000] =	vst v63  }
0x128: {  	s30 =	simm.s32 $0x6800  }
0x129: {  	[hbm4b:s10+s4] =	stream.indirect_vreg.scatter [tilespmem:s30], [sflag:$0x1], $0x80, v4, vm0, $0xb8;
	[tilespmem:$0x1F000] =	vst v63  }
0x12a: {  	s30 =	simm.s32 $0x7000  }
0x12b: {  	[hbm4b:s3+s4] =	stream.indirect_vreg.scatter [tilespmem:s30], [sflag:$0x1], $0x80, v3, vm0, $0xb8;
	[tilespmem:$0x1F000] =	vst v63  }
0x12c: {  	s30 =	simm.s32 $0x7800  }
0x12d: {  	[hbm4b:s8+s4] =	stream.indirect_vreg.scatter [tilespmem:s30], [sflag:$0x1], $0x80, v3, vm0, $0xb8;
	[tilespmem:$0x1F000] =	vst v63  }
0x12e: {  	s30 =	simm.s32 $0x8000  }
0x12f: {  	[hbm4b:s9+s4] =	stream.indirect_vreg.scatter [tilespmem:s30], [sflag:$0x1], $0x80, v3, vm0, $0xb8;
	[tilespmem:$0x1F000] =	vst v63  }
0x130: {  	s30 =	simm.s32 $0x8800  }
0x131: {  	[hbm4b:s10+s4] =	stream.indirect_vreg.scatter [tilespmem:s30], [sflag:$0x1], $0x80, v3, vm0, $0xb8;
	[tilespmem:$0x1F000] =	vst v63  }
0x132: {  	v3 =	vld.msk [tilespmem:$0xA0], $0xff;
	_ =	sdelay $0x4  }
0x133: {  	v61 =	vshll.u32 v3, $0x3  }
0x134: {  	v3 =	vand.u32 $0x7, v3;
	v4 =	vand.u32 $0xFFFFFFC0, v61  }
0x135: {  	v3 =	vor.u32 v3, v4  }
0x136: {  	v3 =	vperm.xlane v3, v0;
	_ =	sdelay $0x1  }
0x137: {  	v3 =	vadd.s32 v1, v3;
	_ =	sdelay $0x3  }
0x138: {  	s30 =	simm.s32 $0x9000  }
0x139: {  	[hbm4b:s3+s4] =	stream.indirect_vreg.scatter [tilespmem:s30], [sflag:$0x1], $0x80, v3, vm0, $0xb8;
	[tilespmem:$0x1F000] =	vst v63  }
0x13a: {  	s30 =	simm.s32 $0x9800  }
0x13b: {  	[hbm4b:s8+s4] =	stream.indirect_vreg.scatter [tilespmem:s30], [sflag:$0x1], $0x80, v3, vm0, $0xb8;
	[tilespmem:$0x1F000] =	vst v63  }
0x13c: {  	s30 =	simm.s32 $0xA000  }
0x13d: {  	[hbm4b:s9+s4] =	stream.indirect_vreg.scatter [tilespmem:s30], [sflag:$0x1], $0x80, v3, vm0, $0xb8;
	[tilespmem:$0x1F000] =	vst v63  }
0x13e: {  	s30 =	simm.s32 $0xA800  }
0x13f: {  	[hbm4b:s10+s4] =	stream.indirect_vreg.scatter [tilespmem:s30], [sflag:$0x1], $0x80, v3, vm0, $0xb8;
	[tilespmem:$0x1F000] =	vst v63  }
0x140: {  	s30 =	simm.s32 $0x3  }
0x141: {  	_ =	swait.ge [sflag:s30], $0xA000  }
0x142: {  	[sflag:s30] =	ssyncset.done $0x0  }
0x143: {  	[sflag:s30] =	ssyncadd.s32 $0xFFFF6000  }
0x144: {  	v3 =	vld [tilespmem:$0x900];
	_ =	sdelay $0x4  }
0x145: {  	v62 =	vshll.u32 v3, $0x3  }
0x146: {  	v3 =	vand.u32 $0x7, v3;
	v4 =	vand.u32 $0xFFFFFFC0, v62  }
0x147: {  	v3 =	vor.u32 v3, v4  }
0x148: {  	v4 =	vperm.xlane v3, v0;
	_ =	sdelay $0x1  }
0x149: {  	v4 =	vadd.s32 v1, v4;
	_ =	sdelay $0x4  }
0x14a: {  	[tilespmem:s22], [sflag:$0x2] =	stream.indirect_vreg.gather [hbm4b:s1+s4], $0x80, v4, vm0, $0xb8;
	[tilespmem:$0x1F000] =	vst v63  }
0x14b: {  	v3 =	vperm.xlane v3, v2  }
0x14c: {  	[tilespmem:s23], [sflag:$0x2] =	stream.indirect_vreg.gather [hbm4b:s5+s4], $0x80, v4, vm0, $0xb8;
	[tilespmem:$0x1F000] =	vst v63  }
0x14d: {  	v3 =	vadd.s32 v1, v3  }
0x14e: {  	[tilespmem:s0], [sflag:$0x2] =	stream.indirect_vreg.gather [hbm4b:s6+s4], $0x80, v4, vm0, $0xb8;
	[tilespmem:$0x1F000] =	vst v63  }
0x14f: {  	_ = 	snop  }
0x150: {  	[tilespmem:s11], [sflag:$0x2] =	stream.indirect_vreg.gather [hbm4b:s7+s4], $0x80, v4, vm0, $0xb8;
	[tilespmem:$0x1F000] =	vst v63  }
0x151: {  	_ = 	snop  }
0x152: {  	[tilespmem:s13], [sflag:$0x2] =	stream.indirect_vreg.gather [hbm4b:s1+s4], $0x80, v3, vm0, $0xb8;
	[tilespmem:$0x1F000] =	vst v63  }
0x153: {  	s31 =	simm.s32 $0xD800  }
0x154: {  	[tilespmem:s31], [sflag:$0x2] =	stream.indirect_vreg.gather [hbm4b:s5+s4], $0x80, v3, vm0, $0xb8;
	[tilespmem:$0x1F000] =	vst v63  }
0x155: {  	_ = 	snop  }
0x156: {  	[tilespmem:s2], [sflag:$0x2] =	stream.indirect_vreg.gather [hbm4b:s6+s4], $0x80, v3, vm0, $0xb8;
	[tilespmem:$0x1F000] =	vst v63  }
0x157: {  	_ = 	snop  }
0x158: {  	[tilespmem:s24], [sflag:$0x2] =	stream.indirect_vreg.gather [hbm4b:s7+s4], $0x80, v3, vm0, $0xb8;
	[tilespmem:$0x1F000] =	vst v63  }
0x159: {  	v3 =	vld [tilespmem:$0x910];
	_ =	sdelay $0x4  }
0x15a: {  	v63 =	vshll.u32 v3, $0x3  }
0x15b: {  	v3 =	vand.u32 $0x7, v3;
	v4 =	vand.u32 $0xFFFFFFC0, v63  }
0x15c: {  	v3 =	vor.u32 v3, v4  }
0x15d: {  	v4 =	vperm.xlane v3, v0;
	_ =	sdelay $0x1  }
0x15e: {  	v4 =	vadd.s32 v1, v4;
	_ =	sdelay $0x4  }
0x15f: {  	[tilespmem:s25], [sflag:$0x2] =	stream.indirect_vreg.gather [hbm4b:s1+s4], $0x80, v4, vm0, $0xb8;
	[tilespmem:$0x1F000] =	vst v63  }
0x160: {  	v3 =	vperm.xlane v3, v2  }
0x161: {  	[tilespmem:s26], [sflag:$0x2] =	stream.indirect_vreg.gather [hbm4b:s5+s4], $0x80, v4, vm0, $0xb8;
	[tilespmem:$0x1F000] =	vst v63  }
0x162: {  	v3 =	vadd.s32 v1, v3  }
0x163: {  	[tilespmem:s14], [sflag:$0x2] =	stream.indirect_vreg.gather [hbm4b:s6+s4], $0x80, v4, vm0, $0xb8;
	[tilespmem:$0x1F000] =	vst v63  }
0x164: {  	_ = 	snop  }
0x165: {  	[tilespmem:s16], [sflag:$0x2] =	stream.indirect_vreg.gather [hbm4b:s7+s4], $0x80, v4, vm0, $0xb8;
	[tilespmem:$0x1F000] =	vst v63  }
0x166: {  	_ = 	snop  }
0x167: {  	[tilespmem:s15], [sflag:$0x2] =	stream.indirect_vreg.gather [hbm4b:s1+s4], $0x80, v3, vm0, $0xb8;
	[tilespmem:$0x1F000] =	vst v63  }
0x168: {  	_ = 	snop  }
0x169: {  	[tilespmem:s17], [sflag:$0x2] =	stream.indirect_vreg.gather [hbm4b:s5+s4], $0x80, v3, vm0, $0xb8;
	[tilespmem:$0x1F000] =	vst v63  }
0x16a: {  	_ = 	snop  }
0x16b: {  	[tilespmem:s18], [sflag:$0x2] =	stream.indirect_vreg.gather [hbm4b:s6+s4], $0x80, v3, vm0, $0xb8;
	[tilespmem:$0x1F000] =	vst v63  }
0x16c: {  	_ = 	snop  }
0x16d: {  	[tilespmem:s28], [sflag:$0x2] =	stream.indirect_vreg.gather [hbm4b:s7+s4], $0x80, v3, vm0, $0xb8;
	[tilespmem:$0x1F000] =	vst v63  }
0x16e: {  	v3 =	vld.msk [tilespmem:$0x920], $0xff;
	_ =	sdelay $0x4  }
0x16f: {  	v8 =	vshll.u32 v3, $0x3  }
0x170: {  	v3 =	vand.u32 $0x7, v3;
	v4 =	vand.u32 $0xFFFFFFC0, v8  }
0x171: {  	v3 =	vor.u32 v3, v4  }
0x172: {  	v3 =	vperm.xlane v3, v0;
	_ =	sdelay $0x1  }
0x173: {  	v3 =	vadd.s32 v1, v3;
	_ =	sdelay $0x4  }
0x174: {  	[tilespmem:s19], [sflag:$0x2] =	stream.indirect_vreg.gather [hbm4b:s1+s4], $0x80, v3, vm0, $0xb8;
	[tilespmem:$0x1F000] =	vst v63  }
0x175: {  	_ = 	snop  }
0x176: {  	[tilespmem:s20], [sflag:$0x2] =	stream.indirect_vreg.gather [hbm4b:s5+s4], $0x80, v3, vm0, $0xb8;
	[tilespmem:$0x1F000] =	vst v63  }
0x177: {  	_ = 	snop  }
0x178: {  	[tilespmem:s21], [sflag:$0x2] =	stream.indirect_vreg.gather [hbm4b:s6+s4], $0x80, v3, vm0, $0xb8;
	[tilespmem:$0x1F000] =	vst v63  }
0x179: {  	s20 =	simm.s32 $0x2  }
0x17a: {  	[tilespmem:s29], [sflag:$0x2] =	stream.indirect_vreg.gather [hbm4b:s7+s4], $0x80, v3, vm0, $0xb8;
	[tilespmem:$0x1F000] =	vst v63  }
0x17b: {  	_ =	swait.ge [sflag:s20], $0xA000  }
0x17c: {  	[sflag:s20] =	ssyncset.done $0x0  }
0x17d: {  	[sflag:s20] =	ssyncadd.s32 $0xFFFF6000  }
0x17e: {  	v3 =	vld [tilespmem:$0x880];
	_ =	sdelay $0x4  }
0x17f: {  	v9 =	vshll.u32 v3, $0x3  }
0x180: {  	v3 =	vand.u32 $0x7, v3;
	v4 =	vand.u32 $0xFFFFFFC0, v9  }
0x181: {  	v3 =	vor.u32 v3, v4  }
0x182: {  	v4 =	vperm.xlane v3, v0;
	_ =	sdelay $0x1  }
0x183: {  	v4 =	vadd.s32 v1, v4;
	_ =	sdelay $0x3  }
0x184: {  	s26 =	simm.s32 $0x15000  }
0x185: {  	[hbm4b:s3+s4] =	stream.indirect_vreg.scatter [tilespmem:s26], [sflag:$0x3], $0x80, v4, vm0, $0xb8;
	[tilespmem:$0x1F000] =	vst v63  }
0x186: {  	s28 =	simm.s32 $0x15800;
	v3 =	vperm.xlane v3, v2  }
0x187: {  	[hbm4b:s8+s4] =	stream.indirect_vreg.scatter [tilespmem:s28], [sflag:$0x3], $0x80, v4, vm0, $0xb8;
	[tilespmem:$0x1F000] =	vst v63  }
0x188: {  	s0 =	simm.s32 $0x16000;
	v3 =	vadd.s32 v1, v3  }
0x189: {  	[hbm4b:s9+s4] =	stream.indirect_vreg.scatter [tilespmem:s0], [sflag:$0x3], $0x80, v4, vm0, $0xb8;
	[tilespmem:$0x1F000] =	vst v63  }
0x18a: {  	s2 =	simm.s32 $0x16800  }
0x18b: {  	[hbm4b:s10+s4] =	stream.indirect_vreg.scatter [tilespmem:s2], [sflag:$0x3], $0x80, v4, vm0, $0xb8;
	[tilespmem:$0x1F000] =	vst v63  }
0x18c: {  	s29 =	simm.s32 $0x17000  }
0x18d: {  	[hbm4b:s3+s4] =	stream.indirect_vreg.scatter [tilespmem:s29], [sflag:$0x3], $0x80, v3, vm0, $0xb8;
	[tilespmem:$0x1F000] =	vst v63  }
0x18e: {  	s11 =	simm.s32 $0x17800  }
0x18f: {  	[hbm4b:s8+s4] =	stream.indirect_vreg.scatter [tilespmem:s11], [sflag:$0x3], $0x80, v3, vm0, $0xb8;
	[tilespmem:$0x1F000] =	vst v63  }
0x190: {  	s12 =	simm.s32 $0x18000  }
0x191: {  	[hbm4b:s9+s4] =	stream.indirect_vreg.scatter [tilespmem:s12], [sflag:$0x3], $0x80, v3, vm0, $0xb8;
	[tilespmem:$0x1F000] =	vst v63  }
0x192: {  	s21 =	simm.s32 $0x18800  }
0x193: {  	[hbm4b:s10+s4] =	stream.indirect_vreg.scatter [tilespmem:s21], [sflag:$0x3], $0x80, v3, vm0, $0xb8;
	[tilespmem:$0x1F000] =	vst v63  }
0x194: {  	v3 =	vld [tilespmem:$0x890];
	_ =	sdelay $0x4  }
0x195: {  	v10 =	vshll.u32 v3, $0x3  }
0x196: {  	v3 =	vand.u32 $0x7, v3;
	v4 =	vand.u32 $0xFFFFFFC0, v10  }
0x197: {  	v3 =	vor.u32 v3, v4  }
0x198: {  	v4 =	vperm.xlane v3, v0;
	_ =	sdelay $0x1  }
0x199: {  	v4 =	vadd.s32 v1, v4;
	_ =	sdelay $0x3  }
0x19a: {  	s22 =	simm.s32 $0x19000  }
0x19b: {  	[hbm4b:s3+s4] =	stream.indirect_vreg.scatter [tilespmem:s22], [sflag:$0x3], $0x80, v4, vm0, $0xb8;
	[tilespmem:$0x1F000] =	vst v63  }
0x19c: {  	s23 =	simm.s32 $0x19800;
	v3 =	vperm.xlane v3, v2  }
0x19d: {  	[hbm4b:s8+s4] =	stream.indirect_vreg.scatter [tilespmem:s23], [sflag:$0x3], $0x80, v4, vm0, $0xb8;
	[tilespmem:$0x1F000] =	vst v63  }
0x19e: {  	s13 =	simm.s32 $0x1A000;
	v3 =	vadd.s32 v1, v3  }
0x19f: {  	[hbm4b:s9+s4] =	stream.indirect_vreg.scatter [tilespmem:s13], [sflag:$0x3], $0x80, v4, vm0, $0xb8;
	[tilespmem:$0x1F000] =	vst v63  }
0x1a0: {  	s14 =	simm.s32 $0x1A800  }
0x1a1: {  	[hbm4b:s10+s4] =	stream.indirect_vreg.scatter [tilespmem:s14], [sflag:$0x3], $0x80, v4, vm0, $0xb8;
	[tilespmem:$0x1F000] =	vst v63  }
0x1a2: {  	s15 =	simm.s32 $0x1B000  }
0x1a3: {  	[hbm4b:s3+s4] =	stream.indirect_vreg.scatter [tilespmem:s15], [sflag:$0x3], $0x80, v3, vm0, $0xb8;
	[tilespmem:$0x1F000] =	vst v63  }
0x1a4: {  	s16 =	simm.s32 $0x1B800  }
0x1a5: {  	[hbm4b:s8+s4] =	stream.indirect_vreg.scatter [tilespmem:s16], [sflag:$0x3], $0x80, v3, vm0, $0xb8;
	[tilespmem:$0x1F000] =	vst v63  }
0x1a6: {  	s17 =	simm.s32 $0x1C000  }
0x1a7: {  	[hbm4b:s9+s4] =	stream.indirect_vreg.scatter [tilespmem:s17], [sflag:$0x3], $0x80, v3, vm0, $0xb8;
	[tilespmem:$0x1F000] =	vst v63  }
0x1a8: {  	s24 =	simm.s32 $0x1C800  }
0x1a9: {  	[hbm4b:s10+s4] =	stream.indirect_vreg.scatter [tilespmem:s24], [sflag:$0x3], $0x80, v3, vm0, $0xb8;
	[tilespmem:$0x1F000] =	vst v63  }
0x1aa: {  	v3 =	vld.msk [tilespmem:$0x8A0], $0xff;
	_ =	sdelay $0x4  }
0x1ab: {  	v11 =	vshll.u32 v3, $0x3  }
0x1ac: {  	v3 =	vand.u32 $0x7, v3;
	v4 =	vand.u32 $0xFFFFFFC0, v11  }
0x1ad: {  	v3 =	vor.u32 v3, v4  }
0x1ae: {  	v3 =	vperm.xlane v3, v0;
	_ =	sdelay $0x1  }
0x1af: {  	v3 =	vadd.s32 v1, v3;
	_ =	sdelay $0x3  }
0x1b0: {  	s18 =	simm.s32 $0x1D000  }
0x1b1: {  	[hbm4b:s3+s4] =	stream.indirect_vreg.scatter [tilespmem:s18], [sflag:$0x3], $0x80, v3, vm0, $0xb8;
	[tilespmem:$0x1F000] =	vst v63  }
0x1b2: {  	s19 =	simm.s32 $0x1D800  }
0x1b3: {  	[hbm4b:s8+s4] =	stream.indirect_vreg.scatter [tilespmem:s19], [sflag:$0x3], $0x80, v3, vm0, $0xb8;
	[tilespmem:$0x1F000] =	vst v63  }
0x1b4: {  	s20 =	simm.s32 $0x1E000  }
0x1b5: {  	[hbm4b:s9+s4] =	stream.indirect_vreg.scatter [tilespmem:s20], [sflag:$0x3], $0x80, v3, vm0, $0xb8;
	[tilespmem:$0x1F000] =	vst v63  }
0x1b6: {  	s25 =	simm.s32 $0x1E800  }
0x1b7: {  	[hbm4b:s10+s4] =	stream.indirect_vreg.scatter [tilespmem:s25], [sflag:$0x3], $0x80, v3, vm0, $0xb8;
	[tilespmem:$0x1F000] =	vst v63  }
0x1b8: {  	v3 =	vld [tilespmem:$0x100];
	_ =	sdelay $0x4  }
0x1b9: {  	v12 =	vshll.u32 v3, $0x3  }
0x1ba: {  	v3 =	vand.u32 $0x7, v3;
	v4 =	vand.u32 $0xFFFFFFC0, v12  }
0x1bb: {  	v3 =	vor.u32 v3, v4  }
0x1bc: {  	v4 =	vperm.xlane v3, v0;
	_ =	sdelay $0x1  }
0x1bd: {  	v4 =	vadd.s32 v1, v4;
	_ =	sdelay $0x3  }
0x1be: {  	s31 =	simm.s32 $0x1000  }
0x1bf: {  	[hbm4b:s3+s4] =	stream.indirect_vreg.scatter [tilespmem:s31], [sflag:$0x1], $0x80, v4, vm0, $0xb8;
	[tilespmem:$0x1F000] =	vst v63  }
0x1c0: {  	v3 =	vperm.xlane v3, v2;
	s31 =	simm.s32 $0x1800  }
0x1c1: {  	[hbm4b:s8+s4] =	stream.indirect_vreg.scatter [tilespmem:s31], [sflag:$0x1], $0x80, v4, vm0, $0xb8;
	[tilespmem:$0x1F000] =	vst v63  }
0x1c2: {  	v3 =	vadd.s32 v1, v3;
	s31 =	simm.s32 $0x2000  }
0x1c3: {  	[hbm4b:s9+s4] =	stream.indirect_vreg.scatter [tilespmem:s31], [sflag:$0x1], $0x80, v4, vm0, $0xb8;
	[tilespmem:$0x1F000] =	vst v63  }
0x1c4: {  	s31 =	simm.s32 $0x2800  }
0x1c5: {  	[hbm4b:s10+s4] =	stream.indirect_vreg.scatter [tilespmem:s31], [sflag:$0x1], $0x80, v4, vm0, $0xb8;
	[tilespmem:$0x1F000] =	vst v63  }
0x1c6: {  	s31 =	simm.s32 $0x3000  }
0x1c7: {  	[hbm4b:s3+s4] =	stream.indirect_vreg.scatter [tilespmem:s31], [sflag:$0x1], $0x80, v3, vm0, $0xb8;
	[tilespmem:$0x1F000] =	vst v63  }
0x1c8: {  	s31 =	simm.s32 $0x3800  }
0x1c9: {  	[hbm4b:s8+s4] =	stream.indirect_vreg.scatter [tilespmem:s31], [sflag:$0x1], $0x80, v3, vm0, $0xb8;
	[tilespmem:$0x1F000] =	vst v63  }
0x1ca: {  	s31 =	simm.s32 $0x4000  }
0x1cb: {  	[hbm4b:s9+s4] =	stream.indirect_vreg.scatter [tilespmem:s31], [sflag:$0x1], $0x80, v3, vm0, $0xb8;
	[tilespmem:$0x1F000] =	vst v63  }
0x1cc: {  	s31 =	simm.s32 $0x4800  }
0x1cd: {  	[hbm4b:s10+s4] =	stream.indirect_vreg.scatter [tilespmem:s31], [sflag:$0x1], $0x80, v3, vm0, $0xb8;
	[tilespmem:$0x1F000] =	vst v63  }
0x1ce: {  	v3 =	vld [tilespmem:$0x110];
	_ =	sdelay $0x4  }
0x1cf: {  	v13 =	vshll.u32 v3, $0x3  }
0x1d0: {  	v3 =	vand.u32 $0x7, v3;
	v4 =	vand.u32 $0xFFFFFFC0, v13  }
0x1d1: {  	v3 =	vor.u32 v3, v4  }
0x1d2: {  	v4 =	vperm.xlane v3, v0;
	_ =	sdelay $0x1  }
0x1d3: {  	v4 =	vadd.s32 v1, v4;
	_ =	sdelay $0x3  }
0x1d4: {  	s31 =	simm.s32 $0x5000  }
0x1d5: {  	[hbm4b:s3+s4] =	stream.indirect_vreg.scatter [tilespmem:s31], [sflag:$0x1], $0x80, v4, vm0, $0xb8;
	[tilespmem:$0x1F000] =	vst v63  }
0x1d6: {  	v3 =	vperm.xlane v3, v2;
	s31 =	simm.s32 $0x5800  }
0x1d7: {  	[hbm4b:s8+s4] =	stream.indirect_vreg.scatter [tilespmem:s31], [sflag:$0x1], $0x80, v4, vm0, $0xb8;
	[tilespmem:$0x1F000] =	vst v63  }
0x1d8: {  	v3 =	vadd.s32 v1, v3;
	s31 =	simm.s32 $0x6000  }
0x1d9: {  	[hbm4b:s9+s4] =	stream.indirect_vreg.scatter [tilespmem:s31], [sflag:$0x1], $0x80, v4, vm0, $0xb8;
	[tilespmem:$0x1F000] =	vst v63  }
0x1da: {  	s31 =	simm.s32 $0x6800  }
0x1db: {  	[hbm4b:s10+s4] =	stream.indirect_vreg.scatter [tilespmem:s31], [sflag:$0x1], $0x80, v4, vm0, $0xb8;
	[tilespmem:$0x1F000] =	vst v63  }
0x1dc: {  	s31 =	simm.s32 $0x7000  }
0x1dd: {  	[hbm4b:s3+s4] =	stream.indirect_vreg.scatter [tilespmem:s31], [sflag:$0x1], $0x80, v3, vm0, $0xb8;
	[tilespmem:$0x1F000] =	vst v63  }
0x1de: {  	s31 =	simm.s32 $0x7800  }
0x1df: {  	[hbm4b:s8+s4] =	stream.indirect_vreg.scatter [tilespmem:s31], [sflag:$0x1], $0x80, v3, vm0, $0xb8;
	[tilespmem:$0x1F000] =	vst v63  }
0x1e0: {  	s31 =	simm.s32 $0x8000  }
0x1e1: {  	[hbm4b:s9+s4] =	stream.indirect_vreg.scatter [tilespmem:s31], [sflag:$0x1], $0x80, v3, vm0, $0xb8;
	[tilespmem:$0x1F000] =	vst v63  }
0x1e2: {  	s31 =	simm.s32 $0x8800  }
0x1e3: {  	[hbm4b:s10+s4] =	stream.indirect_vreg.scatter [tilespmem:s31], [sflag:$0x1], $0x80, v3, vm0, $0xb8;
	[tilespmem:$0x1F000] =	vst v63  }
0x1e4: {  	v3 =	vld.msk [tilespmem:$0x120], $0xff;
	_ =	sdelay $0x4  }
0x1e5: {  	v14 =	vshll.u32 v3, $0x3  }
0x1e6: {  	v3 =	vand.u32 $0x7, v3;
	v4 =	vand.u32 $0xFFFFFFC0, v14  }
0x1e7: {  	v3 =	vor.u32 v3, v4  }
0x1e8: {  	v3 =	vperm.xlane v3, v0;
	_ =	sdelay $0x1  }
0x1e9: {  	v3 =	vadd.s32 v1, v3;
	_ =	sdelay $0x3  }
0x1ea: {  	s31 =	simm.s32 $0x9000  }
0x1eb: {  	[hbm4b:s3+s4] =	stream.indirect_vreg.scatter [tilespmem:s31], [sflag:$0x1], $0x80, v3, vm0, $0xb8;
	[tilespmem:$0x1F000] =	vst v63  }
0x1ec: {  	s31 =	simm.s32 $0x9800  }
0x1ed: {  	[hbm4b:s8+s4] =	stream.indirect_vreg.scatter [tilespmem:s31], [sflag:$0x1], $0x80, v3, vm0, $0xb8;
	[tilespmem:$0x1F000] =	vst v63  }
0x1ee: {  	s31 =	simm.s32 $0xA000  }
0x1ef: {  	[hbm4b:s9+s4] =	stream.indirect_vreg.scatter [tilespmem:s31], [sflag:$0x1], $0x80, v3, vm0, $0xb8;
	[tilespmem:$0x1F000] =	vst v63  }
0x1f0: {  	s30 =	simm.s32 $0x3;
	s31 =	simm.s32 $0xA800  }
0x1f1: {  	[hbm4b:s10+s4] =	stream.indirect_vreg.scatter [tilespmem:s31], [sflag:$0x1], $0x80, v3, vm0, $0xb8;
	[tilespmem:$0x1F000] =	vst v63  }
0x1f2: {  	_ =	swait.ge [sflag:s30], $0xA000  }
0x1f3: {  	[sflag:s30] =	ssyncset.done $0x0  }
0x1f4: {  	[sflag:s30] =	ssyncadd.s32 $0xFFFF6000  }
0x1f5: {  	v3 =	vld [tilespmem:$0x980];
	_ =	sdelay $0x4  }
0x1f6: {  	v15 =	vshll.u32 v3, $0x3  }
0x1f7: {  	v3 =	vand.u32 $0x7, v3;
	v4 =	vand.u32 $0xFFFFFFC0, v15  }
0x1f8: {  	v3 =	vor.u32 v3, v4  }
0x1f9: {  	v4 =	vperm.xlane v3, v0;
	_ =	sdelay $0x1  }
0x1fa: {  	v4 =	vadd.s32 v1, v4;
	_ =	sdelay $0x4  }
0x1fb: {  	[tilespmem:s26], [sflag:$0x2] =	stream.indirect_vreg.gather [hbm4b:s1+s4], $0x80, v4, vm0, $0xb8;
	[tilespmem:$0x1F000] =	vst v63  }
0x1fc: {  	v3 =	vperm.xlane v3, v2  }
0x1fd: {  	[tilespmem:s28], [sflag:$0x2] =	stream.indirect_vreg.gather [hbm4b:s5+s4], $0x80, v4, vm0, $0xb8;
	[tilespmem:$0x1F000] =	vst v63  }
0x1fe: {  	v3 =	vadd.s32 v1, v3  }
0x1ff: {  	[tilespmem:s0], [sflag:$0x2] =	stream.indirect_vreg.gather [hbm4b:s6+s4], $0x80, v4, vm0, $0xb8;
	[tilespmem:$0x1F000] =	vst v63  }
0x200: {  	_ = 	snop  }
0x201: {  	[tilespmem:s2], [sflag:$0x2] =	stream.indirect_vreg.gather [hbm4b:s7+s4], $0x80, v4, vm0, $0xb8;
	[tilespmem:$0x1F000] =	vst v63  }
0x202: {  	_ = 	snop  }
0x203: {  	[tilespmem:s29], [sflag:$0x2] =	stream.indirect_vreg.gather [hbm4b:s1+s4], $0x80, v3, vm0, $0xb8;
	[tilespmem:$0x1F000] =	vst v63  }
0x204: {  	_ = 	snop  }
0x205: {  	[tilespmem:s11], [sflag:$0x2] =	stream.indirect_vreg.gather [hbm4b:s5+s4], $0x80, v3, vm0, $0xb8;
	[tilespmem:$0x1F000] =	vst v63  }
0x206: {  	_ = 	snop  }
0x207: {  	[tilespmem:s12], [sflag:$0x2] =	stream.indirect_vreg.gather [hbm4b:s6+s4], $0x80, v3, vm0, $0xb8;
	[tilespmem:$0x1F000] =	vst v63  }
0x208: {  	_ = 	snop  }
0x209: {  	[tilespmem:s21], [sflag:$0x2] =	stream.indirect_vreg.gather [hbm4b:s7+s4], $0x80, v3, vm0, $0xb8;
	[tilespmem:$0x1F000] =	vst v63  }
0x20a: {  	v3 =	vld [tilespmem:$0x990];
	_ =	sdelay $0x4  }
0x20b: {  	v16 =	vshll.u32 v3, $0x3  }
0x20c: {  	v3 =	vand.u32 $0x7, v3;
	v4 =	vand.u32 $0xFFFFFFC0, v16  }
0x20d: {  	v3 =	vor.u32 v3, v4  }
0x20e: {  	v4 =	vperm.xlane v3, v0;
	_ =	sdelay $0x1  }
0x20f: {  	v4 =	vadd.s32 v1, v4;
	_ =	sdelay $0x4  }
0x210: {  	[tilespmem:s22], [sflag:$0x2] =	stream.indirect_vreg.gather [hbm4b:s1+s4], $0x80, v4, vm0, $0xb8;
	[tilespmem:$0x1F000] =	vst v63  }
0x211: {  	v3 =	vperm.xlane v3, v2  }
0x212: {  	[tilespmem:s23], [sflag:$0x2] =	stream.indirect_vreg.gather [hbm4b:s5+s4], $0x80, v4, vm0, $0xb8;
	[tilespmem:$0x1F000] =	vst v63  }
0x213: {  	v3 =	vadd.s32 v1, v3  }
0x214: {  	[tilespmem:s13], [sflag:$0x2] =	stream.indirect_vreg.gather [hbm4b:s6+s4], $0x80, v4, vm0, $0xb8;
	[tilespmem:$0x1F000] =	vst v63  }
0x215: {  	_ = 	snop  }
0x216: {  	[tilespmem:s14], [sflag:$0x2] =	stream.indirect_vreg.gather [hbm4b:s7+s4], $0x80, v4, vm0, $0xb8;
	[tilespmem:$0x1F000] =	vst v63  }
0x217: {  	_ = 	snop  }
0x218: {  	[tilespmem:s15], [sflag:$0x2] =	stream.indirect_vreg.gather [hbm4b:s1+s4], $0x80, v3, vm0, $0xb8;
	[tilespmem:$0x1F000] =	vst v63  }
0x219: {  	_ = 	snop  }
0x21a: {  	[tilespmem:s16], [sflag:$0x2] =	stream.indirect_vreg.gather [hbm4b:s5+s4], $0x80, v3, vm0, $0xb8;
	[tilespmem:$0x1F000] =	vst v63  }
0x21b: {  	_ = 	snop  }
0x21c: {  	[tilespmem:s17], [sflag:$0x2] =	stream.indirect_vreg.gather [hbm4b:s6+s4], $0x80, v3, vm0, $0xb8;
	[tilespmem:$0x1F000] =	vst v63  }
0x21d: {  	_ = 	snop  }
0x21e: {  	[tilespmem:s24], [sflag:$0x2] =	stream.indirect_vreg.gather [hbm4b:s7+s4], $0x80, v3, vm0, $0xb8;
	[tilespmem:$0x1F000] =	vst v63  }
0x21f: {  	v3 =	vld.msk [tilespmem:$0x9A0], $0xff;
	_ =	sdelay $0x4  }
0x220: {  	v17 =	vshll.u32 v3, $0x3  }
0x221: {  	v3 =	vand.u32 $0x7, v3;
	v4 =	vand.u32 $0xFFFFFFC0, v17  }
0x222: {  	v3 =	vor.u32 v3, v4  }
0x223: {  	v3 =	vperm.xlane v3, v0;
	_ =	sdelay $0x1  }
0x224: {  	v3 =	vadd.s32 v1, v3;
	_ =	sdelay $0x4  }
0x225: {  	[tilespmem:s18], [sflag:$0x2] =	stream.indirect_vreg.gather [hbm4b:s1+s4], $0x80, v3, vm0, $0xb8;
	[tilespmem:$0x1F000] =	vst v63  }
0x226: {  	_ = 	snop  }
0x227: {  	[tilespmem:s19], [sflag:$0x2] =	stream.indirect_vreg.gather [hbm4b:s5+s4], $0x80, v3, vm0, $0xb8;
	[tilespmem:$0x1F000] =	vst v63  }
0x228: {  	_ = 	snop  }
0x229: {  	[tilespmem:s20], [sflag:$0x2] =	stream.indirect_vreg.gather [hbm4b:s6+s4], $0x80, v3, vm0, $0xb8;
	[tilespmem:$0x1F000] =	vst v63  }
0x22a: {  	s21 =	simm.s32 $0x2  }
0x22b: {  	[tilespmem:s25], [sflag:$0x2] =	stream.indirect_vreg.gather [hbm4b:s7+s4], $0x80, v3, vm0, $0xb8;
	[tilespmem:$0x1F000] =	vst v63  }
0x22c: {  	_ =	swait.ge [sflag:s21], $0xA000  }
0x22d: {  	[sflag:s21] =	ssyncset.done $0x0  }
0x22e: {  	[sflag:s21] =	ssyncadd.s32 $0xFFFF6000  }
0x22f: {  	v3 =	vld [tilespmem:$0x900];
	_ =	sdelay $0x4  }
0x230: {  	v18 =	vshll.u32 v3, $0x3  }
0x231: {  	v3 =	vand.u32 $0x7, v3;
	v4 =	vand.u32 $0xFFFFFFC0, v18  }
0x232: {  	v3 =	vor.u32 v3, v4  }
0x233: {  	v4 =	vperm.xlane v3, v0;
	_ =	sdelay $0x1  }
0x234: {  	v4 =	vadd.s32 v1, v4;
	_ =	sdelay $0x3  }
0x235: {  	s25 =	simm.s32 $0xB000  }
0x236: {  	[hbm4b:s3+s4] =	stream.indirect_vreg.scatter [tilespmem:s25], [sflag:$0x3], $0x80, v4, vm0, $0xb8;
	[tilespmem:$0x1F000] =	vst v63  }
0x237: {  	s28 =	simm.s32 $0xB800;
	v3 =	vperm.xlane v3, v2  }
0x238: {  	[hbm4b:s8+s4] =	stream.indirect_vreg.scatter [tilespmem:s28], [sflag:$0x3], $0x80, v4, vm0, $0xb8;
	[tilespmem:$0x1F000] =	vst v63  }
0x239: {  	s2 =	simm.s32 $0xC000;
	v3 =	vadd.s32 v1, v3  }
0x23a: {  	[hbm4b:s9+s4] =	stream.indirect_vreg.scatter [tilespmem:s2], [sflag:$0x3], $0x80, v4, vm0, $0xb8;
	[tilespmem:$0x1F000] =	vst v63  }
0x23b: {  	s13 =	simm.s32 $0xC800  }
0x23c: {  	[hbm4b:s10+s4] =	stream.indirect_vreg.scatter [tilespmem:s13], [sflag:$0x3], $0x80, v4, vm0, $0xb8;
	[tilespmem:$0x1F000] =	vst v63  }
0x23d: {  	s14 =	simm.s32 $0xD000  }
0x23e: {  	[hbm4b:s3+s4] =	stream.indirect_vreg.scatter [tilespmem:s14], [sflag:$0x3], $0x80, v3, vm0, $0xb8;
	[tilespmem:$0x1F000] =	vst v63  }
0x23f: {  	s0 =	simm.s32 $0xD800  }
0x240: {  	[hbm4b:s8+s4] =	stream.indirect_vreg.scatter [tilespmem:s0], [sflag:$0x3], $0x80, v3, vm0, $0xb8;
	[tilespmem:$0x1F000] =	vst v63  }
0x241: {  	s12 =	simm.s32 $0xE000  }
0x242: {  	[hbm4b:s9+s4] =	stream.indirect_vreg.scatter [tilespmem:s12], [sflag:$0x3], $0x80, v3, vm0, $0xb8;
	[tilespmem:$0x1F000] =	vst v63  }
0x243: {  	s29 =	simm.s32 $0xE800  }
0x244: {  	[hbm4b:s10+s4] =	stream.indirect_vreg.scatter [tilespmem:s29], [sflag:$0x3], $0x80, v3, vm0, $0xb8;
	[tilespmem:$0x1F000] =	vst v63  }
0x245: {  	v3 =	vld [tilespmem:$0x910];
	_ =	sdelay $0x4  }
0x246: {  	v19 =	vshll.u32 v3, $0x3  }
0x247: {  	v3 =	vand.u32 $0x7, v3;
	v4 =	vand.u32 $0xFFFFFFC0, v19  }
0x248: {  	v3 =	vor.u32 v3, v4  }
0x249: {  	v4 =	vperm.xlane v3, v0;
	_ =	sdelay $0x1  }
0x24a: {  	v4 =	vadd.s32 v1, v4;
	_ =	sdelay $0x3  }
0x24b: {  	s21 =	simm.s32 $0xF000  }
0x24c: {  	[hbm4b:s3+s4] =	stream.indirect_vreg.scatter [tilespmem:s21], [sflag:$0x3], $0x80, v4, vm0, $0xb8;
	[tilespmem:$0x1F000] =	vst v63  }
0x24d: {  	s22 =	simm.s32 $0xF800;
	v3 =	vperm.xlane v3, v2  }
0x24e: {  	[hbm4b:s8+s4] =	stream.indirect_vreg.scatter [tilespmem:s22], [sflag:$0x3], $0x80, v4, vm0, $0xb8;
	[tilespmem:$0x1F000] =	vst v63  }
0x24f: {  	s15 =	simm.s32 $0x10000;
	v3 =	vadd.s32 v1, v3  }
0x250: {  	[hbm4b:s9+s4] =	stream.indirect_vreg.scatter [tilespmem:s15], [sflag:$0x3], $0x80, v4, vm0, $0xb8;
	[tilespmem:$0x1F000] =	vst v63  }
0x251: {  	s17 =	simm.s32 $0x10800  }
0x252: {  	[hbm4b:s10+s4] =	stream.indirect_vreg.scatter [tilespmem:s17], [sflag:$0x3], $0x80, v4, vm0, $0xb8;
	[tilespmem:$0x1F000] =	vst v63  }
0x253: {  	s16 =	simm.s32 $0x11000  }
0x254: {  	[hbm4b:s3+s4] =	stream.indirect_vreg.scatter [tilespmem:s16], [sflag:$0x3], $0x80, v3, vm0, $0xb8;
	[tilespmem:$0x1F000] =	vst v63  }
0x255: {  	s18 =	simm.s32 $0x11800  }
0x256: {  	[hbm4b:s8+s4] =	stream.indirect_vreg.scatter [tilespmem:s18], [sflag:$0x3], $0x80, v3, vm0, $0xb8;
	[tilespmem:$0x1F000] =	vst v63  }
0x257: {  	s19 =	simm.s32 $0x12000  }
0x258: {  	[hbm4b:s9+s4] =	stream.indirect_vreg.scatter [tilespmem:s19], [sflag:$0x3], $0x80, v3, vm0, $0xb8;
	[tilespmem:$0x1F000] =	vst v63  }
0x259: {  	s26 =	simm.s32 $0x12800  }
0x25a: {  	[hbm4b:s10+s4] =	stream.indirect_vreg.scatter [tilespmem:s26], [sflag:$0x3], $0x80, v3, vm0, $0xb8;
	[tilespmem:$0x1F000] =	vst v63  }
0x25b: {  	v3 =	vld.msk [tilespmem:$0x920], $0xff;
	_ =	sdelay $0x4  }
0x25c: {  	v20 =	vshll.u32 v3, $0x3  }
0x25d: {  	v3 =	vand.u32 $0x7, v3;
	v4 =	vand.u32 $0xFFFFFFC0, v20  }
0x25e: {  	v3 =	vor.u32 v3, v4  }
0x25f: {  	v3 =	vperm.xlane v3, v0;
	_ =	sdelay $0x1  }
0x260: {  	v3 =	vadd.s32 v1, v3;
	_ =	sdelay $0x3  }
0x261: {  	s20 =	simm.s32 $0x13000  }
0x262: {  	[hbm4b:s3+s4] =	stream.indirect_vreg.scatter [tilespmem:s20], [sflag:$0x3], $0x80, v3, vm0, $0xb8;
	[tilespmem:$0x1F000] =	vst v63  }
0x263: {  	s23 =	simm.s32 $0x13800  }
0x264: {  	[hbm4b:s8+s4] =	stream.indirect_vreg.scatter [tilespmem:s23], [sflag:$0x3], $0x80, v3, vm0, $0xb8;
	[tilespmem:$0x1F000] =	vst v63  }
0x265: {  	s24 =	simm.s32 $0x14000  }
0x266: {  	[hbm4b:s9+s4] =	stream.indirect_vreg.scatter [tilespmem:s24], [sflag:$0x3], $0x80, v3, vm0, $0xb8;
	[tilespmem:$0x1F000] =	vst v63  }
0x267: {  	s11 =	simm.s32 $0x14800  }
0x268: {  	[hbm4b:s10+s4] =	stream.indirect_vreg.scatter [tilespmem:s11], [sflag:$0x3], $0x80, v3, vm0, $0xb8;
	[tilespmem:$0x1F000] =	vst v63  }
0x269: {  	v3 =	vld [tilespmem:$0x180];
	_ =	sdelay $0x4  }
0x26a: {  	v21 =	vshll.u32 v3, $0x3  }
0x26b: {  	v3 =	vand.u32 $0x7, v3;
	v4 =	vand.u32 $0xFFFFFFC0, v21  }
0x26c: {  	v3 =	vor.u32 v3, v4  }
0x26d: {  	v4 =	vperm.xlane v3, v0;
	_ =	sdelay $0x1  }
0x26e: {  	v4 =	vadd.s32 v1, v4;
	_ =	sdelay $0x3  }
0x26f: {  	s31 =	simm.s32 $0x1000  }
0x270: {  	[hbm4b:s3+s4] =	stream.indirect_vreg.scatter [tilespmem:s31], [sflag:$0x1], $0x80, v4, vm0, $0xb8;
	[tilespmem:$0x1F000] =	vst v63  }
0x271: {  	v3 =	vperm.xlane v3, v2;
	s31 =	simm.s32 $0x1800  }
0x272: {  	[hbm4b:s8+s4] =	stream.indirect_vreg.scatter [tilespmem:s31], [sflag:$0x1], $0x80, v4, vm0, $0xb8;
	[tilespmem:$0x1F000] =	vst v63  }
0x273: {  	v3 =	vadd.s32 v1, v3;
	s31 =	simm.s32 $0x2000  }
0x274: {  	[hbm4b:s9+s4] =	stream.indirect_vreg.scatter [tilespmem:s31], [sflag:$0x1], $0x80, v4, vm0, $0xb8;
	[tilespmem:$0x1F000] =	vst v63  }
0x275: {  	s31 =	simm.s32 $0x2800  }
0x276: {  	[hbm4b:s10+s4] =	stream.indirect_vreg.scatter [tilespmem:s31], [sflag:$0x1], $0x80, v4, vm0, $0xb8;
	[tilespmem:$0x1F000] =	vst v63  }
0x277: {  	s31 =	simm.s32 $0x3000  }
0x278: {  	[hbm4b:s3+s4] =	stream.indirect_vreg.scatter [tilespmem:s31], [sflag:$0x1], $0x80, v3, vm0, $0xb8;
	[tilespmem:$0x1F000] =	vst v63  }
0x279: {  	s31 =	simm.s32 $0x3800  }
0x27a: {  	[hbm4b:s8+s4] =	stream.indirect_vreg.scatter [tilespmem:s31], [sflag:$0x1], $0x80, v3, vm0, $0xb8;
	[tilespmem:$0x1F000] =	vst v63  }
0x27b: {  	s31 =	simm.s32 $0x4000  }
0x27c: {  	[hbm4b:s9+s4] =	stream.indirect_vreg.scatter [tilespmem:s31], [sflag:$0x1], $0x80, v3, vm0, $0xb8;
	[tilespmem:$0x1F000] =	vst v63  }
0x27d: {  	s31 =	simm.s32 $0x4800  }
0x27e: {  	[hbm4b:s10+s4] =	stream.indirect_vreg.scatter [tilespmem:s31], [sflag:$0x1], $0x80, v3, vm0, $0xb8;
	[tilespmem:$0x1F000] =	vst v63  }
0x27f: {  	v3 =	vld [tilespmem:$0x190];
	_ =	sdelay $0x4  }
0x280: {  	v22 =	vshll.u32 v3, $0x3  }
0x281: {  	v3 =	vand.u32 $0x7, v3;
	v4 =	vand.u32 $0xFFFFFFC0, v22  }
0x282: {  	v3 =	vor.u32 v3, v4  }
0x283: {  	v4 =	vperm.xlane v3, v0;
	_ =	sdelay $0x1  }
0x284: {  	v4 =	vadd.s32 v1, v4;
	_ =	sdelay $0x3  }
0x285: {  	s31 =	simm.s32 $0x5000  }
0x286: {  	[hbm4b:s3+s4] =	stream.indirect_vreg.scatter [tilespmem:s31], [sflag:$0x1], $0x80, v4, vm0, $0xb8;
	[tilespmem:$0x1F000] =	vst v63  }
0x287: {  	v3 =	vperm.xlane v3, v2;
	s31 =	simm.s32 $0x5800  }
0x288: {  	[hbm4b:s8+s4] =	stream.indirect_vreg.scatter [tilespmem:s31], [sflag:$0x1], $0x80, v4, vm0, $0xb8;
	[tilespmem:$0x1F000] =	vst v63  }
0x289: {  	v3 =	vadd.s32 v1, v3;
	s31 =	simm.s32 $0x6000  }
0x28a: {  	[hbm4b:s9+s4] =	stream.indirect_vreg.scatter [tilespmem:s31], [sflag:$0x1], $0x80, v4, vm0, $0xb8;
	[tilespmem:$0x1F000] =	vst v63  }
0x28b: {  	s31 =	simm.s32 $0x6800  }
0x28c: {  	[hbm4b:s10+s4] =	stream.indirect_vreg.scatter [tilespmem:s31], [sflag:$0x1], $0x80, v4, vm0, $0xb8;
	[tilespmem:$0x1F000] =	vst v63  }
0x28d: {  	s31 =	simm.s32 $0x7000  }
0x28e: {  	[hbm4b:s3+s4] =	stream.indirect_vreg.scatter [tilespmem:s31], [sflag:$0x1], $0x80, v3, vm0, $0xb8;
	[tilespmem:$0x1F000] =	vst v63  }
0x28f: {  	s31 =	simm.s32 $0x7800  }
0x290: {  	[hbm4b:s8+s4] =	stream.indirect_vreg.scatter [tilespmem:s31], [sflag:$0x1], $0x80, v3, vm0, $0xb8;
	[tilespmem:$0x1F000] =	vst v63  }
0x291: {  	s31 =	simm.s32 $0x8000  }
0x292: {  	[hbm4b:s9+s4] =	stream.indirect_vreg.scatter [tilespmem:s31], [sflag:$0x1], $0x80, v3, vm0, $0xb8;
	[tilespmem:$0x1F000] =	vst v63  }
0x293: {  	s31 =	simm.s32 $0x8800  }
0x294: {  	[hbm4b:s10+s4] =	stream.indirect_vreg.scatter [tilespmem:s31], [sflag:$0x1], $0x80, v3, vm0, $0xb8;
	[tilespmem:$0x1F000] =	vst v63  }
0x295: {  	v3 =	vld.msk [tilespmem:$0x1A0], $0xff;
	_ =	sdelay $0x4  }
0x296: {  	v23 =	vshll.u32 v3, $0x3  }
0x297: {  	v3 =	vand.u32 $0x7, v3;
	v4 =	vand.u32 $0xFFFFFFC0, v23  }
0x298: {  	v3 =	vor.u32 v3, v4  }
0x299: {  	v3 =	vperm.xlane v3, v0;
	_ =	sdelay $0x1  }
0x29a: {  	v3 =	vadd.s32 v1, v3;
	_ =	sdelay $0x3  }
0x29b: {  	s31 =	simm.s32 $0x9000  }
0x29c: {  	[hbm4b:s3+s4] =	stream.indirect_vreg.scatter [tilespmem:s31], [sflag:$0x1], $0x80, v3, vm0, $0xb8;
	[tilespmem:$0x1F000] =	vst v63  }
0x29d: {  	s31 =	simm.s32 $0x9800  }
0x29e: {  	[hbm4b:s8+s4] =	stream.indirect_vreg.scatter [tilespmem:s31], [sflag:$0x1], $0x80, v3, vm0, $0xb8;
	[tilespmem:$0x1F000] =	vst v63  }
0x29f: {  	s31 =	simm.s32 $0xA000  }
0x2a0: {  	[hbm4b:s9+s4] =	stream.indirect_vreg.scatter [tilespmem:s31], [sflag:$0x1], $0x80, v3, vm0, $0xb8;
	[tilespmem:$0x1F000] =	vst v63  }
0x2a1: {  	s31 =	simm.s32 $0xA800  }
0x2a2: {  	[hbm4b:s10+s4] =	stream.indirect_vreg.scatter [tilespmem:s31], [sflag:$0x1], $0x80, v3, vm0, $0xb8;
	[tilespmem:$0x1F000] =	vst v63  }
0x2a3: {  	_ =	swait.ge [sflag:s30], $0xA000  }
0x2a4: {  	[sflag:s30] =	ssyncset.done $0x0  }
0x2a5: {  	[sflag:s30] =	ssyncadd.s32 $0xFFFF6000  }
0x2a6: {  	v3 =	vld [tilespmem:$0xA00];
	_ =	sdelay $0x4  }
0x2a7: {  	v24 =	vshll.u32 v3, $0x3  }
0x2a8: {  	v3 =	vand.u32 $0x7, v3;
	v4 =	vand.u32 $0xFFFFFFC0, v24  }
0x2a9: {  	v3 =	vor.u32 v3, v4  }
0x2aa: {  	v4 =	vperm.xlane v3, v0;
	_ =	sdelay $0x1  }
0x2ab: {  	v4 =	vadd.s32 v1, v4;
	_ =	sdelay $0x4  }
0x2ac: {  	[tilespmem:s25], [sflag:$0x2] =	stream.indirect_vreg.gather [hbm4b:s1+s4], $0x80, v4, vm0, $0xb8;
	[tilespmem:$0x1F000] =	vst v63  }
0x2ad: {  	v3 =	vperm.xlane v3, v2  }
0x2ae: {  	[tilespmem:s28], [sflag:$0x2] =	stream.indirect_vreg.gather [hbm4b:s5+s4], $0x80, v4, vm0, $0xb8;
	[tilespmem:$0x1F000] =	vst v63  }
0x2af: {  	v3 =	vadd.s32 v1, v3  }
0x2b0: {  	[tilespmem:s2], [sflag:$0x2] =	stream.indirect_vreg.gather [hbm4b:s6+s4], $0x80, v4, vm0, $0xb8;
	[tilespmem:$0x1F000] =	vst v63  }
0x2b1: {  	_ = 	snop  }
0x2b2: {  	[tilespmem:s13], [sflag:$0x2] =	stream.indirect_vreg.gather [hbm4b:s7+s4], $0x80, v4, vm0, $0xb8;
	[tilespmem:$0x1F000] =	vst v63  }
0x2b3: {  	_ = 	snop  }
0x2b4: {  	[tilespmem:s14], [sflag:$0x2] =	stream.indirect_vreg.gather [hbm4b:s1+s4], $0x80, v3, vm0, $0xb8;
	[tilespmem:$0x1F000] =	vst v63  }
0x2b5: {  	_ = 	snop  }
0x2b6: {  	[tilespmem:s0], [sflag:$0x2] =	stream.indirect_vreg.gather [hbm4b:s5+s4], $0x80, v3, vm0, $0xb8;
	[tilespmem:$0x1F000] =	vst v63  }
0x2b7: {  	_ = 	snop  }
0x2b8: {  	[tilespmem:s12], [sflag:$0x2] =	stream.indirect_vreg.gather [hbm4b:s6+s4], $0x80, v3, vm0, $0xb8;
	[tilespmem:$0x1F000] =	vst v63  }
0x2b9: {  	_ = 	snop  }
0x2ba: {  	[tilespmem:s29], [sflag:$0x2] =	stream.indirect_vreg.gather [hbm4b:s7+s4], $0x80, v3, vm0, $0xb8;
	[tilespmem:$0x1F000] =	vst v63  }
0x2bb: {  	v3 =	vld [tilespmem:$0xA10];
	_ =	sdelay $0x4  }
0x2bc: {  	v25 =	vshll.u32 v3, $0x3  }
0x2bd: {  	v3 =	vand.u32 $0x7, v3;
	v4 =	vand.u32 $0xFFFFFFC0, v25  }
0x2be: {  	v3 =	vor.u32 v3, v4  }
0x2bf: {  	v4 =	vperm.xlane v3, v0;
	_ =	sdelay $0x1  }
0x2c0: {  	v4 =	vadd.s32 v1, v4;
	_ =	sdelay $0x4  }
0x2c1: {  	[tilespmem:s21], [sflag:$0x2] =	stream.indirect_vreg.gather [hbm4b:s1+s4], $0x80, v4, vm0, $0xb8;
	[tilespmem:$0x1F000] =	vst v63  }
0x2c2: {  	v3 =	vperm.xlane v3, v2  }
0x2c3: {  	[tilespmem:s22], [sflag:$0x2] =	stream.indirect_vreg.gather [hbm4b:s5+s4], $0x80, v4, vm0, $0xb8;
	[tilespmem:$0x1F000] =	vst v63  }
0x2c4: {  	v3 =	vadd.s32 v1, v3  }
0x2c5: {  	[tilespmem:s15], [sflag:$0x2] =	stream.indirect_vreg.gather [hbm4b:s6+s4], $0x80, v4, vm0, $0xb8;
	[tilespmem:$0x1F000] =	vst v63  }
0x2c6: {  	_ = 	snop  }
0x2c7: {  	[tilespmem:s17], [sflag:$0x2] =	stream.indirect_vreg.gather [hbm4b:s7+s4], $0x80, v4, vm0, $0xb8;
	[tilespmem:$0x1F000] =	vst v63  }
0x2c8: {  	_ = 	snop  }
0x2c9: {  	[tilespmem:s16], [sflag:$0x2] =	stream.indirect_vreg.gather [hbm4b:s1+s4], $0x80, v3, vm0, $0xb8;
	[tilespmem:$0x1F000] =	vst v63  }
0x2ca: {  	_ = 	snop  }
0x2cb: {  	[tilespmem:s18], [sflag:$0x2] =	stream.indirect_vreg.gather [hbm4b:s5+s4], $0x80, v3, vm0, $0xb8;
	[tilespmem:$0x1F000] =	vst v63  }
0x2cc: {  	_ = 	snop  }
0x2cd: {  	[tilespmem:s19], [sflag:$0x2] =	stream.indirect_vreg.gather [hbm4b:s6+s4], $0x80, v3, vm0, $0xb8;
	[tilespmem:$0x1F000] =	vst v63  }
0x2ce: {  	_ = 	snop  }
0x2cf: {  	[tilespmem:s26], [sflag:$0x2] =	stream.indirect_vreg.gather [hbm4b:s7+s4], $0x80, v3, vm0, $0xb8;
	[tilespmem:$0x1F000] =	vst v63  }
0x2d0: {  	v3 =	vld.msk [tilespmem:$0xA20], $0xff;
	_ =	sdelay $0x4  }
0x2d1: {  	v26 =	vshll.u32 v3, $0x3  }
0x2d2: {  	v3 =	vand.u32 $0x7, v3;
	v4 =	vand.u32 $0xFFFFFFC0, v26  }
0x2d3: {  	v3 =	vor.u32 v3, v4  }
0x2d4: {  	v3 =	vperm.xlane v3, v0;
	_ =	sdelay $0x1  }
0x2d5: {  	v3 =	vadd.s32 v1, v3;
	_ =	sdelay $0x4  }
0x2d6: {  	[tilespmem:s20], [sflag:$0x2] =	stream.indirect_vreg.gather [hbm4b:s1+s4], $0x80, v3, vm0, $0xb8;
	[tilespmem:$0x1F000] =	vst v63  }
0x2d7: {  	_ = 	snop  }
0x2d8: {  	[tilespmem:s23], [sflag:$0x2] =	stream.indirect_vreg.gather [hbm4b:s5+s4], $0x80, v3, vm0, $0xb8;
	[tilespmem:$0x1F000] =	vst v63  }
0x2d9: {  	_ = 	snop  }
0x2da: {  	[tilespmem:s24], [sflag:$0x2] =	stream.indirect_vreg.gather [hbm4b:s6+s4], $0x80, v3, vm0, $0xb8;
	[tilespmem:$0x1F000] =	vst v63  }
0x2db: {  	s22 =	simm.s32 $0x2  }
0x2dc: {  	[tilespmem:s11], [sflag:$0x2] =	stream.indirect_vreg.gather [hbm4b:s7+s4], $0x80, v3, vm0, $0xb8;
	[tilespmem:$0x1F000] =	vst v63  }
0x2dd: {  	_ =	swait.ge [sflag:s22], $0xA000  }
0x2de: {  	[sflag:s22] =	ssyncset.done $0x0  }
0x2df: {  	[sflag:s22] =	ssyncadd.s32 $0xFFFF6000  }
0x2e0: {  	v3 =	vld [tilespmem:$0x980];
	_ =	sdelay $0x4  }
0x2e1: {  	v27 =	vshll.u32 v3, $0x3  }
0x2e2: {  	v3 =	vand.u32 $0x7, v3;
	v4 =	vand.u32 $0xFFFFFFC0, v27  }
0x2e3: {  	v3 =	vor.u32 v3, v4  }
0x2e4: {  	v4 =	vperm.xlane v3, v0;
	_ =	sdelay $0x1  }
0x2e5: {  	v4 =	vadd.s32 v1, v4;
	_ =	sdelay $0x3  }
0x2e6: {  	s23 =	simm.s32 $0x15000  }
0x2e7: {  	[hbm4b:s3+s4] =	stream.indirect_vreg.scatter [tilespmem:s23], [sflag:$0x3], $0x80, v4, vm0, $0xb8;
	[tilespmem:$0x1F000] =	vst v63  }
0x2e8: {  	s25 =	simm.s32 $0x15800;
	v3 =	vperm.xlane v3, v2  }
0x2e9: {  	[hbm4b:s8+s4] =	stream.indirect_vreg.scatter [tilespmem:s25], [sflag:$0x3], $0x80, v4, vm0, $0xb8;
	[tilespmem:$0x1F000] =	vst v63  }
0x2ea: {  	s11 =	simm.s32 $0x16000;
	v3 =	vadd.s32 v1, v3  }
0x2eb: {  	[hbm4b:s9+s4] =	stream.indirect_vreg.scatter [tilespmem:s11], [sflag:$0x3], $0x80, v4, vm0, $0xb8;
	[tilespmem:$0x1F000] =	vst v63  }
0x2ec: {  	s12 =	simm.s32 $0x16800  }
0x2ed: {  	[hbm4b:s10+s4] =	stream.indirect_vreg.scatter [tilespmem:s12], [sflag:$0x3], $0x80, v4, vm0, $0xb8;
	[tilespmem:$0x1F000] =	vst v63  }
0x2ee: {  	s0 =	simm.s32 $0x17000  }
0x2ef: {  	[hbm4b:s3+s4] =	stream.indirect_vreg.scatter [tilespmem:s0], [sflag:$0x3], $0x80, v3, vm0, $0xb8;
	[tilespmem:$0x1F000] =	vst v63  }
0x2f0: {  	s13 =	simm.s32 $0x17800  }
0x2f1: {  	[hbm4b:s8+s4] =	stream.indirect_vreg.scatter [tilespmem:s13], [sflag:$0x3], $0x80, v3, vm0, $0xb8;
	[tilespmem:$0x1F000] =	vst v63  }
0x2f2: {  	s14 =	simm.s32 $0x18000  }
0x2f3: {  	[hbm4b:s9+s4] =	stream.indirect_vreg.scatter [tilespmem:s14], [sflag:$0x3], $0x80, v3, vm0, $0xb8;
	[tilespmem:$0x1F000] =	vst v63  }
0x2f4: {  	s24 =	simm.s32 $0x18800  }
0x2f5: {  	[hbm4b:s10+s4] =	stream.indirect_vreg.scatter [tilespmem:s24], [sflag:$0x3], $0x80, v3, vm0, $0xb8;
	[tilespmem:$0x1F000] =	vst v63  }
0x2f6: {  	v3 =	vld [tilespmem:$0x990];
	_ =	sdelay $0x4  }
0x2f7: {  	v28 =	vshll.u32 v3, $0x3  }
0x2f8: {  	v3 =	vand.u32 $0x7, v3;
	v4 =	vand.u32 $0xFFFFFFC0, v28  }
0x2f9: {  	v3 =	vor.u32 v3, v4  }
0x2fa: {  	v4 =	vperm.xlane v3, v0;
	_ =	sdelay $0x1  }
0x2fb: {  	v4 =	vadd.s32 v1, v4;
	_ =	sdelay $0x3  }
0x2fc: {  	s26 =	simm.s32 $0x19000  }
0x2fd: {  	[hbm4b:s3+s4] =	stream.indirect_vreg.scatter [tilespmem:s26], [sflag:$0x3], $0x80, v4, vm0, $0xb8;
	[tilespmem:$0x1F000] =	vst v63  }
0x2fe: {  	s23 =	simm.s32 $0x19800;
	v3 =	vperm.xlane v3, v2  }
0x2ff: {  	[hbm4b:s8+s4] =	stream.indirect_vreg.scatter [tilespmem:s23], [sflag:$0x3], $0x80, v4, vm0, $0xb8;
	[tilespmem:$0x1F000] =	vst v63  }
0x300: {  	s15 =	simm.s32 $0x1A000;
	v3 =	vadd.s32 v1, v3  }
0x301: {  	[hbm4b:s9+s4] =	stream.indirect_vreg.scatter [tilespmem:s15], [sflag:$0x3], $0x80, v4, vm0, $0xb8;
	[tilespmem:$0x1F000] =	vst v63  }
0x302: {  	s16 =	simm.s32 $0x1A800  }
0x303: {  	[hbm4b:s10+s4] =	stream.indirect_vreg.scatter [tilespmem:s16], [sflag:$0x3], $0x80, v4, vm0, $0xb8;
	[tilespmem:$0x1F000] =	vst v63  }
0x304: {  	s17 =	simm.s32 $0x1B000  }
0x305: {  	[hbm4b:s3+s4] =	stream.indirect_vreg.scatter [tilespmem:s17], [sflag:$0x3], $0x80, v3, vm0, $0xb8;
	[tilespmem:$0x1F000] =	vst v63  }
0x306: {  	s18 =	simm.s32 $0x1B800  }
0x307: {  	[hbm4b:s8+s4] =	stream.indirect_vreg.scatter [tilespmem:s18], [sflag:$0x3], $0x80, v3, vm0, $0xb8;
	[tilespmem:$0x1F000] =	vst v63  }
0x308: {  	s19 =	simm.s32 $0x1C000  }
0x309: {  	[hbm4b:s9+s4] =	stream.indirect_vreg.scatter [tilespmem:s19], [sflag:$0x3], $0x80, v3, vm0, $0xb8;
	[tilespmem:$0x1F000] =	vst v63  }
0x30a: {  	s24 =	simm.s32 $0x1C800  }
0x30b: {  	[hbm4b:s10+s4] =	stream.indirect_vreg.scatter [tilespmem:s24], [sflag:$0x3], $0x80, v3, vm0, $0xb8;
	[tilespmem:$0x1F000] =	vst v63  }
0x30c: {  	v3 =	vld.msk [tilespmem:$0x9A0], $0xff;
	_ =	sdelay $0x4  }
0x30d: {  	v29 =	vshll.u32 v3, $0x3  }
0x30e: {  	v3 =	vand.u32 $0x7, v3;
	v4 =	vand.u32 $0xFFFFFFC0, v29  }
0x30f: {  	v3 =	vor.u32 v3, v4  }
0x310: {  	v3 =	vperm.xlane v3, v0;
	_ =	sdelay $0x1  }
0x311: {  	v3 =	vadd.s32 v1, v3;
	_ =	sdelay $0x3  }
0x312: {  	s20 =	simm.s32 $0x1D000  }
0x313: {  	[hbm4b:s3+s4] =	stream.indirect_vreg.scatter [tilespmem:s20], [sflag:$0x3], $0x80, v3, vm0, $0xb8;
	[tilespmem:$0x1F000] =	vst v63  }
0x314: {  	s21 =	simm.s32 $0x1D800  }
0x315: {  	[hbm4b:s8+s4] =	stream.indirect_vreg.scatter [tilespmem:s21], [sflag:$0x3], $0x80, v3, vm0, $0xb8;
	[tilespmem:$0x1F000] =	vst v63  }
0x316: {  	s22 =	simm.s32 $0x1E000  }
0x317: {  	[hbm4b:s9+s4] =	stream.indirect_vreg.scatter [tilespmem:s22], [sflag:$0x3], $0x80, v3, vm0, $0xb8;
	[tilespmem:$0x1F000] =	vst v63  }
0x318: {  	s2 =	simm.s32 $0x1E800  }
0x319: {  	[hbm4b:s10+s4] =	stream.indirect_vreg.scatter [tilespmem:s2], [sflag:$0x3], $0x80, v3, vm0, $0xb8;
	[tilespmem:$0x1F000] =	vst v63  }
0x31a: {  	v3 =	vld [tilespmem:$0x200];
	_ =	sdelay $0x4  }
0x31b: {  	v30 =	vshll.u32 v3, $0x3  }
0x31c: {  	v3 =	vand.u32 $0x7, v3;
	v4 =	vand.u32 $0xFFFFFFC0, v30  }
0x31d: {  	v3 =	vor.u32 v3, v4  }
0x31e: {  	v4 =	vperm.xlane v3, v0;
	_ =	sdelay $0x1  }
0x31f: {  	v4 =	vadd.s32 v1, v4;
	_ =	sdelay $0x3  }
0x320: {  	s31 =	simm.s32 $0x1000  }
0x321: {  	[hbm4b:s3+s4] =	stream.indirect_vreg.scatter [tilespmem:s31], [sflag:$0x1], $0x80, v4, vm0, $0xb8;
	[tilespmem:$0x1F000] =	vst v63  }
0x322: {  	v3 =	vperm.xlane v3, v2;
	s31 =	simm.s32 $0x1800  }
0x323: {  	[hbm4b:s8+s4] =	stream.indirect_vreg.scatter [tilespmem:s31], [sflag:$0x1], $0x80, v4, vm0, $0xb8;
	[tilespmem:$0x1F000] =	vst v63  }
0x324: {  	v3 =	vadd.s32 v1, v3;
	s31 =	simm.s32 $0x2000  }
0x325: {  	[hbm4b:s9+s4] =	stream.indirect_vreg.scatter [tilespmem:s31], [sflag:$0x1], $0x80, v4, vm0, $0xb8;
	[tilespmem:$0x1F000] =	vst v63  }
0x326: {  	s31 =	simm.s32 $0x2800  }
0x327: {  	[hbm4b:s10+s4] =	stream.indirect_vreg.scatter [tilespmem:s31], [sflag:$0x1], $0x80, v4, vm0, $0xb8;
	[tilespmem:$0x1F000] =	vst v63  }
0x328: {  	s31 =	simm.s32 $0x3000  }
0x329: {  	[hbm4b:s3+s4] =	stream.indirect_vreg.scatter [tilespmem:s31], [sflag:$0x1], $0x80, v3, vm0, $0xb8;
	[tilespmem:$0x1F000] =	vst v63  }
0x32a: {  	s31 =	simm.s32 $0x3800  }
0x32b: {  	[hbm4b:s8+s4] =	stream.indirect_vreg.scatter [tilespmem:s31], [sflag:$0x1], $0x80, v3, vm0, $0xb8;
	[tilespmem:$0x1F000] =	vst v63  }
0x32c: {  	s31 =	simm.s32 $0x4000  }
0x32d: {  	[hbm4b:s9+s4] =	stream.indirect_vreg.scatter [tilespmem:s31], [sflag:$0x1], $0x80, v3, vm0, $0xb8;
	[tilespmem:$0x1F000] =	vst v63  }
0x32e: {  	s31 =	simm.s32 $0x4800  }
0x32f: {  	[hbm4b:s10+s4] =	stream.indirect_vreg.scatter [tilespmem:s31], [sflag:$0x1], $0x80, v3, vm0, $0xb8;
	[tilespmem:$0x1F000] =	vst v63  }
0x330: {  	v3 =	vld [tilespmem:$0x210];
	_ =	sdelay $0x4  }
0x331: {  	v31 =	vshll.u32 v3, $0x3  }
0x332: {  	v3 =	vand.u32 $0x7, v3;
	v4 =	vand.u32 $0xFFFFFFC0, v31  }
0x333: {  	v3 =	vor.u32 v3, v4  }
0x334: {  	v4 =	vperm.xlane v3, v0;
	_ =	sdelay $0x1  }
0x335: {  	v4 =	vadd.s32 v1, v4;
	_ =	sdelay $0x3  }
0x336: {  	s31 =	simm.s32 $0x5000  }
0x337: {  	[hbm4b:s3+s4] =	stream.indirect_vreg.scatter [tilespmem:s31], [sflag:$0x1], $0x80, v4, vm0, $0xb8;
	[tilespmem:$0x1F000] =	vst v63  }
0x338: {  	v3 =	vperm.xlane v3, v2;
	s31 =	simm.s32 $0x5800  }
0x339: {  	[hbm4b:s8+s4] =	stream.indirect_vreg.scatter [tilespmem:s31], [sflag:$0x1], $0x80, v4, vm0, $0xb8;
	[tilespmem:$0x1F000] =	vst v63  }
0x33a: {  	v3 =	vadd.s32 v1, v3;
	s31 =	simm.s32 $0x6000  }
0x33b: {  	[hbm4b:s9+s4] =	stream.indirect_vreg.scatter [tilespmem:s31], [sflag:$0x1], $0x80, v4, vm0, $0xb8;
	[tilespmem:$0x1F000] =	vst v63  }
0x33c: {  	s31 =	simm.s32 $0x6800  }
0x33d: {  	[hbm4b:s10+s4] =	stream.indirect_vreg.scatter [tilespmem:s31], [sflag:$0x1], $0x80, v4, vm0, $0xb8;
	[tilespmem:$0x1F000] =	vst v63  }
0x33e: {  	s31 =	simm.s32 $0x7000  }
0x33f: {  	[hbm4b:s3+s4] =	stream.indirect_vreg.scatter [tilespmem:s31], [sflag:$0x1], $0x80, v3, vm0, $0xb8;
	[tilespmem:$0x1F000] =	vst v63  }
0x340: {  	s31 =	simm.s32 $0x7800  }
0x341: {  	[hbm4b:s8+s4] =	stream.indirect_vreg.scatter [tilespmem:s31], [sflag:$0x1], $0x80, v3, vm0, $0xb8;
	[tilespmem:$0x1F000] =	vst v63  }
0x342: {  	s31 =	simm.s32 $0x8000  }
0x343: {  	[hbm4b:s9+s4] =	stream.indirect_vreg.scatter [tilespmem:s31], [sflag:$0x1], $0x80, v3, vm0, $0xb8;
	[tilespmem:$0x1F000] =	vst v63  }
0x344: {  	s31 =	simm.s32 $0x8800  }
0x345: {  	[hbm4b:s10+s4] =	stream.indirect_vreg.scatter [tilespmem:s31], [sflag:$0x1], $0x80, v3, vm0, $0xb8;
	[tilespmem:$0x1F000] =	vst v63  }
0x346: {  	v3 =	vld.msk [tilespmem:$0x220], $0xff;
	_ =	sdelay $0x4  }
0x347: {  	v32 =	vshll.u32 v3, $0x3  }
0x348: {  	v3 =	vand.u32 $0x7, v3;
	v4 =	vand.u32 $0xFFFFFFC0, v32  }
0x349: {  	v3 =	vor.u32 v3, v4  }
0x34a: {  	v3 =	vperm.xlane v3, v0;
	_ =	sdelay $0x1  }
0x34b: {  	v3 =	vadd.s32 v1, v3;
	_ =	sdelay $0x3  }
0x34c: {  	s31 =	simm.s32 $0x9000  }
0x34d: {  	[hbm4b:s3+s4] =	stream.indirect_vreg.scatter [tilespmem:s31], [sflag:$0x1], $0x80, v3, vm0, $0xb8;
	[tilespmem:$0x1F000] =	vst v63  }
0x34e: {  	s31 =	simm.s32 $0x9800  }
0x34f: {  	[hbm4b:s8+s4] =	stream.indirect_vreg.scatter [tilespmem:s31], [sflag:$0x1], $0x80, v3, vm0, $0xb8;
	[tilespmem:$0x1F000] =	vst v63  }
0x350: {  	s31 =	simm.s32 $0xA000  }
0x351: {  	[hbm4b:s9+s4] =	stream.indirect_vreg.scatter [tilespmem:s31], [sflag:$0x1], $0x80, v3, vm0, $0xb8;
	[tilespmem:$0x1F000] =	vst v63  }
0x352: {  	s31 =	simm.s32 $0xA800  }
0x353: {  	[hbm4b:s10+s4] =	stream.indirect_vreg.scatter [tilespmem:s31], [sflag:$0x1], $0x80, v3, vm0, $0xb8;
	[tilespmem:$0x1F000] =	vst v63  }
0x354: {  	_ =	swait.ge [sflag:s30], $0xA000  }
0x355: {  	[sflag:s30] =	ssyncset.done $0x0  }
0x356: {  	[sflag:s30] =	ssyncadd.s32 $0xFFFF6000  }
0x357: {  	v3 =	vld [tilespmem:$0xA80];
	_ =	sdelay $0x4  }
0x358: {  	v33 =	vshll.u32 v3, $0x3  }
0x359: {  	v3 =	vand.u32 $0x7, v3;
	v4 =	vand.u32 $0xFFFFFFC0, v33  }
0x35a: {  	v3 =	vor.u32 v3, v4  }
0x35b: {  	v4 =	vperm.xlane v3, v0;
	_ =	sdelay $0x1  }
0x35c: {  	v4 =	vadd.s32 v1, v4;
	_ =	sdelay $0x3  }
0x35d: {  	s28 =	simm.s32 $0x15000  }
0x35e: {  	[tilespmem:s28], [sflag:$0x2] =	stream.indirect_vreg.gather [hbm4b:s1+s4], $0x80, v4, vm0, $0xb8;
	[tilespmem:$0x1F000] =	vst v63  }
0x35f: {  	v3 =	vperm.xlane v3, v2  }
0x360: {  	[tilespmem:s25], [sflag:$0x2] =	stream.indirect_vreg.gather [hbm4b:s5+s4], $0x80, v4, vm0, $0xb8;
	[tilespmem:$0x1F000] =	vst v63  }
0x361: {  	v3 =	vadd.s32 v1, v3  }
0x362: {  	[tilespmem:s11], [sflag:$0x2] =	stream.indirect_vreg.gather [hbm4b:s6+s4], $0x80, v4, vm0, $0xb8;
	[tilespmem:$0x1F000] =	vst v63  }
0x363: {  	_ = 	snop  }
0x364: {  	[tilespmem:s12], [sflag:$0x2] =	stream.indirect_vreg.gather [hbm4b:s7+s4], $0x80, v4, vm0, $0xb8;
	[tilespmem:$0x1F000] =	vst v63  }
0x365: {  	_ = 	snop  }
0x366: {  	[tilespmem:s0], [sflag:$0x2] =	stream.indirect_vreg.gather [hbm4b:s1+s4], $0x80, v3, vm0, $0xb8;
	[tilespmem:$0x1F000] =	vst v63  }
0x367: {  	_ = 	snop  }
0x368: {  	[tilespmem:s13], [sflag:$0x2] =	stream.indirect_vreg.gather [hbm4b:s5+s4], $0x80, v3, vm0, $0xb8;
	[tilespmem:$0x1F000] =	vst v63  }
0x369: {  	_ = 	snop  }
0x36a: {  	[tilespmem:s14], [sflag:$0x2] =	stream.indirect_vreg.gather [hbm4b:s6+s4], $0x80, v3, vm0, $0xb8;
	[tilespmem:$0x1F000] =	vst v63  }
0x36b: {  	s29 =	simm.s32 $0x18800  }
0x36c: {  	[tilespmem:s29], [sflag:$0x2] =	stream.indirect_vreg.gather [hbm4b:s7+s4], $0x80, v3, vm0, $0xb8;
	[tilespmem:$0x1F000] =	vst v63  }
0x36d: {  	v3 =	vld [tilespmem:$0xA90];
	_ =	sdelay $0x4  }
0x36e: {  	v34 =	vshll.u32 v3, $0x3  }
0x36f: {  	v3 =	vand.u32 $0x7, v3;
	v4 =	vand.u32 $0xFFFFFFC0, v34  }
0x370: {  	v3 =	vor.u32 v3, v4  }
0x371: {  	v4 =	vperm.xlane v3, v0;
	_ =	sdelay $0x1  }
0x372: {  	v4 =	vadd.s32 v1, v4;
	_ =	sdelay $0x3  }
0x373: {  	s26 =	simm.s32 $0x19000  }
0x374: {  	[tilespmem:s26], [sflag:$0x2] =	stream.indirect_vreg.gather [hbm4b:s1+s4], $0x80, v4, vm0, $0xb8;
	[tilespmem:$0x1F000] =	vst v63  }
0x375: {  	v3 =	vperm.xlane v3, v2  }
0x376: {  	[tilespmem:s23], [sflag:$0x2] =	stream.indirect_vreg.gather [hbm4b:s5+s4], $0x80, v4, vm0, $0xb8;
	[tilespmem:$0x1F000] =	vst v63  }
0x377: {  	v3 =	vadd.s32 v1, v3  }
0x378: {  	[tilespmem:s15], [sflag:$0x2] =	stream.indirect_vreg.gather [hbm4b:s6+s4], $0x80, v4, vm0, $0xb8;
	[tilespmem:$0x1F000] =	vst v63  }
0x379: {  	_ = 	snop  }
0x37a: {  	[tilespmem:s16], [sflag:$0x2] =	stream.indirect_vreg.gather [hbm4b:s7+s4], $0x80, v4, vm0, $0xb8;
	[tilespmem:$0x1F000] =	vst v63  }
0x37b: {  	_ = 	snop  }
0x37c: {  	[tilespmem:s17], [sflag:$0x2] =	stream.indirect_vreg.gather [hbm4b:s1+s4], $0x80, v3, vm0, $0xb8;
	[tilespmem:$0x1F000] =	vst v63  }
0x37d: {  	_ = 	snop  }
0x37e: {  	[tilespmem:s18], [sflag:$0x2] =	stream.indirect_vreg.gather [hbm4b:s5+s4], $0x80, v3, vm0, $0xb8;
	[tilespmem:$0x1F000] =	vst v63  }
0x37f: {  	_ = 	snop  }
0x380: {  	[tilespmem:s19], [sflag:$0x2] =	stream.indirect_vreg.gather [hbm4b:s6+s4], $0x80, v3, vm0, $0xb8;
	[tilespmem:$0x1F000] =	vst v63  }
0x381: {  	_ = 	snop  }
0x382: {  	[tilespmem:s24], [sflag:$0x2] =	stream.indirect_vreg.gather [hbm4b:s7+s4], $0x80, v3, vm0, $0xb8;
	[tilespmem:$0x1F000] =	vst v63  }
0x383: {  	v3 =	vld.msk [tilespmem:$0xAA0], $0xff;
	_ =	sdelay $0x4  }
0x384: {  	v35 =	vshll.u32 v3, $0x3  }
0x385: {  	v3 =	vand.u32 $0x7, v3;
	v4 =	vand.u32 $0xFFFFFFC0, v35  }
0x386: {  	v3 =	vor.u32 v3, v4  }
0x387: {  	v3 =	vperm.xlane v3, v0;
	_ =	sdelay $0x1  }
0x388: {  	v3 =	vadd.s32 v1, v3;
	_ =	sdelay $0x4  }
0x389: {  	[tilespmem:s20], [sflag:$0x2] =	stream.indirect_vreg.gather [hbm4b:s1+s4], $0x80, v3, vm0, $0xb8;
	[tilespmem:$0x1F000] =	vst v63  }
0x38a: {  	_ = 	snop  }
0x38b: {  	[tilespmem:s21], [sflag:$0x2] =	stream.indirect_vreg.gather [hbm4b:s5+s4], $0x80, v3, vm0, $0xb8;
	[tilespmem:$0x1F000] =	vst v63  }
0x38c: {  	_ = 	snop  }
0x38d: {  	[tilespmem:s22], [sflag:$0x2] =	stream.indirect_vreg.gather [hbm4b:s6+s4], $0x80, v3, vm0, $0xb8;
	[tilespmem:$0x1F000] =	vst v63  }
0x38e: {  	s30 =	simm.s32 $0x2  }
0x38f: {  	[tilespmem:s2], [sflag:$0x2] =	stream.indirect_vreg.gather [hbm4b:s7+s4], $0x80, v3, vm0, $0xb8;
	[tilespmem:$0x1F000] =	vst v63  }
0x390: {  	_ =	swait.ge [sflag:s30], $0xA000  }
0x391: {  	[sflag:s30] =	ssyncset.done $0x0  }
0x392: {  	[sflag:s30] =	ssyncadd.s32 $0xFFFF6000  }
0x393: {  	v3 =	vld [tilespmem:$0xA00];
	_ =	sdelay $0x4  }
0x394: {  	v36 =	vshll.u32 v3, $0x3  }
0x395: {  	v3 =	vand.u32 $0x7, v3;
	v4 =	vand.u32 $0xFFFFFFC0, v36  }
0x396: {  	v3 =	vor.u32 v3, v4  }
0x397: {  	v4 =	vperm.xlane v3, v0;
	_ =	sdelay $0x1  }
0x398: {  	v4 =	vadd.s32 v1, v4;
	_ =	sdelay $0x3  }
0x399: {  	s14 =	simm.s32 $0xB000  }
0x39a: {  	[hbm4b:s3+s4] =	stream.indirect_vreg.scatter [tilespmem:s14], [sflag:$0x3], $0x80, v4, vm0, $0xb8;
	[tilespmem:$0x1F000] =	vst v63  }
0x39b: {  	s22 =	simm.s32 $0xB800;
	v3 =	vperm.xlane v3, v2  }
0x39c: {  	[hbm4b:s8+s4] =	stream.indirect_vreg.scatter [tilespmem:s22], [sflag:$0x3], $0x80, v4, vm0, $0xb8;
	[tilespmem:$0x1F000] =	vst v63  }
0x39d: {  	s29 =	simm.s32 $0xC000;
	v3 =	vadd.s32 v1, v3  }
0x39e: {  	[hbm4b:s9+s4] =	stream.indirect_vreg.scatter [tilespmem:s29], [sflag:$0x3], $0x80, v4, vm0, $0xb8;
	[tilespmem:$0x1F000] =	vst v63  }
0x39f: {  	s2 =	simm.s32 $0xC800  }
0x3a0: {  	[hbm4b:s10+s4] =	stream.indirect_vreg.scatter [tilespmem:s2], [sflag:$0x3], $0x80, v4, vm0, $0xb8;
	[tilespmem:$0x1F000] =	vst v63  }
0x3a1: {  	s11 =	simm.s32 $0xD000  }
0x3a2: {  	[hbm4b:s3+s4] =	stream.indirect_vreg.scatter [tilespmem:s11], [sflag:$0x3], $0x80, v3, vm0, $0xb8;
	[tilespmem:$0x1F000] =	vst v63  }
0x3a3: {  	s30 =	simm.s32 $0xD800  }
0x3a4: {  	[hbm4b:s8+s4] =	stream.indirect_vreg.scatter [tilespmem:s30], [sflag:$0x3], $0x80, v3, vm0, $0xb8;
	[tilespmem:$0x1F000] =	vst v63  }
0x3a5: {  	s0 =	simm.s32 $0xE000  }
0x3a6: {  	[hbm4b:s9+s4] =	stream.indirect_vreg.scatter [tilespmem:s0], [sflag:$0x3], $0x80, v3, vm0, $0xb8;
	[tilespmem:$0x1F000] =	vst v63  }
0x3a7: {  	s23 =	simm.s32 $0xE800  }
0x3a8: {  	[hbm4b:s10+s4] =	stream.indirect_vreg.scatter [tilespmem:s23], [sflag:$0x3], $0x80, v3, vm0, $0xb8;
	[tilespmem:$0x1F000] =	vst v63  }
0x3a9: {  	v3 =	vld [tilespmem:$0xA10];
	_ =	sdelay $0x4  }
0x3aa: {  	v37 =	vshll.u32 v3, $0x3  }
0x3ab: {  	v3 =	vand.u32 $0x7, v3;
	v4 =	vand.u32 $0xFFFFFFC0, v37  }
0x3ac: {  	v3 =	vor.u32 v3, v4  }
0x3ad: {  	v4 =	vperm.xlane v3, v0;
	_ =	sdelay $0x1  }
0x3ae: {  	v4 =	vadd.s32 v1, v4;
	_ =	sdelay $0x3  }
0x3af: {  	s24 =	simm.s32 $0xF000  }
0x3b0: {  	[hbm4b:s3+s4] =	stream.indirect_vreg.scatter [tilespmem:s24], [sflag:$0x3], $0x80, v4, vm0, $0xb8;
	[tilespmem:$0x1F000] =	vst v63  }
0x3b1: {  	s25 =	simm.s32 $0xF800;
	v3 =	vperm.xlane v3, v2  }
0x3b2: {  	[hbm4b:s8+s4] =	stream.indirect_vreg.scatter [tilespmem:s25], [sflag:$0x3], $0x80, v4, vm0, $0xb8;
	[tilespmem:$0x1F000] =	vst v63  }
0x3b3: {  	s13 =	simm.s32 $0x10000;
	v3 =	vadd.s32 v1, v3  }
0x3b4: {  	[hbm4b:s9+s4] =	stream.indirect_vreg.scatter [tilespmem:s13], [sflag:$0x3], $0x80, v4, vm0, $0xb8;
	[tilespmem:$0x1F000] =	vst v63  }
0x3b5: {  	s16 =	simm.s32 $0x10800  }
0x3b6: {  	[hbm4b:s10+s4] =	stream.indirect_vreg.scatter [tilespmem:s16], [sflag:$0x3], $0x80, v4, vm0, $0xb8;
	[tilespmem:$0x1F000] =	vst v63  }
0x3b7: {  	s15 =	simm.s32 $0x11000  }
0x3b8: {  	[hbm4b:s3+s4] =	stream.indirect_vreg.scatter [tilespmem:s15], [sflag:$0x3], $0x80, v3, vm0, $0xb8;
	[tilespmem:$0x1F000] =	vst v63  }
0x3b9: {  	s17 =	simm.s32 $0x11800  }
0x3ba: {  	[hbm4b:s8+s4] =	stream.indirect_vreg.scatter [tilespmem:s17], [sflag:$0x3], $0x80, v3, vm0, $0xb8;
	[tilespmem:$0x1F000] =	vst v63  }
0x3bb: {  	s18 =	simm.s32 $0x12000  }
0x3bc: {  	[hbm4b:s9+s4] =	stream.indirect_vreg.scatter [tilespmem:s18], [sflag:$0x3], $0x80, v3, vm0, $0xb8;
	[tilespmem:$0x1F000] =	vst v63  }
0x3bd: {  	s26 =	simm.s32 $0x12800  }
0x3be: {  	[hbm4b:s10+s4] =	stream.indirect_vreg.scatter [tilespmem:s26], [sflag:$0x3], $0x80, v3, vm0, $0xb8;
	[tilespmem:$0x1F000] =	vst v63  }
0x3bf: {  	v3 =	vld.msk [tilespmem:$0xA20], $0xff;
	_ =	sdelay $0x4  }
0x3c0: {  	v38 =	vshll.u32 v3, $0x3  }
0x3c1: {  	v3 =	vand.u32 $0x7, v3;
	v4 =	vand.u32 $0xFFFFFFC0, v38  }
0x3c2: {  	v3 =	vor.u32 v3, v4  }
0x3c3: {  	v3 =	vperm.xlane v3, v0;
	_ =	sdelay $0x1  }
0x3c4: {  	v3 =	vadd.s32 v1, v3;
	_ =	sdelay $0x3  }
0x3c5: {  	s19 =	simm.s32 $0x13000  }
0x3c6: {  	[hbm4b:s3+s4] =	stream.indirect_vreg.scatter [tilespmem:s19], [sflag:$0x3], $0x80, v3, vm0, $0xb8;
	[tilespmem:$0x1F000] =	vst v63  }
0x3c7: {  	s20 =	simm.s32 $0x13800  }
0x3c8: {  	[hbm4b:s8+s4] =	stream.indirect_vreg.scatter [tilespmem:s20], [sflag:$0x3], $0x80, v3, vm0, $0xb8;
	[tilespmem:$0x1F000] =	vst v63  }
0x3c9: {  	s21 =	simm.s32 $0x14000  }
0x3ca: {  	[hbm4b:s9+s4] =	stream.indirect_vreg.scatter [tilespmem:s21], [sflag:$0x3], $0x80, v3, vm0, $0xb8;
	[tilespmem:$0x1F000] =	vst v63  }
0x3cb: {  	s28 =	simm.s32 $0x14800  }
0x3cc: {  	[hbm4b:s10+s4] =	stream.indirect_vreg.scatter [tilespmem:s28], [sflag:$0x3], $0x80, v3, vm0, $0xb8;
	[tilespmem:$0x1F000] =	vst v63  }
0x3cd: {  	v3 =	vld [tilespmem:$0x280];
	_ =	sdelay $0x4  }
0x3ce: {  	v39 =	vshll.u32 v3, $0x3  }
0x3cf: {  	v3 =	vand.u32 $0x7, v3;
	v4 =	vand.u32 $0xFFFFFFC0, v39  }
0x3d0: {  	v3 =	vor.u32 v3, v4  }
0x3d1: {  	v4 =	vperm.xlane v3, v0;
	_ =	sdelay $0x1  }
0x3d2: {  	v4 =	vadd.s32 v1, v4;
	_ =	sdelay $0x3  }
0x3d3: {  	s12 =	simm.s32 $0x1000  }
0x3d4: {  	[hbm4b:s3+s4] =	stream.indirect_vreg.scatter [tilespmem:s12], [sflag:$0x1], $0x80, v4, vm0, $0xb8;
	[tilespmem:$0x1F000] =	vst v63  }
0x3d5: {  	v3 =	vperm.xlane v3, v2;
	s12 =	simm.s32 $0x1800  }
0x3d6: {  	[hbm4b:s8+s4] =	stream.indirect_vreg.scatter [tilespmem:s12], [sflag:$0x1], $0x80, v4, vm0, $0xb8;
	[tilespmem:$0x1F000] =	vst v63  }
0x3d7: {  	v3 =	vadd.s32 v1, v3;
	s12 =	simm.s32 $0x2000  }
0x3d8: {  	[hbm4b:s9+s4] =	stream.indirect_vreg.scatter [tilespmem:s12], [sflag:$0x1], $0x80, v4, vm0, $0xb8;
	[tilespmem:$0x1F000] =	vst v63  }
0x3d9: {  	s12 =	simm.s32 $0x2800  }
0x3da: {  	[hbm4b:s10+s4] =	stream.indirect_vreg.scatter [tilespmem:s12], [sflag:$0x1], $0x80, v4, vm0, $0xb8;
	[tilespmem:$0x1F000] =	vst v63  }
0x3db: {  	s12 =	simm.s32 $0x3000  }
0x3dc: {  	[hbm4b:s3+s4] =	stream.indirect_vreg.scatter [tilespmem:s12], [sflag:$0x1], $0x80, v3, vm0, $0xb8;
	[tilespmem:$0x1F000] =	vst v63  }
0x3dd: {  	s12 =	simm.s32 $0x3800  }
0x3de: {  	[hbm4b:s8+s4] =	stream.indirect_vreg.scatter [tilespmem:s12], [sflag:$0x1], $0x80, v3, vm0, $0xb8;
	[tilespmem:$0x1F000] =	vst v63  }
0x3df: {  	s12 =	simm.s32 $0x4000  }
0x3e0: {  	[hbm4b:s9+s4] =	stream.indirect_vreg.scatter [tilespmem:s12], [sflag:$0x1], $0x80, v3, vm0, $0xb8;
	[tilespmem:$0x1F000] =	vst v63  }
0x3e1: {  	s12 =	simm.s32 $0x4800  }
0x3e2: {  	[hbm4b:s10+s4] =	stream.indirect_vreg.scatter [tilespmem:s12], [sflag:$0x1], $0x80, v3, vm0, $0xb8;
	[tilespmem:$0x1F000] =	vst v63  }
0x3e3: {  	v3 =	vld [tilespmem:$0x290];
	_ =	sdelay $0x4  }
0x3e4: {  	v40 =	vshll.u32 v3, $0x3  }
0x3e5: {  	v3 =	vand.u32 $0x7, v3;
	v4 =	vand.u32 $0xFFFFFFC0, v40  }
0x3e6: {  	v3 =	vor.u32 v3, v4  }
0x3e7: {  	v4 =	vperm.xlane v3, v0;
	_ =	sdelay $0x1  }
0x3e8: {  	v4 =	vadd.s32 v1, v4;
	_ =	sdelay $0x3  }
0x3e9: {  	s12 =	simm.s32 $0x5000  }
0x3ea: {  	[hbm4b:s3+s4] =	stream.indirect_vreg.scatter [tilespmem:s12], [sflag:$0x1], $0x80, v4, vm0, $0xb8;
	[tilespmem:$0x1F000] =	vst v63  }
0x3eb: {  	v3 =	vperm.xlane v3, v2;
	s12 =	simm.s32 $0x5800  }
0x3ec: {  	[hbm4b:s8+s4] =	stream.indirect_vreg.scatter [tilespmem:s12], [sflag:$0x1], $0x80, v4, vm0, $0xb8;
	[tilespmem:$0x1F000] =	vst v63  }
0x3ed: {  	v3 =	vadd.s32 v1, v3;
	s12 =	simm.s32 $0x6000  }
0x3ee: {  	[hbm4b:s9+s4] =	stream.indirect_vreg.scatter [tilespmem:s12], [sflag:$0x1], $0x80, v4, vm0, $0xb8;
	[tilespmem:$0x1F000] =	vst v63  }
0x3ef: {  	s12 =	simm.s32 $0x6800  }
0x3f0: {  	[hbm4b:s10+s4] =	stream.indirect_vreg.scatter [tilespmem:s12], [sflag:$0x1], $0x80, v4, vm0, $0xb8;
	[tilespmem:$0x1F000] =	vst v63  }
0x3f1: {  	s12 =	simm.s32 $0x7000  }
0x3f2: {  	[hbm4b:s3+s4] =	stream.indirect_vreg.scatter [tilespmem:s12], [sflag:$0x1], $0x80, v3, vm0, $0xb8;
	[tilespmem:$0x1F000] =	vst v63  }
0x3f3: {  	s12 =	simm.s32 $0x7800  }
0x3f4: {  	[hbm4b:s8+s4] =	stream.indirect_vreg.scatter [tilespmem:s12], [sflag:$0x1], $0x80, v3, vm0, $0xb8;
	[tilespmem:$0x1F000] =	vst v63  }
0x3f5: {  	s12 =	simm.s32 $0x8000  }
0x3f6: {  	[hbm4b:s9+s4] =	stream.indirect_vreg.scatter [tilespmem:s12], [sflag:$0x1], $0x80, v3, vm0, $0xb8;
	[tilespmem:$0x1F000] =	vst v63  }
0x3f7: {  	s12 =	simm.s32 $0x8800  }
0x3f8: {  	[hbm4b:s10+s4] =	stream.indirect_vreg.scatter [tilespmem:s12], [sflag:$0x1], $0x80, v3, vm0, $0xb8;
	[tilespmem:$0x1F000] =	vst v63  }
0x3f9: {  	v3 =	vld.msk [tilespmem:$0x2A0], $0xff;
	_ =	sdelay $0x4  }
0x3fa: {  	v41 =	vshll.u32 v3, $0x3  }
0x3fb: {  	v3 =	vand.u32 $0x7, v3;
	v4 =	vand.u32 $0xFFFFFFC0, v41  }
0x3fc: {  	v3 =	vor.u32 v3, v4  }
0x3fd: {  	v3 =	vperm.xlane v3, v0;
	_ =	sdelay $0x1  }
0x3fe: {  	v3 =	vadd.s32 v1, v3;
	_ =	sdelay $0x3  }
0x3ff: {  	s12 =	simm.s32 $0x9000  }
0x400: {  	[hbm4b:s3+s4] =	stream.indirect_vreg.scatter [tilespmem:s12], [sflag:$0x1], $0x80, v3, vm0, $0xb8;
	[tilespmem:$0x1F000] =	vst v63  }
0x401: {  	s12 =	simm.s32 $0x9800  }
0x402: {  	[hbm4b:s8+s4] =	stream.indirect_vreg.scatter [tilespmem:s12], [sflag:$0x1], $0x80, v3, vm0, $0xb8;
	[tilespmem:$0x1F000] =	vst v63  }
0x403: {  	s12 =	simm.s32 $0xA000  }
0x404: {  	[hbm4b:s9+s4] =	stream.indirect_vreg.scatter [tilespmem:s12], [sflag:$0x1], $0x80, v3, vm0, $0xb8;
	[tilespmem:$0x1F000] =	vst v63  }
0x405: {  	s31 =	simm.s32 $0xA800  }
0x406: {  	[hbm4b:s10+s4] =	stream.indirect_vreg.scatter [tilespmem:s31], [sflag:$0x1], $0x80, v3, vm0, $0xb8;
	[tilespmem:$0x1F000] =	vst v63  }
0x407: {  	s31 =	simm.s32 $0x3  }
0x408: {  	_ =	swait.ge [sflag:s31], $0xA000  }
0x409: {  	[sflag:s31] =	ssyncset.done $0x0  }
0x40a: {  	[sflag:s31] =	ssyncadd.s32 $0xFFFF6000  }
0x40b: {  	v3 =	vld [tilespmem:$0xB00];
	_ =	sdelay $0x4  }
0x40c: {  	v42 =	vshll.u32 v3, $0x3  }
0x40d: {  	v3 =	vand.u32 $0x7, v3;
	v4 =	vand.u32 $0xFFFFFFC0, v42  }
0x40e: {  	v3 =	vor.u32 v3, v4  }
0x40f: {  	v4 =	vperm.xlane v3, v0;
	_ =	sdelay $0x1  }
0x410: {  	v4 =	vadd.s32 v1, v4;
	_ =	sdelay $0x4  }
0x411: {  	[tilespmem:s14], [sflag:$0x2] =	stream.indirect_vreg.gather [hbm4b:s1+s4], $0x80, v4, vm0, $0xb8;
	[tilespmem:$0x1F000] =	vst v63  }
0x412: {  	v3 =	vperm.xlane v3, v2  }
0x413: {  	[tilespmem:s22], [sflag:$0x2] =	stream.indirect_vreg.gather [hbm4b:s5+s4], $0x80, v4, vm0, $0xb8;
	[tilespmem:$0x1F000] =	vst v63  }
0x414: {  	v3 =	vadd.s32 v1, v3  }
0x415: {  	[tilespmem:s29], [sflag:$0x2] =	stream.indirect_vreg.gather [hbm4b:s6+s4], $0x80, v4, vm0, $0xb8;
	[tilespmem:$0x1F000] =	vst v63  }
0x416: {  	_ = 	snop  }
0x417: {  	[tilespmem:s2], [sflag:$0x2] =	stream.indirect_vreg.gather [hbm4b:s7+s4], $0x80, v4, vm0, $0xb8;
	[tilespmem:$0x1F000] =	vst v63  }
0x418: {  	_ = 	snop  }
0x419: {  	[tilespmem:s11], [sflag:$0x2] =	stream.indirect_vreg.gather [hbm4b:s1+s4], $0x80, v3, vm0, $0xb8;
	[tilespmem:$0x1F000] =	vst v63  }
0x41a: {  	_ = 	snop  }
0x41b: {  	[tilespmem:s30], [sflag:$0x2] =	stream.indirect_vreg.gather [hbm4b:s5+s4], $0x80, v3, vm0, $0xb8;
	[tilespmem:$0x1F000] =	vst v63  }
0x41c: {  	_ = 	snop  }
0x41d: {  	[tilespmem:s0], [sflag:$0x2] =	stream.indirect_vreg.gather [hbm4b:s6+s4], $0x80, v3, vm0, $0xb8;
	[tilespmem:$0x1F000] =	vst v63  }
0x41e: {  	_ = 	snop  }
0x41f: {  	[tilespmem:s23], [sflag:$0x2] =	stream.indirect_vreg.gather [hbm4b:s7+s4], $0x80, v3, vm0, $0xb8;
	[tilespmem:$0x1F000] =	vst v63  }
0x420: {  	v3 =	vld [tilespmem:$0xB10];
	_ =	sdelay $0x4  }
0x421: {  	v43 =	vshll.u32 v3, $0x3  }
0x422: {  	v3 =	vand.u32 $0x7, v3;
	v4 =	vand.u32 $0xFFFFFFC0, v43  }
0x423: {  	v3 =	vor.u32 v3, v4  }
0x424: {  	v4 =	vperm.xlane v3, v0;
	_ =	sdelay $0x1  }
0x425: {  	v4 =	vadd.s32 v1, v4;
	_ =	sdelay $0x4  }
0x426: {  	[tilespmem:s24], [sflag:$0x2] =	stream.indirect_vreg.gather [hbm4b:s1+s4], $0x80, v4, vm0, $0xb8;
	[tilespmem:$0x1F000] =	vst v63  }
0x427: {  	v3 =	vperm.xlane v3, v2  }
0x428: {  	[tilespmem:s25], [sflag:$0x2] =	stream.indirect_vreg.gather [hbm4b:s5+s4], $0x80, v4, vm0, $0xb8;
	[tilespmem:$0x1F000] =	vst v63  }
0x429: {  	v3 =	vadd.s32 v1, v3  }
0x42a: {  	[tilespmem:s13], [sflag:$0x2] =	stream.indirect_vreg.gather [hbm4b:s6+s4], $0x80, v4, vm0, $0xb8;
	[tilespmem:$0x1F000] =	vst v63  }
0x42b: {  	_ = 	snop  }
0x42c: {  	[tilespmem:s16], [sflag:$0x2] =	stream.indirect_vreg.gather [hbm4b:s7+s4], $0x80, v4, vm0, $0xb8;
	[tilespmem:$0x1F000] =	vst v63  }
0x42d: {  	_ = 	snop  }
0x42e: {  	[tilespmem:s15], [sflag:$0x2] =	stream.indirect_vreg.gather [hbm4b:s1+s4], $0x80, v3, vm0, $0xb8;
	[tilespmem:$0x1F000] =	vst v63  }
0x42f: {  	_ = 	snop  }
0x430: {  	[tilespmem:s17], [sflag:$0x2] =	stream.indirect_vreg.gather [hbm4b:s5+s4], $0x80, v3, vm0, $0xb8;
	[tilespmem:$0x1F000] =	vst v63  }
0x431: {  	_ = 	snop  }
0x432: {  	[tilespmem:s18], [sflag:$0x2] =	stream.indirect_vreg.gather [hbm4b:s6+s4], $0x80, v3, vm0, $0xb8;
	[tilespmem:$0x1F000] =	vst v63  }
0x433: {  	_ = 	snop  }
0x434: {  	[tilespmem:s26], [sflag:$0x2] =	stream.indirect_vreg.gather [hbm4b:s7+s4], $0x80, v3, vm0, $0xb8;
	[tilespmem:$0x1F000] =	vst v63  }
0x435: {  	v3 =	vld.msk [tilespmem:$0xB20], $0xff;
	_ =	sdelay $0x4  }
0x436: {  	v44 =	vshll.u32 v3, $0x3  }
0x437: {  	v3 =	vand.u32 $0x7, v3;
	v4 =	vand.u32 $0xFFFFFFC0, v44  }
0x438: {  	v3 =	vor.u32 v3, v4  }
0x439: {  	v3 =	vperm.xlane v3, v0;
	_ =	sdelay $0x1  }
0x43a: {  	v3 =	vadd.s32 v1, v3;
	_ =	sdelay $0x4  }
0x43b: {  	[tilespmem:s19], [sflag:$0x2] =	stream.indirect_vreg.gather [hbm4b:s1+s4], $0x80, v3, vm0, $0xb8;
	[tilespmem:$0x1F000] =	vst v63  }
0x43c: {  	_ = 	snop  }
0x43d: {  	[tilespmem:s20], [sflag:$0x2] =	stream.indirect_vreg.gather [hbm4b:s5+s4], $0x80, v3, vm0, $0xb8;
	[tilespmem:$0x1F000] =	vst v63  }
0x43e: {  	_ = 	snop  }
0x43f: {  	[tilespmem:s21], [sflag:$0x2] =	stream.indirect_vreg.gather [hbm4b:s6+s4], $0x80, v3, vm0, $0xb8;
	[tilespmem:$0x1F000] =	vst v63  }
0x440: {  	s25 =	simm.s32 $0x2  }
0x441: {  	[tilespmem:s28], [sflag:$0x2] =	stream.indirect_vreg.gather [hbm4b:s7+s4], $0x80, v3, vm0, $0xb8;
	[tilespmem:$0x1F000] =	vst v63  }
0x442: {  	_ =	swait.ge [sflag:s25], $0xA000  }
0x443: {  	[sflag:s25] =	ssyncset.done $0x0  }
0x444: {  	[sflag:s25] =	ssyncadd.s32 $0xFFFF6000  }
0x445: {  	v3 =	vld [tilespmem:$0xA80];
	_ =	sdelay $0x4  }
0x446: {  	v45 =	vshll.u32 v3, $0x3  }
0x447: {  	v3 =	vand.u32 $0x7, v3;
	v4 =	vand.u32 $0xFFFFFFC0, v45  }
0x448: {  	v3 =	vor.u32 v3, v4  }
0x449: {  	v4 =	vperm.xlane v3, v0;
	_ =	sdelay $0x1  }
0x44a: {  	v4 =	vadd.s32 v1, v4;
	_ =	sdelay $0x3  }
0x44b: {  	s30 =	simm.s32 $0x15000  }
0x44c: {  	[hbm4b:s3+s4] =	stream.indirect_vreg.scatter [tilespmem:s30], [sflag:$0x3], $0x80, v4, vm0, $0xb8;
	[tilespmem:$0x1F000] =	vst v63  }
0x44d: {  	s31 =	simm.s32 $0x15800;
	v3 =	vperm.xlane v3, v2  }
0x44e: {  	[hbm4b:s8+s4] =	stream.indirect_vreg.scatter [tilespmem:s31], [sflag:$0x3], $0x80, v4, vm0, $0xb8;
	[tilespmem:$0x1F000] =	vst v63  }
0x44f: {  	s2 =	simm.s32 $0x16000;
	v3 =	vadd.s32 v1, v3  }
0x450: {  	[hbm4b:s9+s4] =	stream.indirect_vreg.scatter [tilespmem:s2], [sflag:$0x3], $0x80, v4, vm0, $0xb8;
	[tilespmem:$0x1F000] =	vst v63  }
0x451: {  	s0 =	simm.s32 $0x16800  }
0x452: {  	[hbm4b:s10+s4] =	stream.indirect_vreg.scatter [tilespmem:s0], [sflag:$0x3], $0x80, v4, vm0, $0xb8;
	[tilespmem:$0x1F000] =	vst v63  }
0x453: {  	s14 =	simm.s32 $0x17000  }
0x454: {  	[hbm4b:s3+s4] =	stream.indirect_vreg.scatter [tilespmem:s14], [sflag:$0x3], $0x80, v3, vm0, $0xb8;
	[tilespmem:$0x1F000] =	vst v63  }
0x455: {  	s13 =	simm.s32 $0x17800  }
0x456: {  	[hbm4b:s8+s4] =	stream.indirect_vreg.scatter [tilespmem:s13], [sflag:$0x3], $0x80, v3, vm0, $0xb8;
	[tilespmem:$0x1F000] =	vst v63  }
0x457: {  	s15 =	simm.s32 $0x18000  }
0x458: {  	[hbm4b:s9+s4] =	stream.indirect_vreg.scatter [tilespmem:s15], [sflag:$0x3], $0x80, v3, vm0, $0xb8;
	[tilespmem:$0x1F000] =	vst v63  }
0x459: {  	s24 =	simm.s32 $0x18800  }
0x45a: {  	[hbm4b:s10+s4] =	stream.indirect_vreg.scatter [tilespmem:s24], [sflag:$0x3], $0x80, v3, vm0, $0xb8;
	[tilespmem:$0x1F000] =	vst v63  }
0x45b: {  	v3 =	vld [tilespmem:$0xA90];
	_ =	sdelay $0x4  }
0x45c: {  	v46 =	vshll.u32 v3, $0x3  }
0x45d: {  	v3 =	vand.u32 $0x7, v3;
	v4 =	vand.u32 $0xFFFFFFC0, v46  }
0x45e: {  	v3 =	vor.u32 v3, v4  }
0x45f: {  	v4 =	vperm.xlane v3, v0;
	_ =	sdelay $0x1  }
0x460: {  	v4 =	vadd.s32 v1, v4;
	_ =	sdelay $0x3  }
0x461: {  	s25 =	simm.s32 $0x19000  }
0x462: {  	[hbm4b:s3+s4] =	stream.indirect_vreg.scatter [tilespmem:s25], [sflag:$0x3], $0x80, v4, vm0, $0xb8;
	[tilespmem:$0x1F000] =	vst v63  }
0x463: {  	s26 =	simm.s32 $0x19800;
	v3 =	vperm.xlane v3, v2  }
0x464: {  	[hbm4b:s8+s4] =	stream.indirect_vreg.scatter [tilespmem:s26], [sflag:$0x3], $0x80, v4, vm0, $0xb8;
	[tilespmem:$0x1F000] =	vst v63  }
0x465: {  	s16 =	simm.s32 $0x1A000;
	v3 =	vadd.s32 v1, v3  }
0x466: {  	[hbm4b:s9+s4] =	stream.indirect_vreg.scatter [tilespmem:s16], [sflag:$0x3], $0x80, v4, vm0, $0xb8;
	[tilespmem:$0x1F000] =	vst v63  }
0x467: {  	s17 =	simm.s32 $0x1A800  }
0x468: {  	[hbm4b:s10+s4] =	stream.indirect_vreg.scatter [tilespmem:s17], [sflag:$0x3], $0x80, v4, vm0, $0xb8;
	[tilespmem:$0x1F000] =	vst v63  }
0x469: {  	s18 =	simm.s32 $0x1B000  }
0x46a: {  	[hbm4b:s3+s4] =	stream.indirect_vreg.scatter [tilespmem:s18], [sflag:$0x3], $0x80, v3, vm0, $0xb8;
	[tilespmem:$0x1F000] =	vst v63  }
0x46b: {  	s19 =	simm.s32 $0x1B800  }
0x46c: {  	[hbm4b:s8+s4] =	stream.indirect_vreg.scatter [tilespmem:s19], [sflag:$0x3], $0x80, v3, vm0, $0xb8;
	[tilespmem:$0x1F000] =	vst v63  }
0x46d: {  	s20 =	simm.s32 $0x1C000  }
0x46e: {  	[hbm4b:s9+s4] =	stream.indirect_vreg.scatter [tilespmem:s20], [sflag:$0x3], $0x80, v3, vm0, $0xb8;
	[tilespmem:$0x1F000] =	vst v63  }
0x46f: {  	s28 =	simm.s32 $0x1C800  }
0x470: {  	[hbm4b:s10+s4] =	stream.indirect_vreg.scatter [tilespmem:s28], [sflag:$0x3], $0x80, v3, vm0, $0xb8;
	[tilespmem:$0x1F000] =	vst v63  }
0x471: {  	v3 =	vld.msk [tilespmem:$0xAA0], $0xff;
	_ =	sdelay $0x4  }
0x472: {  	v47 =	vshll.u32 v3, $0x3  }
0x473: {  	v3 =	vand.u32 $0x7, v3;
	v4 =	vand.u32 $0xFFFFFFC0, v47  }
0x474: {  	v3 =	vor.u32 v3, v4  }
0x475: {  	v3 =	vperm.xlane v3, v0;
	_ =	sdelay $0x1  }
0x476: {  	v3 =	vadd.s32 v1, v3;
	_ =	sdelay $0x3  }
0x477: {  	s21 =	simm.s32 $0x1D000  }
0x478: {  	[hbm4b:s3+s4] =	stream.indirect_vreg.scatter [tilespmem:s21], [sflag:$0x3], $0x80, v3, vm0, $0xb8;
	[tilespmem:$0x1F000] =	vst v63  }
0x479: {  	s22 =	simm.s32 $0x1D800  }
0x47a: {  	[hbm4b:s8+s4] =	stream.indirect_vreg.scatter [tilespmem:s22], [sflag:$0x3], $0x80, v3, vm0, $0xb8;
	[tilespmem:$0x1F000] =	vst v63  }
0x47b: {  	s23 =	simm.s32 $0x1E000  }
0x47c: {  	[hbm4b:s9+s4] =	stream.indirect_vreg.scatter [tilespmem:s23], [sflag:$0x3], $0x80, v3, vm0, $0xb8;
	[tilespmem:$0x1F000] =	vst v63  }
0x47d: {  	s29 =	simm.s32 $0x1E800  }
0x47e: {  	[hbm4b:s10+s4] =	stream.indirect_vreg.scatter [tilespmem:s29], [sflag:$0x3], $0x80, v3, vm0, $0xb8;
	[tilespmem:$0x1F000] =	vst v63  }
0x47f: {  	v3 =	vld [tilespmem:$0x300];
	_ =	sdelay $0x4  }
0x480: {  	v48 =	vshll.u32 v3, $0x3  }
0x481: {  	v3 =	vand.u32 $0x7, v3;
	v4 =	vand.u32 $0xFFFFFFC0, v48  }
0x482: {  	v3 =	vor.u32 v3, v4  }
0x483: {  	v4 =	vperm.xlane v3, v0;
	_ =	sdelay $0x1  }
0x484: {  	v4 =	vadd.s32 v1, v4;
	_ =	sdelay $0x3  }
0x485: {  	s11 =	simm.s32 $0x1000  }
0x486: {  	[hbm4b:s3+s4] =	stream.indirect_vreg.scatter [tilespmem:s11], [sflag:$0x1], $0x80, v4, vm0, $0xb8;
	[tilespmem:$0x1F000] =	vst v63  }
0x487: {  	v3 =	vperm.xlane v3, v2;
	s11 =	simm.s32 $0x1800  }
0x488: {  	[hbm4b:s8+s4] =	stream.indirect_vreg.scatter [tilespmem:s11], [sflag:$0x1], $0x80, v4, vm0, $0xb8;
	[tilespmem:$0x1F000] =	vst v63  }
0x489: {  	v3 =	vadd.s32 v1, v3;
	s11 =	simm.s32 $0x2000  }
0x48a: {  	[hbm4b:s9+s4] =	stream.indirect_vreg.scatter [tilespmem:s11], [sflag:$0x1], $0x80, v4, vm0, $0xb8;
	[tilespmem:$0x1F000] =	vst v63  }
0x48b: {  	s11 =	simm.s32 $0x2800  }
0x48c: {  	[hbm4b:s10+s4] =	stream.indirect_vreg.scatter [tilespmem:s11], [sflag:$0x1], $0x80, v4, vm0, $0xb8;
	[tilespmem:$0x1F000] =	vst v63  }
0x48d: {  	s11 =	simm.s32 $0x3000  }
0x48e: {  	[hbm4b:s3+s4] =	stream.indirect_vreg.scatter [tilespmem:s11], [sflag:$0x1], $0x80, v3, vm0, $0xb8;
	[tilespmem:$0x1F000] =	vst v63  }
0x48f: {  	s11 =	simm.s32 $0x3800  }
0x490: {  	[hbm4b:s8+s4] =	stream.indirect_vreg.scatter [tilespmem:s11], [sflag:$0x1], $0x80, v3, vm0, $0xb8;
	[tilespmem:$0x1F000] =	vst v63  }
0x491: {  	s11 =	simm.s32 $0x4000  }
0x492: {  	[hbm4b:s9+s4] =	stream.indirect_vreg.scatter [tilespmem:s11], [sflag:$0x1], $0x80, v3, vm0, $0xb8;
	[tilespmem:$0x1F000] =	vst v63  }
0x493: {  	s11 =	simm.s32 $0x4800  }
0x494: {  	[hbm4b:s10+s4] =	stream.indirect_vreg.scatter [tilespmem:s11], [sflag:$0x1], $0x80, v3, vm0, $0xb8;
	[tilespmem:$0x1F000] =	vst v63  }
0x495: {  	v3 =	vld [tilespmem:$0x310];
	_ =	sdelay $0x4  }
0x496: {  	v49 =	vshll.u32 v3, $0x3  }
0x497: {  	v3 =	vand.u32 $0x7, v3;
	v4 =	vand.u32 $0xFFFFFFC0, v49  }
0x498: {  	v3 =	vor.u32 v3, v4  }
0x499: {  	v4 =	vperm.xlane v3, v0;
	_ =	sdelay $0x1  }
0x49a: {  	v4 =	vadd.s32 v1, v4;
	_ =	sdelay $0x3  }
0x49b: {  	s11 =	simm.s32 $0x5000  }
0x49c: {  	[hbm4b:s3+s4] =	stream.indirect_vreg.scatter [tilespmem:s11], [sflag:$0x1], $0x80, v4, vm0, $0xb8;
	[tilespmem:$0x1F000] =	vst v63  }
0x49d: {  	v3 =	vperm.xlane v3, v2;
	s11 =	simm.s32 $0x5800  }
0x49e: {  	[hbm4b:s8+s4] =	stream.indirect_vreg.scatter [tilespmem:s11], [sflag:$0x1], $0x80, v4, vm0, $0xb8;
	[tilespmem:$0x1F000] =	vst v63  }
0x49f: {  	v3 =	vadd.s32 v1, v3;
	s11 =	simm.s32 $0x6000  }
0x4a0: {  	[hbm4b:s9+s4] =	stream.indirect_vreg.scatter [tilespmem:s11], [sflag:$0x1], $0x80, v4, vm0, $0xb8;
	[tilespmem:$0x1F000] =	vst v63  }
0x4a1: {  	s11 =	simm.s32 $0x6800  }
0x4a2: {  	[hbm4b:s10+s4] =	stream.indirect_vreg.scatter [tilespmem:s11], [sflag:$0x1], $0x80, v4, vm0, $0xb8;
	[tilespmem:$0x1F000] =	vst v63  }
0x4a3: {  	s11 =	simm.s32 $0x7000  }
0x4a4: {  	[hbm4b:s3+s4] =	stream.indirect_vreg.scatter [tilespmem:s11], [sflag:$0x1], $0x80, v3, vm0, $0xb8;
	[tilespmem:$0x1F000] =	vst v63  }
0x4a5: {  	s11 =	simm.s32 $0x7800  }
0x4a6: {  	[hbm4b:s8+s4] =	stream.indirect_vreg.scatter [tilespmem:s11], [sflag:$0x1], $0x80, v3, vm0, $0xb8;
	[tilespmem:$0x1F000] =	vst v63  }
0x4a7: {  	s11 =	simm.s32 $0x8000  }
0x4a8: {  	[hbm4b:s9+s4] =	stream.indirect_vreg.scatter [tilespmem:s11], [sflag:$0x1], $0x80, v3, vm0, $0xb8;
	[tilespmem:$0x1F000] =	vst v63  }
0x4a9: {  	s11 =	simm.s32 $0x8800  }
0x4aa: {  	[hbm4b:s10+s4] =	stream.indirect_vreg.scatter [tilespmem:s11], [sflag:$0x1], $0x80, v3, vm0, $0xb8;
	[tilespmem:$0x1F000] =	vst v63  }
0x4ab: {  	v3 =	vld.msk [tilespmem:$0x320], $0xff;
	_ =	sdelay $0x4  }
0x4ac: {  	v50 =	vshll.u32 v3, $0x3  }
0x4ad: {  	v3 =	vand.u32 $0x7, v3;
	v4 =	vand.u32 $0xFFFFFFC0, v50  }
0x4ae: {  	v3 =	vor.u32 v3, v4  }
0x4af: {  	v3 =	vperm.xlane v3, v0;
	_ =	sdelay $0x1  }
0x4b0: {  	v3 =	vadd.s32 v1, v3;
	_ =	sdelay $0x3  }
0x4b1: {  	s11 =	simm.s32 $0x9000  }
0x4b2: {  	[hbm4b:s3+s4] =	stream.indirect_vreg.scatter [tilespmem:s11], [sflag:$0x1], $0x80, v3, vm0, $0xb8;
	[tilespmem:$0x1F000] =	vst v63  }
0x4b3: {  	s11 =	simm.s32 $0x9800  }
0x4b4: {  	[hbm4b:s8+s4] =	stream.indirect_vreg.scatter [tilespmem:s11], [sflag:$0x1], $0x80, v3, vm0, $0xb8;
	[tilespmem:$0x1F000] =	vst v63  }
0x4b5: {  	s11 =	simm.s32 $0xA000  }
0x4b6: {  	[hbm4b:s9+s4] =	stream.indirect_vreg.scatter [tilespmem:s11], [sflag:$0x1], $0x80, v3, vm0, $0xb8;
	[tilespmem:$0x1F000] =	vst v63  }
0x4b7: {  	s12 =	simm.s32 $0x3;
	s11 =	simm.s32 $0xA800  }
0x4b8: {  	[hbm4b:s10+s4] =	stream.indirect_vreg.scatter [tilespmem:s11], [sflag:$0x1], $0x80, v3, vm0, $0xb8;
	[tilespmem:$0x1F000] =	vst v63  }
0x4b9: {  	_ =	swait.ge [sflag:s12], $0xA000  }
0x4ba: {  	[sflag:s12] =	ssyncset.done $0x0  }
0x4bb: {  	[sflag:s12] =	ssyncadd.s32 $0xFFFF6000  }
0x4bc: {  	v3 =	vld [tilespmem:$0xB80];
	_ =	sdelay $0x4  }
0x4bd: {  	v51 =	vshll.u32 v3, $0x3  }
0x4be: {  	v3 =	vand.u32 $0x7, v3;
	v4 =	vand.u32 $0xFFFFFFC0, v51  }
0x4bf: {  	v3 =	vor.u32 v3, v4  }
0x4c0: {  	v4 =	vperm.xlane v3, v0;
	_ =	sdelay $0x1  }
0x4c1: {  	v4 =	vadd.s32 v1, v4;
	_ =	sdelay $0x4  }
0x4c2: {  	[tilespmem:s30], [sflag:$0x2] =	stream.indirect_vreg.gather [hbm4b:s1+s4], $0x80, v4, vm0, $0xb8;
	[tilespmem:$0x1F000] =	vst v63  }
0x4c3: {  	v3 =	vperm.xlane v3, v2  }
0x4c4: {  	[tilespmem:s31], [sflag:$0x2] =	stream.indirect_vreg.gather [hbm4b:s5+s4], $0x80, v4, vm0, $0xb8;
	[tilespmem:$0x1F000] =	vst v63  }
0x4c5: {  	v3 =	vadd.s32 v1, v3  }
0x4c6: {  	[tilespmem:s2], [sflag:$0x2] =	stream.indirect_vreg.gather [hbm4b:s6+s4], $0x80, v4, vm0, $0xb8;
	[tilespmem:$0x1F000] =	vst v63  }
0x4c7: {  	_ = 	snop  }
0x4c8: {  	[tilespmem:s0], [sflag:$0x2] =	stream.indirect_vreg.gather [hbm4b:s7+s4], $0x80, v4, vm0, $0xb8;
	[tilespmem:$0x1F000] =	vst v63  }
0x4c9: {  	_ = 	snop  }
0x4ca: {  	[tilespmem:s14], [sflag:$0x2] =	stream.indirect_vreg.gather [hbm4b:s1+s4], $0x80, v3, vm0, $0xb8;
	[tilespmem:$0x1F000] =	vst v63  }
0x4cb: {  	_ = 	snop  }
0x4cc: {  	[tilespmem:s13], [sflag:$0x2] =	stream.indirect_vreg.gather [hbm4b:s5+s4], $0x80, v3, vm0, $0xb8;
	[tilespmem:$0x1F000] =	vst v63  }
0x4cd: {  	_ = 	snop  }
0x4ce: {  	[tilespmem:s15], [sflag:$0x2] =	stream.indirect_vreg.gather [hbm4b:s6+s4], $0x80, v3, vm0, $0xb8;
	[tilespmem:$0x1F000] =	vst v63  }
0x4cf: {  	_ = 	snop  }
0x4d0: {  	[tilespmem:s24], [sflag:$0x2] =	stream.indirect_vreg.gather [hbm4b:s7+s4], $0x80, v3, vm0, $0xb8;
	[tilespmem:$0x1F000] =	vst v63  }
0x4d1: {  	v3 =	vld [tilespmem:$0xB90];
	_ =	sdelay $0x4  }
0x4d2: {  	v52 =	vshll.u32 v3, $0x3  }
0x4d3: {  	v3 =	vand.u32 $0x7, v3;
	v4 =	vand.u32 $0xFFFFFFC0, v52  }
0x4d4: {  	v3 =	vor.u32 v3, v4  }
0x4d5: {  	v4 =	vperm.xlane v3, v0;
	_ =	sdelay $0x1  }
0x4d6: {  	v4 =	vadd.s32 v1, v4;
	_ =	sdelay $0x4  }
0x4d7: {  	[tilespmem:s25], [sflag:$0x2] =	stream.indirect_vreg.gather [hbm4b:s1+s4], $0x80, v4, vm0, $0xb8;
	[tilespmem:$0x1F000] =	vst v63  }
0x4d8: {  	v3 =	vperm.xlane v3, v2  }
0x4d9: {  	[tilespmem:s26], [sflag:$0x2] =	stream.indirect_vreg.gather [hbm4b:s5+s4], $0x80, v4, vm0, $0xb8;
	[tilespmem:$0x1F000] =	vst v63  }
0x4da: {  	v3 =	vadd.s32 v1, v3  }
0x4db: {  	[tilespmem:s16], [sflag:$0x2] =	stream.indirect_vreg.gather [hbm4b:s6+s4], $0x80, v4, vm0, $0xb8;
	[tilespmem:$0x1F000] =	vst v63  }
0x4dc: {  	_ = 	snop  }
0x4dd: {  	[tilespmem:s17], [sflag:$0x2] =	stream.indirect_vreg.gather [hbm4b:s7+s4], $0x80, v4, vm0, $0xb8;
	[tilespmem:$0x1F000] =	vst v63  }
0x4de: {  	_ = 	snop  }
0x4df: {  	[tilespmem:s18], [sflag:$0x2] =	stream.indirect_vreg.gather [hbm4b:s1+s4], $0x80, v3, vm0, $0xb8;
	[tilespmem:$0x1F000] =	vst v63  }
0x4e0: {  	_ = 	snop  }
0x4e1: {  	[tilespmem:s19], [sflag:$0x2] =	stream.indirect_vreg.gather [hbm4b:s5+s4], $0x80, v3, vm0, $0xb8;
	[tilespmem:$0x1F000] =	vst v63  }
0x4e2: {  	_ = 	snop  }
0x4e3: {  	[tilespmem:s20], [sflag:$0x2] =	stream.indirect_vreg.gather [hbm4b:s6+s4], $0x80, v3, vm0, $0xb8;
	[tilespmem:$0x1F000] =	vst v63  }
0x4e4: {  	_ = 	snop  }
0x4e5: {  	[tilespmem:s28], [sflag:$0x2] =	stream.indirect_vreg.gather [hbm4b:s7+s4], $0x80, v3, vm0, $0xb8;
	[tilespmem:$0x1F000] =	vst v63  }
0x4e6: {  	v3 =	vld.msk [tilespmem:$0xBA0], $0xff;
	_ =	sdelay $0x4  }
0x4e7: {  	v53 =	vshll.u32 v3, $0x3  }
0x4e8: {  	v3 =	vand.u32 $0x7, v3;
	v4 =	vand.u32 $0xFFFFFFC0, v53  }
0x4e9: {  	v3 =	vor.u32 v3, v4  }
0x4ea: {  	v3 =	vperm.xlane v3, v0;
	_ =	sdelay $0x1  }
0x4eb: {  	v3 =	vadd.s32 v1, v3;
	_ =	sdelay $0x4  }
0x4ec: {  	[tilespmem:s21], [sflag:$0x2] =	stream.indirect_vreg.gather [hbm4b:s1+s4], $0x80, v3, vm0, $0xb8;
	[tilespmem:$0x1F000] =	vst v63  }
0x4ed: {  	_ = 	snop  }
0x4ee: {  	[tilespmem:s22], [sflag:$0x2] =	stream.indirect_vreg.gather [hbm4b:s5+s4], $0x80, v3, vm0, $0xb8;
	[tilespmem:$0x1F000] =	vst v63  }
0x4ef: {  	_ = 	snop  }
0x4f0: {  	[tilespmem:s23], [sflag:$0x2] =	stream.indirect_vreg.gather [hbm4b:s6+s4], $0x80, v3, vm0, $0xb8;
	[tilespmem:$0x1F000] =	vst v63  }
0x4f1: {  	s26 =	simm.s32 $0x2  }
0x4f2: {  	[tilespmem:s29], [sflag:$0x2] =	stream.indirect_vreg.gather [hbm4b:s7+s4], $0x80, v3, vm0, $0xb8;
	[tilespmem:$0x1F000] =	vst v63  }
0x4f3: {  	_ =	swait.ge [sflag:s26], $0xA000  }
0x4f4: {  	[sflag:s26] =	ssyncset.done $0x0  }
0x4f5: {  	[sflag:s26] =	ssyncadd.s32 $0xFFFF6000  }
0x4f6: {  	v3 =	vld [tilespmem:$0xB00];
	_ =	sdelay $0x4  }
0x4f7: {  	v54 =	vshll.u32 v3, $0x3  }
0x4f8: {  	v3 =	vand.u32 $0x7, v3;
	v4 =	vand.u32 $0xFFFFFFC0, v54  }
0x4f9: {  	v3 =	vor.u32 v3, v4  }
0x4fa: {  	v4 =	vperm.xlane v3, v0;
	_ =	sdelay $0x1  }
0x4fb: {  	v4 =	vadd.s32 v1, v4;
	_ =	sdelay $0x3  }
0x4fc: {  	s22 =	simm.s32 $0xB000  }
0x4fd: {  	[hbm4b:s3+s4] =	stream.indirect_vreg.scatter [tilespmem:s22], [sflag:$0x3], $0x80, v4, vm0, $0xb8;
	[tilespmem:$0x1F000] =	vst v63  }
0x4fe: {  	s23 =	simm.s32 $0xB800;
	v3 =	vperm.xlane v3, v2  }
0x4ff: {  	[hbm4b:s8+s4] =	stream.indirect_vreg.scatter [tilespmem:s23], [sflag:$0x3], $0x80, v4, vm0, $0xb8;
	[tilespmem:$0x1F000] =	vst v63  }
0x500: {  	s0 =	simm.s32 $0xC000;
	v3 =	vadd.s32 v1, v3  }
0x501: {  	[hbm4b:s9+s4] =	stream.indirect_vreg.scatter [tilespmem:s0], [sflag:$0x3], $0x80, v4, vm0, $0xb8;
	[tilespmem:$0x1F000] =	vst v63  }
0x502: {  	s11 =	simm.s32 $0xC800  }
0x503: {  	[hbm4b:s10+s4] =	stream.indirect_vreg.scatter [tilespmem:s11], [sflag:$0x3], $0x80, v4, vm0, $0xb8;
	[tilespmem:$0x1F000] =	vst v63  }
0x504: {  	s13 =	simm.s32 $0xD000  }
0x505: {  	[hbm4b:s3+s4] =	stream.indirect_vreg.scatter [tilespmem:s13], [sflag:$0x3], $0x80, v3, vm0, $0xb8;
	[tilespmem:$0x1F000] =	vst v63  }
0x506: {  	s2 =	simm.s32 $0xD800  }
0x507: {  	[hbm4b:s8+s4] =	stream.indirect_vreg.scatter [tilespmem:s2], [sflag:$0x3], $0x80, v3, vm0, $0xb8;
	[tilespmem:$0x1F000] =	vst v63  }
0x508: {  	s30 =	simm.s32 $0xE000  }
0x509: {  	[hbm4b:s9+s4] =	stream.indirect_vreg.scatter [tilespmem:s30], [sflag:$0x3], $0x80, v3, vm0, $0xb8;
	[tilespmem:$0x1F000] =	vst v63  }
0x50a: {  	s24 =	simm.s32 $0xE800  }
0x50b: {  	[hbm4b:s10+s4] =	stream.indirect_vreg.scatter [tilespmem:s24], [sflag:$0x3], $0x80, v3, vm0, $0xb8;
	[tilespmem:$0x1F000] =	vst v63  }
0x50c: {  	v3 =	vld [tilespmem:$0xB10];
	_ =	sdelay $0x4  }
0x50d: {  	v55 =	vshll.u32 v3, $0x3  }
0x50e: {  	v3 =	vand.u32 $0x7, v3;
	v4 =	vand.u32 $0xFFFFFFC0, v55  }
0x50f: {  	v3 =	vor.u32 v3, v4  }
0x510: {  	v4 =	vperm.xlane v3, v0;
	_ =	sdelay $0x1  }
0x511: {  	v4 =	vadd.s32 v1, v4;
	_ =	sdelay $0x3  }
0x512: {  	s25 =	simm.s32 $0xF000  }
0x513: {  	[hbm4b:s3+s4] =	stream.indirect_vreg.scatter [tilespmem:s25], [sflag:$0x3], $0x80, v4, vm0, $0xb8;
	[tilespmem:$0x1F000] =	vst v63  }
0x514: {  	s26 =	simm.s32 $0xF800;
	v3 =	vperm.xlane v3, v2  }
0x515: {  	[hbm4b:s8+s4] =	stream.indirect_vreg.scatter [tilespmem:s26], [sflag:$0x3], $0x80, v4, vm0, $0xb8;
	[tilespmem:$0x1F000] =	vst v63  }
0x516: {  	s14 =	simm.s32 $0x10000;
	v3 =	vadd.s32 v1, v3  }
0x517: {  	[hbm4b:s9+s4] =	stream.indirect_vreg.scatter [tilespmem:s14], [sflag:$0x3], $0x80, v4, vm0, $0xb8;
	[tilespmem:$0x1F000] =	vst v63  }
0x518: {  	s16 =	simm.s32 $0x10800  }
0x519: {  	[hbm4b:s10+s4] =	stream.indirect_vreg.scatter [tilespmem:s16], [sflag:$0x3], $0x80, v4, vm0, $0xb8;
	[tilespmem:$0x1F000] =	vst v63  }
0x51a: {  	s15 =	simm.s32 $0x11000  }
0x51b: {  	[hbm4b:s3+s4] =	stream.indirect_vreg.scatter [tilespmem:s15], [sflag:$0x3], $0x80, v3, vm0, $0xb8;
	[tilespmem:$0x1F000] =	vst v63  }
0x51c: {  	s17 =	simm.s32 $0x11800  }
0x51d: {  	[hbm4b:s8+s4] =	stream.indirect_vreg.scatter [tilespmem:s17], [sflag:$0x3], $0x80, v3, vm0, $0xb8;
	[tilespmem:$0x1F000] =	vst v63  }
0x51e: {  	s18 =	simm.s32 $0x12000  }
0x51f: {  	[hbm4b:s9+s4] =	stream.indirect_vreg.scatter [tilespmem:s18], [sflag:$0x3], $0x80, v3, vm0, $0xb8;
	[tilespmem:$0x1F000] =	vst v63  }
0x520: {  	s28 =	simm.s32 $0x12800  }
0x521: {  	[hbm4b:s10+s4] =	stream.indirect_vreg.scatter [tilespmem:s28], [sflag:$0x3], $0x80, v3, vm0, $0xb8;
	[tilespmem:$0x1F000] =	vst v63  }
0x522: {  	v3 =	vld.msk [tilespmem:$0xB20], $0xff;
	_ =	sdelay $0x4  }
0x523: {  	v56 =	vshll.u32 v3, $0x3  }
0x524: {  	v3 =	vand.u32 $0x7, v3;
	v4 =	vand.u32 $0xFFFFFFC0, v56  }
0x525: {  	v3 =	vor.u32 v3, v4  }
0x526: {  	v3 =	vperm.xlane v3, v0;
	_ =	sdelay $0x1  }
0x527: {  	v3 =	vadd.s32 v1, v3;
	_ =	sdelay $0x3  }
0x528: {  	s19 =	simm.s32 $0x13000  }
0x529: {  	[hbm4b:s3+s4] =	stream.indirect_vreg.scatter [tilespmem:s19], [sflag:$0x3], $0x80, v3, vm0, $0xb8;
	[tilespmem:$0x1F000] =	vst v63  }
0x52a: {  	s20 =	simm.s32 $0x13800  }
0x52b: {  	[hbm4b:s8+s4] =	stream.indirect_vreg.scatter [tilespmem:s20], [sflag:$0x3], $0x80, v3, vm0, $0xb8;
	[tilespmem:$0x1F000] =	vst v63  }
0x52c: {  	s21 =	simm.s32 $0x14000  }
0x52d: {  	[hbm4b:s9+s4] =	stream.indirect_vreg.scatter [tilespmem:s21], [sflag:$0x3], $0x80, v3, vm0, $0xb8;
	[tilespmem:$0x1F000] =	vst v63  }
0x52e: {  	s29 =	simm.s32 $0x14800  }
0x52f: {  	[hbm4b:s10+s4] =	stream.indirect_vreg.scatter [tilespmem:s29], [sflag:$0x3], $0x80, v3, vm0, $0xb8;
	[tilespmem:$0x1F000] =	vst v63  }
0x530: {  	v3 =	vld [tilespmem:$0x380];
	_ =	sdelay $0x4  }
0x531: {  	v57 =	vshll.u32 v3, $0x3  }
0x532: {  	v3 =	vand.u32 $0x7, v3;
	v4 =	vand.u32 $0xFFFFFFC0, v57  }
0x533: {  	v3 =	vor.u32 v3, v4  }
0x534: {  	v4 =	vperm.xlane v3, v0;
	_ =	sdelay $0x1  }
0x535: {  	v4 =	vadd.s32 v1, v4;
	_ =	sdelay $0x3  }
0x536: {  	s12 =	simm.s32 $0x1000  }
0x537: {  	[hbm4b:s3+s4] =	stream.indirect_vreg.scatter [tilespmem:s12], [sflag:$0x1], $0x80, v4, vm0, $0xb8;
	[tilespmem:$0x1F000] =	vst v63  }
0x538: {  	v3 =	vperm.xlane v3, v2;
	s12 =	simm.s32 $0x1800  }
0x539: {  	[hbm4b:s8+s4] =	stream.indirect_vreg.scatter [tilespmem:s12], [sflag:$0x1], $0x80, v4, vm0, $0xb8;
	[tilespmem:$0x1F000] =	vst v63  }
0x53a: {  	v3 =	vadd.s32 v1, v3;
	s12 =	simm.s32 $0x2000  }
0x53b: {  	[hbm4b:s9+s4] =	stream.indirect_vreg.scatter [tilespmem:s12], [sflag:$0x1], $0x80, v4, vm0, $0xb8;
	[tilespmem:$0x1F000] =	vst v63  }
0x53c: {  	s12 =	simm.s32 $0x2800  }
0x53d: {  	[hbm4b:s10+s4] =	stream.indirect_vreg.scatter [tilespmem:s12], [sflag:$0x1], $0x80, v4, vm0, $0xb8;
	[tilespmem:$0x1F000] =	vst v63  }
0x53e: {  	s12 =	simm.s32 $0x3000  }
0x53f: {  	[hbm4b:s3+s4] =	stream.indirect_vreg.scatter [tilespmem:s12], [sflag:$0x1], $0x80, v3, vm0, $0xb8;
	[tilespmem:$0x1F000] =	vst v63  }
0x540: {  	s12 =	simm.s32 $0x3800  }
0x541: {  	[hbm4b:s8+s4] =	stream.indirect_vreg.scatter [tilespmem:s12], [sflag:$0x1], $0x80, v3, vm0, $0xb8;
	[tilespmem:$0x1F000] =	vst v63  }
0x542: {  	s12 =	simm.s32 $0x4000  }
0x543: {  	[hbm4b:s9+s4] =	stream.indirect_vreg.scatter [tilespmem:s12], [sflag:$0x1], $0x80, v3, vm0, $0xb8;
	[tilespmem:$0x1F000] =	vst v63  }
0x544: {  	s12 =	simm.s32 $0x4800  }
0x545: {  	[hbm4b:s10+s4] =	stream.indirect_vreg.scatter [tilespmem:s12], [sflag:$0x1], $0x80, v3, vm0, $0xb8;
	[tilespmem:$0x1F000] =	vst v63  }
0x546: {  	v3 =	vld [tilespmem:$0x390];
	_ =	sdelay $0x4  }
0x547: {  	v58 =	vshll.u32 v3, $0x3  }
0x548: {  	v3 =	vand.u32 $0x7, v3;
	v4 =	vand.u32 $0xFFFFFFC0, v58  }
0x549: {  	v3 =	vor.u32 v3, v4  }
0x54a: {  	v4 =	vperm.xlane v3, v0;
	_ =	sdelay $0x1  }
0x54b: {  	v4 =	vadd.s32 v1, v4;
	_ =	sdelay $0x3  }
0x54c: {  	s12 =	simm.s32 $0x5000  }
0x54d: {  	[hbm4b:s3+s4] =	stream.indirect_vreg.scatter [tilespmem:s12], [sflag:$0x1], $0x80, v4, vm0, $0xb8;
	[tilespmem:$0x1F000] =	vst v63  }
0x54e: {  	v3 =	vperm.xlane v3, v2;
	s12 =	simm.s32 $0x5800  }
0x54f: {  	[hbm4b:s8+s4] =	stream.indirect_vreg.scatter [tilespmem:s12], [sflag:$0x1], $0x80, v4, vm0, $0xb8;
	[tilespmem:$0x1F000] =	vst v63  }
0x550: {  	v3 =	vadd.s32 v1, v3;
	s12 =	simm.s32 $0x6000  }
0x551: {  	[hbm4b:s9+s4] =	stream.indirect_vreg.scatter [tilespmem:s12], [sflag:$0x1], $0x80, v4, vm0, $0xb8;
	[tilespmem:$0x1F000] =	vst v63  }
0x552: {  	s12 =	simm.s32 $0x6800  }
0x553: {  	[hbm4b:s10+s4] =	stream.indirect_vreg.scatter [tilespmem:s12], [sflag:$0x1], $0x80, v4, vm0, $0xb8;
	[tilespmem:$0x1F000] =	vst v63  }
0x554: {  	s12 =	simm.s32 $0x7000  }
0x555: {  	[hbm4b:s3+s4] =	stream.indirect_vreg.scatter [tilespmem:s12], [sflag:$0x1], $0x80, v3, vm0, $0xb8;
	[tilespmem:$0x1F000] =	vst v63  }
0x556: {  	s12 =	simm.s32 $0x7800  }
0x557: {  	[hbm4b:s8+s4] =	stream.indirect_vreg.scatter [tilespmem:s12], [sflag:$0x1], $0x80, v3, vm0, $0xb8;
	[tilespmem:$0x1F000] =	vst v63  }
0x558: {  	s12 =	simm.s32 $0x8000  }
0x559: {  	[hbm4b:s9+s4] =	stream.indirect_vreg.scatter [tilespmem:s12], [sflag:$0x1], $0x80, v3, vm0, $0xb8;
	[tilespmem:$0x1F000] =	vst v63  }
0x55a: {  	s12 =	simm.s32 $0x8800  }
0x55b: {  	[hbm4b:s10+s4] =	stream.indirect_vreg.scatter [tilespmem:s12], [sflag:$0x1], $0x80, v3, vm0, $0xb8;
	[tilespmem:$0x1F000] =	vst v63  }
0x55c: {  	v3 =	vld.msk [tilespmem:$0x3A0], $0xff;
	_ =	sdelay $0x4  }
0x55d: {  	v59 =	vshll.u32 v3, $0x3  }
0x55e: {  	v3 =	vand.u32 $0x7, v3;
	v4 =	vand.u32 $0xFFFFFFC0, v59  }
0x55f: {  	v3 =	vor.u32 v3, v4  }
0x560: {  	v3 =	vperm.xlane v3, v0;
	_ =	sdelay $0x1  }
0x561: {  	v3 =	vadd.s32 v1, v3;
	_ =	sdelay $0x3  }
0x562: {  	s12 =	simm.s32 $0x9000  }
0x563: {  	[hbm4b:s3+s4] =	stream.indirect_vreg.scatter [tilespmem:s12], [sflag:$0x1], $0x80, v3, vm0, $0xb8;
	[tilespmem:$0x1F000] =	vst v63  }
0x564: {  	s12 =	simm.s32 $0x9800  }
0x565: {  	[hbm4b:s8+s4] =	stream.indirect_vreg.scatter [tilespmem:s12], [sflag:$0x1], $0x80, v3, vm0, $0xb8;
	[tilespmem:$0x1F000] =	vst v63  }
0x566: {  	s12 =	simm.s32 $0xA000  }
0x567: {  	[hbm4b:s9+s4] =	stream.indirect_vreg.scatter [tilespmem:s12], [sflag:$0x1], $0x80, v3, vm0, $0xb8;
	[tilespmem:$0x1F000] =	vst v63  }
0x568: {  	s12 =	simm.s32 $0xA800  }
0x569: {  	[hbm4b:s10+s4] =	stream.indirect_vreg.scatter [tilespmem:s12], [sflag:$0x1], $0x80, v3, vm0, $0xb8;
	[tilespmem:$0x1F000] =	vst v63  }
0x56a: {  	s12 =	simm.s32 $0x3  }
0x56b: {  	_ =	swait.ge [sflag:s12], $0xA000  }
0x56c: {  	[sflag:s12] =	ssyncset.done $0x0  }
0x56d: {  	[sflag:s12] =	ssyncadd.s32 $0xFFFF6000  }
0x56e: {  	v3 =	vld [tilespmem:$0xC00];
	_ =	sdelay $0x4  }
0x56f: {  	v60 =	vshll.u32 v3, $0x3  }
0x570: {  	v3 =	vand.u32 $0x7, v3;
	v4 =	vand.u32 $0xFFFFFFC0, v60  }
0x571: {  	v3 =	vor.u32 v3, v4  }
0x572: {  	v4 =	vperm.xlane v3, v0;
	_ =	sdelay $0x1  }
0x573: {  	v4 =	vadd.s32 v1, v4;
	_ =	sdelay $0x4  }
0x574: {  	[tilespmem:s22], [sflag:$0x2] =	stream.indirect_vreg.gather [hbm4b:s1+s4], $0x80, v4, vm0, $0xb8;
	[tilespmem:$0x1F000] =	vst v63  }
0x575: {  	v3 =	vperm.xlane v3, v2  }
0x576: {  	[tilespmem:s23], [sflag:$0x2] =	stream.indirect_vreg.gather [hbm4b:s5+s4], $0x80, v4, vm0, $0xb8;
	[tilespmem:$0x1F000] =	vst v63  }
0x577: {  	v3 =	vadd.s32 v1, v3  }
0x578: {  	[tilespmem:s0], [sflag:$0x2] =	stream.indirect_vreg.gather [hbm4b:s6+s4], $0x80, v4, vm0, $0xb8;
	[tilespmem:$0x1F000] =	vst v63  }
0x579: {  	_ = 	snop  }
0x57a: {  	[tilespmem:s11], [sflag:$0x2] =	stream.indirect_vreg.gather [hbm4b:s7+s4], $0x80, v4, vm0, $0xb8;
	[tilespmem:$0x1F000] =	vst v63  }
0x57b: {  	_ = 	snop  }
0x57c: {  	[tilespmem:s13], [sflag:$0x2] =	stream.indirect_vreg.gather [hbm4b:s1+s4], $0x80, v3, vm0, $0xb8;
	[tilespmem:$0x1F000] =	vst v63  }
0x57d: {  	_ = 	snop  }
0x57e: {  	[tilespmem:s2], [sflag:$0x2] =	stream.indirect_vreg.gather [hbm4b:s5+s4], $0x80, v3, vm0, $0xb8;
	[tilespmem:$0x1F000] =	vst v63  }
0x57f: {  	_ = 	snop  }
0x580: {  	[tilespmem:s30], [sflag:$0x2] =	stream.indirect_vreg.gather [hbm4b:s6+s4], $0x80, v3, vm0, $0xb8;
	[tilespmem:$0x1F000] =	vst v63  }
0x581: {  	_ = 	snop  }
0x582: {  	[tilespmem:s24], [sflag:$0x2] =	stream.indirect_vreg.gather [hbm4b:s7+s4], $0x80, v3, vm0, $0xb8;
	[tilespmem:$0x1F000] =	vst v63  }
0x583: {  	v3 =	vld [tilespmem:$0xC10];
	_ =	sdelay $0x4  }
0x584: {  	v61 =	vshll.u32 v3, $0x3  }
0x585: {  	v3 =	vand.u32 $0x7, v3;
	v4 =	vand.u32 $0xFFFFFFC0, v61  }
0x586: {  	v3 =	vor.u32 v3, v4  }
0x587: {  	v4 =	vperm.xlane v3, v0;
	_ =	sdelay $0x1  }
0x588: {  	v4 =	vadd.s32 v1, v4;
	_ =	sdelay $0x4  }
0x589: {  	[tilespmem:s25], [sflag:$0x2] =	stream.indirect_vreg.gather [hbm4b:s1+s4], $0x80, v4, vm0, $0xb8;
	[tilespmem:$0x1F000] =	vst v63  }
0x58a: {  	v3 =	vperm.xlane v3, v2  }
0x58b: {  	[tilespmem:s26], [sflag:$0x2] =	stream.indirect_vreg.gather [hbm4b:s5+s4], $0x80, v4, vm0, $0xb8;
	[tilespmem:$0x1F000] =	vst v63  }
0x58c: {  	v3 =	vadd.s32 v1, v3  }
0x58d: {  	[tilespmem:s14], [sflag:$0x2] =	stream.indirect_vreg.gather [hbm4b:s6+s4], $0x80, v4, vm0, $0xb8;
	[tilespmem:$0x1F000] =	vst v63  }
0x58e: {  	_ = 	snop  }
0x58f: {  	[tilespmem:s16], [sflag:$0x2] =	stream.indirect_vreg.gather [hbm4b:s7+s4], $0x80, v4, vm0, $0xb8;
	[tilespmem:$0x1F000] =	vst v63  }
0x590: {  	_ = 	snop  }
0x591: {  	[tilespmem:s15], [sflag:$0x2] =	stream.indirect_vreg.gather [hbm4b:s1+s4], $0x80, v3, vm0, $0xb8;
	[tilespmem:$0x1F000] =	vst v63  }
0x592: {  	_ = 	snop  }
0x593: {  	[tilespmem:s17], [sflag:$0x2] =	stream.indirect_vreg.gather [hbm4b:s5+s4], $0x80, v3, vm0, $0xb8;
	[tilespmem:$0x1F000] =	vst v63  }
0x594: {  	_ = 	snop  }
0x595: {  	[tilespmem:s18], [sflag:$0x2] =	stream.indirect_vreg.gather [hbm4b:s6+s4], $0x80, v3, vm0, $0xb8;
	[tilespmem:$0x1F000] =	vst v63  }
0x596: {  	_ = 	snop  }
0x597: {  	[tilespmem:s28], [sflag:$0x2] =	stream.indirect_vreg.gather [hbm4b:s7+s4], $0x80, v3, vm0, $0xb8;
	[tilespmem:$0x1F000] =	vst v63  }
0x598: {  	v3 =	vld.msk [tilespmem:$0xC20], $0xff;
	_ =	sdelay $0x4  }
0x599: {  	v62 =	vshll.u32 v3, $0x3  }
0x59a: {  	v3 =	vand.u32 $0x7, v3;
	v4 =	vand.u32 $0xFFFFFFC0, v62  }
0x59b: {  	v3 =	vor.u32 v3, v4  }
0x59c: {  	v3 =	vperm.xlane v3, v0;
	_ =	sdelay $0x1  }
0x59d: {  	v3 =	vadd.s32 v1, v3;
	_ =	sdelay $0x4  }
0x59e: {  	[tilespmem:s19], [sflag:$0x2] =	stream.indirect_vreg.gather [hbm4b:s1+s4], $0x80, v3, vm0, $0xb8;
	[tilespmem:$0x1F000] =	vst v63  }
0x59f: {  	_ = 	snop  }
0x5a0: {  	[tilespmem:s20], [sflag:$0x2] =	stream.indirect_vreg.gather [hbm4b:s5+s4], $0x80, v3, vm0, $0xb8;
	[tilespmem:$0x1F000] =	vst v63  }
0x5a1: {  	_ = 	snop  }
0x5a2: {  	[tilespmem:s21], [sflag:$0x2] =	stream.indirect_vreg.gather [hbm4b:s6+s4], $0x80, v3, vm0, $0xb8;
	[tilespmem:$0x1F000] =	vst v63  }
0x5a3: {  	s28 =	simm.s32 $0x2  }
0x5a4: {  	[tilespmem:s29], [sflag:$0x2] =	stream.indirect_vreg.gather [hbm4b:s7+s4], $0x80, v3, vm0, $0xb8;
	[tilespmem:$0x1F000] =	vst v63  }
0x5a5: {  	_ =	swait.ge [sflag:s28], $0xA000  }
0x5a6: {  	[sflag:s28] =	ssyncset.done $0x0  }
0x5a7: {  	[sflag:s28] =	ssyncadd.s32 $0xFFFF6000  }
0x5a8: {  	v3 =	vld [tilespmem:$0xB80];
	_ =	sdelay $0x4  }
0x5a9: {  	v63 =	vshll.u32 v3, $0x3  }
0x5aa: {  	v3 =	vand.u32 $0x7, v3;
	v4 =	vand.u32 $0xFFFFFFC0, v63  }
0x5ab: {  	v3 =	vor.u32 v3, v4  }
0x5ac: {  	v4 =	vperm.xlane v3, v0;
	_ =	sdelay $0x1  }
0x5ad: {  	v4 =	vadd.s32 v1, v4;
	_ =	sdelay $0x3  }
0x5ae: {  	s26 =	simm.s32 $0x15000  }
0x5af: {  	[hbm4b:s3+s4] =	stream.indirect_vreg.scatter [tilespmem:s26], [sflag:$0x3], $0x80, v4, vm0, $0xb8;
	[tilespmem:$0x1F000] =	vst v63  }
0x5b0: {  	s28 =	simm.s32 $0x15800;
	v3 =	vperm.xlane v3, v2  }
0x5b1: {  	[hbm4b:s8+s4] =	stream.indirect_vreg.scatter [tilespmem:s28], [sflag:$0x3], $0x80, v4, vm0, $0xb8;
	[tilespmem:$0x1F000] =	vst v63  }
0x5b2: {  	s29 =	simm.s32 $0x16000;
	v3 =	vadd.s32 v1, v3  }
0x5b3: {  	[hbm4b:s9+s4] =	stream.indirect_vreg.scatter [tilespmem:s29], [sflag:$0x3], $0x80, v4, vm0, $0xb8;
	[tilespmem:$0x1F000] =	vst v63  }
0x5b4: {  	s31 =	simm.s32 $0x16800  }
0x5b5: {  	[hbm4b:s10+s4] =	stream.indirect_vreg.scatter [tilespmem:s31], [sflag:$0x3], $0x80, v4, vm0, $0xb8;
	[tilespmem:$0x1F000] =	vst v63  }
0x5b6: {  	s13 =	simm.s32 $0x17000  }
0x5b7: {  	[hbm4b:s3+s4] =	stream.indirect_vreg.scatter [tilespmem:s13], [sflag:$0x3], $0x80, v3, vm0, $0xb8;
	[tilespmem:$0x1F000] =	vst v63  }
0x5b8: {  	s0 =	simm.s32 $0x17800  }
0x5b9: {  	[hbm4b:s8+s4] =	stream.indirect_vreg.scatter [tilespmem:s0], [sflag:$0x3], $0x80, v3, vm0, $0xb8;
	[tilespmem:$0x1F000] =	vst v63  }
0x5ba: {  	s2 =	simm.s32 $0x18000  }
0x5bb: {  	[hbm4b:s9+s4] =	stream.indirect_vreg.scatter [tilespmem:s2], [sflag:$0x3], $0x80, v3, vm0, $0xb8;
	[tilespmem:$0x1F000] =	vst v63  }
0x5bc: {  	s21 =	simm.s32 $0x18800  }
0x5bd: {  	[hbm4b:s10+s4] =	stream.indirect_vreg.scatter [tilespmem:s21], [sflag:$0x3], $0x80, v3, vm0, $0xb8;
	[tilespmem:$0x1F000] =	vst v63  }
0x5be: {  	v3 =	vld [tilespmem:$0xB90];
	_ =	sdelay $0x4  }
0x5bf: {  	v8 =	vshll.u32 v3, $0x3  }
0x5c0: {  	v3 =	vand.u32 $0x7, v3;
	v4 =	vand.u32 $0xFFFFFFC0, v8  }
0x5c1: {  	v3 =	vor.u32 v3, v4  }
0x5c2: {  	v4 =	vperm.xlane v3, v0;
	_ =	sdelay $0x1  }
0x5c3: {  	v4 =	vadd.s32 v1, v4;
	_ =	sdelay $0x3  }
0x5c4: {  	s22 =	simm.s32 $0x19000  }
0x5c5: {  	[hbm4b:s3+s4] =	stream.indirect_vreg.scatter [tilespmem:s22], [sflag:$0x3], $0x80, v4, vm0, $0xb8;
	[tilespmem:$0x1F000] =	vst v63  }
0x5c6: {  	s23 =	simm.s32 $0x19800;
	v3 =	vperm.xlane v3, v2  }
0x5c7: {  	[hbm4b:s8+s4] =	stream.indirect_vreg.scatter [tilespmem:s23], [sflag:$0x3], $0x80, v4, vm0, $0xb8;
	[tilespmem:$0x1F000] =	vst v63  }
0x5c8: {  	s11 =	simm.s32 $0x1A000;
	v3 =	vadd.s32 v1, v3  }
0x5c9: {  	[hbm4b:s9+s4] =	stream.indirect_vreg.scatter [tilespmem:s11], [sflag:$0x3], $0x80, v4, vm0, $0xb8;
	[tilespmem:$0x1F000] =	vst v63  }
0x5ca: {  	s14 =	simm.s32 $0x1A800  }
0x5cb: {  	[hbm4b:s10+s4] =	stream.indirect_vreg.scatter [tilespmem:s14], [sflag:$0x3], $0x80, v4, vm0, $0xb8;
	[tilespmem:$0x1F000] =	vst v63  }
0x5cc: {  	s15 =	simm.s32 $0x1B000  }
0x5cd: {  	[hbm4b:s3+s4] =	stream.indirect_vreg.scatter [tilespmem:s15], [sflag:$0x3], $0x80, v3, vm0, $0xb8;
	[tilespmem:$0x1F000] =	vst v63  }
0x5ce: {  	s16 =	simm.s32 $0x1B800  }
0x5cf: {  	[hbm4b:s8+s4] =	stream.indirect_vreg.scatter [tilespmem:s16], [sflag:$0x3], $0x80, v3, vm0, $0xb8;
	[tilespmem:$0x1F000] =	vst v63  }
0x5d0: {  	s17 =	simm.s32 $0x1C000  }
0x5d1: {  	[hbm4b:s9+s4] =	stream.indirect_vreg.scatter [tilespmem:s17], [sflag:$0x3], $0x80, v3, vm0, $0xb8;
	[tilespmem:$0x1F000] =	vst v63  }
0x5d2: {  	s24 =	simm.s32 $0x1C800  }
0x5d3: {  	[hbm4b:s10+s4] =	stream.indirect_vreg.scatter [tilespmem:s24], [sflag:$0x3], $0x80, v3, vm0, $0xb8;
	[tilespmem:$0x1F000] =	vst v63  }
0x5d4: {  	v3 =	vld.msk [tilespmem:$0xBA0], $0xff;
	_ =	sdelay $0x4  }
0x5d5: {  	v9 =	vshll.u32 v3, $0x3  }
0x5d6: {  	v3 =	vand.u32 $0x7, v3;
	v4 =	vand.u32 $0xFFFFFFC0, v9  }
0x5d7: {  	v3 =	vor.u32 v3, v4  }
0x5d8: {  	v3 =	vperm.xlane v3, v0;
	_ =	sdelay $0x1  }
0x5d9: {  	v3 =	vadd.s32 v1, v3;
	_ =	sdelay $0x3  }
0x5da: {  	s18 =	simm.s32 $0x1D000  }
0x5db: {  	[hbm4b:s3+s4] =	stream.indirect_vreg.scatter [tilespmem:s18], [sflag:$0x3], $0x80, v3, vm0, $0xb8;
	[tilespmem:$0x1F000] =	vst v63  }
0x5dc: {  	s19 =	simm.s32 $0x1D800  }
0x5dd: {  	[hbm4b:s8+s4] =	stream.indirect_vreg.scatter [tilespmem:s19], [sflag:$0x3], $0x80, v3, vm0, $0xb8;
	[tilespmem:$0x1F000] =	vst v63  }
0x5de: {  	s20 =	simm.s32 $0x1E000  }
0x5df: {  	[hbm4b:s9+s4] =	stream.indirect_vreg.scatter [tilespmem:s20], [sflag:$0x3], $0x80, v3, vm0, $0xb8;
	[tilespmem:$0x1F000] =	vst v63  }
0x5e0: {  	s25 =	simm.s32 $0x1E800  }
0x5e1: {  	[hbm4b:s10+s4] =	stream.indirect_vreg.scatter [tilespmem:s25], [sflag:$0x3], $0x80, v3, vm0, $0xb8;
	[tilespmem:$0x1F000] =	vst v63  }
0x5e2: {  	v3 =	vld [tilespmem:$0x400];
	_ =	sdelay $0x4  }
0x5e3: {  	v10 =	vshll.u32 v3, $0x3  }
0x5e4: {  	v3 =	vand.u32 $0x7, v3;
	v4 =	vand.u32 $0xFFFFFFC0, v10  }
0x5e5: {  	v3 =	vor.u32 v3, v4  }
0x5e6: {  	v4 =	vperm.xlane v3, v0;
	_ =	sdelay $0x1  }
0x5e7: {  	v4 =	vadd.s32 v1, v4;
	_ =	sdelay $0x3  }
0x5e8: {  	s31 =	simm.s32 $0x1000  }
0x5e9: {  	[hbm4b:s3+s4] =	stream.indirect_vreg.scatter [tilespmem:s31], [sflag:$0x1], $0x80, v4, vm0, $0xb8;
	[tilespmem:$0x1F000] =	vst v63  }
0x5ea: {  	s12 =	simm.s32 $0x1800;
	v3 =	vperm.xlane v3, v2  }
0x5eb: {  	[hbm4b:s8+s4] =	stream.indirect_vreg.scatter [tilespmem:s12], [sflag:$0x1], $0x80, v4, vm0, $0xb8;
	[tilespmem:$0x1F000] =	vst v63  }
0x5ec: {  	v3 =	vadd.s32 v1, v3;
	s12 =	simm.s32 $0x2000  }
0x5ed: {  	[hbm4b:s9+s4] =	stream.indirect_vreg.scatter [tilespmem:s12], [sflag:$0x1], $0x80, v4, vm0, $0xb8;
	[tilespmem:$0x1F000] =	vst v63  }
0x5ee: {  	s12 =	simm.s32 $0x2800  }
0x5ef: {  	[hbm4b:s10+s4] =	stream.indirect_vreg.scatter [tilespmem:s12], [sflag:$0x1], $0x80, v4, vm0, $0xb8;
	[tilespmem:$0x1F000] =	vst v63  }
0x5f0: {  	s12 =	simm.s32 $0x3000  }
0x5f1: {  	[hbm4b:s3+s4] =	stream.indirect_vreg.scatter [tilespmem:s12], [sflag:$0x1], $0x80, v3, vm0, $0xb8;
	[tilespmem:$0x1F000] =	vst v63  }
0x5f2: {  	s12 =	simm.s32 $0x3800  }
0x5f3: {  	[hbm4b:s8+s4] =	stream.indirect_vreg.scatter [tilespmem:s12], [sflag:$0x1], $0x80, v3, vm0, $0xb8;
	[tilespmem:$0x1F000] =	vst v63  }
0x5f4: {  	s12 =	simm.s32 $0x4000  }
0x5f5: {  	[hbm4b:s9+s4] =	stream.indirect_vreg.scatter [tilespmem:s12], [sflag:$0x1], $0x80, v3, vm0, $0xb8;
	[tilespmem:$0x1F000] =	vst v63  }
0x5f6: {  	s12 =	simm.s32 $0x4800  }
0x5f7: {  	[hbm4b:s10+s4] =	stream.indirect_vreg.scatter [tilespmem:s12], [sflag:$0x1], $0x80, v3, vm0, $0xb8;
	[tilespmem:$0x1F000] =	vst v63  }
0x5f8: {  	v3 =	vld [tilespmem:$0x410];
	_ =	sdelay $0x4  }
0x5f9: {  	v11 =	vshll.u32 v3, $0x3  }
0x5fa: {  	v3 =	vand.u32 $0x7, v3;
	v4 =	vand.u32 $0xFFFFFFC0, v11  }
0x5fb: {  	v3 =	vor.u32 v3, v4  }
0x5fc: {  	v4 =	vperm.xlane v3, v0;
	_ =	sdelay $0x1  }
0x5fd: {  	v4 =	vadd.s32 v1, v4;
	_ =	sdelay $0x3  }
0x5fe: {  	s12 =	simm.s32 $0x5000  }
0x5ff: {  	[hbm4b:s3+s4] =	stream.indirect_vreg.scatter [tilespmem:s12], [sflag:$0x1], $0x80, v4, vm0, $0xb8;
	[tilespmem:$0x1F000] =	vst v63  }
0x600: {  	v3 =	vperm.xlane v3, v2;
	s12 =	simm.s32 $0x5800  }
0x601: {  	[hbm4b:s8+s4] =	stream.indirect_vreg.scatter [tilespmem:s12], [sflag:$0x1], $0x80, v4, vm0, $0xb8;
	[tilespmem:$0x1F000] =	vst v63  }
0x602: {  	v3 =	vadd.s32 v1, v3;
	s12 =	simm.s32 $0x6000  }
0x603: {  	[hbm4b:s9+s4] =	stream.indirect_vreg.scatter [tilespmem:s12], [sflag:$0x1], $0x80, v4, vm0, $0xb8;
	[tilespmem:$0x1F000] =	vst v63  }
0x604: {  	s12 =	simm.s32 $0x6800  }
0x605: {  	[hbm4b:s10+s4] =	stream.indirect_vreg.scatter [tilespmem:s12], [sflag:$0x1], $0x80, v4, vm0, $0xb8;
	[tilespmem:$0x1F000] =	vst v63  }
0x606: {  	s12 =	simm.s32 $0x7000  }
0x607: {  	[hbm4b:s3+s4] =	stream.indirect_vreg.scatter [tilespmem:s12], [sflag:$0x1], $0x80, v3, vm0, $0xb8;
	[tilespmem:$0x1F000] =	vst v63  }
0x608: {  	s12 =	simm.s32 $0x7800  }
0x609: {  	[hbm4b:s8+s4] =	stream.indirect_vreg.scatter [tilespmem:s12], [sflag:$0x1], $0x80, v3, vm0, $0xb8;
	[tilespmem:$0x1F000] =	vst v63  }
0x60a: {  	s12 =	simm.s32 $0x8000  }
0x60b: {  	[hbm4b:s9+s4] =	stream.indirect_vreg.scatter [tilespmem:s12], [sflag:$0x1], $0x80, v3, vm0, $0xb8;
	[tilespmem:$0x1F000] =	vst v63  }
0x60c: {  	s12 =	simm.s32 $0x8800  }
0x60d: {  	[hbm4b:s10+s4] =	stream.indirect_vreg.scatter [tilespmem:s12], [sflag:$0x1], $0x80, v3, vm0, $0xb8;
	[tilespmem:$0x1F000] =	vst v63  }
0x60e: {  	v3 =	vld.msk [tilespmem:$0x420], $0xff;
	_ =	sdelay $0x4  }
0x60f: {  	v12 =	vshll.u32 v3, $0x3  }
0x610: {  	v3 =	vand.u32 $0x7, v3;
	v4 =	vand.u32 $0xFFFFFFC0, v12  }
0x611: {  	v3 =	vor.u32 v3, v4  }
0x612: {  	v3 =	vperm.xlane v3, v0;
	_ =	sdelay $0x1  }
0x613: {  	v3 =	vadd.s32 v1, v3;
	_ =	sdelay $0x3  }
0x614: {  	s12 =	simm.s32 $0x9000  }
0x615: {  	[hbm4b:s3+s4] =	stream.indirect_vreg.scatter [tilespmem:s12], [sflag:$0x1], $0x80, v3, vm0, $0xb8;
	[tilespmem:$0x1F000] =	vst v63  }
0x616: {  	s12 =	simm.s32 $0x9800  }
0x617: {  	[hbm4b:s8+s4] =	stream.indirect_vreg.scatter [tilespmem:s12], [sflag:$0x1], $0x80, v3, vm0, $0xb8;
	[tilespmem:$0x1F000] =	vst v63  }
0x618: {  	s12 =	simm.s32 $0xA000  }
0x619: {  	[hbm4b:s9+s4] =	stream.indirect_vreg.scatter [tilespmem:s12], [sflag:$0x1], $0x80, v3, vm0, $0xb8;
	[tilespmem:$0x1F000] =	vst v63  }
0x61a: {  	s12 =	simm.s32 $0xA800  }
0x61b: {  	[hbm4b:s10+s4] =	stream.indirect_vreg.scatter [tilespmem:s12], [sflag:$0x1], $0x80, v3, vm0, $0xb8;
	[tilespmem:$0x1F000] =	vst v63  }
0x61c: {  	s12 =	simm.s32 $0x3  }
0x61d: {  	_ =	swait.ge [sflag:s12], $0xA000  }
0x61e: {  	[sflag:s12] =	ssyncset.done $0x0  }
0x61f: {  	[sflag:s12] =	ssyncadd.s32 $0xFFFF6000  }
0x620: {  	v3 =	vld [tilespmem:$0xC80];
	_ =	sdelay $0x4  }
0x621: {  	v13 =	vshll.u32 v3, $0x3  }
0x622: {  	v3 =	vand.u32 $0x7, v3;
	v4 =	vand.u32 $0xFFFFFFC0, v13  }
0x623: {  	v3 =	vor.u32 v3, v4  }
0x624: {  	v4 =	vperm.xlane v3, v0;
	_ =	sdelay $0x1  }
0x625: {  	v4 =	vadd.s32 v1, v4;
	_ =	sdelay $0x4  }
0x626: {  	[tilespmem:s26], [sflag:$0x2] =	stream.indirect_vreg.gather [hbm4b:s1+s4], $0x80, v4, vm0, $0xb8;
	[tilespmem:$0x1F000] =	vst v63  }
0x627: {  	v3 =	vperm.xlane v3, v2  }
0x628: {  	[tilespmem:s28], [sflag:$0x2] =	stream.indirect_vreg.gather [hbm4b:s5+s4], $0x80, v4, vm0, $0xb8;
	[tilespmem:$0x1F000] =	vst v63  }
0x629: {  	v3 =	vadd.s32 v1, v3  }
0x62a: {  	[tilespmem:s29], [sflag:$0x2] =	stream.indirect_vreg.gather [hbm4b:s6+s4], $0x80, v4, vm0, $0xb8;
	[tilespmem:$0x1F000] =	vst v63  }
0x62b: {  	s29 =	simm.s32 $0x16800  }
0x62c: {  	[tilespmem:s29], [sflag:$0x2] =	stream.indirect_vreg.gather [hbm4b:s7+s4], $0x80, v4, vm0, $0xb8;
	[tilespmem:$0x1F000] =	vst v63  }
0x62d: {  	_ = 	snop  }
0x62e: {  	[tilespmem:s13], [sflag:$0x2] =	stream.indirect_vreg.gather [hbm4b:s1+s4], $0x80, v3, vm0, $0xb8;
	[tilespmem:$0x1F000] =	vst v63  }
0x62f: {  	_ = 	snop  }
0x630: {  	[tilespmem:s0], [sflag:$0x2] =	stream.indirect_vreg.gather [hbm4b:s5+s4], $0x80, v3, vm0, $0xb8;
	[tilespmem:$0x1F000] =	vst v63  }
0x631: {  	_ = 	snop  }
0x632: {  	[tilespmem:s2], [sflag:$0x2] =	stream.indirect_vreg.gather [hbm4b:s6+s4], $0x80, v3, vm0, $0xb8;
	[tilespmem:$0x1F000] =	vst v63  }
0x633: {  	_ = 	snop  }
0x634: {  	[tilespmem:s21], [sflag:$0x2] =	stream.indirect_vreg.gather [hbm4b:s7+s4], $0x80, v3, vm0, $0xb8;
	[tilespmem:$0x1F000] =	vst v63  }
0x635: {  	v3 =	vld [tilespmem:$0xC90];
	_ =	sdelay $0x4  }
0x636: {  	v14 =	vshll.u32 v3, $0x3  }
0x637: {  	v3 =	vand.u32 $0x7, v3;
	v4 =	vand.u32 $0xFFFFFFC0, v14  }
0x638: {  	v3 =	vor.u32 v3, v4  }
0x639: {  	v4 =	vperm.xlane v3, v0;
	_ =	sdelay $0x1  }
0x63a: {  	v4 =	vadd.s32 v1, v4;
	_ =	sdelay $0x4  }
0x63b: {  	[tilespmem:s22], [sflag:$0x2] =	stream.indirect_vreg.gather [hbm4b:s1+s4], $0x80, v4, vm0, $0xb8;
	[tilespmem:$0x1F000] =	vst v63  }
0x63c: {  	v3 =	vperm.xlane v3, v2  }
0x63d: {  	[tilespmem:s23], [sflag:$0x2] =	stream.indirect_vreg.gather [hbm4b:s5+s4], $0x80, v4, vm0, $0xb8;
	[tilespmem:$0x1F000] =	vst v63  }
0x63e: {  	v3 =	vadd.s32 v1, v3  }
0x63f: {  	[tilespmem:s11], [sflag:$0x2] =	stream.indirect_vreg.gather [hbm4b:s6+s4], $0x80, v4, vm0, $0xb8;
	[tilespmem:$0x1F000] =	vst v63  }
0x640: {  	_ = 	snop  }
0x641: {  	[tilespmem:s14], [sflag:$0x2] =	stream.indirect_vreg.gather [hbm4b:s7+s4], $0x80, v4, vm0, $0xb8;
	[tilespmem:$0x1F000] =	vst v63  }
0x642: {  	_ = 	snop  }
0x643: {  	[tilespmem:s15], [sflag:$0x2] =	stream.indirect_vreg.gather [hbm4b:s1+s4], $0x80, v3, vm0, $0xb8;
	[tilespmem:$0x1F000] =	vst v63  }
0x644: {  	_ = 	snop  }
0x645: {  	[tilespmem:s16], [sflag:$0x2] =	stream.indirect_vreg.gather [hbm4b:s5+s4], $0x80, v3, vm0, $0xb8;
	[tilespmem:$0x1F000] =	vst v63  }
0x646: {  	_ = 	snop  }
0x647: {  	[tilespmem:s17], [sflag:$0x2] =	stream.indirect_vreg.gather [hbm4b:s6+s4], $0x80, v3, vm0, $0xb8;
	[tilespmem:$0x1F000] =	vst v63  }
0x648: {  	_ = 	snop  }
0x649: {  	[tilespmem:s24], [sflag:$0x2] =	stream.indirect_vreg.gather [hbm4b:s7+s4], $0x80, v3, vm0, $0xb8;
	[tilespmem:$0x1F000] =	vst v63  }
0x64a: {  	v3 =	vld.msk [tilespmem:$0xCA0], $0xff;
	_ =	sdelay $0x4  }
0x64b: {  	v15 =	vshll.u32 v3, $0x3  }
0x64c: {  	v3 =	vand.u32 $0x7, v3;
	v4 =	vand.u32 $0xFFFFFFC0, v15  }
0x64d: {  	v3 =	vor.u32 v3, v4  }
0x64e: {  	v3 =	vperm.xlane v3, v0;
	_ =	sdelay $0x1  }
0x64f: {  	v3 =	vadd.s32 v1, v3;
	_ =	sdelay $0x4  }
0x650: {  	[tilespmem:s18], [sflag:$0x2] =	stream.indirect_vreg.gather [hbm4b:s1+s4], $0x80, v3, vm0, $0xb8;
	[tilespmem:$0x1F000] =	vst v63  }
0x651: {  	_ = 	snop  }
0x652: {  	[tilespmem:s19], [sflag:$0x2] =	stream.indirect_vreg.gather [hbm4b:s5+s4], $0x80, v3, vm0, $0xb8;
	[tilespmem:$0x1F000] =	vst v63  }
0x653: {  	_ = 	snop  }
0x654: {  	[tilespmem:s20], [sflag:$0x2] =	stream.indirect_vreg.gather [hbm4b:s6+s4], $0x80, v3, vm0, $0xb8;
	[tilespmem:$0x1F000] =	vst v63  }
0x655: {  	s11 =	simm.s32 $0x2  }
0x656: {  	[tilespmem:s25], [sflag:$0x2] =	stream.indirect_vreg.gather [hbm4b:s7+s4], $0x80, v3, vm0, $0xb8;
	[tilespmem:$0x1F000] =	vst v63  }
0x657: {  	_ =	swait.ge [sflag:s11], $0xA000  }
0x658: {  	[sflag:s11] =	ssyncset.done $0x0  }
0x659: {  	[sflag:s11] =	ssyncadd.s32 $0xFFFF6000  }
0x65a: {  	v3 =	vld [tilespmem:$0xC00];
	_ =	sdelay $0x4  }
0x65b: {  	v16 =	vshll.u32 v3, $0x3  }
0x65c: {  	v3 =	vand.u32 $0x7, v3;
	v4 =	vand.u32 $0xFFFFFFC0, v16  }
0x65d: {  	v3 =	vor.u32 v3, v4  }
0x65e: {  	v4 =	vperm.xlane v3, v0;
	_ =	sdelay $0x1  }
0x65f: {  	v4 =	vadd.s32 v1, v4;
	_ =	sdelay $0x3  }
0x660: {  	s28 =	simm.s32 $0xB000  }
0x661: {  	[hbm4b:s3+s4] =	stream.indirect_vreg.scatter [tilespmem:s28], [sflag:$0x3], $0x80, v4, vm0, $0xb8;
	[tilespmem:$0x1F000] =	vst v63  }
0x662: {  	s29 =	simm.s32 $0xB800;
	v3 =	vperm.xlane v3, v2  }
0x663: {  	[hbm4b:s8+s4] =	stream.indirect_vreg.scatter [tilespmem:s29], [sflag:$0x3], $0x80, v4, vm0, $0xb8;
	[tilespmem:$0x1F000] =	vst v63  }
0x664: {  	s11 =	simm.s32 $0xC000;
	v3 =	vadd.s32 v1, v3  }
0x665: {  	[hbm4b:s9+s4] =	stream.indirect_vreg.scatter [tilespmem:s11], [sflag:$0x3], $0x80, v4, vm0, $0xb8;
	[tilespmem:$0x1F000] =	vst v63  }
0x666: {  	s14 =	simm.s32 $0xC800  }
0x667: {  	[hbm4b:s10+s4] =	stream.indirect_vreg.scatter [tilespmem:s14], [sflag:$0x3], $0x80, v4, vm0, $0xb8;
	[tilespmem:$0x1F000] =	vst v63  }
0x668: {  	s15 =	simm.s32 $0xD000  }
0x669: {  	[hbm4b:s3+s4] =	stream.indirect_vreg.scatter [tilespmem:s15], [sflag:$0x3], $0x80, v3, vm0, $0xb8;
	[tilespmem:$0x1F000] =	vst v63  }
0x66a: {  	s13 =	simm.s32 $0xD800  }
0x66b: {  	[hbm4b:s8+s4] =	stream.indirect_vreg.scatter [tilespmem:s13], [sflag:$0x3], $0x80, v3, vm0, $0xb8;
	[tilespmem:$0x1F000] =	vst v63  }
0x66c: {  	s30 =	simm.s32 $0xE000  }
0x66d: {  	[hbm4b:s9+s4] =	stream.indirect_vreg.scatter [tilespmem:s30], [sflag:$0x3], $0x80, v3, vm0, $0xb8;
	[tilespmem:$0x1F000] =	vst v63  }
0x66e: {  	s21 =	simm.s32 $0xE800  }
0x66f: {  	[hbm4b:s10+s4] =	stream.indirect_vreg.scatter [tilespmem:s21], [sflag:$0x3], $0x80, v3, vm0, $0xb8;
	[tilespmem:$0x1F000] =	vst v63  }
0x670: {  	v3 =	vld [tilespmem:$0xC10];
	_ =	sdelay $0x4  }
0x671: {  	v17 =	vshll.u32 v3, $0x3  }
0x672: {  	v3 =	vand.u32 $0x7, v3;
	v4 =	vand.u32 $0xFFFFFFC0, v17  }
0x673: {  	v3 =	vor.u32 v3, v4  }
0x674: {  	v4 =	vperm.xlane v3, v0;
	_ =	sdelay $0x1  }
0x675: {  	v4 =	vadd.s32 v1, v4;
	_ =	sdelay $0x3  }
0x676: {  	s22 =	simm.s32 $0xF000  }
0x677: {  	[hbm4b:s3+s4] =	stream.indirect_vreg.scatter [tilespmem:s22], [sflag:$0x3], $0x80, v4, vm0, $0xb8;
	[tilespmem:$0x1F000] =	vst v63  }
0x678: {  	s26 =	simm.s32 $0xF800;
	v3 =	vperm.xlane v3, v2  }
0x679: {  	[hbm4b:s8+s4] =	stream.indirect_vreg.scatter [tilespmem:s26], [sflag:$0x3], $0x80, v4, vm0, $0xb8;
	[tilespmem:$0x1F000] =	vst v63  }
0x67a: {  	s16 =	simm.s32 $0x10000;
	v3 =	vadd.s32 v1, v3  }
0x67b: {  	[hbm4b:s9+s4] =	stream.indirect_vreg.scatter [tilespmem:s16], [sflag:$0x3], $0x80, v4, vm0, $0xb8;
	[tilespmem:$0x1F000] =	vst v63  }
0x67c: {  	s18 =	simm.s32 $0x10800  }
0x67d: {  	[hbm4b:s10+s4] =	stream.indirect_vreg.scatter [tilespmem:s18], [sflag:$0x3], $0x80, v4, vm0, $0xb8;
	[tilespmem:$0x1F000] =	vst v63  }
0x67e: {  	s17 =	simm.s32 $0x11000  }
0x67f: {  	[hbm4b:s3+s4] =	stream.indirect_vreg.scatter [tilespmem:s17], [sflag:$0x3], $0x80, v3, vm0, $0xb8;
	[tilespmem:$0x1F000] =	vst v63  }
0x680: {  	s19 =	simm.s32 $0x11800  }
0x681: {  	[hbm4b:s8+s4] =	stream.indirect_vreg.scatter [tilespmem:s19], [sflag:$0x3], $0x80, v3, vm0, $0xb8;
	[tilespmem:$0x1F000] =	vst v63  }
0x682: {  	s20 =	simm.s32 $0x12000  }
0x683: {  	[hbm4b:s9+s4] =	stream.indirect_vreg.scatter [tilespmem:s20], [sflag:$0x3], $0x80, v3, vm0, $0xb8;
	[tilespmem:$0x1F000] =	vst v63  }
0x684: {  	s30 =	simm.s32 $0x12800  }
0x685: {  	[hbm4b:s10+s4] =	stream.indirect_vreg.scatter [tilespmem:s30], [sflag:$0x3], $0x80, v3, vm0, $0xb8;
	[tilespmem:$0x1F000] =	vst v63  }
0x686: {  	v3 =	vld.msk [tilespmem:$0xC20], $0xff;
	_ =	sdelay $0x4  }
0x687: {  	v18 =	vshll.u32 v3, $0x3  }
0x688: {  	v3 =	vand.u32 $0x7, v3;
	v4 =	vand.u32 $0xFFFFFFC0, v18  }
0x689: {  	v3 =	vor.u32 v3, v4  }
0x68a: {  	v3 =	vperm.xlane v3, v0;
	_ =	sdelay $0x1  }
0x68b: {  	v3 =	vadd.s32 v1, v3;
	_ =	sdelay $0x3  }
0x68c: {  	s23 =	simm.s32 $0x13000  }
0x68d: {  	[hbm4b:s3+s4] =	stream.indirect_vreg.scatter [tilespmem:s23], [sflag:$0x3], $0x80, v3, vm0, $0xb8;
	[tilespmem:$0x1F000] =	vst v63  }
0x68e: {  	s24 =	simm.s32 $0x13800  }
0x68f: {  	[hbm4b:s8+s4] =	stream.indirect_vreg.scatter [tilespmem:s24], [sflag:$0x3], $0x80, v3, vm0, $0xb8;
	[tilespmem:$0x1F000] =	vst v63  }
0x690: {  	s25 =	simm.s32 $0x14000  }
0x691: {  	[hbm4b:s9+s4] =	stream.indirect_vreg.scatter [tilespmem:s25], [sflag:$0x3], $0x80, v3, vm0, $0xb8;
	[tilespmem:$0x1F000] =	vst v63  }
0x692: {  	s0 =	simm.s32 $0x14800  }
0x693: {  	[hbm4b:s10+s4] =	stream.indirect_vreg.scatter [tilespmem:s0], [sflag:$0x3], $0x80, v3, vm0, $0xb8;
	[tilespmem:$0x1F000] =	vst v63  }
0x694: {  	v3 =	vld [tilespmem:$0x480];
	_ =	sdelay $0x4  }
0x695: {  	v19 =	vshll.u32 v3, $0x3  }
0x696: {  	v3 =	vand.u32 $0x7, v3;
	v4 =	vand.u32 $0xFFFFFFC0, v19  }
0x697: {  	v3 =	vor.u32 v3, v4  }
0x698: {  	v4 =	vperm.xlane v3, v0;
	_ =	sdelay $0x1  }
0x699: {  	v4 =	vadd.s32 v1, v4;
	_ =	sdelay $0x4  }
0x69a: {  	[hbm4b:s3+s4] =	stream.indirect_vreg.scatter [tilespmem:s31], [sflag:$0x1], $0x80, v4, vm0, $0xb8;
	[tilespmem:$0x1F000] =	vst v63  }
0x69b: {  	s12 =	simm.s32 $0x1800;
	v3 =	vperm.xlane v3, v2  }
0x69c: {  	[hbm4b:s8+s4] =	stream.indirect_vreg.scatter [tilespmem:s12], [sflag:$0x1], $0x80, v4, vm0, $0xb8;
	[tilespmem:$0x1F000] =	vst v63  }
0x69d: {  	v3 =	vadd.s32 v1, v3;
	s31 =	simm.s32 $0x2000  }
0x69e: {  	[hbm4b:s9+s4] =	stream.indirect_vreg.scatter [tilespmem:s31], [sflag:$0x1], $0x80, v4, vm0, $0xb8;
	[tilespmem:$0x1F000] =	vst v63  }
0x69f: {  	s12 =	simm.s32 $0x2800  }
0x6a0: {  	[hbm4b:s10+s4] =	stream.indirect_vreg.scatter [tilespmem:s12], [sflag:$0x1], $0x80, v4, vm0, $0xb8;
	[tilespmem:$0x1F000] =	vst v63  }
0x6a1: {  	s12 =	simm.s32 $0x3000  }
0x6a2: {  	[hbm4b:s3+s4] =	stream.indirect_vreg.scatter [tilespmem:s12], [sflag:$0x1], $0x80, v3, vm0, $0xb8;
	[tilespmem:$0x1F000] =	vst v63  }
0x6a3: {  	s12 =	simm.s32 $0x3800  }
0x6a4: {  	[hbm4b:s8+s4] =	stream.indirect_vreg.scatter [tilespmem:s12], [sflag:$0x1], $0x80, v3, vm0, $0xb8;
	[tilespmem:$0x1F000] =	vst v63  }
0x6a5: {  	s12 =	simm.s32 $0x4000  }
0x6a6: {  	[hbm4b:s9+s4] =	stream.indirect_vreg.scatter [tilespmem:s12], [sflag:$0x1], $0x80, v3, vm0, $0xb8;
	[tilespmem:$0x1F000] =	vst v63  }
0x6a7: {  	s12 =	simm.s32 $0x4800  }
0x6a8: {  	[hbm4b:s10+s4] =	stream.indirect_vreg.scatter [tilespmem:s12], [sflag:$0x1], $0x80, v3, vm0, $0xb8;
	[tilespmem:$0x1F000] =	vst v63  }
0x6a9: {  	v3 =	vld [tilespmem:$0x490];
	_ =	sdelay $0x4  }
0x6aa: {  	v20 =	vshll.u32 v3, $0x3  }
0x6ab: {  	v3 =	vand.u32 $0x7, v3;
	v4 =	vand.u32 $0xFFFFFFC0, v20  }
0x6ac: {  	v3 =	vor.u32 v3, v4  }
0x6ad: {  	v4 =	vperm.xlane v3, v0;
	_ =	sdelay $0x1  }
0x6ae: {  	v4 =	vadd.s32 v1, v4;
	_ =	sdelay $0x3  }
0x6af: {  	s12 =	simm.s32 $0x5000  }
0x6b0: {  	[hbm4b:s3+s4] =	stream.indirect_vreg.scatter [tilespmem:s12], [sflag:$0x1], $0x80, v4, vm0, $0xb8;
	[tilespmem:$0x1F000] =	vst v63  }
0x6b1: {  	v3 =	vperm.xlane v3, v2;
	s12 =	simm.s32 $0x5800  }
0x6b2: {  	[hbm4b:s8+s4] =	stream.indirect_vreg.scatter [tilespmem:s12], [sflag:$0x1], $0x80, v4, vm0, $0xb8;
	[tilespmem:$0x1F000] =	vst v63  }
0x6b3: {  	v3 =	vadd.s32 v1, v3;
	s12 =	simm.s32 $0x6000  }
0x6b4: {  	[hbm4b:s9+s4] =	stream.indirect_vreg.scatter [tilespmem:s12], [sflag:$0x1], $0x80, v4, vm0, $0xb8;
	[tilespmem:$0x1F000] =	vst v63  }
0x6b5: {  	s12 =	simm.s32 $0x6800  }
0x6b6: {  	[hbm4b:s10+s4] =	stream.indirect_vreg.scatter [tilespmem:s12], [sflag:$0x1], $0x80, v4, vm0, $0xb8;
	[tilespmem:$0x1F000] =	vst v63  }
0x6b7: {  	s12 =	simm.s32 $0x7000  }
0x6b8: {  	[hbm4b:s3+s4] =	stream.indirect_vreg.scatter [tilespmem:s12], [sflag:$0x1], $0x80, v3, vm0, $0xb8;
	[tilespmem:$0x1F000] =	vst v63  }
0x6b9: {  	s12 =	simm.s32 $0x7800  }
0x6ba: {  	[hbm4b:s8+s4] =	stream.indirect_vreg.scatter [tilespmem:s12], [sflag:$0x1], $0x80, v3, vm0, $0xb8;
	[tilespmem:$0x1F000] =	vst v63  }
0x6bb: {  	s12 =	simm.s32 $0x8000  }
0x6bc: {  	[hbm4b:s9+s4] =	stream.indirect_vreg.scatter [tilespmem:s12], [sflag:$0x1], $0x80, v3, vm0, $0xb8;
	[tilespmem:$0x1F000] =	vst v63  }
0x6bd: {  	s12 =	simm.s32 $0x8800  }
0x6be: {  	[hbm4b:s10+s4] =	stream.indirect_vreg.scatter [tilespmem:s12], [sflag:$0x1], $0x80, v3, vm0, $0xb8;
	[tilespmem:$0x1F000] =	vst v63  }
0x6bf: {  	v3 =	vld.msk [tilespmem:$0x4A0], $0xff;
	_ =	sdelay $0x4  }
0x6c0: {  	v21 =	vshll.u32 v3, $0x3  }
0x6c1: {  	v3 =	vand.u32 $0x7, v3;
	v4 =	vand.u32 $0xFFFFFFC0, v21  }
0x6c2: {  	v3 =	vor.u32 v3, v4  }
0x6c3: {  	v3 =	vperm.xlane v3, v0;
	_ =	sdelay $0x1  }
0x6c4: {  	v3 =	vadd.s32 v1, v3;
	_ =	sdelay $0x3  }
0x6c5: {  	s12 =	simm.s32 $0x9000  }
0x6c6: {  	[hbm4b:s3+s4] =	stream.indirect_vreg.scatter [tilespmem:s12], [sflag:$0x1], $0x80, v3, vm0, $0xb8;
	[tilespmem:$0x1F000] =	vst v63  }
0x6c7: {  	s12 =	simm.s32 $0x9800  }
0x6c8: {  	[hbm4b:s8+s4] =	stream.indirect_vreg.scatter [tilespmem:s12], [sflag:$0x1], $0x80, v3, vm0, $0xb8;
	[tilespmem:$0x1F000] =	vst v63  }
0x6c9: {  	s12 =	simm.s32 $0xA000  }
0x6ca: {  	[hbm4b:s9+s4] =	stream.indirect_vreg.scatter [tilespmem:s12], [sflag:$0x1], $0x80, v3, vm0, $0xb8;
	[tilespmem:$0x1F000] =	vst v63  }
0x6cb: {  	s2 =	simm.s32 $0x3;
	s12 =	simm.s32 $0xA800  }
0x6cc: {  	[hbm4b:s10+s4] =	stream.indirect_vreg.scatter [tilespmem:s12], [sflag:$0x1], $0x80, v3, vm0, $0xb8;
	[tilespmem:$0x1F000] =	vst v63  }
0x6cd: {  	_ =	swait.ge [sflag:s2], $0xA000  }
0x6ce: {  	[sflag:s2] =	ssyncset.done $0x0  }
0x6cf: {  	[sflag:s2] =	ssyncadd.s32 $0xFFFF6000  }
0x6d0: {  	v3 =	vld [tilespmem:$0xD00];
	_ =	sdelay $0x4  }
0x6d1: {  	v22 =	vshll.u32 v3, $0x3  }
0x6d2: {  	v3 =	vand.u32 $0x7, v3;
	v4 =	vand.u32 $0xFFFFFFC0, v22  }
0x6d3: {  	v3 =	vor.u32 v3, v4  }
0x6d4: {  	v4 =	vperm.xlane v3, v0;
	_ =	sdelay $0x1  }
0x6d5: {  	v4 =	vadd.s32 v1, v4;
	_ =	sdelay $0x4  }
0x6d6: {  	[tilespmem:s28], [sflag:$0x2] =	stream.indirect_vreg.gather [hbm4b:s1+s4], $0x80, v4, vm0, $0xb8;
	[tilespmem:$0x1F000] =	vst v63  }
0x6d7: {  	v3 =	vperm.xlane v3, v2  }
0x6d8: {  	[tilespmem:s29], [sflag:$0x2] =	stream.indirect_vreg.gather [hbm4b:s5+s4], $0x80, v4, vm0, $0xb8;
	[tilespmem:$0x1F000] =	vst v63  }
0x6d9: {  	v3 =	vadd.s32 v1, v3  }
0x6da: {  	[tilespmem:s11], [sflag:$0x2] =	stream.indirect_vreg.gather [hbm4b:s6+s4], $0x80, v4, vm0, $0xb8;
	[tilespmem:$0x1F000] =	vst v63  }
0x6db: {  	_ = 	snop  }
0x6dc: {  	[tilespmem:s14], [sflag:$0x2] =	stream.indirect_vreg.gather [hbm4b:s7+s4], $0x80, v4, vm0, $0xb8;
	[tilespmem:$0x1F000] =	vst v63  }
0x6dd: {  	_ = 	snop  }
0x6de: {  	[tilespmem:s15], [sflag:$0x2] =	stream.indirect_vreg.gather [hbm4b:s1+s4], $0x80, v3, vm0, $0xb8;
	[tilespmem:$0x1F000] =	vst v63  }
0x6df: {  	_ = 	snop  }
0x6e0: {  	[tilespmem:s13], [sflag:$0x2] =	stream.indirect_vreg.gather [hbm4b:s5+s4], $0x80, v3, vm0, $0xb8;
	[tilespmem:$0x1F000] =	vst v63  }
0x6e1: {  	s15 =	simm.s32 $0xE000  }
0x6e2: {  	[tilespmem:s15], [sflag:$0x2] =	stream.indirect_vreg.gather [hbm4b:s6+s4], $0x80, v3, vm0, $0xb8;
	[tilespmem:$0x1F000] =	vst v63  }
0x6e3: {  	_ = 	snop  }
0x6e4: {  	[tilespmem:s21], [sflag:$0x2] =	stream.indirect_vreg.gather [hbm4b:s7+s4], $0x80, v3, vm0, $0xb8;
	[tilespmem:$0x1F000] =	vst v63  }
0x6e5: {  	v3 =	vld [tilespmem:$0xD10];
	_ =	sdelay $0x4  }
0x6e6: {  	v23 =	vshll.u32 v3, $0x3  }
0x6e7: {  	v3 =	vand.u32 $0x7, v3;
	v4 =	vand.u32 $0xFFFFFFC0, v23  }
0x6e8: {  	v3 =	vor.u32 v3, v4  }
0x6e9: {  	v4 =	vperm.xlane v3, v0;
	_ =	sdelay $0x1  }
0x6ea: {  	v4 =	vadd.s32 v1, v4;
	_ =	sdelay $0x4  }
0x6eb: {  	[tilespmem:s22], [sflag:$0x2] =	stream.indirect_vreg.gather [hbm4b:s1+s4], $0x80, v4, vm0, $0xb8;
	[tilespmem:$0x1F000] =	vst v63  }
0x6ec: {  	v3 =	vperm.xlane v3, v2  }
0x6ed: {  	[tilespmem:s26], [sflag:$0x2] =	stream.indirect_vreg.gather [hbm4b:s5+s4], $0x80, v4, vm0, $0xb8;
	[tilespmem:$0x1F000] =	vst v63  }
0x6ee: {  	v3 =	vadd.s32 v1, v3  }
0x6ef: {  	[tilespmem:s16], [sflag:$0x2] =	stream.indirect_vreg.gather [hbm4b:s6+s4], $0x80, v4, vm0, $0xb8;
	[tilespmem:$0x1F000] =	vst v63  }
0x6f0: {  	_ = 	snop  }
0x6f1: {  	[tilespmem:s18], [sflag:$0x2] =	stream.indirect_vreg.gather [hbm4b:s7+s4], $0x80, v4, vm0, $0xb8;
	[tilespmem:$0x1F000] =	vst v63  }
0x6f2: {  	_ = 	snop  }
0x6f3: {  	[tilespmem:s17], [sflag:$0x2] =	stream.indirect_vreg.gather [hbm4b:s1+s4], $0x80, v3, vm0, $0xb8;
	[tilespmem:$0x1F000] =	vst v63  }
0x6f4: {  	_ = 	snop  }
0x6f5: {  	[tilespmem:s19], [sflag:$0x2] =	stream.indirect_vreg.gather [hbm4b:s5+s4], $0x80, v3, vm0, $0xb8;
	[tilespmem:$0x1F000] =	vst v63  }
0x6f6: {  	_ = 	snop  }
0x6f7: {  	[tilespmem:s20], [sflag:$0x2] =	stream.indirect_vreg.gather [hbm4b:s6+s4], $0x80, v3, vm0, $0xb8;
	[tilespmem:$0x1F000] =	vst v63  }
0x6f8: {  	_ = 	snop  }
0x6f9: {  	[tilespmem:s30], [sflag:$0x2] =	stream.indirect_vreg.gather [hbm4b:s7+s4], $0x80, v3, vm0, $0xb8;
	[tilespmem:$0x1F000] =	vst v63  }
0x6fa: {  	v3 =	vld.msk [tilespmem:$0xD20], $0xff;
	_ =	sdelay $0x4  }
0x6fb: {  	v24 =	vshll.u32 v3, $0x3  }
0x6fc: {  	v3 =	vand.u32 $0x7, v3;
	v4 =	vand.u32 $0xFFFFFFC0, v24  }
0x6fd: {  	v3 =	vor.u32 v3, v4  }
0x6fe: {  	v3 =	vperm.xlane v3, v0;
	_ =	sdelay $0x1  }
0x6ff: {  	v3 =	vadd.s32 v1, v3;
	_ =	sdelay $0x4  }
0x700: {  	[tilespmem:s23], [sflag:$0x2] =	stream.indirect_vreg.gather [hbm4b:s1+s4], $0x80, v3, vm0, $0xb8;
	[tilespmem:$0x1F000] =	vst v63  }
0x701: {  	_ = 	snop  }
0x702: {  	[tilespmem:s24], [sflag:$0x2] =	stream.indirect_vreg.gather [hbm4b:s5+s4], $0x80, v3, vm0, $0xb8;
	[tilespmem:$0x1F000] =	vst v63  }
0x703: {  	_ = 	snop  }
0x704: {  	[tilespmem:s25], [sflag:$0x2] =	stream.indirect_vreg.gather [hbm4b:s6+s4], $0x80, v3, vm0, $0xb8;
	[tilespmem:$0x1F000] =	vst v63  }
0x705: {  	s22 =	simm.s32 $0x2  }
0x706: {  	[tilespmem:s0], [sflag:$0x2] =	stream.indirect_vreg.gather [hbm4b:s7+s4], $0x80, v3, vm0, $0xb8;
	[tilespmem:$0x1F000] =	vst v63  }
0x707: {  	_ =	swait.ge [sflag:s22], $0xA000  }
0x708: {  	[sflag:s22] =	ssyncset.done $0x0  }
0x709: {  	[sflag:s22] =	ssyncadd.s32 $0xFFFF6000  }
0x70a: {  	v3 =	vld [tilespmem:$0xC80];
	_ =	sdelay $0x4  }
0x70b: {  	v25 =	vshll.u32 v3, $0x3  }
0x70c: {  	v3 =	vand.u32 $0x7, v3;
	v4 =	vand.u32 $0xFFFFFFC0, v25  }
0x70d: {  	v3 =	vor.u32 v3, v4  }
0x70e: {  	v4 =	vperm.xlane v3, v0;
	_ =	sdelay $0x1  }
0x70f: {  	v4 =	vadd.s32 v1, v4;
	_ =	sdelay $0x3  }
0x710: {  	s23 =	simm.s32 $0x15000  }
0x711: {  	[hbm4b:s3+s4] =	stream.indirect_vreg.scatter [tilespmem:s23], [sflag:$0x3], $0x80, v4, vm0, $0xb8;
	[tilespmem:$0x1F000] =	vst v63  }
0x712: {  	s25 =	simm.s32 $0x15800;
	v3 =	vperm.xlane v3, v2  }
0x713: {  	[hbm4b:s8+s4] =	stream.indirect_vreg.scatter [tilespmem:s25], [sflag:$0x3], $0x80, v4, vm0, $0xb8;
	[tilespmem:$0x1F000] =	vst v63  }
0x714: {  	s30 =	simm.s32 $0x16000;
	v3 =	vadd.s32 v1, v3  }
0x715: {  	[hbm4b:s9+s4] =	stream.indirect_vreg.scatter [tilespmem:s30], [sflag:$0x3], $0x80, v4, vm0, $0xb8;
	[tilespmem:$0x1F000] =	vst v63  }
0x716: {  	s12 =	simm.s32 $0x16800  }
0x717: {  	[hbm4b:s10+s4] =	stream.indirect_vreg.scatter [tilespmem:s12], [sflag:$0x3], $0x80, v4, vm0, $0xb8;
	[tilespmem:$0x1F000] =	vst v63  }
0x718: {  	s11 =	simm.s32 $0x17000  }
0x719: {  	[hbm4b:s3+s4] =	stream.indirect_vreg.scatter [tilespmem:s11], [sflag:$0x3], $0x80, v3, vm0, $0xb8;
	[tilespmem:$0x1F000] =	vst v63  }
0x71a: {  	s13 =	simm.s32 $0x17800  }
0x71b: {  	[hbm4b:s8+s4] =	stream.indirect_vreg.scatter [tilespmem:s13], [sflag:$0x3], $0x80, v3, vm0, $0xb8;
	[tilespmem:$0x1F000] =	vst v63  }
0x71c: {  	s14 =	simm.s32 $0x18000  }
0x71d: {  	[hbm4b:s9+s4] =	stream.indirect_vreg.scatter [tilespmem:s14], [sflag:$0x3], $0x80, v3, vm0, $0xb8;
	[tilespmem:$0x1F000] =	vst v63  }
0x71e: {  	s24 =	simm.s32 $0x18800  }
0x71f: {  	[hbm4b:s10+s4] =	stream.indirect_vreg.scatter [tilespmem:s24], [sflag:$0x3], $0x80, v3, vm0, $0xb8;
	[tilespmem:$0x1F000] =	vst v63  }
0x720: {  	v3 =	vld [tilespmem:$0xC90];
	_ =	sdelay $0x4  }
0x721: {  	v26 =	vshll.u32 v3, $0x3  }
0x722: {  	v3 =	vand.u32 $0x7, v3;
	v4 =	vand.u32 $0xFFFFFFC0, v26  }
0x723: {  	v3 =	vor.u32 v3, v4  }
0x724: {  	v4 =	vperm.xlane v3, v0;
	_ =	sdelay $0x1  }
0x725: {  	v4 =	vadd.s32 v1, v4;
	_ =	sdelay $0x3  }
0x726: {  	s26 =	simm.s32 $0x19000  }
0x727: {  	[hbm4b:s3+s4] =	stream.indirect_vreg.scatter [tilespmem:s26], [sflag:$0x3], $0x80, v4, vm0, $0xb8;
	[tilespmem:$0x1F000] =	vst v63  }
0x728: {  	s23 =	simm.s32 $0x19800;
	v3 =	vperm.xlane v3, v2  }
0x729: {  	[hbm4b:s8+s4] =	stream.indirect_vreg.scatter [tilespmem:s23], [sflag:$0x3], $0x80, v4, vm0, $0xb8;
	[tilespmem:$0x1F000] =	vst v63  }
0x72a: {  	s15 =	simm.s32 $0x1A000;
	v3 =	vadd.s32 v1, v3  }
0x72b: {  	[hbm4b:s9+s4] =	stream.indirect_vreg.scatter [tilespmem:s15], [sflag:$0x3], $0x80, v4, vm0, $0xb8;
	[tilespmem:$0x1F000] =	vst v63  }
0x72c: {  	s16 =	simm.s32 $0x1A800  }
0x72d: {  	[hbm4b:s10+s4] =	stream.indirect_vreg.scatter [tilespmem:s16], [sflag:$0x3], $0x80, v4, vm0, $0xb8;
	[tilespmem:$0x1F000] =	vst v63  }
0x72e: {  	s17 =	simm.s32 $0x1B000  }
0x72f: {  	[hbm4b:s3+s4] =	stream.indirect_vreg.scatter [tilespmem:s17], [sflag:$0x3], $0x80, v3, vm0, $0xb8;
	[tilespmem:$0x1F000] =	vst v63  }
0x730: {  	s18 =	simm.s32 $0x1B800  }
0x731: {  	[hbm4b:s8+s4] =	stream.indirect_vreg.scatter [tilespmem:s18], [sflag:$0x3], $0x80, v3, vm0, $0xb8;
	[tilespmem:$0x1F000] =	vst v63  }
0x732: {  	s19 =	simm.s32 $0x1C000  }
0x733: {  	[hbm4b:s9+s4] =	stream.indirect_vreg.scatter [tilespmem:s19], [sflag:$0x3], $0x80, v3, vm0, $0xb8;
	[tilespmem:$0x1F000] =	vst v63  }
0x734: {  	s24 =	simm.s32 $0x1C800  }
0x735: {  	[hbm4b:s10+s4] =	stream.indirect_vreg.scatter [tilespmem:s24], [sflag:$0x3], $0x80, v3, vm0, $0xb8;
	[tilespmem:$0x1F000] =	vst v63  }
0x736: {  	v3 =	vld.msk [tilespmem:$0xCA0], $0xff;
	_ =	sdelay $0x4  }
0x737: {  	v27 =	vshll.u32 v3, $0x3  }
0x738: {  	v3 =	vand.u32 $0x7, v3;
	v4 =	vand.u32 $0xFFFFFFC0, v27  }
0x739: {  	v3 =	vor.u32 v3, v4  }
0x73a: {  	v3 =	vperm.xlane v3, v0;
	_ =	sdelay $0x1  }
0x73b: {  	v3 =	vadd.s32 v1, v3;
	_ =	sdelay $0x3  }
0x73c: {  	s20 =	simm.s32 $0x1D000  }
0x73d: {  	[hbm4b:s3+s4] =	stream.indirect_vreg.scatter [tilespmem:s20], [sflag:$0x3], $0x80, v3, vm0, $0xb8;
	[tilespmem:$0x1F000] =	vst v63  }
0x73e: {  	s21 =	simm.s32 $0x1D800  }
0x73f: {  	[hbm4b:s8+s4] =	stream.indirect_vreg.scatter [tilespmem:s21], [sflag:$0x3], $0x80, v3, vm0, $0xb8;
	[tilespmem:$0x1F000] =	vst v63  }
0x740: {  	s22 =	simm.s32 $0x1E000  }
0x741: {  	[hbm4b:s9+s4] =	stream.indirect_vreg.scatter [tilespmem:s22], [sflag:$0x3], $0x80, v3, vm0, $0xb8;
	[tilespmem:$0x1F000] =	vst v63  }
0x742: {  	s2 =	simm.s32 $0x1E800  }
0x743: {  	[hbm4b:s10+s4] =	stream.indirect_vreg.scatter [tilespmem:s2], [sflag:$0x3], $0x80, v3, vm0, $0xb8;
	[tilespmem:$0x1F000] =	vst v63  }
0x744: {  	v3 =	vld [tilespmem:$0x500];
	_ =	sdelay $0x4  }
0x745: {  	v28 =	vshll.u32 v3, $0x3  }
0x746: {  	v3 =	vand.u32 $0x7, v3;
	v4 =	vand.u32 $0xFFFFFFC0, v28  }
0x747: {  	v3 =	vor.u32 v3, v4  }
0x748: {  	v4 =	vperm.xlane v3, v0;
	_ =	sdelay $0x1  }
0x749: {  	v4 =	vadd.s32 v1, v4;
	_ =	sdelay $0x3  }
0x74a: {  	s0 =	simm.s32 $0x1000  }
0x74b: {  	[hbm4b:s3+s4] =	stream.indirect_vreg.scatter [tilespmem:s0], [sflag:$0x1], $0x80, v4, vm0, $0xb8;
	[tilespmem:$0x1F000] =	vst v63  }
0x74c: {  	v3 =	vperm.xlane v3, v2;
	s0 =	simm.s32 $0x1800  }
0x74d: {  	[hbm4b:s8+s4] =	stream.indirect_vreg.scatter [tilespmem:s0], [sflag:$0x1], $0x80, v4, vm0, $0xb8;
	[tilespmem:$0x1F000] =	vst v63  }
0x74e: {  	s31 =	simm.s32 $0x2000;
	v3 =	vadd.s32 v1, v3  }
0x74f: {  	[hbm4b:s9+s4] =	stream.indirect_vreg.scatter [tilespmem:s31], [sflag:$0x1], $0x80, v4, vm0, $0xb8;
	[tilespmem:$0x1F000] =	vst v63  }
0x750: {  	s31 =	simm.s32 $0x2800  }
0x751: {  	[hbm4b:s10+s4] =	stream.indirect_vreg.scatter [tilespmem:s31], [sflag:$0x1], $0x80, v4, vm0, $0xb8;
	[tilespmem:$0x1F000] =	vst v63  }
0x752: {  	s31 =	simm.s32 $0x3000  }
0x753: {  	[hbm4b:s3+s4] =	stream.indirect_vreg.scatter [tilespmem:s31], [sflag:$0x1], $0x80, v3, vm0, $0xb8;
	[tilespmem:$0x1F000] =	vst v63  }
0x754: {  	s31 =	simm.s32 $0x3800  }
0x755: {  	[hbm4b:s8+s4] =	stream.indirect_vreg.scatter [tilespmem:s31], [sflag:$0x1], $0x80, v3, vm0, $0xb8;
	[tilespmem:$0x1F000] =	vst v63  }
0x756: {  	s31 =	simm.s32 $0x4000  }
0x757: {  	[hbm4b:s9+s4] =	stream.indirect_vreg.scatter [tilespmem:s31], [sflag:$0x1], $0x80, v3, vm0, $0xb8;
	[tilespmem:$0x1F000] =	vst v63  }
0x758: {  	s31 =	simm.s32 $0x4800  }
0x759: {  	[hbm4b:s10+s4] =	stream.indirect_vreg.scatter [tilespmem:s31], [sflag:$0x1], $0x80, v3, vm0, $0xb8;
	[tilespmem:$0x1F000] =	vst v63  }
0x75a: {  	v3 =	vld [tilespmem:$0x510];
	_ =	sdelay $0x4  }
0x75b: {  	v29 =	vshll.u32 v3, $0x3  }
0x75c: {  	v3 =	vand.u32 $0x7, v3;
	v4 =	vand.u32 $0xFFFFFFC0, v29  }
0x75d: {  	v3 =	vor.u32 v3, v4  }
0x75e: {  	v4 =	vperm.xlane v3, v0;
	_ =	sdelay $0x1  }
0x75f: {  	v4 =	vadd.s32 v1, v4;
	_ =	sdelay $0x3  }
0x760: {  	s31 =	simm.s32 $0x5000  }
0x761: {  	[hbm4b:s3+s4] =	stream.indirect_vreg.scatter [tilespmem:s31], [sflag:$0x1], $0x80, v4, vm0, $0xb8;
	[tilespmem:$0x1F000] =	vst v63  }
0x762: {  	v3 =	vperm.xlane v3, v2;
	s31 =	simm.s32 $0x5800  }
0x763: {  	[hbm4b:s8+s4] =	stream.indirect_vreg.scatter [tilespmem:s31], [sflag:$0x1], $0x80, v4, vm0, $0xb8;
	[tilespmem:$0x1F000] =	vst v63  }
0x764: {  	v3 =	vadd.s32 v1, v3;
	s31 =	simm.s32 $0x6000  }
0x765: {  	[hbm4b:s9+s4] =	stream.indirect_vreg.scatter [tilespmem:s31], [sflag:$0x1], $0x80, v4, vm0, $0xb8;
	[tilespmem:$0x1F000] =	vst v63  }
0x766: {  	s31 =	simm.s32 $0x6800  }
0x767: {  	[hbm4b:s10+s4] =	stream.indirect_vreg.scatter [tilespmem:s31], [sflag:$0x1], $0x80, v4, vm0, $0xb8;
	[tilespmem:$0x1F000] =	vst v63  }
0x768: {  	s31 =	simm.s32 $0x7000  }
0x769: {  	[hbm4b:s3+s4] =	stream.indirect_vreg.scatter [tilespmem:s31], [sflag:$0x1], $0x80, v3, vm0, $0xb8;
	[tilespmem:$0x1F000] =	vst v63  }
0x76a: {  	s31 =	simm.s32 $0x7800  }
0x76b: {  	[hbm4b:s8+s4] =	stream.indirect_vreg.scatter [tilespmem:s31], [sflag:$0x1], $0x80, v3, vm0, $0xb8;
	[tilespmem:$0x1F000] =	vst v63  }
0x76c: {  	s31 =	simm.s32 $0x8000  }
0x76d: {  	[hbm4b:s9+s4] =	stream.indirect_vreg.scatter [tilespmem:s31], [sflag:$0x1], $0x80, v3, vm0, $0xb8;
	[tilespmem:$0x1F000] =	vst v63  }
0x76e: {  	s31 =	simm.s32 $0x8800  }
0x76f: {  	[hbm4b:s10+s4] =	stream.indirect_vreg.scatter [tilespmem:s31], [sflag:$0x1], $0x80, v3, vm0, $0xb8;
	[tilespmem:$0x1F000] =	vst v63  }
0x770: {  	v3 =	vld.msk [tilespmem:$0x520], $0xff;
	_ =	sdelay $0x4  }
0x771: {  	v30 =	vshll.u32 v3, $0x3  }
0x772: {  	v3 =	vand.u32 $0x7, v3;
	v4 =	vand.u32 $0xFFFFFFC0, v30  }
0x773: {  	v3 =	vor.u32 v3, v4  }
0x774: {  	v3 =	vperm.xlane v3, v0;
	_ =	sdelay $0x1  }
0x775: {  	v3 =	vadd.s32 v1, v3;
	_ =	sdelay $0x3  }
0x776: {  	s31 =	simm.s32 $0x9000  }
0x777: {  	[hbm4b:s3+s4] =	stream.indirect_vreg.scatter [tilespmem:s31], [sflag:$0x1], $0x80, v3, vm0, $0xb8;
	[tilespmem:$0x1F000] =	vst v63  }
0x778: {  	s31 =	simm.s32 $0x9800  }
0x779: {  	[hbm4b:s8+s4] =	stream.indirect_vreg.scatter [tilespmem:s31], [sflag:$0x1], $0x80, v3, vm0, $0xb8;
	[tilespmem:$0x1F000] =	vst v63  }
0x77a: {  	s31 =	simm.s32 $0xA000  }
0x77b: {  	[hbm4b:s9+s4] =	stream.indirect_vreg.scatter [tilespmem:s31], [sflag:$0x1], $0x80, v3, vm0, $0xb8;
	[tilespmem:$0x1F000] =	vst v63  }
0x77c: {  	s31 =	simm.s32 $0xA800  }
0x77d: {  	[hbm4b:s10+s4] =	stream.indirect_vreg.scatter [tilespmem:s31], [sflag:$0x1], $0x80, v3, vm0, $0xb8;
	[tilespmem:$0x1F000] =	vst v63  }
0x77e: {  	s31 =	simm.s32 $0x3  }
0x77f: {  	_ =	swait.ge [sflag:s31], $0xA000  }
0x780: {  	[sflag:s31] =	ssyncset.done $0x0  }
0x781: {  	[sflag:s31] =	ssyncadd.s32 $0xFFFF6000  }
0x782: {  	v3 =	vld [tilespmem:$0xD80];
	_ =	sdelay $0x4  }
0x783: {  	v31 =	vshll.u32 v3, $0x3  }
0x784: {  	v3 =	vand.u32 $0x7, v3;
	v4 =	vand.u32 $0xFFFFFFC0, v31  }
0x785: {  	v3 =	vor.u32 v3, v4  }
0x786: {  	v4 =	vperm.xlane v3, v0;
	_ =	sdelay $0x1  }
0x787: {  	v4 =	vadd.s32 v1, v4;
	_ =	sdelay $0x3  }
0x788: {  	s28 =	simm.s32 $0x15000  }
0x789: {  	[tilespmem:s28], [sflag:$0x2] =	stream.indirect_vreg.gather [hbm4b:s1+s4], $0x80, v4, vm0, $0xb8;
	[tilespmem:$0x1F000] =	vst v63  }
0x78a: {  	v3 =	vperm.xlane v3, v2  }
0x78b: {  	[tilespmem:s25], [sflag:$0x2] =	stream.indirect_vreg.gather [hbm4b:s5+s4], $0x80, v4, vm0, $0xb8;
	[tilespmem:$0x1F000] =	vst v63  }
0x78c: {  	v3 =	vadd.s32 v1, v3  }
0x78d: {  	[tilespmem:s30], [sflag:$0x2] =	stream.indirect_vreg.gather [hbm4b:s6+s4], $0x80, v4, vm0, $0xb8;
	[tilespmem:$0x1F000] =	vst v63  }
0x78e: {  	_ = 	snop  }
0x78f: {  	[tilespmem:s12], [sflag:$0x2] =	stream.indirect_vreg.gather [hbm4b:s7+s4], $0x80, v4, vm0, $0xb8;
	[tilespmem:$0x1F000] =	vst v63  }
0x790: {  	_ = 	snop  }
0x791: {  	[tilespmem:s11], [sflag:$0x2] =	stream.indirect_vreg.gather [hbm4b:s1+s4], $0x80, v3, vm0, $0xb8;
	[tilespmem:$0x1F000] =	vst v63  }
0x792: {  	_ = 	snop  }
0x793: {  	[tilespmem:s13], [sflag:$0x2] =	stream.indirect_vreg.gather [hbm4b:s5+s4], $0x80, v3, vm0, $0xb8;
	[tilespmem:$0x1F000] =	vst v63  }
0x794: {  	_ = 	snop  }
0x795: {  	[tilespmem:s14], [sflag:$0x2] =	stream.indirect_vreg.gather [hbm4b:s6+s4], $0x80, v3, vm0, $0xb8;
	[tilespmem:$0x1F000] =	vst v63  }
0x796: {  	s29 =	simm.s32 $0x18800  }
0x797: {  	[tilespmem:s29], [sflag:$0x2] =	stream.indirect_vreg.gather [hbm4b:s7+s4], $0x80, v3, vm0, $0xb8;
	[tilespmem:$0x1F000] =	vst v63  }
0x798: {  	v3 =	vld [tilespmem:$0xD90];
	_ =	sdelay $0x4  }
0x799: {  	v32 =	vshll.u32 v3, $0x3  }
0x79a: {  	v3 =	vand.u32 $0x7, v3;
	v4 =	vand.u32 $0xFFFFFFC0, v32  }
0x79b: {  	v3 =	vor.u32 v3, v4  }
0x79c: {  	v4 =	vperm.xlane v3, v0;
	_ =	sdelay $0x1  }
0x79d: {  	v4 =	vadd.s32 v1, v4;
	_ =	sdelay $0x3  }
0x79e: {  	s26 =	simm.s32 $0x19000  }
0x79f: {  	[tilespmem:s26], [sflag:$0x2] =	stream.indirect_vreg.gather [hbm4b:s1+s4], $0x80, v4, vm0, $0xb8;
	[tilespmem:$0x1F000] =	vst v63  }
0x7a0: {  	v3 =	vperm.xlane v3, v2  }
0x7a1: {  	[tilespmem:s23], [sflag:$0x2] =	stream.indirect_vreg.gather [hbm4b:s5+s4], $0x80, v4, vm0, $0xb8;
	[tilespmem:$0x1F000] =	vst v63  }
0x7a2: {  	v3 =	vadd.s32 v1, v3  }
0x7a3: {  	[tilespmem:s15], [sflag:$0x2] =	stream.indirect_vreg.gather [hbm4b:s6+s4], $0x80, v4, vm0, $0xb8;
	[tilespmem:$0x1F000] =	vst v63  }
0x7a4: {  	_ = 	snop  }
0x7a5: {  	[tilespmem:s16], [sflag:$0x2] =	stream.indirect_vreg.gather [hbm4b:s7+s4], $0x80, v4, vm0, $0xb8;
	[tilespmem:$0x1F000] =	vst v63  }
0x7a6: {  	_ = 	snop  }
0x7a7: {  	[tilespmem:s17], [sflag:$0x2] =	stream.indirect_vreg.gather [hbm4b:s1+s4], $0x80, v3, vm0, $0xb8;
	[tilespmem:$0x1F000] =	vst v63  }
0x7a8: {  	_ = 	snop  }
0x7a9: {  	[tilespmem:s18], [sflag:$0x2] =	stream.indirect_vreg.gather [hbm4b:s5+s4], $0x80, v3, vm0, $0xb8;
	[tilespmem:$0x1F000] =	vst v63  }
0x7aa: {  	_ = 	snop  }
0x7ab: {  	[tilespmem:s19], [sflag:$0x2] =	stream.indirect_vreg.gather [hbm4b:s6+s4], $0x80, v3, vm0, $0xb8;
	[tilespmem:$0x1F000] =	vst v63  }
0x7ac: {  	_ = 	snop  }
0x7ad: {  	[tilespmem:s24], [sflag:$0x2] =	stream.indirect_vreg.gather [hbm4b:s7+s4], $0x80, v3, vm0, $0xb8;
	[tilespmem:$0x1F000] =	vst v63  }
0x7ae: {  	v3 =	vld.msk [tilespmem:$0xDA0], $0xff;
	_ =	sdelay $0x4  }
0x7af: {  	v33 =	vshll.u32 v3, $0x3  }
0x7b0: {  	v3 =	vand.u32 $0x7, v3;
	v4 =	vand.u32 $0xFFFFFFC0, v33  }
0x7b1: {  	v3 =	vor.u32 v3, v4  }
0x7b2: {  	v3 =	vperm.xlane v3, v0;
	_ =	sdelay $0x1  }
0x7b3: {  	v3 =	vadd.s32 v1, v3;
	_ =	sdelay $0x4  }
0x7b4: {  	[tilespmem:s20], [sflag:$0x2] =	stream.indirect_vreg.gather [hbm4b:s1+s4], $0x80, v3, vm0, $0xb8;
	[tilespmem:$0x1F000] =	vst v63  }
0x7b5: {  	_ = 	snop  }
0x7b6: {  	[tilespmem:s21], [sflag:$0x2] =	stream.indirect_vreg.gather [hbm4b:s5+s4], $0x80, v3, vm0, $0xb8;
	[tilespmem:$0x1F000] =	vst v63  }
0x7b7: {  	_ = 	snop  }
0x7b8: {  	[tilespmem:s22], [sflag:$0x2] =	stream.indirect_vreg.gather [hbm4b:s6+s4], $0x80, v3, vm0, $0xb8;
	[tilespmem:$0x1F000] =	vst v63  }
0x7b9: {  	s11 =	simm.s32 $0x2  }
0x7ba: {  	[tilespmem:s2], [sflag:$0x2] =	stream.indirect_vreg.gather [hbm4b:s7+s4], $0x80, v3, vm0, $0xb8;
	[tilespmem:$0x1F000] =	vst v63  }
0x7bb: {  	_ =	swait.ge [sflag:s11], $0xA000  }
0x7bc: {  	[sflag:s11] =	ssyncset.done $0x0  }
0x7bd: {  	[sflag:s11] =	ssyncadd.s32 $0xFFFF6000  }
0x7be: {  	v3 =	vld [tilespmem:$0xD00];
	_ =	sdelay $0x4  }
0x7bf: {  	v34 =	vshll.u32 v3, $0x3  }
0x7c0: {  	v3 =	vand.u32 $0x7, v3;
	v4 =	vand.u32 $0xFFFFFFC0, v34  }
0x7c1: {  	v3 =	vor.u32 v3, v4  }
0x7c2: {  	v4 =	vperm.xlane v3, v0;
	_ =	sdelay $0x1  }
0x7c3: {  	v4 =	vadd.s32 v1, v4;
	_ =	sdelay $0x3  }
0x7c4: {  	s22 =	simm.s32 $0xB000  }
0x7c5: {  	[hbm4b:s3+s4] =	stream.indirect_vreg.scatter [tilespmem:s22], [sflag:$0x3], $0x80, v4, vm0, $0xb8;
	[tilespmem:$0x1F000] =	vst v63  }
0x7c6: {  	s23 =	simm.s32 $0xB800;
	v3 =	vperm.xlane v3, v2  }
0x7c7: {  	[hbm4b:s8+s4] =	stream.indirect_vreg.scatter [tilespmem:s23], [sflag:$0x3], $0x80, v4, vm0, $0xb8;
	[tilespmem:$0x1F000] =	vst v63  }
0x7c8: {  	s30 =	simm.s32 $0xC000;
	v3 =	vadd.s32 v1, v3  }
0x7c9: {  	[hbm4b:s9+s4] =	stream.indirect_vreg.scatter [tilespmem:s30], [sflag:$0x3], $0x80, v4, vm0, $0xb8;
	[tilespmem:$0x1F000] =	vst v63  }
0x7ca: {  	s0 =	simm.s32 $0xC800  }
0x7cb: {  	[hbm4b:s10+s4] =	stream.indirect_vreg.scatter [tilespmem:s0], [sflag:$0x3], $0x80, v4, vm0, $0xb8;
	[tilespmem:$0x1F000] =	vst v63  }
0x7cc: {  	s2 =	simm.s32 $0xD000  }
0x7cd: {  	[hbm4b:s3+s4] =	stream.indirect_vreg.scatter [tilespmem:s2], [sflag:$0x3], $0x80, v3, vm0, $0xb8;
	[tilespmem:$0x1F000] =	vst v63  }
0x7ce: {  	s11 =	simm.s32 $0xD800  }
0x7cf: {  	[hbm4b:s8+s4] =	stream.indirect_vreg.scatter [tilespmem:s11], [sflag:$0x3], $0x80, v3, vm0, $0xb8;
	[tilespmem:$0x1F000] =	vst v63  }
0x7d0: {  	s14 =	simm.s32 $0xE000  }
0x7d1: {  	[hbm4b:s9+s4] =	stream.indirect_vreg.scatter [tilespmem:s14], [sflag:$0x3], $0x80, v3, vm0, $0xb8;
	[tilespmem:$0x1F000] =	vst v63  }
0x7d2: {  	s24 =	simm.s32 $0xE800  }
0x7d3: {  	[hbm4b:s10+s4] =	stream.indirect_vreg.scatter [tilespmem:s24], [sflag:$0x3], $0x80, v3, vm0, $0xb8;
	[tilespmem:$0x1F000] =	vst v63  }
0x7d4: {  	v3 =	vld [tilespmem:$0xD10];
	_ =	sdelay $0x4  }
0x7d5: {  	v35 =	vshll.u32 v3, $0x3  }
0x7d6: {  	v3 =	vand.u32 $0x7, v3;
	v4 =	vand.u32 $0xFFFFFFC0, v35  }
0x7d7: {  	v3 =	vor.u32 v3, v4  }
0x7d8: {  	v4 =	vperm.xlane v3, v0;
	_ =	sdelay $0x1  }
0x7d9: {  	v4 =	vadd.s32 v1, v4;
	_ =	sdelay $0x3  }
0x7da: {  	s25 =	simm.s32 $0xF000  }
0x7db: {  	[hbm4b:s3+s4] =	stream.indirect_vreg.scatter [tilespmem:s25], [sflag:$0x3], $0x80, v4, vm0, $0xb8;
	[tilespmem:$0x1F000] =	vst v63  }
0x7dc: {  	s26 =	simm.s32 $0xF800;
	v3 =	vperm.xlane v3, v2  }
0x7dd: {  	[hbm4b:s8+s4] =	stream.indirect_vreg.scatter [tilespmem:s26], [sflag:$0x3], $0x80, v4, vm0, $0xb8;
	[tilespmem:$0x1F000] =	vst v63  }
0x7de: {  	s13 =	simm.s32 $0x10000;
	v3 =	vadd.s32 v1, v3  }
0x7df: {  	[hbm4b:s9+s4] =	stream.indirect_vreg.scatter [tilespmem:s13], [sflag:$0x3], $0x80, v4, vm0, $0xb8;
	[tilespmem:$0x1F000] =	vst v63  }
0x7e0: {  	s16 =	simm.s32 $0x10800  }
0x7e1: {  	[hbm4b:s10+s4] =	stream.indirect_vreg.scatter [tilespmem:s16], [sflag:$0x3], $0x80, v4, vm0, $0xb8;
	[tilespmem:$0x1F000] =	vst v63  }
0x7e2: {  	s15 =	simm.s32 $0x11000  }
0x7e3: {  	[hbm4b:s3+s4] =	stream.indirect_vreg.scatter [tilespmem:s15], [sflag:$0x3], $0x80, v3, vm0, $0xb8;
	[tilespmem:$0x1F000] =	vst v63  }
0x7e4: {  	s17 =	simm.s32 $0x11800  }
0x7e5: {  	[hbm4b:s8+s4] =	stream.indirect_vreg.scatter [tilespmem:s17], [sflag:$0x3], $0x80, v3, vm0, $0xb8;
	[tilespmem:$0x1F000] =	vst v63  }
0x7e6: {  	s18 =	simm.s32 $0x12000  }
0x7e7: {  	[hbm4b:s9+s4] =	stream.indirect_vreg.scatter [tilespmem:s18], [sflag:$0x3], $0x80, v3, vm0, $0xb8;
	[tilespmem:$0x1F000] =	vst v63  }
0x7e8: {  	s28 =	simm.s32 $0x12800  }
0x7e9: {  	[hbm4b:s10+s4] =	stream.indirect_vreg.scatter [tilespmem:s28], [sflag:$0x3], $0x80, v3, vm0, $0xb8;
	[tilespmem:$0x1F000] =	vst v63  }
0x7ea: {  	v3 =	vld.msk [tilespmem:$0xD20], $0xff;
	_ =	sdelay $0x4  }
0x7eb: {  	v36 =	vshll.u32 v3, $0x3  }
0x7ec: {  	v3 =	vand.u32 $0x7, v3;
	v4 =	vand.u32 $0xFFFFFFC0, v36  }
0x7ed: {  	v3 =	vor.u32 v3, v4  }
0x7ee: {  	v3 =	vperm.xlane v3, v0;
	_ =	sdelay $0x1  }
0x7ef: {  	v3 =	vadd.s32 v1, v3;
	_ =	sdelay $0x3  }
0x7f0: {  	s19 =	simm.s32 $0x13000  }
0x7f1: {  	[hbm4b:s3+s4] =	stream.indirect_vreg.scatter [tilespmem:s19], [sflag:$0x3], $0x80, v3, vm0, $0xb8;
	[tilespmem:$0x1F000] =	vst v63  }
0x7f2: {  	s20 =	simm.s32 $0x13800  }
0x7f3: {  	[hbm4b:s8+s4] =	stream.indirect_vreg.scatter [tilespmem:s20], [sflag:$0x3], $0x80, v3, vm0, $0xb8;
	[tilespmem:$0x1F000] =	vst v63  }
0x7f4: {  	s21 =	simm.s32 $0x14000  }
0x7f5: {  	[hbm4b:s9+s4] =	stream.indirect_vreg.scatter [tilespmem:s21], [sflag:$0x3], $0x80, v3, vm0, $0xb8;
	[tilespmem:$0x1F000] =	vst v63  }
0x7f6: {  	s12 =	simm.s32 $0x3;
	s29 =	simm.s32 $0x14800  }
0x7f7: {  	[hbm4b:s10+s4] =	stream.indirect_vreg.scatter [tilespmem:s29], [sflag:$0x3], $0x80, v3, vm0, $0xb8;
	[tilespmem:$0x1F000] =	vst v63  }
0x7f8: {  	_ =	swait.ge [sflag:s12], $0xA000  }
0x7f9: {  	[sflag:s12] =	ssyncset.done $0x0  }
0x7fa: {  	[sflag:s12] =	ssyncadd.s32 $0xFFFF6000  }
0x7fb: {  	v3 =	vld [tilespmem:$0xE00];
	_ =	sdelay $0x4  }
0x7fc: {  	v37 =	vshll.u32 v3, $0x3  }
0x7fd: {  	v3 =	vand.u32 $0x7, v3;
	v4 =	vand.u32 $0xFFFFFFC0, v37  }
0x7fe: {  	v3 =	vor.u32 v3, v4  }
0x7ff: {  	v4 =	vperm.xlane v3, v0;
	_ =	sdelay $0x1  }
0x800: {  	v4 =	vadd.s32 v1, v4;
	_ =	sdelay $0x4  }
0x801: {  	[tilespmem:s22], [sflag:$0x2] =	stream.indirect_vreg.gather [hbm4b:s1+s4], $0x80, v4, vm0, $0xb8;
	[tilespmem:$0x1F000] =	vst v63  }
0x802: {  	v3 =	vperm.xlane v3, v2  }
0x803: {  	[tilespmem:s23], [sflag:$0x2] =	stream.indirect_vreg.gather [hbm4b:s5+s4], $0x80, v4, vm0, $0xb8;
	[tilespmem:$0x1F000] =	vst v63  }
0x804: {  	v3 =	vadd.s32 v1, v3  }
0x805: {  	[tilespmem:s30], [sflag:$0x2] =	stream.indirect_vreg.gather [hbm4b:s6+s4], $0x80, v4, vm0, $0xb8;
	[tilespmem:$0x1F000] =	vst v63  }
0x806: {  	_ = 	snop  }
0x807: {  	[tilespmem:s0], [sflag:$0x2] =	stream.indirect_vreg.gather [hbm4b:s7+s4], $0x80, v4, vm0, $0xb8;
	[tilespmem:$0x1F000] =	vst v63  }
0x808: {  	_ = 	snop  }
0x809: {  	[tilespmem:s2], [sflag:$0x2] =	stream.indirect_vreg.gather [hbm4b:s1+s4], $0x80, v3, vm0, $0xb8;
	[tilespmem:$0x1F000] =	vst v63  }
0x80a: {  	_ = 	snop  }
0x80b: {  	[tilespmem:s11], [sflag:$0x2] =	stream.indirect_vreg.gather [hbm4b:s5+s4], $0x80, v3, vm0, $0xb8;
	[tilespmem:$0x1F000] =	vst v63  }
0x80c: {  	_ = 	snop  }
0x80d: {  	[tilespmem:s14], [sflag:$0x2] =	stream.indirect_vreg.gather [hbm4b:s6+s4], $0x80, v3, vm0, $0xb8;
	[tilespmem:$0x1F000] =	vst v63  }
0x80e: {  	_ = 	snop  }
0x80f: {  	[tilespmem:s24], [sflag:$0x2] =	stream.indirect_vreg.gather [hbm4b:s7+s4], $0x80, v3, vm0, $0xb8;
	[tilespmem:$0x1F000] =	vst v63  }
0x810: {  	v3 =	vld [tilespmem:$0xE10];
	_ =	sdelay $0x4  }
0x811: {  	v38 =	vshll.u32 v3, $0x3  }
0x812: {  	v3 =	vand.u32 $0x7, v3;
	v4 =	vand.u32 $0xFFFFFFC0, v38  }
0x813: {  	v3 =	vor.u32 v3, v4  }
0x814: {  	v4 =	vperm.xlane v3, v0;
	_ =	sdelay $0x1  }
0x815: {  	v4 =	vadd.s32 v1, v4;
	_ =	sdelay $0x4  }
0x816: {  	[tilespmem:s25], [sflag:$0x2] =	stream.indirect_vreg.gather [hbm4b:s1+s4], $0x80, v4, vm0, $0xb8;
	[tilespmem:$0x1F000] =	vst v63  }
0x817: {  	v3 =	vperm.xlane v3, v2  }
0x818: {  	[tilespmem:s26], [sflag:$0x2] =	stream.indirect_vreg.gather [hbm4b:s5+s4], $0x80, v4, vm0, $0xb8;
	[tilespmem:$0x1F000] =	vst v63  }
0x819: {  	v3 =	vadd.s32 v1, v3  }
0x81a: {  	[tilespmem:s13], [sflag:$0x2] =	stream.indirect_vreg.gather [hbm4b:s6+s4], $0x80, v4, vm0, $0xb8;
	[tilespmem:$0x1F000] =	vst v63  }
0x81b: {  	_ = 	snop  }
0x81c: {  	[tilespmem:s16], [sflag:$0x2] =	stream.indirect_vreg.gather [hbm4b:s7+s4], $0x80, v4, vm0, $0xb8;
	[tilespmem:$0x1F000] =	vst v63  }
0x81d: {  	_ = 	snop  }
0x81e: {  	[tilespmem:s15], [sflag:$0x2] =	stream.indirect_vreg.gather [hbm4b:s1+s4], $0x80, v3, vm0, $0xb8;
	[tilespmem:$0x1F000] =	vst v63  }
0x81f: {  	_ = 	snop  }
0x820: {  	[tilespmem:s17], [sflag:$0x2] =	stream.indirect_vreg.gather [hbm4b:s5+s4], $0x80, v3, vm0, $0xb8;
	[tilespmem:$0x1F000] =	vst v63  }
0x821: {  	_ = 	snop  }
0x822: {  	[tilespmem:s18], [sflag:$0x2] =	stream.indirect_vreg.gather [hbm4b:s6+s4], $0x80, v3, vm0, $0xb8;
	[tilespmem:$0x1F000] =	vst v63  }
0x823: {  	_ = 	snop  }
0x824: {  	[tilespmem:s28], [sflag:$0x2] =	stream.indirect_vreg.gather [hbm4b:s7+s4], $0x80, v3, vm0, $0xb8;
	[tilespmem:$0x1F000] =	vst v63  }
0x825: {  	v3 =	vld.msk [tilespmem:$0xE20], $0xff;
	_ =	sdelay $0x4  }
0x826: {  	v39 =	vshll.u32 v3, $0x3  }
0x827: {  	v3 =	vand.u32 $0x7, v3;
	v4 =	vand.u32 $0xFFFFFFC0, v39  }
0x828: {  	v3 =	vor.u32 v3, v4  }
0x829: {  	v3 =	vperm.xlane v3, v0;
	_ =	sdelay $0x1  }
0x82a: {  	v3 =	vadd.s32 v1, v3;
	_ =	sdelay $0x4  }
0x82b: {  	[tilespmem:s19], [sflag:$0x2] =	stream.indirect_vreg.gather [hbm4b:s1+s4], $0x80, v3, vm0, $0xb8;
	[tilespmem:$0x1F000] =	vst v63  }
0x82c: {  	_ = 	snop  }
0x82d: {  	[tilespmem:s20], [sflag:$0x2] =	stream.indirect_vreg.gather [hbm4b:s5+s4], $0x80, v3, vm0, $0xb8;
	[tilespmem:$0x1F000] =	vst v63  }
0x82e: {  	_ = 	snop  }
0x82f: {  	[tilespmem:s21], [sflag:$0x2] =	stream.indirect_vreg.gather [hbm4b:s6+s4], $0x80, v3, vm0, $0xb8;
	[tilespmem:$0x1F000] =	vst v63  }
0x830: {  	s30 =	simm.s32 $0x2  }
0x831: {  	[tilespmem:s29], [sflag:$0x2] =	stream.indirect_vreg.gather [hbm4b:s7+s4], $0x80, v3, vm0, $0xb8;
	[tilespmem:$0x1F000] =	vst v63  }
0x832: {  	_ =	swait.ge [sflag:s30], $0xA000  }
0x833: {  	[sflag:s30] =	ssyncset.done $0x0  }
0x834: {  	[sflag:s30] =	ssyncadd.s32 $0xFFFF6000  }
0x835: {  	v3 =	vld [tilespmem:$0xD80];
	_ =	sdelay $0x4  }
0x836: {  	v40 =	vshll.u32 v3, $0x3  }
0x837: {  	v3 =	vand.u32 $0x7, v3;
	v4 =	vand.u32 $0xFFFFFFC0, v40  }
0x838: {  	v3 =	vor.u32 v3, v4  }
0x839: {  	v4 =	vperm.xlane v3, v0;
	_ =	sdelay $0x1  }
0x83a: {  	v4 =	vadd.s32 v1, v4;
	_ =	sdelay $0x3  }
0x83b: {  	s0 =	simm.s32 $0x15000  }
0x83c: {  	[hbm4b:s3+s4] =	stream.indirect_vreg.scatter [tilespmem:s0], [sflag:$0x3], $0x80, v4, vm0, $0xb8;
	[tilespmem:$0x1F000] =	vst v63  }
0x83d: {  	s2 =	simm.s32 $0x15800;
	v3 =	vperm.xlane v3, v2  }
0x83e: {  	[hbm4b:s8+s4] =	stream.indirect_vreg.scatter [tilespmem:s2], [sflag:$0x3], $0x80, v4, vm0, $0xb8;
	[tilespmem:$0x1F000] =	vst v63  }
0x83f: {  	s13 =	simm.s32 $0x16000;
	v3 =	vadd.s32 v1, v3  }
0x840: {  	[hbm4b:s9+s4] =	stream.indirect_vreg.scatter [tilespmem:s13], [sflag:$0x3], $0x80, v4, vm0, $0xb8;
	[tilespmem:$0x1F000] =	vst v63  }
0x841: {  	s11 =	simm.s32 $0x16800  }
0x842: {  	[hbm4b:s10+s4] =	stream.indirect_vreg.scatter [tilespmem:s11], [sflag:$0x3], $0x80, v4, vm0, $0xb8;
	[tilespmem:$0x1F000] =	vst v63  }
0x843: {  	s14 =	simm.s32 $0x17000  }
0x844: {  	[hbm4b:s3+s4] =	stream.indirect_vreg.scatter [tilespmem:s14], [sflag:$0x3], $0x80, v3, vm0, $0xb8;
	[tilespmem:$0x1F000] =	vst v63  }
0x845: {  	s15 =	simm.s32 $0x17800  }
0x846: {  	[hbm4b:s8+s4] =	stream.indirect_vreg.scatter [tilespmem:s15], [sflag:$0x3], $0x80, v3, vm0, $0xb8;
	[tilespmem:$0x1F000] =	vst v63  }
0x847: {  	s16 =	simm.s32 $0x18000  }
0x848: {  	[hbm4b:s9+s4] =	stream.indirect_vreg.scatter [tilespmem:s16], [sflag:$0x3], $0x80, v3, vm0, $0xb8;
	[tilespmem:$0x1F000] =	vst v63  }
0x849: {  	s25 =	simm.s32 $0x18800  }
0x84a: {  	[hbm4b:s10+s4] =	stream.indirect_vreg.scatter [tilespmem:s25], [sflag:$0x3], $0x80, v3, vm0, $0xb8;
	[tilespmem:$0x1F000] =	vst v63  }
0x84b: {  	v3 =	vld [tilespmem:$0xD90];
	_ =	sdelay $0x4  }
0x84c: {  	v41 =	vshll.u32 v3, $0x3  }
0x84d: {  	v3 =	vand.u32 $0x7, v3;
	v4 =	vand.u32 $0xFFFFFFC0, v41  }
0x84e: {  	v3 =	vor.u32 v3, v4  }
0x84f: {  	v4 =	vperm.xlane v3, v0;
	_ =	sdelay $0x1  }
0x850: {  	v4 =	vadd.s32 v1, v4;
	_ =	sdelay $0x3  }
0x851: {  	s26 =	simm.s32 $0x19000  }
0x852: {  	[hbm4b:s3+s4] =	stream.indirect_vreg.scatter [tilespmem:s26], [sflag:$0x3], $0x80, v4, vm0, $0xb8;
	[tilespmem:$0x1F000] =	vst v63  }
0x853: {  	s28 =	simm.s32 $0x19800;
	v3 =	vperm.xlane v3, v2  }
0x854: {  	[hbm4b:s8+s4] =	stream.indirect_vreg.scatter [tilespmem:s28], [sflag:$0x3], $0x80, v4, vm0, $0xb8;
	[tilespmem:$0x1F000] =	vst v63  }
0x855: {  	s17 =	simm.s32 $0x1A000;
	v3 =	vadd.s32 v1, v3  }
0x856: {  	[hbm4b:s9+s4] =	stream.indirect_vreg.scatter [tilespmem:s17], [sflag:$0x3], $0x80, v4, vm0, $0xb8;
	[tilespmem:$0x1F000] =	vst v63  }
0x857: {  	s18 =	simm.s32 $0x1A800  }
0x858: {  	[hbm4b:s10+s4] =	stream.indirect_vreg.scatter [tilespmem:s18], [sflag:$0x3], $0x80, v4, vm0, $0xb8;
	[tilespmem:$0x1F000] =	vst v63  }
0x859: {  	s19 =	simm.s32 $0x1B000  }
0x85a: {  	[hbm4b:s3+s4] =	stream.indirect_vreg.scatter [tilespmem:s19], [sflag:$0x3], $0x80, v3, vm0, $0xb8;
	[tilespmem:$0x1F000] =	vst v63  }
0x85b: {  	s20 =	simm.s32 $0x1B800  }
0x85c: {  	[hbm4b:s8+s4] =	stream.indirect_vreg.scatter [tilespmem:s20], [sflag:$0x3], $0x80, v3, vm0, $0xb8;
	[tilespmem:$0x1F000] =	vst v63  }
0x85d: {  	s21 =	simm.s32 $0x1C000  }
0x85e: {  	[hbm4b:s9+s4] =	stream.indirect_vreg.scatter [tilespmem:s21], [sflag:$0x3], $0x80, v3, vm0, $0xb8;
	[tilespmem:$0x1F000] =	vst v63  }
0x85f: {  	s29 =	simm.s32 $0x1C800  }
0x860: {  	[hbm4b:s10+s4] =	stream.indirect_vreg.scatter [tilespmem:s29], [sflag:$0x3], $0x80, v3, vm0, $0xb8;
	[tilespmem:$0x1F000] =	vst v63  }
0x861: {  	v3 =	vld.msk [tilespmem:$0xDA0], $0xff;
	_ =	sdelay $0x4  }
0x862: {  	v42 =	vshll.u32 v3, $0x3  }
0x863: {  	v3 =	vand.u32 $0x7, v3;
	v4 =	vand.u32 $0xFFFFFFC0, v42  }
0x864: {  	v3 =	vor.u32 v3, v4  }
0x865: {  	v3 =	vperm.xlane v3, v0;
	_ =	sdelay $0x1  }
0x866: {  	v3 =	vadd.s32 v1, v3;
	_ =	sdelay $0x3  }
0x867: {  	s22 =	simm.s32 $0x1D000  }
0x868: {  	[hbm4b:s3+s4] =	stream.indirect_vreg.scatter [tilespmem:s22], [sflag:$0x3], $0x80, v3, vm0, $0xb8;
	[tilespmem:$0x1F000] =	vst v63  }
0x869: {  	s23 =	simm.s32 $0x1D800  }
0x86a: {  	[hbm4b:s8+s4] =	stream.indirect_vreg.scatter [tilespmem:s23], [sflag:$0x3], $0x80, v3, vm0, $0xb8;
	[tilespmem:$0x1F000] =	vst v63  }
0x86b: {  	s24 =	simm.s32 $0x1E000  }
0x86c: {  	[hbm4b:s9+s4] =	stream.indirect_vreg.scatter [tilespmem:s24], [sflag:$0x3], $0x80, v3, vm0, $0xb8;
	[tilespmem:$0x1F000] =	vst v63  }
0x86d: {  	s31 =	simm.s32 $0x3;
	s30 =	simm.s32 $0x1E800  }
0x86e: {  	[hbm4b:s10+s4] =	stream.indirect_vreg.scatter [tilespmem:s30], [sflag:$0x3], $0x80, v3, vm0, $0xb8;
	[tilespmem:$0x1F000] =	vst v63  }
0x86f: {  	_ =	swait.ge [sflag:s31], $0xA000  }
0x870: {  	[sflag:s31] =	ssyncset.done $0x0  }
0x871: {  	[sflag:s31] =	ssyncadd.s32 $0xFFFF6000  }
0x872: {  	v3 =	vld [tilespmem:$0xE80];
	_ =	sdelay $0x4  }
0x873: {  	v43 =	vshll.u32 v3, $0x3  }
0x874: {  	v3 =	vand.u32 $0x7, v3;
	v4 =	vand.u32 $0xFFFFFFC0, v43  }
0x875: {  	v3 =	vor.u32 v3, v4  }
0x876: {  	v4 =	vperm.xlane v3, v0;
	_ =	sdelay $0x1  }
0x877: {  	v4 =	vadd.s32 v1, v4;
	_ =	sdelay $0x4  }
0x878: {  	[tilespmem:s0], [sflag:$0x2] =	stream.indirect_vreg.gather [hbm4b:s1+s4], $0x80, v4, vm0, $0xb8;
	[tilespmem:$0x1F000] =	vst v63  }
0x879: {  	v3 =	vperm.xlane v3, v2  }
0x87a: {  	[tilespmem:s2], [sflag:$0x2] =	stream.indirect_vreg.gather [hbm4b:s5+s4], $0x80, v4, vm0, $0xb8;
	[tilespmem:$0x1F000] =	vst v63  }
0x87b: {  	v3 =	vadd.s32 v1, v3  }
0x87c: {  	[tilespmem:s13], [sflag:$0x2] =	stream.indirect_vreg.gather [hbm4b:s6+s4], $0x80, v4, vm0, $0xb8;
	[tilespmem:$0x1F000] =	vst v63  }
0x87d: {  	_ = 	snop  }
0x87e: {  	[tilespmem:s11], [sflag:$0x2] =	stream.indirect_vreg.gather [hbm4b:s7+s4], $0x80, v4, vm0, $0xb8;
	[tilespmem:$0x1F000] =	vst v63  }
0x87f: {  	_ = 	snop  }
0x880: {  	[tilespmem:s14], [sflag:$0x2] =	stream.indirect_vreg.gather [hbm4b:s1+s4], $0x80, v3, vm0, $0xb8;
	[tilespmem:$0x1F000] =	vst v63  }
0x881: {  	_ = 	snop  }
0x882: {  	[tilespmem:s15], [sflag:$0x2] =	stream.indirect_vreg.gather [hbm4b:s5+s4], $0x80, v3, vm0, $0xb8;
	[tilespmem:$0x1F000] =	vst v63  }
0x883: {  	_ = 	snop  }
0x884: {  	[tilespmem:s16], [sflag:$0x2] =	stream.indirect_vreg.gather [hbm4b:s6+s4], $0x80, v3, vm0, $0xb8;
	[tilespmem:$0x1F000] =	vst v63  }
0x885: {  	_ = 	snop  }
0x886: {  	[tilespmem:s25], [sflag:$0x2] =	stream.indirect_vreg.gather [hbm4b:s7+s4], $0x80, v3, vm0, $0xb8;
	[tilespmem:$0x1F000] =	vst v63  }
0x887: {  	v3 =	vld [tilespmem:$0xE90];
	_ =	sdelay $0x4  }
0x888: {  	v44 =	vshll.u32 v3, $0x3  }
0x889: {  	v3 =	vand.u32 $0x7, v3;
	v4 =	vand.u32 $0xFFFFFFC0, v44  }
0x88a: {  	v3 =	vor.u32 v3, v4  }
0x88b: {  	v4 =	vperm.xlane v3, v0;
	_ =	sdelay $0x1  }
0x88c: {  	v4 =	vadd.s32 v1, v4;
	_ =	sdelay $0x4  }
0x88d: {  	[tilespmem:s26], [sflag:$0x2] =	stream.indirect_vreg.gather [hbm4b:s1+s4], $0x80, v4, vm0, $0xb8;
	[tilespmem:$0x1F000] =	vst v63  }
0x88e: {  	v3 =	vperm.xlane v3, v2  }
0x88f: {  	[tilespmem:s28], [sflag:$0x2] =	stream.indirect_vreg.gather [hbm4b:s5+s4], $0x80, v4, vm0, $0xb8;
	[tilespmem:$0x1F000] =	vst v63  }
0x890: {  	v3 =	vadd.s32 v1, v3  }
0x891: {  	[tilespmem:s17], [sflag:$0x2] =	stream.indirect_vreg.gather [hbm4b:s6+s4], $0x80, v4, vm0, $0xb8;
	[tilespmem:$0x1F000] =	vst v63  }
0x892: {  	_ = 	snop  }
0x893: {  	[tilespmem:s18], [sflag:$0x2] =	stream.indirect_vreg.gather [hbm4b:s7+s4], $0x80, v4, vm0, $0xb8;
	[tilespmem:$0x1F000] =	vst v63  }
0x894: {  	_ = 	snop  }
0x895: {  	[tilespmem:s19], [sflag:$0x2] =	stream.indirect_vreg.gather [hbm4b:s1+s4], $0x80, v3, vm0, $0xb8;
	[tilespmem:$0x1F000] =	vst v63  }
0x896: {  	_ = 	snop  }
0x897: {  	[tilespmem:s20], [sflag:$0x2] =	stream.indirect_vreg.gather [hbm4b:s5+s4], $0x80, v3, vm0, $0xb8;
	[tilespmem:$0x1F000] =	vst v63  }
0x898: {  	_ = 	snop  }
0x899: {  	[tilespmem:s21], [sflag:$0x2] =	stream.indirect_vreg.gather [hbm4b:s6+s4], $0x80, v3, vm0, $0xb8;
	[tilespmem:$0x1F000] =	vst v63  }
0x89a: {  	_ = 	snop  }
0x89b: {  	[tilespmem:s29], [sflag:$0x2] =	stream.indirect_vreg.gather [hbm4b:s7+s4], $0x80, v3, vm0, $0xb8;
	[tilespmem:$0x1F000] =	vst v63  }
0x89c: {  	v3 =	vld.msk [tilespmem:$0xEA0], $0xff;
	_ =	sdelay $0x4  }
0x89d: {  	v45 =	vshll.u32 v3, $0x3  }
0x89e: {  	v3 =	vand.u32 $0x7, v3;
	v4 =	vand.u32 $0xFFFFFFC0, v45  }
0x89f: {  	v3 =	vor.u32 v3, v4  }
0x8a0: {  	v3 =	vperm.xlane v3, v0;
	_ =	sdelay $0x1  }
0x8a1: {  	v3 =	vadd.s32 v1, v3;
	_ =	sdelay $0x4  }
0x8a2: {  	[tilespmem:s22], [sflag:$0x2] =	stream.indirect_vreg.gather [hbm4b:s1+s4], $0x80, v3, vm0, $0xb8;
	[tilespmem:$0x1F000] =	vst v63  }
0x8a3: {  	_ = 	snop  }
0x8a4: {  	[tilespmem:s23], [sflag:$0x2] =	stream.indirect_vreg.gather [hbm4b:s5+s4], $0x80, v3, vm0, $0xb8;
	[tilespmem:$0x1F000] =	vst v63  }
0x8a5: {  	_ = 	snop  }
0x8a6: {  	[tilespmem:s24], [sflag:$0x2] =	stream.indirect_vreg.gather [hbm4b:s6+s4], $0x80, v3, vm0, $0xb8;
	[tilespmem:$0x1F000] =	vst v63  }
0x8a7: {  	s23 =	simm.s32 $0x2  }
0x8a8: {  	[tilespmem:s30], [sflag:$0x2] =	stream.indirect_vreg.gather [hbm4b:s7+s4], $0x80, v3, vm0, $0xb8;
	[tilespmem:$0x1F000] =	vst v63  }
0x8a9: {  	_ =	swait.ge [sflag:s23], $0xA000  }
0x8aa: {  	[sflag:s23] =	ssyncset.done $0x0  }
0x8ab: {  	[sflag:s23] =	ssyncadd.s32 $0xFFFF6000  }
0x8ac: {  	v3 =	vld [tilespmem:$0xE00];
	_ =	sdelay $0x4  }
0x8ad: {  	v46 =	vshll.u32 v3, $0x3  }
0x8ae: {  	v3 =	vand.u32 $0x7, v3;
	v4 =	vand.u32 $0xFFFFFFC0, v46  }
0x8af: {  	v3 =	vor.u32 v3, v4  }
0x8b0: {  	v4 =	vperm.xlane v3, v0;
	_ =	sdelay $0x1  }
0x8b1: {  	v4 =	vadd.s32 v1, v4;
	_ =	sdelay $0x3  }
0x8b2: {  	s24 =	simm.s32 $0xB000  }
0x8b3: {  	[hbm4b:s3+s4] =	stream.indirect_vreg.scatter [tilespmem:s24], [sflag:$0x3], $0x80, v4, vm0, $0xb8;
	[tilespmem:$0x1F000] =	vst v63  }
0x8b4: {  	s25 =	simm.s32 $0xB800;
	v3 =	vperm.xlane v3, v2  }
0x8b5: {  	[hbm4b:s8+s4] =	stream.indirect_vreg.scatter [tilespmem:s25], [sflag:$0x3], $0x80, v4, vm0, $0xb8;
	[tilespmem:$0x1F000] =	vst v63  }
0x8b6: {  	s13 =	simm.s32 $0xC000;
	v3 =	vadd.s32 v1, v3  }
0x8b7: {  	[hbm4b:s9+s4] =	stream.indirect_vreg.scatter [tilespmem:s13], [sflag:$0x3], $0x80, v4, vm0, $0xb8;
	[tilespmem:$0x1F000] =	vst v63  }
0x8b8: {  	s0 =	simm.s32 $0xC800  }
0x8b9: {  	[hbm4b:s10+s4] =	stream.indirect_vreg.scatter [tilespmem:s0], [sflag:$0x3], $0x80, v4, vm0, $0xb8;
	[tilespmem:$0x1F000] =	vst v63  }
0x8ba: {  	s11 =	simm.s32 $0xD000  }
0x8bb: {  	[hbm4b:s3+s4] =	stream.indirect_vreg.scatter [tilespmem:s11], [sflag:$0x3], $0x80, v3, vm0, $0xb8;
	[tilespmem:$0x1F000] =	vst v63  }
0x8bc: {  	s14 =	simm.s32 $0xD800  }
0x8bd: {  	[hbm4b:s8+s4] =	stream.indirect_vreg.scatter [tilespmem:s14], [sflag:$0x3], $0x80, v3, vm0, $0xb8;
	[tilespmem:$0x1F000] =	vst v63  }
0x8be: {  	s15 =	simm.s32 $0xE000  }
0x8bf: {  	[hbm4b:s9+s4] =	stream.indirect_vreg.scatter [tilespmem:s15], [sflag:$0x3], $0x80, v3, vm0, $0xb8;
	[tilespmem:$0x1F000] =	vst v63  }
0x8c0: {  	s26 =	simm.s32 $0xE800  }
0x8c1: {  	[hbm4b:s10+s4] =	stream.indirect_vreg.scatter [tilespmem:s26], [sflag:$0x3], $0x80, v3, vm0, $0xb8;
	[tilespmem:$0x1F000] =	vst v63  }
0x8c2: {  	v3 =	vld [tilespmem:$0xE10];
	_ =	sdelay $0x4  }
0x8c3: {  	v47 =	vshll.u32 v3, $0x3  }
0x8c4: {  	v3 =	vand.u32 $0x7, v3;
	v4 =	vand.u32 $0xFFFFFFC0, v47  }
0x8c5: {  	v3 =	vor.u32 v3, v4  }
0x8c6: {  	v4 =	vperm.xlane v3, v0;
	_ =	sdelay $0x1  }
0x8c7: {  	v4 =	vadd.s32 v1, v4;
	_ =	sdelay $0x3  }
0x8c8: {  	s28 =	simm.s32 $0xF000  }
0x8c9: {  	[hbm4b:s3+s4] =	stream.indirect_vreg.scatter [tilespmem:s28], [sflag:$0x3], $0x80, v4, vm0, $0xb8;
	[tilespmem:$0x1F000] =	vst v63  }
0x8ca: {  	s29 =	simm.s32 $0xF800;
	v3 =	vperm.xlane v3, v2  }
0x8cb: {  	[hbm4b:s8+s4] =	stream.indirect_vreg.scatter [tilespmem:s29], [sflag:$0x3], $0x80, v4, vm0, $0xb8;
	[tilespmem:$0x1F000] =	vst v63  }
0x8cc: {  	s16 =	simm.s32 $0x10000;
	v3 =	vadd.s32 v1, v3  }
0x8cd: {  	[hbm4b:s9+s4] =	stream.indirect_vreg.scatter [tilespmem:s16], [sflag:$0x3], $0x80, v4, vm0, $0xb8;
	[tilespmem:$0x1F000] =	vst v63  }
0x8ce: {  	s17 =	simm.s32 $0x10800  }
0x8cf: {  	[hbm4b:s10+s4] =	stream.indirect_vreg.scatter [tilespmem:s17], [sflag:$0x3], $0x80, v4, vm0, $0xb8;
	[tilespmem:$0x1F000] =	vst v63  }
0x8d0: {  	s18 =	simm.s32 $0x11000  }
0x8d1: {  	[hbm4b:s3+s4] =	stream.indirect_vreg.scatter [tilespmem:s18], [sflag:$0x3], $0x80, v3, vm0, $0xb8;
	[tilespmem:$0x1F000] =	vst v63  }
0x8d2: {  	s19 =	simm.s32 $0x11800  }
0x8d3: {  	[hbm4b:s8+s4] =	stream.indirect_vreg.scatter [tilespmem:s19], [sflag:$0x3], $0x80, v3, vm0, $0xb8;
	[tilespmem:$0x1F000] =	vst v63  }
0x8d4: {  	s20 =	simm.s32 $0x12000  }
0x8d5: {  	[hbm4b:s9+s4] =	stream.indirect_vreg.scatter [tilespmem:s20], [sflag:$0x3], $0x80, v3, vm0, $0xb8;
	[tilespmem:$0x1F000] =	vst v63  }
0x8d6: {  	s30 =	simm.s32 $0x12800  }
0x8d7: {  	[hbm4b:s10+s4] =	stream.indirect_vreg.scatter [tilespmem:s30], [sflag:$0x3], $0x80, v3, vm0, $0xb8;
	[tilespmem:$0x1F000] =	vst v63  }
0x8d8: {  	v3 =	vld.msk [tilespmem:$0xE20], $0xff;
	_ =	sdelay $0x4  }
0x8d9: {  	v48 =	vshll.u32 v3, $0x3  }
0x8da: {  	v3 =	vand.u32 $0x7, v3;
	v4 =	vand.u32 $0xFFFFFFC0, v48  }
0x8db: {  	v3 =	vor.u32 v3, v4  }
0x8dc: {  	v3 =	vperm.xlane v3, v0;
	_ =	sdelay $0x1  }
0x8dd: {  	v3 =	vadd.s32 v1, v3;
	_ =	sdelay $0x3  }
0x8de: {  	s21 =	simm.s32 $0x13000  }
0x8df: {  	[hbm4b:s3+s4] =	stream.indirect_vreg.scatter [tilespmem:s21], [sflag:$0x3], $0x80, v3, vm0, $0xb8;
	[tilespmem:$0x1F000] =	vst v63  }
0x8e0: {  	s22 =	simm.s32 $0x13800  }
0x8e1: {  	[hbm4b:s8+s4] =	stream.indirect_vreg.scatter [tilespmem:s22], [sflag:$0x3], $0x80, v3, vm0, $0xb8;
	[tilespmem:$0x1F000] =	vst v63  }
0x8e2: {  	s23 =	simm.s32 $0x14000  }
0x8e3: {  	[hbm4b:s9+s4] =	stream.indirect_vreg.scatter [tilespmem:s23], [sflag:$0x3], $0x80, v3, vm0, $0xb8;
	[tilespmem:$0x1F000] =	vst v63  }
0x8e4: {  	s12 =	simm.s32 $0x3;
	s31 =	simm.s32 $0x14800  }
0x8e5: {  	[hbm4b:s10+s4] =	stream.indirect_vreg.scatter [tilespmem:s31], [sflag:$0x3], $0x80, v3, vm0, $0xb8;
	[tilespmem:$0x1F000] =	vst v63  }
0x8e6: {  	_ =	swait.ge [sflag:s12], $0xA000  }
0x8e7: {  	[sflag:s12] =	ssyncset.done $0x0  }
0x8e8: {  	[sflag:s12] =	ssyncadd.s32 $0xFFFF6000  }
0x8e9: {  	v3 =	vld [tilespmem:$0xF00];
	_ =	sdelay $0x4  }
0x8ea: {  	v49 =	vshll.u32 v3, $0x3  }
0x8eb: {  	v3 =	vand.u32 $0x7, v3;
	v4 =	vand.u32 $0xFFFFFFC0, v49  }
0x8ec: {  	v3 =	vor.u32 v3, v4  }
0x8ed: {  	v4 =	vperm.xlane v3, v0;
	_ =	sdelay $0x1  }
0x8ee: {  	v4 =	vadd.s32 v1, v4;
	_ =	sdelay $0x4  }
0x8ef: {  	[tilespmem:s24], [sflag:$0x2] =	stream.indirect_vreg.gather [hbm4b:s1+s4], $0x80, v4, vm0, $0xb8;
	[tilespmem:$0x1F000] =	vst v63  }
0x8f0: {  	v3 =	vperm.xlane v3, v2  }
0x8f1: {  	[tilespmem:s25], [sflag:$0x2] =	stream.indirect_vreg.gather [hbm4b:s5+s4], $0x80, v4, vm0, $0xb8;
	[tilespmem:$0x1F000] =	vst v63  }
0x8f2: {  	v3 =	vadd.s32 v1, v3  }
0x8f3: {  	[tilespmem:s13], [sflag:$0x2] =	stream.indirect_vreg.gather [hbm4b:s6+s4], $0x80, v4, vm0, $0xb8;
	[tilespmem:$0x1F000] =	vst v63  }
0x8f4: {  	_ = 	snop  }
0x8f5: {  	[tilespmem:s0], [sflag:$0x2] =	stream.indirect_vreg.gather [hbm4b:s7+s4], $0x80, v4, vm0, $0xb8;
	[tilespmem:$0x1F000] =	vst v63  }
0x8f6: {  	_ = 	snop  }
0x8f7: {  	[tilespmem:s11], [sflag:$0x2] =	stream.indirect_vreg.gather [hbm4b:s1+s4], $0x80, v3, vm0, $0xb8;
	[tilespmem:$0x1F000] =	vst v63  }
0x8f8: {  	_ = 	snop  }
0x8f9: {  	[tilespmem:s14], [sflag:$0x2] =	stream.indirect_vreg.gather [hbm4b:s5+s4], $0x80, v3, vm0, $0xb8;
	[tilespmem:$0x1F000] =	vst v63  }
0x8fa: {  	_ = 	snop  }
0x8fb: {  	[tilespmem:s15], [sflag:$0x2] =	stream.indirect_vreg.gather [hbm4b:s6+s4], $0x80, v3, vm0, $0xb8;
	[tilespmem:$0x1F000] =	vst v63  }
0x8fc: {  	_ = 	snop  }
0x8fd: {  	[tilespmem:s26], [sflag:$0x2] =	stream.indirect_vreg.gather [hbm4b:s7+s4], $0x80, v3, vm0, $0xb8;
	[tilespmem:$0x1F000] =	vst v63  }
0x8fe: {  	v3 =	vld [tilespmem:$0xF10];
	_ =	sdelay $0x4  }
0x8ff: {  	v50 =	vshll.u32 v3, $0x3  }
0x900: {  	v3 =	vand.u32 $0x7, v3;
	v4 =	vand.u32 $0xFFFFFFC0, v50  }
0x901: {  	v3 =	vor.u32 v3, v4  }
0x902: {  	v4 =	vperm.xlane v3, v0;
	_ =	sdelay $0x1  }
0x903: {  	v4 =	vadd.s32 v1, v4;
	_ =	sdelay $0x4  }
0x904: {  	[tilespmem:s28], [sflag:$0x2] =	stream.indirect_vreg.gather [hbm4b:s1+s4], $0x80, v4, vm0, $0xb8;
	[tilespmem:$0x1F000] =	vst v63  }
0x905: {  	v3 =	vperm.xlane v3, v2  }
0x906: {  	[tilespmem:s29], [sflag:$0x2] =	stream.indirect_vreg.gather [hbm4b:s5+s4], $0x80, v4, vm0, $0xb8;
	[tilespmem:$0x1F000] =	vst v63  }
0x907: {  	v3 =	vadd.s32 v1, v3  }
0x908: {  	[tilespmem:s16], [sflag:$0x2] =	stream.indirect_vreg.gather [hbm4b:s6+s4], $0x80, v4, vm0, $0xb8;
	[tilespmem:$0x1F000] =	vst v63  }
0x909: {  	_ = 	snop  }
0x90a: {  	[tilespmem:s17], [sflag:$0x2] =	stream.indirect_vreg.gather [hbm4b:s7+s4], $0x80, v4, vm0, $0xb8;
	[tilespmem:$0x1F000] =	vst v63  }
0x90b: {  	_ = 	snop  }
0x90c: {  	[tilespmem:s18], [sflag:$0x2] =	stream.indirect_vreg.gather [hbm4b:s1+s4], $0x80, v3, vm0, $0xb8;
	[tilespmem:$0x1F000] =	vst v63  }
0x90d: {  	_ = 	snop  }
0x90e: {  	[tilespmem:s19], [sflag:$0x2] =	stream.indirect_vreg.gather [hbm4b:s5+s4], $0x80, v3, vm0, $0xb8;
	[tilespmem:$0x1F000] =	vst v63  }
0x90f: {  	_ = 	snop  }
0x910: {  	[tilespmem:s20], [sflag:$0x2] =	stream.indirect_vreg.gather [hbm4b:s6+s4], $0x80, v3, vm0, $0xb8;
	[tilespmem:$0x1F000] =	vst v63  }
0x911: {  	_ = 	snop  }
0x912: {  	[tilespmem:s30], [sflag:$0x2] =	stream.indirect_vreg.gather [hbm4b:s7+s4], $0x80, v3, vm0, $0xb8;
	[tilespmem:$0x1F000] =	vst v63  }
0x913: {  	v3 =	vld.msk [tilespmem:$0xF20], $0xff;
	_ =	sdelay $0x4  }
0x914: {  	v51 =	vshll.u32 v3, $0x3  }
0x915: {  	v3 =	vand.u32 $0x7, v3;
	v4 =	vand.u32 $0xFFFFFFC0, v51  }
0x916: {  	v3 =	vor.u32 v3, v4  }
0x917: {  	v3 =	vperm.xlane v3, v0;
	_ =	sdelay $0x1  }
0x918: {  	v3 =	vadd.s32 v1, v3;
	_ =	sdelay $0x4  }
0x919: {  	[tilespmem:s21], [sflag:$0x2] =	stream.indirect_vreg.gather [hbm4b:s1+s4], $0x80, v3, vm0, $0xb8;
	[tilespmem:$0x1F000] =	vst v63  }
0x91a: {  	_ = 	snop  }
0x91b: {  	[tilespmem:s22], [sflag:$0x2] =	stream.indirect_vreg.gather [hbm4b:s5+s4], $0x80, v3, vm0, $0xb8;
	[tilespmem:$0x1F000] =	vst v63  }
0x91c: {  	_ = 	snop  }
0x91d: {  	[tilespmem:s23], [sflag:$0x2] =	stream.indirect_vreg.gather [hbm4b:s6+s4], $0x80, v3, vm0, $0xb8;
	[tilespmem:$0x1F000] =	vst v63  }
0x91e: {  	s2 =	simm.s32 $0x2  }
0x91f: {  	[tilespmem:s31], [sflag:$0x2] =	stream.indirect_vreg.gather [hbm4b:s7+s4], $0x80, v3, vm0, $0xb8;
	[tilespmem:$0x1F000] =	vst v63  }
0x920: {  	_ =	swait.ge [sflag:s2], $0xA000  }
0x921: {  	[sflag:s2] =	ssyncset.done $0x0  }
0x922: {  	[sflag:s2] =	ssyncadd.s32 $0xFFFF6000  }
0x923: {  	v3 =	vld [tilespmem:$0xE80];
	_ =	sdelay $0x4  }
0x924: {  	v52 =	vshll.u32 v3, $0x3  }
0x925: {  	v3 =	vand.u32 $0x7, v3;
	v4 =	vand.u32 $0xFFFFFFC0, v52  }
0x926: {  	v3 =	vor.u32 v3, v4  }
0x927: {  	v4 =	vperm.xlane v3, v0;
	_ =	sdelay $0x1  }
0x928: {  	v4 =	vadd.s32 v1, v4;
	_ =	sdelay $0x3  }
0x929: {  	s23 =	simm.s32 $0x15000  }
0x92a: {  	[hbm4b:s3+s4] =	stream.indirect_vreg.scatter [tilespmem:s23], [sflag:$0x3], $0x80, v4, vm0, $0xb8;
	[tilespmem:$0x1F000] =	vst v63  }
0x92b: {  	s24 =	simm.s32 $0x15800;
	v3 =	vperm.xlane v3, v2  }
0x92c: {  	[hbm4b:s8+s4] =	stream.indirect_vreg.scatter [tilespmem:s24], [sflag:$0x3], $0x80, v4, vm0, $0xb8;
	[tilespmem:$0x1F000] =	vst v63  }
0x92d: {  	s31 =	simm.s32 $0x16000;
	v3 =	vadd.s32 v1, v3  }
0x92e: {  	[hbm4b:s9+s4] =	stream.indirect_vreg.scatter [tilespmem:s31], [sflag:$0x3], $0x80, v4, vm0, $0xb8;
	[tilespmem:$0x1F000] =	vst v63  }
0x92f: {  	s0 =	simm.s32 $0x16800  }
0x930: {  	[hbm4b:s10+s4] =	stream.indirect_vreg.scatter [tilespmem:s0], [sflag:$0x3], $0x80, v4, vm0, $0xb8;
	[tilespmem:$0x1F000] =	vst v63  }
0x931: {  	s11 =	simm.s32 $0x17000  }
0x932: {  	[hbm4b:s3+s4] =	stream.indirect_vreg.scatter [tilespmem:s11], [sflag:$0x3], $0x80, v3, vm0, $0xb8;
	[tilespmem:$0x1F000] =	vst v63  }
0x933: {  	s13 =	simm.s32 $0x17800  }
0x934: {  	[hbm4b:s8+s4] =	stream.indirect_vreg.scatter [tilespmem:s13], [sflag:$0x3], $0x80, v3, vm0, $0xb8;
	[tilespmem:$0x1F000] =	vst v63  }
0x935: {  	s14 =	simm.s32 $0x18000  }
0x936: {  	[hbm4b:s9+s4] =	stream.indirect_vreg.scatter [tilespmem:s14], [sflag:$0x3], $0x80, v3, vm0, $0xb8;
	[tilespmem:$0x1F000] =	vst v63  }
0x937: {  	s25 =	simm.s32 $0x18800  }
0x938: {  	[hbm4b:s10+s4] =	stream.indirect_vreg.scatter [tilespmem:s25], [sflag:$0x3], $0x80, v3, vm0, $0xb8;
	[tilespmem:$0x1F000] =	vst v63  }
0x939: {  	v3 =	vld [tilespmem:$0xE90];
	_ =	sdelay $0x4  }
0x93a: {  	v53 =	vshll.u32 v3, $0x3  }
0x93b: {  	v3 =	vand.u32 $0x7, v3;
	v4 =	vand.u32 $0xFFFFFFC0, v53  }
0x93c: {  	v3 =	vor.u32 v3, v4  }
0x93d: {  	v4 =	vperm.xlane v3, v0;
	_ =	sdelay $0x1  }
0x93e: {  	v4 =	vadd.s32 v1, v4;
	_ =	sdelay $0x3  }
0x93f: {  	s26 =	simm.s32 $0x19000  }
0x940: {  	[hbm4b:s3+s4] =	stream.indirect_vreg.scatter [tilespmem:s26], [sflag:$0x3], $0x80, v4, vm0, $0xb8;
	[tilespmem:$0x1F000] =	vst v63  }
0x941: {  	s28 =	simm.s32 $0x19800;
	v3 =	vperm.xlane v3, v2  }
0x942: {  	[hbm4b:s8+s4] =	stream.indirect_vreg.scatter [tilespmem:s28], [sflag:$0x3], $0x80, v4, vm0, $0xb8;
	[tilespmem:$0x1F000] =	vst v63  }
0x943: {  	s15 =	simm.s32 $0x1A000;
	v3 =	vadd.s32 v1, v3  }
0x944: {  	[hbm4b:s9+s4] =	stream.indirect_vreg.scatter [tilespmem:s15], [sflag:$0x3], $0x80, v4, vm0, $0xb8;
	[tilespmem:$0x1F000] =	vst v63  }
0x945: {  	s16 =	simm.s32 $0x1A800  }
0x946: {  	[hbm4b:s10+s4] =	stream.indirect_vreg.scatter [tilespmem:s16], [sflag:$0x3], $0x80, v4, vm0, $0xb8;
	[tilespmem:$0x1F000] =	vst v63  }
0x947: {  	s17 =	simm.s32 $0x1B000  }
0x948: {  	[hbm4b:s3+s4] =	stream.indirect_vreg.scatter [tilespmem:s17], [sflag:$0x3], $0x80, v3, vm0, $0xb8;
	[tilespmem:$0x1F000] =	vst v63  }
0x949: {  	s18 =	simm.s32 $0x1B800  }
0x94a: {  	[hbm4b:s8+s4] =	stream.indirect_vreg.scatter [tilespmem:s18], [sflag:$0x3], $0x80, v3, vm0, $0xb8;
	[tilespmem:$0x1F000] =	vst v63  }
0x94b: {  	s19 =	simm.s32 $0x1C000  }
0x94c: {  	[hbm4b:s9+s4] =	stream.indirect_vreg.scatter [tilespmem:s19], [sflag:$0x3], $0x80, v3, vm0, $0xb8;
	[tilespmem:$0x1F000] =	vst v63  }
0x94d: {  	s29 =	simm.s32 $0x1C800  }
0x94e: {  	[hbm4b:s10+s4] =	stream.indirect_vreg.scatter [tilespmem:s29], [sflag:$0x3], $0x80, v3, vm0, $0xb8;
	[tilespmem:$0x1F000] =	vst v63  }
0x94f: {  	v3 =	vld.msk [tilespmem:$0xEA0], $0xff;
	_ =	sdelay $0x4  }
0x950: {  	v54 =	vshll.u32 v3, $0x3  }
0x951: {  	v3 =	vand.u32 $0x7, v3;
	v4 =	vand.u32 $0xFFFFFFC0, v54  }
0x952: {  	v3 =	vor.u32 v3, v4  }
0x953: {  	v3 =	vperm.xlane v3, v0;
	_ =	sdelay $0x1  }
0x954: {  	v3 =	vadd.s32 v1, v3;
	_ =	sdelay $0x3  }
0x955: {  	s20 =	simm.s32 $0x1D000  }
0x956: {  	[hbm4b:s3+s4] =	stream.indirect_vreg.scatter [tilespmem:s20], [sflag:$0x3], $0x80, v3, vm0, $0xb8;
	[tilespmem:$0x1F000] =	vst v63  }
0x957: {  	s21 =	simm.s32 $0x1D800  }
0x958: {  	[hbm4b:s8+s4] =	stream.indirect_vreg.scatter [tilespmem:s21], [sflag:$0x3], $0x80, v3, vm0, $0xb8;
	[tilespmem:$0x1F000] =	vst v63  }
0x959: {  	s22 =	simm.s32 $0x1E000  }
0x95a: {  	[hbm4b:s9+s4] =	stream.indirect_vreg.scatter [tilespmem:s22], [sflag:$0x3], $0x80, v3, vm0, $0xb8;
	[tilespmem:$0x1F000] =	vst v63  }
0x95b: {  	s30 =	simm.s32 $0x1E800  }
0x95c: {  	[hbm4b:s10+s4] =	stream.indirect_vreg.scatter [tilespmem:s30], [sflag:$0x3], $0x80, v3, vm0, $0xb8;
	[tilespmem:$0x1F000] =	vst v63  }
0x95d: {  	_ =	swait.ge [sflag:s12], $0xA000  }
0x95e: {  	[sflag:s12] =	ssyncset.done $0x0  }
0x95f: {  	[sflag:s12] =	ssyncadd.s32 $0xFFFF6000  }
0x960: {  	v3 =	vld [tilespmem:$0xF80];
	_ =	sdelay $0x4  }
0x961: {  	v55 =	vshll.u32 v3, $0x3  }
0x962: {  	v3 =	vand.u32 $0x7, v3;
	v4 =	vand.u32 $0xFFFFFFC0, v55  }
0x963: {  	v3 =	vor.u32 v3, v4  }
0x964: {  	v4 =	vperm.xlane v3, v0;
	_ =	sdelay $0x1  }
0x965: {  	v4 =	vadd.s32 v1, v4;
	_ =	sdelay $0x4  }
0x966: {  	[tilespmem:s23], [sflag:$0x2] =	stream.indirect_vreg.gather [hbm4b:s1+s4], $0x80, v4, vm0, $0xb8;
	[tilespmem:$0x1F000] =	vst v63  }
0x967: {  	v3 =	vperm.xlane v3, v2  }
0x968: {  	[tilespmem:s24], [sflag:$0x2] =	stream.indirect_vreg.gather [hbm4b:s5+s4], $0x80, v4, vm0, $0xb8;
	[tilespmem:$0x1F000] =	vst v63  }
0x969: {  	v3 =	vadd.s32 v1, v3  }
0x96a: {  	[tilespmem:s31], [sflag:$0x2] =	stream.indirect_vreg.gather [hbm4b:s6+s4], $0x80, v4, vm0, $0xb8;
	[tilespmem:$0x1F000] =	vst v63  }
0x96b: {  	_ = 	snop  }
0x96c: {  	[tilespmem:s0], [sflag:$0x2] =	stream.indirect_vreg.gather [hbm4b:s7+s4], $0x80, v4, vm0, $0xb8;
	[tilespmem:$0x1F000] =	vst v63  }
0x96d: {  	_ = 	snop  }
0x96e: {  	[tilespmem:s11], [sflag:$0x2] =	stream.indirect_vreg.gather [hbm4b:s1+s4], $0x80, v3, vm0, $0xb8;
	[tilespmem:$0x1F000] =	vst v63  }
0x96f: {  	_ = 	snop  }
0x970: {  	[tilespmem:s13], [sflag:$0x2] =	stream.indirect_vreg.gather [hbm4b:s5+s4], $0x80, v3, vm0, $0xb8;
	[tilespmem:$0x1F000] =	vst v63  }
0x971: {  	_ = 	snop  }
0x972: {  	[tilespmem:s14], [sflag:$0x2] =	stream.indirect_vreg.gather [hbm4b:s6+s4], $0x80, v3, vm0, $0xb8;
	[tilespmem:$0x1F000] =	vst v63  }
0x973: {  	_ = 	snop  }
0x974: {  	[tilespmem:s25], [sflag:$0x2] =	stream.indirect_vreg.gather [hbm4b:s7+s4], $0x80, v3, vm0, $0xb8;
	[tilespmem:$0x1F000] =	vst v63  }
0x975: {  	v3 =	vld [tilespmem:$0xF90];
	_ =	sdelay $0x4  }
0x976: {  	v56 =	vshll.u32 v3, $0x3  }
0x977: {  	v3 =	vand.u32 $0x7, v3;
	v4 =	vand.u32 $0xFFFFFFC0, v56  }
0x978: {  	v3 =	vor.u32 v3, v4  }
0x979: {  	v4 =	vperm.xlane v3, v0;
	_ =	sdelay $0x1  }
0x97a: {  	v4 =	vadd.s32 v1, v4;
	_ =	sdelay $0x4  }
0x97b: {  	[tilespmem:s26], [sflag:$0x2] =	stream.indirect_vreg.gather [hbm4b:s1+s4], $0x80, v4, vm0, $0xb8;
	[tilespmem:$0x1F000] =	vst v63  }
0x97c: {  	v3 =	vperm.xlane v3, v2  }
0x97d: {  	[tilespmem:s28], [sflag:$0x2] =	stream.indirect_vreg.gather [hbm4b:s5+s4], $0x80, v4, vm0, $0xb8;
	[tilespmem:$0x1F000] =	vst v63  }
0x97e: {  	v3 =	vadd.s32 v1, v3  }
0x97f: {  	[tilespmem:s15], [sflag:$0x2] =	stream.indirect_vreg.gather [hbm4b:s6+s4], $0x80, v4, vm0, $0xb8;
	[tilespmem:$0x1F000] =	vst v63  }
0x980: {  	_ = 	snop  }
0x981: {  	[tilespmem:s16], [sflag:$0x2] =	stream.indirect_vreg.gather [hbm4b:s7+s4], $0x80, v4, vm0, $0xb8;
	[tilespmem:$0x1F000] =	vst v63  }
0x982: {  	_ = 	snop  }
0x983: {  	[tilespmem:s17], [sflag:$0x2] =	stream.indirect_vreg.gather [hbm4b:s1+s4], $0x80, v3, vm0, $0xb8;
	[tilespmem:$0x1F000] =	vst v63  }
0x984: {  	_ = 	snop  }
0x985: {  	[tilespmem:s18], [sflag:$0x2] =	stream.indirect_vreg.gather [hbm4b:s5+s4], $0x80, v3, vm0, $0xb8;
	[tilespmem:$0x1F000] =	vst v63  }
0x986: {  	_ = 	snop  }
0x987: {  	[tilespmem:s19], [sflag:$0x2] =	stream.indirect_vreg.gather [hbm4b:s6+s4], $0x80, v3, vm0, $0xb8;
	[tilespmem:$0x1F000] =	vst v63  }
0x988: {  	_ = 	snop  }
0x989: {  	[tilespmem:s29], [sflag:$0x2] =	stream.indirect_vreg.gather [hbm4b:s7+s4], $0x80, v3, vm0, $0xb8;
	[tilespmem:$0x1F000] =	vst v63  }
0x98a: {  	v3 =	vld.msk [tilespmem:$0xFA0], $0xff;
	_ =	sdelay $0x4  }
0x98b: {  	v57 =	vshll.u32 v3, $0x3  }
0x98c: {  	v3 =	vand.u32 $0x7, v3;
	v4 =	vand.u32 $0xFFFFFFC0, v57  }
0x98d: {  	v3 =	vor.u32 v3, v4  }
0x98e: {  	v3 =	vperm.xlane v3, v0;
	_ =	sdelay $0x1  }
0x98f: {  	v3 =	vadd.s32 v1, v3;
	_ =	sdelay $0x4  }
0x990: {  	[tilespmem:s20], [sflag:$0x2] =	stream.indirect_vreg.gather [hbm4b:s1+s4], $0x80, v3, vm0, $0xb8;
	[tilespmem:$0x1F000] =	vst v63  }
0x991: {  	_ = 	snop  }
0x992: {  	[tilespmem:s21], [sflag:$0x2] =	stream.indirect_vreg.gather [hbm4b:s5+s4], $0x80, v3, vm0, $0xb8;
	[tilespmem:$0x1F000] =	vst v63  }
0x993: {  	_ = 	snop  }
0x994: {  	[tilespmem:s22], [sflag:$0x2] =	stream.indirect_vreg.gather [hbm4b:s6+s4], $0x80, v3, vm0, $0xb8;
	[tilespmem:$0x1F000] =	vst v63  }
0x995: {  	_ = 	snop  }
0x996: {  	[tilespmem:s30], [sflag:$0x2] =	stream.indirect_vreg.gather [hbm4b:s7+s4], $0x80, v3, vm0, $0xb8;
	[tilespmem:$0x1F000] =	vst v63  }
0x997: {  	_ =	swait.ge [sflag:s2], $0xA000  }
0x998: {  	[sflag:s2] =	ssyncset.done $0x0  }
0x999: {  	[sflag:s2] =	ssyncadd.s32 $0xFFFF6000  }
0x99a: {  	v3 =	vld [tilespmem:$0xF00];
	_ =	sdelay $0x4  }
0x99b: {  	v58 =	vshll.u32 v3, $0x3  }
0x99c: {  	v3 =	vand.u32 $0x7, v3;
	v4 =	vand.u32 $0xFFFFFFC0, v58  }
0x99d: {  	v3 =	vor.u32 v3, v4  }
0x99e: {  	v4 =	vperm.xlane v3, v0;
	_ =	sdelay $0x1  }
0x99f: {  	v4 =	vadd.s32 v1, v4;
	_ =	sdelay $0x3  }
0x9a0: {  	s0 =	simm.s32 $0xB000  }
0x9a1: {  	[hbm4b:s3+s4] =	stream.indirect_vreg.scatter [tilespmem:s0], [sflag:$0x3], $0x80, v4, vm0, $0xb8;
	[tilespmem:$0x1F000] =	vst v63  }
0x9a2: {  	v3 =	vperm.xlane v3, v2;
	s0 =	simm.s32 $0xB800  }
0x9a3: {  	[hbm4b:s8+s4] =	stream.indirect_vreg.scatter [tilespmem:s0], [sflag:$0x3], $0x80, v4, vm0, $0xb8;
	[tilespmem:$0x1F000] =	vst v63  }
0x9a4: {  	v3 =	vadd.s32 v1, v3;
	s0 =	simm.s32 $0xC000  }
0x9a5: {  	[hbm4b:s9+s4] =	stream.indirect_vreg.scatter [tilespmem:s0], [sflag:$0x3], $0x80, v4, vm0, $0xb8;
	[tilespmem:$0x1F000] =	vst v63  }
0x9a6: {  	s0 =	simm.s32 $0xC800  }
0x9a7: {  	[hbm4b:s10+s4] =	stream.indirect_vreg.scatter [tilespmem:s0], [sflag:$0x3], $0x80, v4, vm0, $0xb8;
	[tilespmem:$0x1F000] =	vst v63  }
0x9a8: {  	s0 =	simm.s32 $0xD000  }
0x9a9: {  	[hbm4b:s3+s4] =	stream.indirect_vreg.scatter [tilespmem:s0], [sflag:$0x3], $0x80, v3, vm0, $0xb8;
	[tilespmem:$0x1F000] =	vst v63  }
0x9aa: {  	s0 =	simm.s32 $0xD800  }
0x9ab: {  	[hbm4b:s8+s4] =	stream.indirect_vreg.scatter [tilespmem:s0], [sflag:$0x3], $0x80, v3, vm0, $0xb8;
	[tilespmem:$0x1F000] =	vst v63  }
0x9ac: {  	s0 =	simm.s32 $0xE000  }
0x9ad: {  	[hbm4b:s9+s4] =	stream.indirect_vreg.scatter [tilespmem:s0], [sflag:$0x3], $0x80, v3, vm0, $0xb8;
	[tilespmem:$0x1F000] =	vst v63  }
0x9ae: {  	s0 =	simm.s32 $0xE800  }
0x9af: {  	[hbm4b:s10+s4] =	stream.indirect_vreg.scatter [tilespmem:s0], [sflag:$0x3], $0x80, v3, vm0, $0xb8;
	[tilespmem:$0x1F000] =	vst v63  }
0x9b0: {  	v3 =	vld [tilespmem:$0xF10];
	_ =	sdelay $0x4  }
0x9b1: {  	v59 =	vshll.u32 v3, $0x3  }
0x9b2: {  	v3 =	vand.u32 $0x7, v3;
	v4 =	vand.u32 $0xFFFFFFC0, v59  }
0x9b3: {  	v3 =	vor.u32 v3, v4  }
0x9b4: {  	v4 =	vperm.xlane v3, v0;
	_ =	sdelay $0x1  }
0x9b5: {  	v4 =	vadd.s32 v1, v4;
	_ =	sdelay $0x3  }
0x9b6: {  	s0 =	simm.s32 $0xF000  }
0x9b7: {  	[hbm4b:s3+s4] =	stream.indirect_vreg.scatter [tilespmem:s0], [sflag:$0x3], $0x80, v4, vm0, $0xb8;
	[tilespmem:$0x1F000] =	vst v63  }
0x9b8: {  	v3 =	vperm.xlane v3, v2;
	s0 =	simm.s32 $0xF800  }
0x9b9: {  	[hbm4b:s8+s4] =	stream.indirect_vreg.scatter [tilespmem:s0], [sflag:$0x3], $0x80, v4, vm0, $0xb8;
	[tilespmem:$0x1F000] =	vst v63  }
0x9ba: {  	v3 =	vadd.s32 v1, v3;
	s0 =	simm.s32 $0x10000  }
0x9bb: {  	[hbm4b:s9+s4] =	stream.indirect_vreg.scatter [tilespmem:s0], [sflag:$0x3], $0x80, v4, vm0, $0xb8;
	[tilespmem:$0x1F000] =	vst v63  }
0x9bc: {  	s0 =	simm.s32 $0x10800  }
0x9bd: {  	[hbm4b:s10+s4] =	stream.indirect_vreg.scatter [tilespmem:s0], [sflag:$0x3], $0x80, v4, vm0, $0xb8;
	[tilespmem:$0x1F000] =	vst v63  }
0x9be: {  	s0 =	simm.s32 $0x11000  }
0x9bf: {  	[hbm4b:s3+s4] =	stream.indirect_vreg.scatter [tilespmem:s0], [sflag:$0x3], $0x80, v3, vm0, $0xb8;
	[tilespmem:$0x1F000] =	vst v63  }
0x9c0: {  	s0 =	simm.s32 $0x11800  }
0x9c1: {  	[hbm4b:s8+s4] =	stream.indirect_vreg.scatter [tilespmem:s0], [sflag:$0x3], $0x80, v3, vm0, $0xb8;
	[tilespmem:$0x1F000] =	vst v63  }
0x9c2: {  	s0 =	simm.s32 $0x12000  }
0x9c3: {  	[hbm4b:s9+s4] =	stream.indirect_vreg.scatter [tilespmem:s0], [sflag:$0x3], $0x80, v3, vm0, $0xb8;
	[tilespmem:$0x1F000] =	vst v63  }
0x9c4: {  	s0 =	simm.s32 $0x12800  }
0x9c5: {  	[hbm4b:s10+s4] =	stream.indirect_vreg.scatter [tilespmem:s0], [sflag:$0x3], $0x80, v3, vm0, $0xb8;
	[tilespmem:$0x1F000] =	vst v63  }
0x9c6: {  	v3 =	vld.msk [tilespmem:$0xF20], $0xff;
	_ =	sdelay $0x4  }
0x9c7: {  	v60 =	vshll.u32 v3, $0x3  }
0x9c8: {  	v3 =	vand.u32 $0x7, v3;
	v4 =	vand.u32 $0xFFFFFFC0, v60  }
0x9c9: {  	v3 =	vor.u32 v3, v4  }
0x9ca: {  	v3 =	vperm.xlane v3, v0;
	_ =	sdelay $0x1  }
0x9cb: {  	v3 =	vadd.s32 v1, v3;
	_ =	sdelay $0x3  }
0x9cc: {  	s0 =	simm.s32 $0x13000  }
0x9cd: {  	[hbm4b:s3+s4] =	stream.indirect_vreg.scatter [tilespmem:s0], [sflag:$0x3], $0x80, v3, vm0, $0xb8;
	[tilespmem:$0x1F000] =	vst v63  }
0x9ce: {  	s0 =	simm.s32 $0x13800  }
0x9cf: {  	[hbm4b:s8+s4] =	stream.indirect_vreg.scatter [tilespmem:s0], [sflag:$0x3], $0x80, v3, vm0, $0xb8;
	[tilespmem:$0x1F000] =	vst v63  }
0x9d0: {  	s0 =	simm.s32 $0x14000  }
0x9d1: {  	[hbm4b:s9+s4] =	stream.indirect_vreg.scatter [tilespmem:s0], [sflag:$0x3], $0x80, v3, vm0, $0xb8;
	[tilespmem:$0x1F000] =	vst v63  }
0x9d2: {  	s0 =	simm.s32 $0x14800  }
0x9d3: {  	[hbm4b:s10+s4] =	stream.indirect_vreg.scatter [tilespmem:s0], [sflag:$0x3], $0x80, v3, vm0, $0xb8;
	[tilespmem:$0x1F000] =	vst v63  }
0x9d4: {  	_ =	swait.ge [sflag:s12], $0xA000  }
0x9d5: {  	[sflag:s12] =	ssyncset.done $0x0  }
0x9d6: {  	[sflag:s12] =	ssyncadd.s32 $0xFFFF6000  }
0x9d7: {  	_ =	swait.ge [sflag:s2], $0xA000  }
0x9d8: {  	[sflag:s2] =	ssyncset.done $0x0  }
0x9d9: {  	[sflag:s2] =	ssyncadd.s32 $0xFFFF6000  }
0x9da: {  	v3 =	vld [tilespmem:$0xF80];
	_ =	sdelay $0x4  }
0x9db: {  	v61 =	vshll.u32 v3, $0x3  }
0x9dc: {  	v3 =	vand.u32 $0x7, v3;
	v4 =	vand.u32 $0xFFFFFFC0, v61  }
0x9dd: {  	v3 =	vor.u32 v3, v4  }
0x9de: {  	v4 =	vperm.xlane v3, v0;
	_ =	sdelay $0x1  }
0x9df: {  	v4 =	vadd.s32 v1, v4;
	_ =	sdelay $0x3  }
0x9e0: {  	s23 =	simm.s32 $0x15000  }
0x9e1: {  	[hbm4b:s3+s4] =	stream.indirect_vreg.scatter [tilespmem:s23], [sflag:$0x3], $0x80, v4, vm0, $0xb8;
	[tilespmem:$0x1F000] =	vst v63  }
0x9e2: {  	s24 =	simm.s32 $0x15800;
	v3 =	vperm.xlane v3, v2  }
0x9e3: {  	[hbm4b:s8+s4] =	stream.indirect_vreg.scatter [tilespmem:s24], [sflag:$0x3], $0x80, v4, vm0, $0xb8;
	[tilespmem:$0x1F000] =	vst v63  }
0x9e4: {  	s31 =	simm.s32 $0x16000;
	v3 =	vadd.s32 v1, v3  }
0x9e5: {  	[hbm4b:s9+s4] =	stream.indirect_vreg.scatter [tilespmem:s31], [sflag:$0x3], $0x80, v4, vm0, $0xb8;
	[tilespmem:$0x1F000] =	vst v63  }
0x9e6: {  	s24 =	simm.s32 $0x16800  }
0x9e7: {  	[hbm4b:s10+s4] =	stream.indirect_vreg.scatter [tilespmem:s24], [sflag:$0x3], $0x80, v4, vm0, $0xb8;
	[tilespmem:$0x1F000] =	vst v63  }
0x9e8: {  	s11 =	simm.s32 $0x17000  }
0x9e9: {  	[hbm4b:s3+s4] =	stream.indirect_vreg.scatter [tilespmem:s11], [sflag:$0x3], $0x80, v3, vm0, $0xb8;
	[tilespmem:$0x1F000] =	vst v63  }
0x9ea: {  	s13 =	simm.s32 $0x17800  }
0x9eb: {  	[hbm4b:s8+s4] =	stream.indirect_vreg.scatter [tilespmem:s13], [sflag:$0x3], $0x80, v3, vm0, $0xb8;
	[tilespmem:$0x1F000] =	vst v63  }
0x9ec: {  	s14 =	simm.s32 $0x18000  }
0x9ed: {  	[hbm4b:s9+s4] =	stream.indirect_vreg.scatter [tilespmem:s14], [sflag:$0x3], $0x80, v3, vm0, $0xb8;
	[tilespmem:$0x1F000] =	vst v63  }
0x9ee: {  	s25 =	simm.s32 $0x18800  }
0x9ef: {  	[hbm4b:s10+s4] =	stream.indirect_vreg.scatter [tilespmem:s25], [sflag:$0x3], $0x80, v3, vm0, $0xb8;
	[tilespmem:$0x1F000] =	vst v63  }
0x9f0: {  	v3 =	vld [tilespmem:$0xF90];
	_ =	sdelay $0x4  }
0x9f1: {  	v62 =	vshll.u32 v3, $0x3  }
0x9f2: {  	v3 =	vand.u32 $0x7, v3;
	v4 =	vand.u32 $0xFFFFFFC0, v62  }
0x9f3: {  	v3 =	vor.u32 v3, v4  }
0x9f4: {  	v4 =	vperm.xlane v3, v0;
	_ =	sdelay $0x1  }
0x9f5: {  	v4 =	vadd.s32 v1, v4;
	_ =	sdelay $0x3  }
0x9f6: {  	s26 =	simm.s32 $0x19000  }
0x9f7: {  	[hbm4b:s3+s4] =	stream.indirect_vreg.scatter [tilespmem:s26], [sflag:$0x3], $0x80, v4, vm0, $0xb8;
	[tilespmem:$0x1F000] =	vst v63  }
0x9f8: {  	s28 =	simm.s32 $0x19800;
	v3 =	vperm.xlane v3, v2  }
0x9f9: {  	[hbm4b:s8+s4] =	stream.indirect_vreg.scatter [tilespmem:s28], [sflag:$0x3], $0x80, v4, vm0, $0xb8;
	[tilespmem:$0x1F000] =	vst v63  }
0x9fa: {  	s15 =	simm.s32 $0x1A000;
	v3 =	vadd.s32 v1, v3  }
0x9fb: {  	[hbm4b:s9+s4] =	stream.indirect_vreg.scatter [tilespmem:s15], [sflag:$0x3], $0x80, v4, vm0, $0xb8;
	[tilespmem:$0x1F000] =	vst v63  }
0x9fc: {  	s16 =	simm.s32 $0x1A800  }
0x9fd: {  	[hbm4b:s10+s4] =	stream.indirect_vreg.scatter [tilespmem:s16], [sflag:$0x3], $0x80, v4, vm0, $0xb8;
	[tilespmem:$0x1F000] =	vst v63  }
0x9fe: {  	s17 =	simm.s32 $0x1B000  }
0x9ff: {  	[hbm4b:s3+s4] =	stream.indirect_vreg.scatter [tilespmem:s17], [sflag:$0x3], $0x80, v3, vm0, $0xb8;
	[tilespmem:$0x1F000] =	vst v63  }
0xa00: {  	s18 =	simm.s32 $0x1B800  }
0xa01: {  	[hbm4b:s8+s4] =	stream.indirect_vreg.scatter [tilespmem:s18], [sflag:$0x3], $0x80, v3, vm0, $0xb8;
	[tilespmem:$0x1F000] =	vst v63  }
0xa02: {  	s19 =	simm.s32 $0x1C000  }
0xa03: {  	[hbm4b:s9+s4] =	stream.indirect_vreg.scatter [tilespmem:s19], [sflag:$0x3], $0x80, v3, vm0, $0xb8;
	[tilespmem:$0x1F000] =	vst v63  }
0xa04: {  	s29 =	simm.s32 $0x1C800  }
0xa05: {  	[hbm4b:s10+s4] =	stream.indirect_vreg.scatter [tilespmem:s29], [sflag:$0x3], $0x80, v3, vm0, $0xb8;
	[tilespmem:$0x1F000] =	vst v63  }
0xa06: {  	v3 =	vld.msk [tilespmem:$0xFA0], $0xff;
	_ =	sdelay $0x4  }
0xa07: {  	v63 =	vshll.u32 v3, $0x3  }
0xa08: {  	v3 =	vand.u32 $0x7, v3;
	v4 =	vand.u32 $0xFFFFFFC0, v63  }
0xa09: {  	v3 =	vor.u32 v3, v4  }
0xa0a: {  	v3 =	vperm.xlane v3, v0;
	_ =	sdelay $0x1  }
0xa0b: {  	v3 =	vadd.s32 v1, v3;
	_ =	sdelay $0x3  }
0xa0c: {  	s20 =	simm.s32 $0x1D000  }
0xa0d: {  	[hbm4b:s3+s4] =	stream.indirect_vreg.scatter [tilespmem:s20], [sflag:$0x3], $0x80, v3, vm0, $0xb8;
	[tilespmem:$0x1F000] =	vst v63  }
0xa0e: {  	s21 =	simm.s32 $0x1D800  }
0xa0f: {  	[hbm4b:s8+s4] =	stream.indirect_vreg.scatter [tilespmem:s21], [sflag:$0x3], $0x80, v3, vm0, $0xb8;
	[tilespmem:$0x1F000] =	vst v63  }
0xa10: {  	s22 =	simm.s32 $0x1E000  }
0xa11: {  	[hbm4b:s9+s4] =	stream.indirect_vreg.scatter [tilespmem:s22], [sflag:$0x3], $0x80, v3, vm0, $0xb8;
	[tilespmem:$0x1F000] =	vst v63  }
0xa12: {  	s30 =	simm.s32 $0x1E800  }
0xa13: {  	[hbm4b:s10+s4] =	stream.indirect_vreg.scatter [tilespmem:s30], [sflag:$0x3], $0x80, v3, vm0, $0xb8;
	[tilespmem:$0x1F000] =	vst v63  }
0xa14: {  	_ =	swait.ge [sflag:s12], $0xA000  }
0xa15: {  	[sflag:s12] =	ssyncset.done $0x0  }
0xa16: {  	s30 =	simm.s32 $0x1;
	[sflag:s12] =	ssyncadd.s32 $0xFFFF6000  }
0xa17: {  	_ =	swait.ge [sflag:s30], $0xA000  }
0xa18: {  	[sflag:s30] =	ssyncset.done $0x0  }
0xa19: {  	[sflag:s30] =	ssyncadd.s32 $0xFFFF6000  }
0xa1a: {  	_ =	swait.ge [sflag:s30], $0xA000  }
0xa1b: {  	[sflag:s30] =	ssyncset.done $0x0  }
0xa1c: {  	[sflag:s30] =	ssyncadd.s32 $0xFFFF6000  }
0xa1d: {  	_ =	swait.ge [sflag:s30], $0xA000  }
0xa1e: {  	[sflag:s30] =	ssyncset.done $0x0  }
0xa1f: {  	[sflag:s30] =	ssyncadd.s32 $0xFFFF6000  }
0xa20: {  	_ =	swait.ge [sflag:s30], $0xA000  }
0xa21: {  	[sflag:s30] =	ssyncset.done $0x0  }
0xa22: {  	[sflag:s30] =	ssyncadd.s32 $0xFFFF6000  }
0xa23: {  	_ =	swait.ge [sflag:s30], $0xA000  }
0xa24: {  	[sflag:s30] =	ssyncset.done $0x0  }
0xa25: {  	[sflag:s30] =	ssyncadd.s32 $0xFFFF6000  }
0xa26: {  	_ =	swait.ge [sflag:s30], $0xA000  }
0xa27: {  	[sflag:s30] =	ssyncset.done $0x0  }
0xa28: {  	[sflag:s30] =	ssyncadd.s32 $0xFFFF6000  }
0xa29: {  	_ =	swait.ge [sflag:s30], $0xA000  }
0xa2a: {  	[sflag:s30] =	ssyncset.done $0x0  }
0xa2b: {  	[sflag:s30] =	ssyncadd.s32 $0xFFFF6000  }
0xa2c: {  	_ =	swait.ge [sflag:s30], $0xA000  }
0xa2d: {  	[sflag:s30] =	ssyncset.done $0x0  }
0xa2e: {  	[sflag:s30] =	ssyncadd.s32 $0xFFFF6000  }
0xa2f: {  	_ =	swait.ge [sflag:s30], $0xA000  }
0xa30: {  	[sflag:s30] =	ssyncset.done $0x0  }
0xa31: {  	[sflag:s30] =	ssyncadd.s32 $0xFFFF6000  }
0xa32: {  	_ =	swait.ge [sflag:s30], $0xA000  }
0xa33: {  	[sflag:s30] =	ssyncset.done $0x0  }
0xa34: {  	[sflag:s30] =	ssyncadd.s32 $0xFFFF6000  }
0xa35: {  	_ =	swait.ge [sflag:s30], $0xA000  }
0xa36: {  	s31 =	rddreg [dreg:$0x8]  }
0xa37: {  	p0 =	sne.s32 s31, $0x1  }
.Ltmp0:
0xa38: {  	_ = 	snop;
	(pc) =	sbr.rel @p0 .LBB2_1-.Ltmp0, $3  }
0xa39: {  	_ =	sdelay $0x1  }
0xa3a: {  	[sflag:s30] =	ssyncset.done $0x0  }
0xa3b: {  	[sflag:s30] =	ssyncadd.s32 $0xFFFF6000;
	s0 =	sadd.s32 $0xFFFFFFFF, s31  }
0xa3c: {  	_ =	sfence.sel $0x180000  }
0xa3d: {  	[bflag:$0x0] =	sbarrier.arrive $0xFFFF  }
0xa3e: {  	_ =	strace $0x90000047  }
0xa3f: {  	s0 =	stileid.u32;
	[bflag:$0x2] =	sbarrier.arrive $0xFFFF  }
0xa40: {  	p0 =	sne.s32 s0, $0x0;
	s0 =	rddreg [dreg:$0x3]  }
0xa41: {  	s0 =	sadd.s32 @!p0 $0x100000, s0  }
0xa42: {  	[sflag:s0] =	ssyncadd.tile.s32 @!p0 $0x1;
	_ =	shalt  }
.Lfunc_end2:
_tile_overlayer_lowered:
.L_overlay_start_2:
0xa43: {  	(tag) =	ssettag $0x2  }
0xa44: {  	s0 =	rddreg [dreg:$0x0];
	s2 =	stileid.u32  }
0xa45: {  	s1 =	rddreg [dreg:$0x1];
	p0 =	sne.s32 s2, $0x0  }
0xa46: {  	s3 =	rddreg [dreg:$0x2];
	[bflag:$0x3] =	sbarrier.arrive $0xFFFF;
	s2 =	simm.s32 @!p0 $0x1C04  }
0xa47: {  	[timem:s3], [sflag:s2] =	dma.local @!p0 [hbm:s0], s1  }
0xa48: {  	s0 =	simm.s32 @!p0 $0x4  }
0xa49: {  	_ =	swait.ge @!p0 [sflag:s0], s1  }
0xa4a: {  	s1 =	ssub.s32 @!p0 $0x0, s1;
	[sflag:s0] =	ssyncset.done @!p0 $0x0  }
0xa4b: {  	[sflag:s0] =	ssyncadd.s32 @!p0 s1  }
0xa4c: {  	[bflag:$0x3] =	sbarrier.arrive $0xFFFF  }
0xa4d: {  	_ =	shalt  }

</sc_bundles>
